<compile_context>
chip_gen: v7x
topology: tpu7x:2x2x1
jax: 0.10.2.dev20260603
libtpu: 0.0.44.dev20260713+nightly
codegen_flags: <defaults>
</compile_context>

<pallas_src>
import functools

import jax
import jax.numpy as jnp
from jax import lax
from jax.experimental import pallas as pl
from jax.experimental.pallas import tpu as pltpu
from jax.experimental.pallas import tpu_sc as plsc


_NC = 2
_NS = 16
_NW = _NC * _NS
_LANES = 16

_CB = 8
_SPLITS = (104, 96)



def _sum_block(rows_ref, out_ref, out_row0, n_rows, l_per_row):
    unroll = 8
    steps = l_per_row // unroll

    for i in range(n_rows):
        flat0 = i * l_per_row

        def body(t, accs):
            accs = list(accs)
            r = flat0 + t * unroll
            for u in range(unroll):
                accs[2 * (u % 4)] = (
                    accs[2 * (u % 4)] + rows_ref[r + u, 0:16])
                accs[2 * (u % 4) + 1] = (
                    accs[2 * (u % 4) + 1] + rows_ref[r + u, 16:32])
            return tuple(accs)

        z = jnp.zeros((_LANES,), jnp.float32)
        accs = lax.fori_loop(0, steps, body, (z,) * 8)
        out_ref[out_row0 + i, 0:16] = (accs[0] + accs[2]) + (accs[4] + accs[6])
        out_ref[out_row0 + i, 16:32] = (accs[1] + accs[3]) + (accs[5] + accs[7])


def _make_sc_embed_sum(B, V, T, L):
    assert T == 32 and sum(_SPLITS) == L
    b_per_w = B // _NW
    n_blocks = b_per_w // _CB
    rows_per_block = _CB * L
    mesh = plsc.VectorSubcoreMesh(core_axis_name="c", subcore_axis_name="s")

    @functools.partial(
        pl.kernel,
        out_type=jax.ShapeDtypeStruct((B, T), jnp.float32),
        mesh=mesh,
        compiler_params=pltpu.CompilerParams(use_tc_tiling_on_sc=False),
        scratch_types=[
            pltpu.VMEM((2, _CB, L), jnp.int32),
            pltpu.VMEM((rows_per_block, T), jnp.float32),
            pltpu.VMEM((rows_per_block, T), jnp.float32),
            pltpu.VMEM((b_per_w, T), jnp.float32),
            pltpu.SemaphoreType.DMA,
            pltpu.SemaphoreType.DMA,
            pltpu.SemaphoreType.DMA,
            pltpu.SemaphoreType.DMA,
        ],
    )
    def sc_embed_sum(x_hbm, tab_hbm, out_hbm, idx_v, rows0, rows1, out_v,
                     gsem0, gsem1, isem0, isem1):
        wid = lax.axis_index("s") * _NC + lax.axis_index("c")
        base = wid * b_per_w
        rows_bufs = (rows0, rows1)
        gsems = (gsem0, gsem1)
        isems = (isem0, isem1)

        def idx_src(kb):
            return x_hbm.at[pl.ds(base + kb * _CB, _CB)]

        def fire_gathers(kb_buf, rows_ref, sem):
            for i in range(_CB):
                off = 0
                for g in _SPLITS:
                    pltpu.async_copy(
                        tab_hbm.at[idx_v.at[kb_buf, i, pl.ds(off, g)]],
                        rows_ref.at[pl.ds(i * L + off, g)],
                        sem,
                    )
                    off += g

        def drain_gathers_part(rows_ref, sem, h, parts):
            part_rows = rows_per_block // parts
            pltpu.make_async_copy(
                tab_hbm.at[pl.ds(0, part_rows)],
                rows_ref.at[pl.ds(h * part_rows, part_rows)], sem
            ).wait()

        pltpu.sync_copy(idx_src(0), idx_v.at[0])
        fire_gathers(0, rows0, gsem0)
        pltpu.async_copy(idx_src(1), idx_v.at[1], isem1)

        def half_step(kb, cur):
            rows_c = rows_bufs[cur]
            rows_n = rows_bufs[1 - cur]

            @pl.when(kb + 1 < n_blocks)
            def _():
                pltpu.make_async_copy(
                    idx_src(kb + 1), idx_v.at[1 - cur], isems[1 - cur]
                ).wait()
                fire_gathers(1 - cur, rows_n, gsems[1 - cur])

            parts = 4
            rows_pp = _CB // parts
            drain_gathers_part(rows_c, gsems[cur], 0, parts)

            @pl.when(kb + 2 < n_blocks)
            def _():
                pltpu.async_copy(idx_src(kb + 2), idx_v.at[cur], isems[cur])

            _sum_block(rows_c, out_v, kb * _CB, rows_pp, L)
            for h in range(1, parts):
                drain_gathers_part(rows_c, gsems[cur], h, parts)
                _sum_block(
                    rows_c.at[pl.ds(h * (rows_per_block // parts),
                                    rows_per_block // parts)],
                    out_v, kb * _CB + h * rows_pp, rows_pp, L)

        def body(t, carry):
            half_step(2 * t, 0)
            half_step(2 * t + 1, 1)
            return carry

        lax.fori_loop(0, n_blocks // 2, body, 0)
        pltpu.sync_copy(out_v, out_hbm.at[pl.ds(base, b_per_w)])

    return sc_embed_sum



def _logsoftmax_body(s_ref, b_ref, o_ref):
    s = s_ref[...] + b_ref[...]
    m = jnp.max(s, axis=-1, keepdims=True)
    e = jnp.exp(s - m)
    lse = jnp.log(jnp.sum(e, axis=-1, keepdims=True))
    o_ref[...] = (s - m) - lse


def _tc_log_softmax(scores, bias):
    B, T = scores.shape
    blk = min(2048, B)
    return pl.pallas_call(
        _logsoftmax_body,
        out_shape=jax.ShapeDtypeStruct((B, T), jnp.float32),
        grid=(B // blk,),
        in_specs=[
            pl.BlockSpec((blk, T), lambda i: (i, 0)),
            pl.BlockSpec((1, T), lambda i: (0, 0)),
        ],
        out_specs=pl.BlockSpec((blk, T), lambda i: (i, 0)),
    )(scores, bias.reshape(1, T))



def kernel(x, embed_weight, bow_bias):
    B, L = x.shape
    V, T = embed_weight.shape
    scores = _make_sc_embed_sum(B, V, T, L)(x, embed_weight)
    return _tc_log_softmax(scores, bow_bias)

# --- scband reference (transcript-rebuilt; emitter-appended) ---
"""Pipeline reference for scband-bow-38637525794828 (READ-ONLY COPY).

The authoritative reference and input builder live on the scoring server;
editing this copy changes nothing except your own understanding.
"""

import jax, jax.numpy as jnp
import numpy as np

VOCAB = 1000000
TAG = 32
B = 16384
L = 200

def setup_inputs(seed: int = 0):
    key = jax.random.key(seed)
    k1, k2, k3 = jax.random.split(key, 3)
    x = jax.random.randint(k1, (B, L), 0, VOCAB, dtype=jnp.int32)
    embed_weight = jax.random.normal(k2, (VOCAB, TAG), dtype=jnp.float32)
    bow_bias = jax.random.normal(k3, (TAG,), dtype=jnp.float32)
    return {"x": x, "embed_weight": embed_weight, "bow_bias": bow_bias}

def reference(x, embed_weight, bow_bias):
    # embeds = self.embed(x)
    embeds = jnp.take(embed_weight, x, axis=0)  # [B, L, TAG]
    # word_score = torch.sum(embeds, 1)
    word_score = jnp.sum(embeds, axis=1)  # [B, TAG]
    # scores = word_score + bias
    scores = word_score + bow_bias
    # out = F.log_softmax(scores) -> over last dim
    out = jax.nn.log_softmax(scores, axis=-1)
    return out

if __name__ == "__main__":
    import jax
    _d = setup_inputs()
    print(jax.jit(kernel)(*tuple(_d.values())))

</pallas_src>

<mosaic_0001>
#map = affine_map<(d0, d1) -> (0, 0)>
module attributes {stable_mosaic.version = 14 : i64} {
  func.func @sc_embed_sum(%arg0: i32, %arg1: i32, %arg2: memref<16384x200xi32, #tpu.memory_space<hbm>>, %arg3: memref<1000000x32xf32, #tpu.memory_space<hbm>>, %arg4: memref<16384x32xf32, #tpu.memory_space<hbm>>, %arg5: memref<2x8x200xi32, #tpu.memory_space<vmem>>, %arg6: memref<1600x32xf32, #tpu.memory_space<vmem>>, %arg7: memref<1600x32xf32, #tpu.memory_space<vmem>>, %arg8: memref<512x32xf32, #tpu.memory_space<vmem>>, %arg9: memref<!tpu.dma_semaphore, #tpu.memory_space<semaphore_mem>>, %arg10: memref<!tpu.dma_semaphore, #tpu.memory_space<semaphore_mem>>, %arg11: memref<!tpu.dma_semaphore, #tpu.memory_space<semaphore_mem>>, %arg12: memref<!tpu.dma_semaphore, #tpu.memory_space<semaphore_mem>>) attributes {dimension_semantics = [#tpu.dimension_semantics<core_parallel>, #tpu.dimension_semantics<subcore_parallel>], iteration_bounds = array<i64: 2, 16>, scalar_prefetch = 0 : i64, scratch_operands = 8 : i64, tpu.core_type = #tpu.core_type<sc_vector_subcore>, window_params = [{transform_indices = #map}, {transform_indices = #map}, {transform_indices = #map}]} {
    %mul3A = arith.constant 2 : i32
    %mul3A_0 = arith.muli %arg1, %mul3A : i32
    %add3A = arith.addi %mul3A_0, %arg0 : i32
    %mul3A_1 = arith.constant 512 : i32
    %mul3A_2 = arith.muli %add3A, %mul3A_1 : i32
    %add3A_3 = arith.constant 0 : i32
    %add3A_4 = arith.addi %mul3A_2, %add3A_3 : i32
    %run_scoped3A = arith.constant 0 : i32
    "tpu.region"() ({
      %run_scoped3A_200 = tpu.sem_alloc : memref<!tpu.dma_semaphore, #tpu.memory_space<semaphore_mem>>
      %dma_start3A_201 = arith.constant 0 : i32
      %dma_start3A_202 = arith.constant 0 : i32
      %dma_start3A_203 = tpu.memref_slice %arg5[%run_scoped3A, %dma_start3A_201, %dma_start3A_202] : memref<2x8x200xi32, #tpu.memory_space<vmem>> -> memref<1x8x200xi32, #tpu.memory_space<vmem>>
      %dma_start3A_204 = tpu.memref_squeeze %dma_start3A_203 : memref<1x8x200xi32, #tpu.memory_space<vmem>> -> memref<8x200xi32, #tpu.memory_space<vmem>>
      %dma_start3A_205 = arith.constant 0 : i32
      %dma_start3A_206 = tpu.memref_slice %arg2[%add3A_4, %dma_start3A_205] : memref<16384x200xi32, #tpu.memory_space<hbm>> -> memref<8x200xi32, #tpu.memory_space<hbm>>
      %dma_start3A_207 = arith.constant 0 : i32
      %dma_start3A_208 = arith.constant 0 : i32
      %dma_start3A_209 = tpu.memref_slice %arg5[%run_scoped3A, %dma_start3A_207, %dma_start3A_208] : memref<2x8x200xi32, #tpu.memory_space<vmem>> -> memref<1x8x200xi32, #tpu.memory_space<vmem>>
      %dma_start3A_210 = tpu.memref_squeeze %dma_start3A_209 : memref<1x8x200xi32, #tpu.memory_space<vmem>> -> memref<8x200xi32, #tpu.memory_space<vmem>>
      %dma_start3A_211 = arith.constant 0 : i32
      %dma_start3A_212 = tpu.memref_slice %arg2[%add3A_4, %dma_start3A_211] : memref<16384x200xi32, #tpu.memory_space<hbm>> -> memref<8x200xi32, #tpu.memory_space<hbm>>
      tpu.enqueue_dma source(%dma_start3A_212 : memref<8x200xi32, #tpu.memory_space<hbm>>) target(%dma_start3A_210 : memref<8x200xi32, #tpu.memory_space<vmem>>) target_semaphore(%run_scoped3A_200 : memref<!tpu.dma_semaphore, #tpu.memory_space<semaphore_mem>>)
      %dma_wait3A = arith.constant 0 : i32
      %dma_wait3A_213 = arith.constant 0 : i32
      %dma_wait3A_214 = tpu.memref_slice %arg5[%run_scoped3A, %dma_wait3A, %dma_wait3A_213] : memref<2x8x200xi32, #tpu.memory_space<vmem>> -> memref<1x8x200xi32, #tpu.memory_space<vmem>>
      %dma_wait3A_215 = tpu.memref_squeeze %dma_wait3A_214 : memref<1x8x200xi32, #tpu.memory_space<vmem>> -> memref<8x200xi32, #tpu.memory_space<vmem>>
      %dma_wait3A_216 = arith.constant 0 : i32
      %dma_wait3A_217 = tpu.memref_slice %arg2[%add3A_4, %dma_wait3A_216] : memref<16384x200xi32, #tpu.memory_space<hbm>> -> memref<8x200xi32, #tpu.memory_space<hbm>>
      %dma_wait3A_218 = arith.constant 0 : i32
      %dma_wait3A_219 = arith.constant 0 : i32
      %dma_wait3A_220 = tpu.memref_slice %arg5[%run_scoped3A, %dma_wait3A_218, %dma_wait3A_219] : memref<2x8x200xi32, #tpu.memory_space<vmem>> -> memref<1x8x200xi32, #tpu.memory_space<vmem>>
      %dma_wait3A_221 = tpu.memref_squeeze %dma_wait3A_220 : memref<1x8x200xi32, #tpu.memory_space<vmem>> -> memref<8x200xi32, #tpu.memory_space<vmem>>
      %dma_wait3A_222 = arith.constant 0 : i32
      %dma_wait3A_223 = tpu.memref_slice %arg2[%add3A_4, %dma_wait3A_222] : memref<16384x200xi32, #tpu.memory_space<hbm>> -> memref<8x200xi32, #tpu.memory_space<hbm>>
      tpu.wait_dma2 semaphore(%run_scoped3A_200 : memref<!tpu.dma_semaphore, #tpu.memory_space<semaphore_mem>>) src(%dma_wait3A_223 : memref<8x200xi32, #tpu.memory_space<hbm>>) dst(%dma_wait3A_221 : memref<8x200xi32, #tpu.memory_space<vmem>>)
      tpu.yield
    }) : () -> ()
    %dma_start3A = arith.constant 0 : i32
    %dma_start3A_5 = arith.constant 0 : i32
    %dma_start3A_6 = arith.constant 0 : i32
    %dma_start3A_7 = arith.constant 0 : i32
    %dma_start3A_8 = tpu.memref_slice %arg6[%dma_start3A_6, %dma_start3A_7] : memref<1600x32xf32, #tpu.memory_space<vmem>> -> memref<104x32xf32, #tpu.memory_space<vmem>>
    %dma_start3A_9 = arith.constant 0 : i32
    %dma_start3A_10 = tpu.memref_slice %arg5[%dma_start3A, %dma_start3A_5, %dma_start3A_9] : memref<2x8x200xi32, #tpu.memory_space<vmem>> -> memref<1x1x104xi32, #tpu.memory_space<vmem>>
    %dma_start3A_11 = tpu.memref_squeeze %dma_start3A_10 : memref<1x1x104xi32, #tpu.memory_space<vmem>> -> memref<104xi32, #tpu.memory_space<vmem>>
    %dma_start3A_12 = arith.constant 0 : i32
    %dma_start3A_13 = arith.constant 0 : i32
    %dma_start3A_14 = tpu.memref_slice %arg3[%dma_start3A_12, %dma_start3A_13] : memref<1000000x32xf32, #tpu.memory_space<hbm>> -> memref<1000000x32xf32, #tpu.memory_space<hbm>>
    tpu.enqueue_indirect_dma source(%dma_start3A_14 : memref<1000000x32xf32, #tpu.memory_space<hbm>>) target(%dma_start3A_8 : memref<104x32xf32, #tpu.memory_space<vmem>>) offsets(%dma_start3A_11 : memref<104xi32, #tpu.memory_space<vmem>>) semaphore(%arg9 : memref<!tpu.dma_semaphore, #tpu.memory_space<semaphore_mem>>)
    %dma_start3A_15 = arith.constant 0 : i32
    %dma_start3A_16 = arith.constant 0 : i32
    %dma_start3A_17 = arith.constant 104 : i32
    %dma_start3A_18 = arith.constant 0 : i32
    %dma_start3A_19 = tpu.memref_slice %arg6[%dma_start3A_17, %dma_start3A_18] : memref<1600x32xf32, #tpu.memory_space<vmem>> -> memref<96x32xf32, #tpu.memory_space<vmem>>
    %dma_start3A_20 = arith.constant 104 : i32
    %dma_start3A_21 = tpu.memref_slice %arg5[%dma_start3A_15, %dma_start3A_16, %dma_start3A_20] : memref<2x8x200xi32, #tpu.memory_space<vmem>> -> memref<1x1x96xi32, #tpu.memory_space<vmem>>
    %dma_start3A_22 = tpu.memref_squeeze %dma_start3A_21 : memref<1x1x96xi32, #tpu.memory_space<vmem>> -> memref<96xi32, #tpu.memory_space<vmem>>
    %dma_start3A_23 = arith.constant 0 : i32
    %dma_start3A_24 = arith.constant 0 : i32
    %dma_start3A_25 = tpu.memref_slice %arg3[%dma_start3A_23, %dma_start3A_24] : memref<1000000x32xf32, #tpu.memory_space<hbm>> -> memref<1000000x32xf32, #tpu.memory_space<hbm>>
    tpu.enqueue_indirect_dma source(%dma_start3A_25 : memref<1000000x32xf32, #tpu.memory_space<hbm>>) target(%dma_start3A_19 : memref<96x32xf32, #tpu.memory_space<vmem>>) offsets(%dma_start3A_22 : memref<96xi32, #tpu.memory_space<vmem>>) semaphore(%arg9 : memref<!tpu.dma_semaphore, #tpu.memory_space<semaphore_mem>>)
    %dma_start3A_26 = arith.constant 0 : i32
    %dma_start3A_27 = arith.constant 1 : i32
    %dma_start3A_28 = arith.constant 200 : i32
    %dma_start3A_29 = arith.constant 0 : i32
    %dma_start3A_30 = tpu.memref_slice %arg6[%dma_start3A_28, %dma_start3A_29] : memref<1600x32xf32, #tpu.memory_space<vmem>> -> memref<104x32xf32, #tpu.memory_space<vmem>>
    %dma_start3A_31 = arith.constant 0 : i32
    %dma_start3A_32 = tpu.memref_slice %arg5[%dma_start3A_26, %dma_start3A_27, %dma_start3A_31] : memref<2x8x200xi32, #tpu.memory_space<vmem>> -> memref<1x1x104xi32, #tpu.memory_space<vmem>>
    %dma_start3A_33 = tpu.memref_squeeze %dma_start3A_32 : memref<1x1x104xi32, #tpu.memory_space<vmem>> -> memref<104xi32, #tpu.memory_space<vmem>>
    %dma_start3A_34 = arith.constant 0 : i32
    %dma_start3A_35 = arith.constant 0 : i32
    %dma_start3A_36 = tpu.memref_slice %arg3[%dma_start3A_34, %dma_start3A_35] : memref<1000000x32xf32, #tpu.memory_space<hbm>> -> memref<1000000x32xf32, #tpu.memory_space<hbm>>
    tpu.enqueue_indirect_dma source(%dma_start3A_36 : memref<1000000x32xf32, #tpu.memory_space<hbm>>) target(%dma_start3A_30 : memref<104x32xf32, #tpu.memory_space<vmem>>) offsets(%dma_start3A_33 : memref<104xi32, #tpu.memory_space<vmem>>) semaphore(%arg9 : memref<!tpu.dma_semaphore, #tpu.memory_space<semaphore_mem>>)
    %dma_start3A_37 = arith.constant 0 : i32
    %dma_start3A_38 = arith.constant 1 : i32
    %dma_start3A_39 = arith.constant 304 : i32
    %dma_start3A_40 = arith.constant 0 : i32
    %dma_start3A_41 = tpu.memref_slice %arg6[%dma_start3A_39, %dma_start3A_40] : memref<1600x32xf32, #tpu.memory_space<vmem>> -> memref<96x32xf32, #tpu.memory_space<vmem>>
    %dma_start3A_42 = arith.constant 104 : i32
    %dma_start3A_43 = tpu.memref_slice %arg5[%dma_start3A_37, %dma_start3A_38, %dma_start3A_42] : memref<2x8x200xi32, #tpu.memory_space<vmem>> -> memref<1x1x96xi32, #tpu.memory_space<vmem>>
    %dma_start3A_44 = tpu.memref_squeeze %dma_start3A_43 : memref<1x1x96xi32, #tpu.memory_space<vmem>> -> memref<96xi32, #tpu.memory_space<vmem>>
    %dma_start3A_45 = arith.constant 0 : i32
    %dma_start3A_46 = arith.constant 0 : i32
    %dma_start3A_47 = tpu.memref_slice %arg3[%dma_start3A_45, %dma_start3A_46] : memref<1000000x32xf32, #tpu.memory_space<hbm>> -> memref<1000000x32xf32, #tpu.memory_space<hbm>>
    tpu.enqueue_indirect_dma source(%dma_start3A_47 : memref<1000000x32xf32, #tpu.memory_space<hbm>>) target(%dma_start3A_41 : memref<96x32xf32, #tpu.memory_space<vmem>>) offsets(%dma_start3A_44 : memref<96xi32, #tpu.memory_space<vmem>>) semaphore(%arg9 : memref<!tpu.dma_semaphore, #tpu.memory_space<semaphore_mem>>)
    %dma_start3A_48 = arith.constant 0 : i32
    %dma_start3A_49 = arith.constant 2 : i32
    %dma_start3A_50 = arith.constant 400 : i32
    %dma_start3A_51 = arith.constant 0 : i32
    %dma_start3A_52 = tpu.memref_slice %arg6[%dma_start3A_50, %dma_start3A_51] : memref<1600x32xf32, #tpu.memory_space<vmem>> -> memref<104x32xf32, #tpu.memory_space<vmem>>
    %dma_start3A_53 = arith.constant 0 : i32
    %dma_start3A_54 = tpu.memref_slice %arg5[%dma_start3A_48, %dma_start3A_49, %dma_start3A_53] : memref<2x8x200xi32, #tpu.memory_space<vmem>> -> memref<1x1x104xi32, #tpu.memory_space<vmem>>
    %dma_start3A_55 = tpu.memref_squeeze %dma_start3A_54 : memref<1x1x104xi32, #tpu.memory_space<vmem>> -> memref<104xi32, #tpu.memory_space<vmem>>
    %dma_start3A_56 = arith.constant 0 : i32
    %dma_start3A_57 = arith.constant 0 : i32
    %dma_start3A_58 = tpu.memref_slice %arg3[%dma_start3A_56, %dma_start3A_57] : memref<1000000x32xf32, #tpu.memory_space<hbm>> -> memref<1000000x32xf32, #tpu.memory_space<hbm>>
    tpu.enqueue_indirect_dma source(%dma_start3A_58 : memref<1000000x32xf32, #tpu.memory_space<hbm>>) target(%dma_start3A_52 : memref<104x32xf32, #tpu.memory_space<vmem>>) offsets(%dma_start3A_55 : memref<104xi32, #tpu.memory_space<vmem>>) semaphore(%arg9 : memref<!tpu.dma_semaphore, #tpu.memory_space<semaphore_mem>>)
    %dma_start3A_59 = arith.constant 0 : i32
    %dma_start3A_60 = arith.constant 2 : i32
    %dma_start3A_61 = arith.constant 504 : i32
    %dma_start3A_62 = arith.constant 0 : i32
    %dma_start3A_63 = tpu.memref_slice %arg6[%dma_start3A_61, %dma_start3A_62] : memref<1600x32xf32, #tpu.memory_space<vmem>> -> memref<96x32xf32, #tpu.memory_space<vmem>>
    %dma_start3A_64 = arith.constant 104 : i32
    %dma_start3A_65 = tpu.memref_slice %arg5[%dma_start3A_59, %dma_start3A_60, %dma_start3A_64] : memref<2x8x200xi32, #tpu.memory_space<vmem>> -> memref<1x1x96xi32, #tpu.memory_space<vmem>>
    %dma_start3A_66 = tpu.memref_squeeze %dma_start3A_65 : memref<1x1x96xi32, #tpu.memory_space<vmem>> -> memref<96xi32, #tpu.memory_space<vmem>>
    %dma_start3A_67 = arith.constant 0 : i32
    %dma_start3A_68 = arith.constant 0 : i32
    %dma_start3A_69 = tpu.memref_slice %arg3[%dma_start3A_67, %dma_start3A_68] : memref<1000000x32xf32, #tpu.memory_space<hbm>> -> memref<1000000x32xf32, #tpu.memory_space<hbm>>
    tpu.enqueue_indirect_dma source(%dma_start3A_69 : memref<1000000x32xf32, #tpu.memory_space<hbm>>) target(%dma_start3A_63 : memref<96x32xf32, #tpu.memory_space<vmem>>) offsets(%dma_start3A_66 : memref<96xi32, #tpu.memory_space<vmem>>) semaphore(%arg9 : memref<!tpu.dma_semaphore, #tpu.memory_space<semaphore_mem>>)
    %dma_start3A_70 = arith.constant 0 : i32
    %dma_start3A_71 = arith.constant 3 : i32
    %dma_start3A_72 = arith.constant 600 : i32
    %dma_start3A_73 = arith.constant 0 : i32
    %dma_start3A_74 = tpu.memref_slice %arg6[%dma_start3A_72, %dma_start3A_73] : memref<1600x32xf32, #tpu.memory_space<vmem>> -> memref<104x32xf32, #tpu.memory_space<vmem>>
    %dma_start3A_75 = arith.constant 0 : i32
    %dma_start3A_76 = tpu.memref_slice %arg5[%dma_start3A_70, %dma_start3A_71, %dma_start3A_75] : memref<2x8x200xi32, #tpu.memory_space<vmem>> -> memref<1x1x104xi32, #tpu.memory_space<vmem>>
    %dma_start3A_77 = tpu.memref_squeeze %dma_start3A_76 : memref<1x1x104xi32, #tpu.memory_space<vmem>> -> memref<104xi32, #tpu.memory_space<vmem>>
    %dma_start3A_78 = arith.constant 0 : i32
    %dma_start3A_79 = arith.constant 0 : i32
    %dma_start3A_80 = tpu.memref_slice %arg3[%dma_start3A_78, %dma_start3A_79] : memref<1000000x32xf32, #tpu.memory_space<hbm>> -> memref<1000000x32xf32, #tpu.memory_space<hbm>>
    tpu.enqueue_indirect_dma source(%dma_start3A_80 : memref<1000000x32xf32, #tpu.memory_space<hbm>>) target(%dma_start3A_74 : memref<104x32xf32, #tpu.memory_space<vmem>>) offsets(%dma_start3A_77 : memref<104xi32, #tpu.memory_space<vmem>>) semaphore(%arg9 : memref<!tpu.dma_semaphore, #tpu.memory_space<semaphore_mem>>)
    %dma_start3A_81 = arith.constant 0 : i32
    %dma_start3A_82 = arith.constant 3 : i32
    %dma_start3A_83 = arith.constant 704 : i32
    %dma_start3A_84 = arith.constant 0 : i32
    %dma_start3A_85 = tpu.memref_slice %arg6[%dma_start3A_83, %dma_start3A_84] : memref<1600x32xf32, #tpu.memory_space<vmem>> -> memref<96x32xf32, #tpu.memory_space<vmem>>
    %dma_start3A_86 = arith.constant 104 : i32
    %dma_start3A_87 = tpu.memref_slice %arg5[%dma_start3A_81, %dma_start3A_82, %dma_start3A_86] : memref<2x8x200xi32, #tpu.memory_space<vmem>> -> memref<1x1x96xi32, #tpu.memory_space<vmem>>
    %dma_start3A_88 = tpu.memref_squeeze %dma_start3A_87 : memref<1x1x96xi32, #tpu.memory_space<vmem>> -> memref<96xi32, #tpu.memory_space<vmem>>
    %dma_start3A_89 = arith.constant 0 : i32
    %dma_start3A_90 = arith.constant 0 : i32
    %dma_start3A_91 = tpu.memref_slice %arg3[%dma_start3A_89, %dma_start3A_90] : memref<1000000x32xf32, #tpu.memory_space<hbm>> -> memref<1000000x32xf32, #tpu.memory_space<hbm>>
    tpu.enqueue_indirect_dma source(%dma_start3A_91 : memref<1000000x32xf32, #tpu.memory_space<hbm>>) target(%dma_start3A_85 : memref<96x32xf32, #tpu.memory_space<vmem>>) offsets(%dma_start3A_88 : memref<96xi32, #tpu.memory_space<vmem>>) semaphore(%arg9 : memref<!tpu.dma_semaphore, #tpu.memory_space<semaphore_mem>>)
    %dma_start3A_92 = arith.constant 0 : i32
    %dma_start3A_93 = arith.constant 4 : i32
    %dma_start3A_94 = arith.constant 800 : i32
    %dma_start3A_95 = arith.constant 0 : i32
    %dma_start3A_96 = tpu.memref_slice %arg6[%dma_start3A_94, %dma_start3A_95] : memref<1600x32xf32, #tpu.memory_space<vmem>> -> memref<104x32xf32, #tpu.memory_space<vmem>>
    %dma_start3A_97 = arith.constant 0 : i32
    %dma_start3A_98 = tpu.memref_slice %arg5[%dma_start3A_92, %dma_start3A_93, %dma_start3A_97] : memref<2x8x200xi32, #tpu.memory_space<vmem>> -> memref<1x1x104xi32, #tpu.memory_space<vmem>>
    %dma_start3A_99 = tpu.memref_squeeze %dma_start3A_98 : memref<1x1x104xi32, #tpu.memory_space<vmem>> -> memref<104xi32, #tpu.memory_space<vmem>>
    %dma_start3A_100 = arith.constant 0 : i32
    %dma_start3A_101 = arith.constant 0 : i32
    %dma_start3A_102 = tpu.memref_slice %arg3[%dma_start3A_100, %dma_start3A_101] : memref<1000000x32xf32, #tpu.memory_space<hbm>> -> memref<1000000x32xf32, #tpu.memory_space<hbm>>
    tpu.enqueue_indirect_dma source(%dma_start3A_102 : memref<1000000x32xf32, #tpu.memory_space<hbm>>) target(%dma_start3A_96 : memref<104x32xf32, #tpu.memory_space<vmem>>) offsets(%dma_start3A_99 : memref<104xi32, #tpu.memory_space<vmem>>) semaphore(%arg9 : memref<!tpu.dma_semaphore, #tpu.memory_space<semaphore_mem>>)
    %dma_start3A_103 = arith.constant 0 : i32
    %dma_start3A_104 = arith.constant 4 : i32
    %dma_start3A_105 = arith.constant 904 : i32
    %dma_start3A_106 = arith.constant 0 : i32
    %dma_start3A_107 = tpu.memref_slice %arg6[%dma_start3A_105, %dma_start3A_106] : memref<1600x32xf32, #tpu.memory_space<vmem>> -> memref<96x32xf32, #tpu.memory_space<vmem>>
    %dma_start3A_108 = arith.constant 104 : i32
    %dma_start3A_109 = tpu.memref_slice %arg5[%dma_start3A_103, %dma_start3A_104, %dma_start3A_108] : memref<2x8x200xi32, #tpu.memory_space<vmem>> -> memref<1x1x96xi32, #tpu.memory_space<vmem>>
    %dma_start3A_110 = tpu.memref_squeeze %dma_start3A_109 : memref<1x1x96xi32, #tpu.memory_space<vmem>> -> memref<96xi32, #tpu.memory_space<vmem>>
    %dma_start3A_111 = arith.constant 0 : i32
    %dma_start3A_112 = arith.constant 0 : i32
    %dma_start3A_113 = tpu.memref_slice %arg3[%dma_start3A_111, %dma_start3A_112] : memref<1000000x32xf32, #tpu.memory_space<hbm>> -> memref<1000000x32xf32, #tpu.memory_space<hbm>>
    tpu.enqueue_indirect_dma source(%dma_start3A_113 : memref<1000000x32xf32, #tpu.memory_space<hbm>>) target(%dma_start3A_107 : memref<96x32xf32, #tpu.memory_space<vmem>>) offsets(%dma_start3A_110 : memref<96xi32, #tpu.memory_space<vmem>>) semaphore(%arg9 : memref<!tpu.dma_semaphore, #tpu.memory_space<semaphore_mem>>)
    %dma_start3A_114 = arith.constant 0 : i32
    %dma_start3A_115 = arith.constant 5 : i32
    %dma_start3A_116 = arith.constant 1000 : i32
    %dma_start3A_117 = arith.constant 0 : i32
    %dma_start3A_118 = tpu.memref_slice %arg6[%dma_start3A_116, %dma_start3A_117] : memref<1600x32xf32, #tpu.memory_space<vmem>> -> memref<104x32xf32, #tpu.memory_space<vmem>>
    %dma_start3A_119 = arith.constant 0 : i32
    %dma_start3A_120 = tpu.memref_slice %arg5[%dma_start3A_114, %dma_start3A_115, %dma_start3A_119] : memref<2x8x200xi32, #tpu.memory_space<vmem>> -> memref<1x1x104xi32, #tpu.memory_space<vmem>>
    %dma_start3A_121 = tpu.memref_squeeze %dma_start3A_120 : memref<1x1x104xi32, #tpu.memory_space<vmem>> -> memref<104xi32, #tpu.memory_space<vmem>>
    %dma_start3A_122 = arith.constant 0 : i32
    %dma_start3A_123 = arith.constant 0 : i32
    %dma_start3A_124 = tpu.memref_slice %arg3[%dma_start3A_122, %dma_start3A_123] : memref<1000000x32xf32, #tpu.memory_space<hbm>> -> memref<1000000x32xf32, #tpu.memory_space<hbm>>
    tpu.enqueue_indirect_dma source(%dma_start3A_124 : memref<1000000x32xf32, #tpu.memory_space<hbm>>) target(%dma_start3A_118 : memref<104x32xf32, #tpu.memory_space<vmem>>) offsets(%dma_start3A_121 : memref<104xi32, #tpu.memory_space<vmem>>) semaphore(%arg9 : memref<!tpu.dma_semaphore, #tpu.memory_space<semaphore_mem>>)
    %dma_start3A_125 = arith.constant 0 : i32
    %dma_start3A_126 = arith.constant 5 : i32
    %dma_start3A_127 = arith.constant 1104 : i32
    %dma_start3A_128 = arith.constant 0 : i32
    %dma_start3A_129 = tpu.memref_slice %arg6[%dma_start3A_127, %dma_start3A_128] : memref<1600x32xf32, #tpu.memory_space<vmem>> -> memref<96x32xf32, #tpu.memory_space<vmem>>
    %dma_start3A_130 = arith.constant 104 : i32
    %dma_start3A_131 = tpu.memref_slice %arg5[%dma_start3A_125, %dma_start3A_126, %dma_start3A_130] : memref<2x8x200xi32, #tpu.memory_space<vmem>> -> memref<1x1x96xi32, #tpu.memory_space<vmem>>
    %dma_start3A_132 = tpu.memref_squeeze %dma_start3A_131 : memref<1x1x96xi32, #tpu.memory_space<vmem>> -> memref<96xi32, #tpu.memory_space<vmem>>
    %dma_start3A_133 = arith.constant 0 : i32
    %dma_start3A_134 = arith.constant 0 : i32
    %dma_start3A_135 = tpu.memref_slice %arg3[%dma_start3A_133, %dma_start3A_134] : memref<1000000x32xf32, #tpu.memory_space<hbm>> -> memref<1000000x32xf32, #tpu.memory_space<hbm>>
    tpu.enqueue_indirect_dma source(%dma_start3A_135 : memref<1000000x32xf32, #tpu.memory_space<hbm>>) target(%dma_start3A_129 : memref<96x32xf32, #tpu.memory_space<vmem>>) offsets(%dma_start3A_132 : memref<96xi32, #tpu.memory_space<vmem>>) semaphore(%arg9 : memref<!tpu.dma_semaphore, #tpu.memory_space<semaphore_mem>>)
    %dma_start3A_136 = arith.constant 0 : i32
    %dma_start3A_137 = arith.constant 6 : i32
    %dma_start3A_138 = arith.constant 1200 : i32
    %dma_start3A_139 = arith.constant 0 : i32
    %dma_start3A_140 = tpu.memref_slice %arg6[%dma_start3A_138, %dma_start3A_139] : memref<1600x32xf32, #tpu.memory_space<vmem>> -> memref<104x32xf32, #tpu.memory_space<vmem>>
    %dma_start3A_141 = arith.constant 0 : i32
    %dma_start3A_142 = tpu.memref_slice %arg5[%dma_start3A_136, %dma_start3A_137, %dma_start3A_141] : memref<2x8x200xi32, #tpu.memory_space<vmem>> -> memref<1x1x104xi32, #tpu.memory_space<vmem>>
    %dma_start3A_143 = tpu.memref_squeeze %dma_start3A_142 : memref<1x1x104xi32, #tpu.memory_space<vmem>> -> memref<104xi32, #tpu.memory_space<vmem>>
    %dma_start3A_144 = arith.constant 0 : i32
    %dma_start3A_145 = arith.constant 0 : i32
    %dma_start3A_146 = tpu.memref_slice %arg3[%dma_start3A_144, %dma_start3A_145] : memref<1000000x32xf32, #tpu.memory_space<hbm>> -> memref<1000000x32xf32, #tpu.memory_space<hbm>>
    tpu.enqueue_indirect_dma source(%dma_start3A_146 : memref<1000000x32xf32, #tpu.memory_space<hbm>>) target(%dma_start3A_140 : memref<104x32xf32, #tpu.memory_space<vmem>>) offsets(%dma_start3A_143 : memref<104xi32, #tpu.memory_space<vmem>>) semaphore(%arg9 : memref<!tpu.dma_semaphore, #tpu.memory_space<semaphore_mem>>)
    %dma_start3A_147 = arith.constant 0 : i32
    %dma_start3A_148 = arith.constant 6 : i32
    %dma_start3A_149 = arith.constant 1304 : i32
    %dma_start3A_150 = arith.constant 0 : i32
    %dma_start3A_151 = tpu.memref_slice %arg6[%dma_start3A_149, %dma_start3A_150] : memref<1600x32xf32, #tpu.memory_space<vmem>> -> memref<96x32xf32, #tpu.memory_space<vmem>>
    %dma_start3A_152 = arith.constant 104 : i32
    %dma_start3A_153 = tpu.memref_slice %arg5[%dma_start3A_147, %dma_start3A_148, %dma_start3A_152] : memref<2x8x200xi32, #tpu.memory_space<vmem>> -> memref<1x1x96xi32, #tpu.memory_space<vmem>>
    %dma_start3A_154 = tpu.memref_squeeze %dma_start3A_153 : memref<1x1x96xi32, #tpu.memory_space<vmem>> -> memref<96xi32, #tpu.memory_space<vmem>>
    %dma_start3A_155 = arith.constant 0 : i32
    %dma_start3A_156 = arith.constant 0 : i32
    %dma_start3A_157 = tpu.memref_slice %arg3[%dma_start3A_155, %dma_start3A_156] : memref<1000000x32xf32, #tpu.memory_space<hbm>> -> memref<1000000x32xf32, #tpu.memory_space<hbm>>
    tpu.enqueue_indirect_dma source(%dma_start3A_157 : memref<1000000x32xf32, #tpu.memory_space<hbm>>) target(%dma_start3A_151 : memref<96x32xf32, #tpu.memory_space<vmem>>) offsets(%dma_start3A_154 : memref<96xi32, #tpu.memory_space<vmem>>) semaphore(%arg9 : memref<!tpu.dma_semaphore, #tpu.memory_space<semaphore_mem>>)
    %dma_start3A_158 = arith.constant 0 : i32
    %dma_start3A_159 = arith.constant 7 : i32
    %dma_start3A_160 = arith.constant 1400 : i32
    %dma_start3A_161 = arith.constant 0 : i32
    %dma_start3A_162 = tpu.memref_slice %arg6[%dma_start3A_160, %dma_start3A_161] : memref<1600x32xf32, #tpu.memory_space<vmem>> -> memref<104x32xf32, #tpu.memory_space<vmem>>
    %dma_start3A_163 = arith.constant 0 : i32
    %dma_start3A_164 = tpu.memref_slice %arg5[%dma_start3A_158, %dma_start3A_159, %dma_start3A_163] : memref<2x8x200xi32, #tpu.memory_space<vmem>> -> memref<1x1x104xi32, #tpu.memory_space<vmem>>
    %dma_start3A_165 = tpu.memref_squeeze %dma_start3A_164 : memref<1x1x104xi32, #tpu.memory_space<vmem>> -> memref<104xi32, #tpu.memory_space<vmem>>
    %dma_start3A_166 = arith.constant 0 : i32
    %dma_start3A_167 = arith.constant 0 : i32
    %dma_start3A_168 = tpu.memref_slice %arg3[%dma_start3A_166, %dma_start3A_167] : memref<1000000x32xf32, #tpu.memory_space<hbm>> -> memref<1000000x32xf32, #tpu.memory_space<hbm>>
    tpu.enqueue_indirect_dma source(%dma_start3A_168 : memref<1000000x32xf32, #tpu.memory_space<hbm>>) target(%dma_start3A_162 : memref<104x32xf32, #tpu.memory_space<vmem>>) offsets(%dma_start3A_165 : memref<104xi32, #tpu.memory_space<vmem>>) semaphore(%arg9 : memref<!tpu.dma_semaphore, #tpu.memory_space<semaphore_mem>>)
    %dma_start3A_169 = arith.constant 0 : i32
    %dma_start3A_170 = arith.constant 7 : i32
    %dma_start3A_171 = arith.constant 1504 : i32
    %dma_start3A_172 = arith.constant 0 : i32
    %dma_start3A_173 = tpu.memref_slice %arg6[%dma_start3A_171, %dma_start3A_172] : memref<1600x32xf32, #tpu.memory_space<vmem>> -> memref<96x32xf32, #tpu.memory_space<vmem>>
    %dma_start3A_174 = arith.constant 104 : i32
    %dma_start3A_175 = tpu.memref_slice %arg5[%dma_start3A_169, %dma_start3A_170, %dma_start3A_174] : memref<2x8x200xi32, #tpu.memory_space<vmem>> -> memref<1x1x96xi32, #tpu.memory_space<vmem>>
    %dma_start3A_176 = tpu.memref_squeeze %dma_start3A_175 : memref<1x1x96xi32, #tpu.memory_space<vmem>> -> memref<96xi32, #tpu.memory_space<vmem>>
    %dma_start3A_177 = arith.constant 0 : i32
    %dma_start3A_178 = arith.constant 0 : i32
    %dma_start3A_179 = tpu.memref_slice %arg3[%dma_start3A_177, %dma_start3A_178] : memref<1000000x32xf32, #tpu.memory_space<hbm>> -> memref<1000000x32xf32, #tpu.memory_space<hbm>>
    tpu.enqueue_indirect_dma source(%dma_start3A_179 : memref<1000000x32xf32, #tpu.memory_space<hbm>>) target(%dma_start3A_173 : memref<96x32xf32, #tpu.memory_space<vmem>>) offsets(%dma_start3A_176 : memref<96xi32, #tpu.memory_space<vmem>>) semaphore(%arg9 : memref<!tpu.dma_semaphore, #tpu.memory_space<semaphore_mem>>)
    %add3A_180 = arith.constant 8 : i32
    %add3A_181 = arith.addi %mul3A_2, %add3A_180 : i32
    %dma_start3A_182 = arith.constant 1 : i32
    %dma_start3A_183 = arith.constant 0 : i32
    %dma_start3A_184 = arith.constant 0 : i32
    %dma_start3A_185 = tpu.memref_slice %arg5[%dma_start3A_182, %dma_start3A_183, %dma_start3A_184] : memref<2x8x200xi32, #tpu.memory_space<vmem>> -> memref<1x8x200xi32, #tpu.memory_space<vmem>>
    %dma_start3A_186 = tpu.memref_squeeze %dma_start3A_185 : memref<1x8x200xi32, #tpu.memory_space<vmem>> -> memref<8x200xi32, #tpu.memory_space<vmem>>
    %dma_start3A_187 = arith.constant 0 : i32
    %dma_start3A_188 = tpu.memref_slice %arg2[%add3A_181, %dma_start3A_187] : memref<16384x200xi32, #tpu.memory_space<hbm>> -> memref<8x200xi32, #tpu.memory_space<hbm>>
    %dma_start3A_189 = arith.constant 0 : i32
    %dma_start3A_190 = arith.constant 0 : i32
    %dma_start3A_191 = tpu.memref_slice %arg5[%dma_start3A_182, %dma_start3A_189, %dma_start3A_190] : memref<2x8x200xi32, #tpu.memory_space<vmem>> -> memref<1x8x200xi32, #tpu.memory_space<vmem>>
    %dma_start3A_192 = tpu.memref_squeeze %dma_start3A_191 : memref<1x8x200xi32, #tpu.memory_space<vmem>> -> memref<8x200xi32, #tpu.memory_space<vmem>>
    %dma_start3A_193 = arith.constant 0 : i32
    %dma_start3A_194 = tpu.memref_slice %arg2[%add3A_181, %dma_start3A_193] : memref<16384x200xi32, #tpu.memory_space<hbm>> -> memref<8x200xi32, #tpu.memory_space<hbm>>
    tpu.enqueue_dma source(%dma_start3A_194 : memref<8x200xi32, #tpu.memory_space<hbm>>) target(%dma_start3A_192 : memref<8x200xi32, #tpu.memory_space<vmem>>) target_semaphore(%arg12 : memref<!tpu.dma_semaphore, #tpu.memory_space<semaphore_mem>>)
    %scan3A = arith.constant 0 : i32
    %scan3A_195 = arith.constant 0 : i32
    %scan3A_196 = arith.constant 32 : i32
    %scan3A_197 = arith.addi %scan3A_195, %scan3A_196 : i32
    %scan3A_198 = arith.constant 1 : i32
    scf.for %scan3A_200 = %scan3A_195 to %scan3A_197 step %scan3A_198  : i32 {
      %mul3A_201 = arith.constant 2 : i32
      %mul3A_202 = arith.muli %mul3A_201, %scan3A_200 : i32
      %add3A_203 = arith.constant 1 : i32
      %add3A_204 = arith.addi %mul3A_202, %add3A_203 : i32
      %lt3A = arith.constant 64 : i32
      %lt3A_205 = arith.cmpi slt, %add3A_204, %lt3A : i32
      %convert_element_type3A = arith.extui %lt3A_205 : i1 to i32
      %cond3A = arith.constant 0 : i32
      %cond3A_206 = arith.cmpi ne, %convert_element_type3A, %cond3A : i32
      scf.if %cond3A_206 {
        %add3A_801 = arith.constant 1 : i32
        %add3A_802 = arith.addi %mul3A_202, %add3A_801 : i32
        %mul3A_803 = arith.constant 8 : i32
        %mul3A_804 = arith.muli %add3A_802, %mul3A_803 : i32
        %add3A_805 = arith.addi %mul3A_2, %mul3A_804 : i32
        %dma_wait3A_806 = arith.constant 1 : i32
        %dma_wait3A_807 = arith.constant 0 : i32
        %dma_wait3A_808 = arith.constant 0 : i32
        %dma_wait3A_809 = tpu.memref_slice %arg5[%dma_wait3A_806, %dma_wait3A_807, %dma_wait3A_808] : memref<2x8x200xi32, #tpu.memory_space<vmem>> -> memref<1x8x200xi32, #tpu.memory_space<vmem>>
        %dma_wait3A_810 = tpu.memref_squeeze %dma_wait3A_809 : memref<1x8x200xi32, #tpu.memory_space<vmem>> -> memref<8x200xi32, #tpu.memory_space<vmem>>
        %dma_wait3A_811 = arith.constant 0 : i32
        %dma_wait3A_812 = tpu.memref_slice %arg2[%add3A_805, %dma_wait3A_811] : memref<16384x200xi32, #tpu.memory_space<hbm>> -> memref<8x200xi32, #tpu.memory_space<hbm>>
        %dma_wait3A_813 = arith.constant 0 : i32
        %dma_wait3A_814 = arith.constant 0 : i32
        %dma_wait3A_815 = tpu.memref_slice %arg5[%dma_wait3A_806, %dma_wait3A_813, %dma_wait3A_814] : memref<2x8x200xi32, #tpu.memory_space<vmem>> -> memref<1x8x200xi32, #tpu.memory_space<vmem>>
        %dma_wait3A_816 = tpu.memref_squeeze %dma_wait3A_815 : memref<1x8x200xi32, #tpu.memory_space<vmem>> -> memref<8x200xi32, #tpu.memory_space<vmem>>
        %dma_wait3A_817 = arith.constant 0 : i32
        %dma_wait3A_818 = tpu.memref_slice %arg2[%add3A_805, %dma_wait3A_817] : memref<16384x200xi32, #tpu.memory_space<hbm>> -> memref<8x200xi32, #tpu.memory_space<hbm>>
        tpu.wait_dma2 semaphore(%arg12 : memref<!tpu.dma_semaphore, #tpu.memory_space<semaphore_mem>>) src(%dma_wait3A_818 : memref<8x200xi32, #tpu.memory_space<hbm>>) dst(%dma_wait3A_816 : memref<8x200xi32, #tpu.memory_space<vmem>>)
        %dma_start3A_819 = arith.constant 1 : i32
        %dma_start3A_820 = arith.constant 0 : i32
        %dma_start3A_821 = arith.constant 0 : i32
        %dma_start3A_822 = arith.constant 0 : i32
        %dma_start3A_823 = tpu.memref_slice %arg7[%dma_start3A_821, %dma_start3A_822] : memref<1600x32xf32, #tpu.memory_space<vmem>> -> memref<104x32xf32, #tpu.memory_space<vmem>>
        %dma_start3A_824 = arith.constant 0 : i32
        %dma_start3A_825 = tpu.memref_slice %arg5[%dma_start3A_819, %dma_start3A_820, %dma_start3A_824] : memref<2x8x200xi32, #tpu.memory_space<vmem>> -> memref<1x1x104xi32, #tpu.memory_space<vmem>>
        %dma_start3A_826 = tpu.memref_squeeze %dma_start3A_825 : memref<1x1x104xi32, #tpu.memory_space<vmem>> -> memref<104xi32, #tpu.memory_space<vmem>>
        %dma_start3A_827 = arith.constant 0 : i32
        %dma_start3A_828 = arith.constant 0 : i32
        %dma_start3A_829 = tpu.memref_slice %arg3[%dma_start3A_827, %dma_start3A_828] : memref<1000000x32xf32, #tpu.memory_space<hbm>> -> memref<1000000x32xf32, #tpu.memory_space<hbm>>
        tpu.enqueue_indirect_dma source(%dma_start3A_829 : memref<1000000x32xf32, #tpu.memory_space<hbm>>) target(%dma_start3A_823 : memref<104x32xf32, #tpu.memory_space<vmem>>) offsets(%dma_start3A_826 : memref<104xi32, #tpu.memory_space<vmem>>) semaphore(%arg10 : memref<!tpu.dma_semaphore, #tpu.memory_space<semaphore_mem>>)
        %dma_start3A_830 = arith.constant 1 : i32
        %dma_start3A_831 = arith.constant 0 : i32
        %dma_start3A_832 = arith.constant 104 : i32
        %dma_start3A_833 = arith.constant 0 : i32
        %dma_start3A_834 = tpu.memref_slice %arg7[%dma_start3A_832, %dma_start3A_833] : memref<1600x32xf32, #tpu.memory_space<vmem>> -> memref<96x32xf32, #tpu.memory_space<vmem>>
        %dma_start3A_835 = arith.constant 104 : i32
        %dma_start3A_836 = tpu.memref_slice %arg5[%dma_start3A_830, %dma_start3A_831, %dma_start3A_835] : memref<2x8x200xi32, #tpu.memory_space<vmem>> -> memref<1x1x96xi32, #tpu.memory_space<vmem>>
        %dma_start3A_837 = tpu.memref_squeeze %dma_start3A_836 : memref<1x1x96xi32, #tpu.memory_space<vmem>> -> memref<96xi32, #tpu.memory_space<vmem>>
        %dma_start3A_838 = arith.constant 0 : i32
        %dma_start3A_839 = arith.constant 0 : i32
        %dma_start3A_840 = tpu.memref_slice %arg3[%dma_start3A_838, %dma_start3A_839] : memref<1000000x32xf32, #tpu.memory_space<hbm>> -> memref<1000000x32xf32, #tpu.memory_space<hbm>>
        tpu.enqueue_indirect_dma source(%dma_start3A_840 : memref<1000000x32xf32, #tpu.memory_space<hbm>>) target(%dma_start3A_834 : memref<96x32xf32, #tpu.memory_space<vmem>>) offsets(%dma_start3A_837 : memref<96xi32, #tpu.memory_space<vmem>>) semaphore(%arg10 : memref<!tpu.dma_semaphore, #tpu.memory_space<semaphore_mem>>)
        %dma_start3A_841 = arith.constant 1 : i32
        %dma_start3A_842 = arith.constant 1 : i32
        %dma_start3A_843 = arith.constant 200 : i32
        %dma_start3A_844 = arith.constant 0 : i32
        %dma_start3A_845 = tpu.memref_slice %arg7[%dma_start3A_843, %dma_start3A_844] : memref<1600x32xf32, #tpu.memory_space<vmem>> -> memref<104x32xf32, #tpu.memory_space<vmem>>
        %dma_start3A_846 = arith.constant 0 : i32
        %dma_start3A_847 = tpu.memref_slice %arg5[%dma_start3A_841, %dma_start3A_842, %dma_start3A_846] : memref<2x8x200xi32, #tpu.memory_space<vmem>> -> memref<1x1x104xi32, #tpu.memory_space<vmem>>
        %dma_start3A_848 = tpu.memref_squeeze %dma_start3A_847 : memref<1x1x104xi32, #tpu.memory_space<vmem>> -> memref<104xi32, #tpu.memory_space<vmem>>
        %dma_start3A_849 = arith.constant 0 : i32
        %dma_start3A_850 = arith.constant 0 : i32
        %dma_start3A_851 = tpu.memref_slice %arg3[%dma_start3A_849, %dma_start3A_850] : memref<1000000x32xf32, #tpu.memory_space<hbm>> -> memref<1000000x32xf32, #tpu.memory_space<hbm>>
        tpu.enqueue_indirect_dma source(%dma_start3A_851 : memref<1000000x32xf32, #tpu.memory_space<hbm>>) target(%dma_start3A_845 : memref<104x32xf32, #tpu.memory_space<vmem>>) offsets(%dma_start3A_848 : memref<104xi32, #tpu.memory_space<vmem>>) semaphore(%arg10 : memref<!tpu.dma_semaphore, #tpu.memory_space<semaphore_mem>>)
        %dma_start3A_852 = arith.constant 1 : i32
        %dma_start3A_853 = arith.constant 1 : i32
        %dma_start3A_854 = arith.constant 304 : i32
        %dma_start3A_855 = arith.constant 0 : i32
        %dma_start3A_856 = tpu.memref_slice %arg7[%dma_start3A_854, %dma_start3A_855] : memref<1600x32xf32, #tpu.memory_space<vmem>> -> memref<96x32xf32, #tpu.memory_space<vmem>>
        %dma_start3A_857 = arith.constant 104 : i32
        %dma_start3A_858 = tpu.memref_slice %arg5[%dma_start3A_852, %dma_start3A_853, %dma_start3A_857] : memref<2x8x200xi32, #tpu.memory_space<vmem>> -> memref<1x1x96xi32, #tpu.memory_space<vmem>>
        %dma_start3A_859 = tpu.memref_squeeze %dma_start3A_858 : memref<1x1x96xi32, #tpu.memory_space<vmem>> -> memref<96xi32, #tpu.memory_space<vmem>>
        %dma_start3A_860 = arith.constant 0 : i32
        %dma_start3A_861 = arith.constant 0 : i32
        %dma_start3A_862 = tpu.memref_slice %arg3[%dma_start3A_860, %dma_start3A_861] : memref<1000000x32xf32, #tpu.memory_space<hbm>> -> memref<1000000x32xf32, #tpu.memory_space<hbm>>
        tpu.enqueue_indirect_dma source(%dma_start3A_862 : memref<1000000x32xf32, #tpu.memory_space<hbm>>) target(%dma_start3A_856 : memref<96x32xf32, #tpu.memory_space<vmem>>) offsets(%dma_start3A_859 : memref<96xi32, #tpu.memory_space<vmem>>) semaphore(%arg10 : memref<!tpu.dma_semaphore, #tpu.memory_space<semaphore_mem>>)
        %dma_start3A_863 = arith.constant 1 : i32
        %dma_start3A_864 = arith.constant 2 : i32
        %dma_start3A_865 = arith.constant 400 : i32
        %dma_start3A_866 = arith.constant 0 : i32
        %dma_start3A_867 = tpu.memref_slice %arg7[%dma_start3A_865, %dma_start3A_866] : memref<1600x32xf32, #tpu.memory_space<vmem>> -> memref<104x32xf32, #tpu.memory_space<vmem>>
        %dma_start3A_868 = arith.constant 0 : i32
        %dma_start3A_869 = tpu.memref_slice %arg5[%dma_start3A_863, %dma_start3A_864, %dma_start3A_868] : memref<2x8x200xi32, #tpu.memory_space<vmem>> -> memref<1x1x104xi32, #tpu.memory_space<vmem>>
        %dma_start3A_870 = tpu.memref_squeeze %dma_start3A_869 : memref<1x1x104xi32, #tpu.memory_space<vmem>> -> memref<104xi32, #tpu.memory_space<vmem>>
        %dma_start3A_871 = arith.constant 0 : i32
        %dma_start3A_872 = arith.constant 0 : i32
        %dma_start3A_873 = tpu.memref_slice %arg3[%dma_start3A_871, %dma_start3A_872] : memref<1000000x32xf32, #tpu.memory_space<hbm>> -> memref<1000000x32xf32, #tpu.memory_space<hbm>>
        tpu.enqueue_indirect_dma source(%dma_start3A_873 : memref<1000000x32xf32, #tpu.memory_space<hbm>>) target(%dma_start3A_867 : memref<104x32xf32, #tpu.memory_space<vmem>>) offsets(%dma_start3A_870 : memref<104xi32, #tpu.memory_space<vmem>>) semaphore(%arg10 : memref<!tpu.dma_semaphore, #tpu.memory_space<semaphore_mem>>)
        %dma_start3A_874 = arith.constant 1 : i32
        %dma_start3A_875 = arith.constant 2 : i32
        %dma_start3A_876 = arith.constant 504 : i32
        %dma_start3A_877 = arith.constant 0 : i32
        %dma_start3A_878 = tpu.memref_slice %arg7[%dma_start3A_876, %dma_start3A_877] : memref<1600x32xf32, #tpu.memory_space<vmem>> -> memref<96x32xf32, #tpu.memory_space<vmem>>
        %dma_start3A_879 = arith.constant 104 : i32
        %dma_start3A_880 = tpu.memref_slice %arg5[%dma_start3A_874, %dma_start3A_875, %dma_start3A_879] : memref<2x8x200xi32, #tpu.memory_space<vmem>> -> memref<1x1x96xi32, #tpu.memory_space<vmem>>
        %dma_start3A_881 = tpu.memref_squeeze %dma_start3A_880 : memref<1x1x96xi32, #tpu.memory_space<vmem>> -> memref<96xi32, #tpu.memory_space<vmem>>
        %dma_start3A_882 = arith.constant 0 : i32
        %dma_start3A_883 = arith.constant 0 : i32
        %dma_start3A_884 = tpu.memref_slice %arg3[%dma_start3A_882, %dma_start3A_883] : memref<1000000x32xf32, #tpu.memory_space<hbm>> -> memref<1000000x32xf32, #tpu.memory_space<hbm>>
        tpu.enqueue_indirect_dma source(%dma_start3A_884 : memref<1000000x32xf32, #tpu.memory_space<hbm>>) target(%dma_start3A_878 : memref<96x32xf32, #tpu.memory_space<vmem>>) offsets(%dma_start3A_881 : memref<96xi32, #tpu.memory_space<vmem>>) semaphore(%arg10 : memref<!tpu.dma_semaphore, #tpu.memory_space<semaphore_mem>>)
        %dma_start3A_885 = arith.constant 1 : i32
        %dma_start3A_886 = arith.constant 3 : i32
        %dma_start3A_887 = arith.constant 600 : i32
        %dma_start3A_888 = arith.constant 0 : i32
        %dma_start3A_889 = tpu.memref_slice %arg7[%dma_start3A_887, %dma_start3A_888] : memref<1600x32xf32, #tpu.memory_space<vmem>> -> memref<104x32xf32, #tpu.memory_space<vmem>>
        %dma_start3A_890 = arith.constant 0 : i32
        %dma_start3A_891 = tpu.memref_slice %arg5[%dma_start3A_885, %dma_start3A_886, %dma_start3A_890] : memref<2x8x200xi32, #tpu.memory_space<vmem>> -> memref<1x1x104xi32, #tpu.memory_space<vmem>>
        %dma_start3A_892 = tpu.memref_squeeze %dma_start3A_891 : memref<1x1x104xi32, #tpu.memory_space<vmem>> -> memref<104xi32, #tpu.memory_space<vmem>>
        %dma_start3A_893 = arith.constant 0 : i32
        %dma_start3A_894 = arith.constant 0 : i32
        %dma_start3A_895 = tpu.memref_slice %arg3[%dma_start3A_893, %dma_start3A_894] : memref<1000000x32xf32, #tpu.memory_space<hbm>> -> memref<1000000x32xf32, #tpu.memory_space<hbm>>
        tpu.enqueue_indirect_dma source(%dma_start3A_895 : memref<1000000x32xf32, #tpu.memory_space<hbm>>) target(%dma_start3A_889 : memref<104x32xf32, #tpu.memory_space<vmem>>) offsets(%dma_start3A_892 : memref<104xi32, #tpu.memory_space<vmem>>) semaphore(%arg10 : memref<!tpu.dma_semaphore, #tpu.memory_space<semaphore_mem>>)
        %dma_start3A_896 = arith.constant 1 : i32
        %dma_start3A_897 = arith.constant 3 : i32
        %dma_start3A_898 = arith.constant 704 : i32
        %dma_start3A_899 = arith.constant 0 : i32
        %dma_start3A_900 = tpu.memref_slice %arg7[%dma_start3A_898, %dma_start3A_899] : memref<1600x32xf32, #tpu.memory_space<vmem>> -> memref<96x32xf32, #tpu.memory_space<vmem>>
        %dma_start3A_901 = arith.constant 104 : i32
        %dma_start3A_902 = tpu.memref_slice %arg5[%dma_start3A_896, %dma_start3A_897, %dma_start3A_901] : memref<2x8x200xi32, #tpu.memory_space<vmem>> -> memref<1x1x96xi32, #tpu.memory_space<vmem>>
        %dma_start3A_903 = tpu.memref_squeeze %dma_start3A_902 : memref<1x1x96xi32, #tpu.memory_space<vmem>> -> memref<96xi32, #tpu.memory_space<vmem>>
        %dma_start3A_904 = arith.constant 0 : i32
        %dma_start3A_905 = arith.constant 0 : i32
        %dma_start3A_906 = tpu.memref_slice %arg3[%dma_start3A_904, %dma_start3A_905] : memref<1000000x32xf32, #tpu.memory_space<hbm>> -> memref<1000000x32xf32, #tpu.memory_space<hbm>>
        tpu.enqueue_indirect_dma source(%dma_start3A_906 : memref<1000000x32xf32, #tpu.memory_space<hbm>>) target(%dma_start3A_900 : memref<96x32xf32, #tpu.memory_space<vmem>>) offsets(%dma_start3A_903 : memref<96xi32, #tpu.memory_space<vmem>>) semaphore(%arg10 : memref<!tpu.dma_semaphore, #tpu.memory_space<semaphore_mem>>)
        %dma_start3A_907 = arith.constant 1 : i32
        %dma_start3A_908 = arith.constant 4 : i32
        %dma_start3A_909 = arith.constant 800 : i32
        %dma_start3A_910 = arith.constant 0 : i32
        %dma_start3A_911 = tpu.memref_slice %arg7[%dma_start3A_909, %dma_start3A_910] : memref<1600x32xf32, #tpu.memory_space<vmem>> -> memref<104x32xf32, #tpu.memory_space<vmem>>
        %dma_start3A_912 = arith.constant 0 : i32
        %dma_start3A_913 = tpu.memref_slice %arg5[%dma_start3A_907, %dma_start3A_908, %dma_start3A_912] : memref<2x8x200xi32, #tpu.memory_space<vmem>> -> memref<1x1x104xi32, #tpu.memory_space<vmem>>
        %dma_start3A_914 = tpu.memref_squeeze %dma_start3A_913 : memref<1x1x104xi32, #tpu.memory_space<vmem>> -> memref<104xi32, #tpu.memory_space<vmem>>
        %dma_start3A_915 = arith.constant 0 : i32
        %dma_start3A_916 = arith.constant 0 : i32
        %dma_start3A_917 = tpu.memref_slice %arg3[%dma_start3A_915, %dma_start3A_916] : memref<1000000x32xf32, #tpu.memory_space<hbm>> -> memref<1000000x32xf32, #tpu.memory_space<hbm>>
        tpu.enqueue_indirect_dma source(%dma_start3A_917 : memref<1000000x32xf32, #tpu.memory_space<hbm>>) target(%dma_start3A_911 : memref<104x32xf32, #tpu.memory_space<vmem>>) offsets(%dma_start3A_914 : memref<104xi32, #tpu.memory_space<vmem>>) semaphore(%arg10 : memref<!tpu.dma_semaphore, #tpu.memory_space<semaphore_mem>>)
        %dma_start3A_918 = arith.constant 1 : i32
        %dma_start3A_919 = arith.constant 4 : i32
        %dma_start3A_920 = arith.constant 904 : i32
        %dma_start3A_921 = arith.constant 0 : i32
        %dma_start3A_922 = tpu.memref_slice %arg7[%dma_start3A_920, %dma_start3A_921] : memref<1600x32xf32, #tpu.memory_space<vmem>> -> memref<96x32xf32, #tpu.memory_space<vmem>>
        %dma_start3A_923 = arith.constant 104 : i32
        %dma_start3A_924 = tpu.memref_slice %arg5[%dma_start3A_918, %dma_start3A_919, %dma_start3A_923] : memref<2x8x200xi32, #tpu.memory_space<vmem>> -> memref<1x1x96xi32, #tpu.memory_space<vmem>>
        %dma_start3A_925 = tpu.memref_squeeze %dma_start3A_924 : memref<1x1x96xi32, #tpu.memory_space<vmem>> -> memref<96xi32, #tpu.memory_space<vmem>>
        %dma_start3A_926 = arith.constant 0 : i32
        %dma_start3A_927 = arith.constant 0 : i32
        %dma_start3A_928 = tpu.memref_slice %arg3[%dma_start3A_926, %dma_start3A_927] : memref<1000000x32xf32, #tpu.memory_space<hbm>> -> memref<1000000x32xf32, #tpu.memory_space<hbm>>
        tpu.enqueue_indirect_dma source(%dma_start3A_928 : memref<1000000x32xf32, #tpu.memory_space<hbm>>) target(%dma_start3A_922 : memref<96x32xf32, #tpu.memory_space<vmem>>) offsets(%dma_start3A_925 : memref<96xi32, #tpu.memory_space<vmem>>) semaphore(%arg10 : memref<!tpu.dma_semaphore, #tpu.memory_space<semaphore_mem>>)
        %dma_start3A_929 = arith.constant 1 : i32
        %dma_start3A_930 = arith.constant 5 : i32
        %dma_start3A_931 = arith.constant 1000 : i32
        %dma_start3A_932 = arith.constant 0 : i32
        %dma_start3A_933 = tpu.memref_slice %arg7[%dma_start3A_931, %dma_start3A_932] : memref<1600x32xf32, #tpu.memory_space<vmem>> -> memref<104x32xf32, #tpu.memory_space<vmem>>
        %dma_start3A_934 = arith.constant 0 : i32
        %dma_start3A_935 = tpu.memref_slice %arg5[%dma_start3A_929, %dma_start3A_930, %dma_start3A_934] : memref<2x8x200xi32, #tpu.memory_space<vmem>> -> memref<1x1x104xi32, #tpu.memory_space<vmem>>
        %dma_start3A_936 = tpu.memref_squeeze %dma_start3A_935 : memref<1x1x104xi32, #tpu.memory_space<vmem>> -> memref<104xi32, #tpu.memory_space<vmem>>
        %dma_start3A_937 = arith.constant 0 : i32
        %dma_start3A_938 = arith.constant 0 : i32
        %dma_start3A_939 = tpu.memref_slice %arg3[%dma_start3A_937, %dma_start3A_938] : memref<1000000x32xf32, #tpu.memory_space<hbm>> -> memref<1000000x32xf32, #tpu.memory_space<hbm>>
        tpu.enqueue_indirect_dma source(%dma_start3A_939 : memref<1000000x32xf32, #tpu.memory_space<hbm>>) target(%dma_start3A_933 : memref<104x32xf32, #tpu.memory_space<vmem>>) offsets(%dma_start3A_936 : memref<104xi32, #tpu.memory_space<vmem>>) semaphore(%arg10 : memref<!tpu.dma_semaphore, #tpu.memory_space<semaphore_mem>>)
        %dma_start3A_940 = arith.constant 1 : i32
        %dma_start3A_941 = arith.constant 5 : i32
        %dma_start3A_942 = arith.constant 1104 : i32
        %dma_start3A_943 = arith.constant 0 : i32
        %dma_start3A_944 = tpu.memref_slice %arg7[%dma_start3A_942, %dma_start3A_943] : memref<1600x32xf32, #tpu.memory_space<vmem>> -> memref<96x32xf32, #tpu.memory_space<vmem>>
        %dma_start3A_945 = arith.constant 104 : i32
        %dma_start3A_946 = tpu.memref_slice %arg5[%dma_start3A_940, %dma_start3A_941, %dma_start3A_945] : memref<2x8x200xi32, #tpu.memory_space<vmem>> -> memref<1x1x96xi32, #tpu.memory_space<vmem>>
        %dma_start3A_947 = tpu.memref_squeeze %dma_start3A_946 : memref<1x1x96xi32, #tpu.memory_space<vmem>> -> memref<96xi32, #tpu.memory_space<vmem>>
        %dma_start3A_948 = arith.constant 0 : i32
        %dma_start3A_949 = arith.constant 0 : i32
        %dma_start3A_950 = tpu.memref_slice %arg3[%dma_start3A_948, %dma_start3A_949] : memref<1000000x32xf32, #tpu.memory_space<hbm>> -> memref<1000000x32xf32, #tpu.memory_space<hbm>>
        tpu.enqueue_indirect_dma source(%dma_start3A_950 : memref<1000000x32xf32, #tpu.memory_space<hbm>>) target(%dma_start3A_944 : memref<96x32xf32, #tpu.memory_space<vmem>>) offsets(%dma_start3A_947 : memref<96xi32, #tpu.memory_space<vmem>>) semaphore(%arg10 : memref<!tpu.dma_semaphore, #tpu.memory_space<semaphore_mem>>)
        %dma_start3A_951 = arith.constant 1 : i32
        %dma_start3A_952 = arith.constant 6 : i32
        %dma_start3A_953 = arith.constant 1200 : i32
        %dma_start3A_954 = arith.constant 0 : i32
        %dma_start3A_955 = tpu.memref_slice %arg7[%dma_start3A_953, %dma_start3A_954] : memref<1600x32xf32, #tpu.memory_space<vmem>> -> memref<104x32xf32, #tpu.memory_space<vmem>>
        %dma_start3A_956 = arith.constant 0 : i32
        %dma_start3A_957 = tpu.memref_slice %arg5[%dma_start3A_951, %dma_start3A_952, %dma_start3A_956] : memref<2x8x200xi32, #tpu.memory_space<vmem>> -> memref<1x1x104xi32, #tpu.memory_space<vmem>>
        %dma_start3A_958 = tpu.memref_squeeze %dma_start3A_957 : memref<1x1x104xi32, #tpu.memory_space<vmem>> -> memref<104xi32, #tpu.memory_space<vmem>>
        %dma_start3A_959 = arith.constant 0 : i32
        %dma_start3A_960 = arith.constant 0 : i32
        %dma_start3A_961 = tpu.memref_slice %arg3[%dma_start3A_959, %dma_start3A_960] : memref<1000000x32xf32, #tpu.memory_space<hbm>> -> memref<1000000x32xf32, #tpu.memory_space<hbm>>
        tpu.enqueue_indirect_dma source(%dma_start3A_961 : memref<1000000x32xf32, #tpu.memory_space<hbm>>) target(%dma_start3A_955 : memref<104x32xf32, #tpu.memory_space<vmem>>) offsets(%dma_start3A_958 : memref<104xi32, #tpu.memory_space<vmem>>) semaphore(%arg10 : memref<!tpu.dma_semaphore, #tpu.memory_space<semaphore_mem>>)
        %dma_start3A_962 = arith.constant 1 : i32
        %dma_start3A_963 = arith.constant 6 : i32
        %dma_start3A_964 = arith.constant 1304 : i32
        %dma_start3A_965 = arith.constant 0 : i32
        %dma_start3A_966 = tpu.memref_slice %arg7[%dma_start3A_964, %dma_start3A_965] : memref<1600x32xf32, #tpu.memory_space<vmem>> -> memref<96x32xf32, #tpu.memory_space<vmem>>
        %dma_start3A_967 = arith.constant 104 : i32
        %dma_start3A_968 = tpu.memref_slice %arg5[%dma_start3A_962, %dma_start3A_963, %dma_start3A_967] : memref<2x8x200xi32, #tpu.memory_space<vmem>> -> memref<1x1x96xi32, #tpu.memory_space<vmem>>
        %dma_start3A_969 = tpu.memref_squeeze %dma_start3A_968 : memref<1x1x96xi32, #tpu.memory_space<vmem>> -> memref<96xi32, #tpu.memory_space<vmem>>
        %dma_start3A_970 = arith.constant 0 : i32
        %dma_start3A_971 = arith.constant 0 : i32
        %dma_start3A_972 = tpu.memref_slice %arg3[%dma_start3A_970, %dma_start3A_971] : memref<1000000x32xf32, #tpu.memory_space<hbm>> -> memref<1000000x32xf32, #tpu.memory_space<hbm>>
        tpu.enqueue_indirect_dma source(%dma_start3A_972 : memref<1000000x32xf32, #tpu.memory_space<hbm>>) target(%dma_start3A_966 : memref<96x32xf32, #tpu.memory_space<vmem>>) offsets(%dma_start3A_969 : memref<96xi32, #tpu.memory_space<vmem>>) semaphore(%arg10 : memref<!tpu.dma_semaphore, #tpu.memory_space<semaphore_mem>>)
        %dma_start3A_973 = arith.constant 1 : i32
        %dma_start3A_974 = arith.constant 7 : i32
        %dma_start3A_975 = arith.constant 1400 : i32
        %dma_start3A_976 = arith.constant 0 : i32
        %dma_start3A_977 = tpu.memref_slice %arg7[%dma_start3A_975, %dma_start3A_976] : memref<1600x32xf32, #tpu.memory_space<vmem>> -> memref<104x32xf32, #tpu.memory_space<vmem>>
        %dma_start3A_978 = arith.constant 0 : i32
        %dma_start3A_979 = tpu.memref_slice %arg5[%dma_start3A_973, %dma_start3A_974, %dma_start3A_978] : memref<2x8x200xi32, #tpu.memory_space<vmem>> -> memref<1x1x104xi32, #tpu.memory_space<vmem>>
        %dma_start3A_980 = tpu.memref_squeeze %dma_start3A_979 : memref<1x1x104xi32, #tpu.memory_space<vmem>> -> memref<104xi32, #tpu.memory_space<vmem>>
        %dma_start3A_981 = arith.constant 0 : i32
        %dma_start3A_982 = arith.constant 0 : i32
        %dma_start3A_983 = tpu.memref_slice %arg3[%dma_start3A_981, %dma_start3A_982] : memref<1000000x32xf32, #tpu.memory_space<hbm>> -> memref<1000000x32xf32, #tpu.memory_space<hbm>>
        tpu.enqueue_indirect_dma source(%dma_start3A_983 : memref<1000000x32xf32, #tpu.memory_space<hbm>>) target(%dma_start3A_977 : memref<104x32xf32, #tpu.memory_space<vmem>>) offsets(%dma_start3A_980 : memref<104xi32, #tpu.memory_space<vmem>>) semaphore(%arg10 : memref<!tpu.dma_semaphore, #tpu.memory_space<semaphore_mem>>)
        %dma_start3A_984 = arith.constant 1 : i32
        %dma_start3A_985 = arith.constant 7 : i32
        %dma_start3A_986 = arith.constant 1504 : i32
        %dma_start3A_987 = arith.constant 0 : i32
        %dma_start3A_988 = tpu.memref_slice %arg7[%dma_start3A_986, %dma_start3A_987] : memref<1600x32xf32, #tpu.memory_space<vmem>> -> memref<96x32xf32, #tpu.memory_space<vmem>>
        %dma_start3A_989 = arith.constant 104 : i32
        %dma_start3A_990 = tpu.memref_slice %arg5[%dma_start3A_984, %dma_start3A_985, %dma_start3A_989] : memref<2x8x200xi32, #tpu.memory_space<vmem>> -> memref<1x1x96xi32, #tpu.memory_space<vmem>>
        %dma_start3A_991 = tpu.memref_squeeze %dma_start3A_990 : memref<1x1x96xi32, #tpu.memory_space<vmem>> -> memref<96xi32, #tpu.memory_space<vmem>>
        %dma_start3A_992 = arith.constant 0 : i32
        %dma_start3A_993 = arith.constant 0 : i32
        %dma_start3A_994 = tpu.memref_slice %arg3[%dma_start3A_992, %dma_start3A_993] : memref<1000000x32xf32, #tpu.memory_space<hbm>> -> memref<1000000x32xf32, #tpu.memory_space<hbm>>
        tpu.enqueue_indirect_dma source(%dma_start3A_994 : memref<1000000x32xf32, #tpu.memory_space<hbm>>) target(%dma_start3A_988 : memref<96x32xf32, #tpu.memory_space<vmem>>) offsets(%dma_start3A_991 : memref<96xi32, #tpu.memory_space<vmem>>) semaphore(%arg10 : memref<!tpu.dma_semaphore, #tpu.memory_space<semaphore_mem>>)
      } else {
      }
      %dma_wait3A = arith.constant 0 : i32
      %dma_wait3A_207 = arith.constant 0 : i32
      %dma_wait3A_208 = tpu.memref_slice %arg6[%dma_wait3A, %dma_wait3A_207] : memref<1600x32xf32, #tpu.memory_space<vmem>> -> memref<400x32xf32, #tpu.memory_space<vmem>>
      %dma_wait3A_209 = arith.constant 0 : i32
      %dma_wait3A_210 = arith.constant 0 : i32
      %dma_wait3A_211 = tpu.memref_slice %arg3[%dma_wait3A_209, %dma_wait3A_210] : memref<1000000x32xf32, #tpu.memory_space<hbm>> -> memref<400x32xf32, #tpu.memory_space<hbm>>
      %dma_wait3A_212 = arith.constant 0 : i32
      %dma_wait3A_213 = arith.constant 0 : i32
      %dma_wait3A_214 = tpu.memref_slice %arg6[%dma_wait3A_212, %dma_wait3A_213] : memref<1600x32xf32, #tpu.memory_space<vmem>> -> memref<400x32xf32, #tpu.memory_space<vmem>>
      %dma_wait3A_215 = arith.constant 0 : i32
      %dma_wait3A_216 = arith.constant 0 : i32
      %dma_wait3A_217 = tpu.memref_slice %arg3[%dma_wait3A_215, %dma_wait3A_216] : memref<1000000x32xf32, #tpu.memory_space<hbm>> -> memref<400x32xf32, #tpu.memory_space<hbm>>
      tpu.wait_dma2 semaphore(%arg9 : memref<!tpu.dma_semaphore, #tpu.memory_space<semaphore_mem>>) src(%dma_wait3A_217 : memref<400x32xf32, #tpu.memory_space<hbm>>) dst(%dma_wait3A_214 : memref<400x32xf32, #tpu.memory_space<vmem>>)
      %add3A_218 = arith.constant 2 : i32
      %add3A_219 = arith.addi %mul3A_202, %add3A_218 : i32
      %lt3A_220 = arith.constant 64 : i32
      %lt3A_221 = arith.cmpi slt, %add3A_219, %lt3A_220 : i32
      %convert_element_type3A_222 = arith.extui %lt3A_221 : i1 to i32
      %cond3A_223 = arith.constant 0 : i32
      %cond3A_224 = arith.cmpi ne, %convert_element_type3A_222, %cond3A_223 : i32
      scf.if %cond3A_224 {
        %add3A_801 = arith.constant 2 : i32
        %add3A_802 = arith.addi %mul3A_202, %add3A_801 : i32
        %mul3A_803 = arith.constant 8 : i32
        %mul3A_804 = arith.muli %add3A_802, %mul3A_803 : i32
        %add3A_805 = arith.addi %mul3A_2, %mul3A_804 : i32
        %dma_start3A_806 = arith.constant 0 : i32
        %dma_start3A_807 = arith.constant 0 : i32
        %dma_start3A_808 = arith.constant 0 : i32
        %dma_start3A_809 = tpu.memref_slice %arg5[%dma_start3A_806, %dma_start3A_807, %dma_start3A_808] : memref<2x8x200xi32, #tpu.memory_space<vmem>> -> memref<1x8x200xi32, #tpu.memory_space<vmem>>
        %dma_start3A_810 = tpu.memref_squeeze %dma_start3A_809 : memref<1x8x200xi32, #tpu.memory_space<vmem>> -> memref<8x200xi32, #tpu.memory_space<vmem>>
        %dma_start3A_811 = arith.constant 0 : i32
        %dma_start3A_812 = tpu.memref_slice %arg2[%add3A_805, %dma_start3A_811] : memref<16384x200xi32, #tpu.memory_space<hbm>> -> memref<8x200xi32, #tpu.memory_space<hbm>>
        %dma_start3A_813 = arith.constant 0 : i32
        %dma_start3A_814 = arith.constant 0 : i32
        %dma_start3A_815 = tpu.memref_slice %arg5[%dma_start3A_806, %dma_start3A_813, %dma_start3A_814] : memref<2x8x200xi32, #tpu.memory_space<vmem>> -> memref<1x8x200xi32, #tpu.memory_space<vmem>>
        %dma_start3A_816 = tpu.memref_squeeze %dma_start3A_815 : memref<1x8x200xi32, #tpu.memory_space<vmem>> -> memref<8x200xi32, #tpu.memory_space<vmem>>
        %dma_start3A_817 = arith.constant 0 : i32
        %dma_start3A_818 = tpu.memref_slice %arg2[%add3A_805, %dma_start3A_817] : memref<16384x200xi32, #tpu.memory_space<hbm>> -> memref<8x200xi32, #tpu.memory_space<hbm>>
        tpu.enqueue_dma source(%dma_start3A_818 : memref<8x200xi32, #tpu.memory_space<hbm>>) target(%dma_start3A_816 : memref<8x200xi32, #tpu.memory_space<vmem>>) target_semaphore(%arg11 : memref<!tpu.dma_semaphore, #tpu.memory_space<semaphore_mem>>)
      } else {
      }
      %mul3A_225 = arith.constant 8 : i32
      %mul3A_226 = arith.muli %mul3A_202, %mul3A_225 : i32
      %broadcast_in_dim3A = arith.constant 0.000000e+00 : f32
      %broadcast_in_dim3A_227 = vector.broadcast %broadcast_in_dim3A : f32 to vector<16xf32>
      %scan3A_228 = arith.constant 0 : i32
      %scan3A_229 = arith.constant 25 : i32
      %scan3A_230 = arith.addi %scan3A_228, %scan3A_229 : i32
      %scan3A_231 = arith.constant 1 : i32
      %scan3A_232:8 = scf.for %scan3A_801 = %scan3A_228 to %scan3A_230 step %scan3A_231 iter_args(%scan3A_802 = %broadcast_in_dim3A_227, %scan3A_803 = %broadcast_in_dim3A_227, %scan3A_804 = %broadcast_in_dim3A_227, %scan3A_805 = %broadcast_in_dim3A_227, %scan3A_806 = %broadcast_in_dim3A_227, %scan3A_807 = %broadcast_in_dim3A_227, %scan3A_808 = %broadcast_in_dim3A_227, %scan3A_809 = %broadcast_in_dim3A_227) -> (vector<16xf32>, vector<16xf32>, vector<16xf32>, vector<16xf32>, vector<16xf32>, vector<16xf32>, vector<16xf32>, vector<16xf32>)  : i32 {
        %mul3A_810 = arith.constant 8 : i32
        %mul3A_811 = arith.muli %scan3A_801, %mul3A_810 : i32
        %add3A_812 = arith.constant 0 : i32
        %add3A_813 = arith.addi %add3A_812, %mul3A_811 : i32
        %add3A_814 = arith.constant 0 : i32
        %add3A_815 = arith.addi %add3A_813, %add3A_814 : i32
        %get3A = arith.index_cast %add3A_815 : i32 to index
        %get3A_816 = arith.constant 0 : index
        %get3A_817 = tpu.vector_load %arg6[%get3A, %get3A_816] {strides = array<i32>} : memref<1600x32xf32, #tpu.memory_space<vmem>>, vector<1x16xf32>,
        %get3A_818 = vector.shape_cast %get3A_817 : vector<1x16xf32> to vector<16xf32>
        %add3A_819 = arith.addf %scan3A_802, %get3A_818 : vector<16xf32>
        %add3A_820 = arith.constant 0 : i32
        %add3A_821 = arith.addi %add3A_813, %add3A_820 : i32
        %get3A_822 = arith.index_cast %add3A_821 : i32 to index
        %get3A_823 = arith.constant 16 : index
        %get3A_824 = tpu.vector_load %arg6[%get3A_822, %get3A_823] {strides = array<i32>} : memref<1600x32xf32, #tpu.memory_space<vmem>>, vector<1x16xf32>,
        %get3A_825 = vector.shape_cast %get3A_824 : vector<1x16xf32> to vector<16xf32>
        %add3A_826 = arith.addf %scan3A_803, %get3A_825 : vector<16xf32>
        %add3A_827 = arith.constant 1 : i32
        %add3A_828 = arith.addi %add3A_813, %add3A_827 : i32
        %get3A_829 = arith.index_cast %add3A_828 : i32 to index
        %get3A_830 = arith.constant 0 : index
        %get3A_831 = tpu.vector_load %arg6[%get3A_829, %get3A_830] {strides = array<i32>} : memref<1600x32xf32, #tpu.memory_space<vmem>>, vector<1x16xf32>,
        %get3A_832 = vector.shape_cast %get3A_831 : vector<1x16xf32> to vector<16xf32>
        %add3A_833 = arith.addf %scan3A_804, %get3A_832 : vector<16xf32>
        %add3A_834 = arith.constant 1 : i32
        %add3A_835 = arith.addi %add3A_813, %add3A_834 : i32
        %get3A_836 = arith.index_cast %add3A_835 : i32 to index
        %get3A_837 = arith.constant 16 : index
        %get3A_838 = tpu.vector_load %arg6[%get3A_836, %get3A_837] {strides = array<i32>} : memref<1600x32xf32, #tpu.memory_space<vmem>>, vector<1x16xf32>,
        %get3A_839 = vector.shape_cast %get3A_838 : vector<1x16xf32> to vector<16xf32>
        %add3A_840 = arith.addf %scan3A_805, %get3A_839 : vector<16xf32>
        %add3A_841 = arith.constant 2 : i32
        %add3A_842 = arith.addi %add3A_813, %add3A_841 : i32
        %get3A_843 = arith.index_cast %add3A_842 : i32 to index
        %get3A_844 = arith.constant 0 : index
        %get3A_845 = tpu.vector_load %arg6[%get3A_843, %get3A_844] {strides = array<i32>} : memref<1600x32xf32, #tpu.memory_space<vmem>>, vector<1x16xf32>,
        %get3A_846 = vector.shape_cast %get3A_845 : vector<1x16xf32> to vector<16xf32>
        %add3A_847 = arith.addf %scan3A_806, %get3A_846 : vector<16xf32>
        %add3A_848 = arith.constant 2 : i32
        %add3A_849 = arith.addi %add3A_813, %add3A_848 : i32
        %get3A_850 = arith.index_cast %add3A_849 : i32 to index
        %get3A_851 = arith.constant 16 : index
        %get3A_852 = tpu.vector_load %arg6[%get3A_850, %get3A_851] {strides = array<i32>} : memref<1600x32xf32, #tpu.memory_space<vmem>>, vector<1x16xf32>,
        %get3A_853 = vector.shape_cast %get3A_852 : vector<1x16xf32> to vector<16xf32>
        %add3A_854 = arith.addf %scan3A_807, %get3A_853 : vector<16xf32>
        %add3A_855 = arith.constant 3 : i32
        %add3A_856 = arith.addi %add3A_813, %add3A_855 : i32
        %get3A_857 = arith.index_cast %add3A_856 : i32 to index
        %get3A_858 = arith.constant 0 : index
        %get3A_859 = tpu.vector_load %arg6[%get3A_857, %get3A_858] {strides = array<i32>} : memref<1600x32xf32, #tpu.memory_space<vmem>>, vector<1x16xf32>,
        %get3A_860 = vector.shape_cast %get3A_859 : vector<1x16xf32> to vector<16xf32>
        %add3A_861 = arith.addf %scan3A_808, %get3A_860 : vector<16xf32>
        %add3A_862 = arith.constant 3 : i32
        %add3A_863 = arith.addi %add3A_813, %add3A_862 : i32
        %get3A_864 = arith.index_cast %add3A_863 : i32 to index
        %get3A_865 = arith.constant 16 : index
        %get3A_866 = tpu.vector_load %arg6[%get3A_864, %get3A_865] {strides = array<i32>} : memref<1600x32xf32, #tpu.memory_space<vmem>>, vector<1x16xf32>,
        %get3A_867 = vector.shape_cast %get3A_866 : vector<1x16xf32> to vector<16xf32>
        %add3A_868 = arith.addf %scan3A_809, %get3A_867 : vector<16xf32>
        %add3A_869 = arith.constant 4 : i32
        %add3A_870 = arith.addi %add3A_813, %add3A_869 : i32
        %get3A_871 = arith.index_cast %add3A_870 : i32 to index
        %get3A_872 = arith.constant 0 : index
        %get3A_873 = tpu.vector_load %arg6[%get3A_871, %get3A_872] {strides = array<i32>} : memref<1600x32xf32, #tpu.memory_space<vmem>>, vector<1x16xf32>,
        %get3A_874 = vector.shape_cast %get3A_873 : vector<1x16xf32> to vector<16xf32>
        %add3A_875 = arith.addf %add3A_819, %get3A_874 : vector<16xf32>
        %add3A_876 = arith.constant 4 : i32
        %add3A_877 = arith.addi %add3A_813, %add3A_876 : i32
        %get3A_878 = arith.index_cast %add3A_877 : i32 to index
        %get3A_879 = arith.constant 16 : index
        %get3A_880 = tpu.vector_load %arg6[%get3A_878, %get3A_879] {strides = array<i32>} : memref<1600x32xf32, #tpu.memory_space<vmem>>, vector<1x16xf32>,
        %get3A_881 = vector.shape_cast %get3A_880 : vector<1x16xf32> to vector<16xf32>
        %add3A_882 = arith.addf %add3A_826, %get3A_881 : vector<16xf32>
        %add3A_883 = arith.constant 5 : i32
        %add3A_884 = arith.addi %add3A_813, %add3A_883 : i32
        %get3A_885 = arith.index_cast %add3A_884 : i32 to index
        %get3A_886 = arith.constant 0 : index
        %get3A_887 = tpu.vector_load %arg6[%get3A_885, %get3A_886] {strides = array<i32>} : memref<1600x32xf32, #tpu.memory_space<vmem>>, vector<1x16xf32>,
        %get3A_888 = vector.shape_cast %get3A_887 : vector<1x16xf32> to vector<16xf32>
        %add3A_889 = arith.addf %add3A_833, %get3A_888 : vector<16xf32>
        %add3A_890 = arith.constant 5 : i32
        %add3A_891 = arith.addi %add3A_813, %add3A_890 : i32
        %get3A_892 = arith.index_cast %add3A_891 : i32 to index
        %get3A_893 = arith.constant 16 : index
        %get3A_894 = tpu.vector_load %arg6[%get3A_892, %get3A_893] {strides = array<i32>} : memref<1600x32xf32, #tpu.memory_space<vmem>>, vector<1x16xf32>,
        %get3A_895 = vector.shape_cast %get3A_894 : vector<1x16xf32> to vector<16xf32>
        %add3A_896 = arith.addf %add3A_840, %get3A_895 : vector<16xf32>
        %add3A_897 = arith.constant 6 : i32
        %add3A_898 = arith.addi %add3A_813, %add3A_897 : i32
        %get3A_899 = arith.index_cast %add3A_898 : i32 to index
        %get3A_900 = arith.constant 0 : index
        %get3A_901 = tpu.vector_load %arg6[%get3A_899, %get3A_900] {strides = array<i32>} : memref<1600x32xf32, #tpu.memory_space<vmem>>, vector<1x16xf32>,
        %get3A_902 = vector.shape_cast %get3A_901 : vector<1x16xf32> to vector<16xf32>
        %add3A_903 = arith.addf %add3A_847, %get3A_902 : vector<16xf32>
        %add3A_904 = arith.constant 6 : i32
        %add3A_905 = arith.addi %add3A_813, %add3A_904 : i32
        %get3A_906 = arith.index_cast %add3A_905 : i32 to index
        %get3A_907 = arith.constant 16 : index
        %get3A_908 = tpu.vector_load %arg6[%get3A_906, %get3A_907] {strides = array<i32>} : memref<1600x32xf32, #tpu.memory_space<vmem>>, vector<1x16xf32>,
        %get3A_909 = vector.shape_cast %get3A_908 : vector<1x16xf32> to vector<16xf32>
        %add3A_910 = arith.addf %add3A_854, %get3A_909 : vector<16xf32>
        %add3A_911 = arith.constant 7 : i32
        %add3A_912 = arith.addi %add3A_813, %add3A_911 : i32
        %get3A_913 = arith.index_cast %add3A_912 : i32 to index
        %get3A_914 = arith.constant 0 : index
        %get3A_915 = tpu.vector_load %arg6[%get3A_913, %get3A_914] {strides = array<i32>} : memref<1600x32xf32, #tpu.memory_space<vmem>>, vector<1x16xf32>,
        %get3A_916 = vector.shape_cast %get3A_915 : vector<1x16xf32> to vector<16xf32>
        %add3A_917 = arith.addf %add3A_861, %get3A_916 : vector<16xf32>
        %add3A_918 = arith.constant 7 : i32
        %add3A_919 = arith.addi %add3A_813, %add3A_918 : i32
        %get3A_920 = arith.index_cast %add3A_919 : i32 to index
        %get3A_921 = arith.constant 16 : index
        %get3A_922 = tpu.vector_load %arg6[%get3A_920, %get3A_921] {strides = array<i32>} : memref<1600x32xf32, #tpu.memory_space<vmem>>, vector<1x16xf32>,
        %get3A_923 = vector.shape_cast %get3A_922 : vector<1x16xf32> to vector<16xf32>
        %add3A_924 = arith.addf %add3A_868, %get3A_923 : vector<16xf32>
        scf.yield %add3A_875, %add3A_882, %add3A_889, %add3A_896, %add3A_903, %add3A_910, %add3A_917, %add3A_924 : vector<16xf32>, vector<16xf32>, vector<16xf32>, vector<16xf32>, vector<16xf32>, vector<16xf32>, vector<16xf32>, vector<16xf32>
      }
      %scan3A_233 = arith.constant 25 : i32
      %add3A_234 = arith.addf %scan3A_232#0, %scan3A_232#2 : vector<16xf32>
      %add3A_235 = arith.addf %scan3A_232#4, %scan3A_232#6 : vector<16xf32>
      %add3A_236 = arith.addf %add3A_234, %add3A_235 : vector<16xf32>
      %add3A_237 = arith.constant 0 : i32
      %add3A_238 = arith.addi %mul3A_226, %add3A_237 : i32
      %swap3A = arith.index_cast %add3A_238 : i32 to index
      %swap3A_239 = arith.constant 0 : index
      %swap3A_240 = tpu.vector_load %arg8[%swap3A, %swap3A_239] {strides = array<i32>} : memref<512x32xf32, #tpu.memory_space<vmem>>, vector<1x16xf32>,
      %swap3A_241 = vector.shape_cast %swap3A_240 : vector<1x16xf32> to vector<16xf32>
      %swap3A_242 = vector.shape_cast %add3A_236 : vector<16xf32> to vector<1x16xf32>
      tpu.vector_store %arg8[%swap3A, %swap3A_239], %swap3A_242 {strides = array<i32>} : memref<512x32xf32, #tpu.memory_space<vmem>>, vector<1x16xf32>,
      %add3A_243 = arith.addf %scan3A_232#1, %scan3A_232#3 : vector<16xf32>
      %add3A_244 = arith.addf %scan3A_232#5, %scan3A_232#7 : vector<16xf32>
      %add3A_245 = arith.addf %add3A_243, %add3A_244 : vector<16xf32>
      %add3A_246 = arith.constant 0 : i32
      %add3A_247 = arith.addi %mul3A_226, %add3A_246 : i32
      %swap3A_248 = arith.index_cast %add3A_247 : i32 to index
      %swap3A_249 = arith.constant 16 : index
      %swap3A_250 = tpu.vector_load %arg8[%swap3A_248, %swap3A_249] {strides = array<i32>} : memref<512x32xf32, #tpu.memory_space<vmem>>, vector<1x16xf32>,
      %swap3A_251 = vector.shape_cast %swap3A_250 : vector<1x16xf32> to vector<16xf32>
      %swap3A_252 = vector.shape_cast %add3A_245 : vector<16xf32> to vector<1x16xf32>
      tpu.vector_store %arg8[%swap3A_248, %swap3A_249], %swap3A_252 {strides = array<i32>} : memref<512x32xf32, #tpu.memory_space<vmem>>, vector<1x16xf32>,
      %broadcast_in_dim3A_253 = arith.constant 0.000000e+00 : f32
      %broadcast_in_dim3A_254 = vector.broadcast %broadcast_in_dim3A_253 : f32 to vector<16xf32>
      %scan3A_255 = arith.constant 0 : i32
      %scan3A_256 = arith.constant 25 : i32
      %scan3A_257 = arith.addi %scan3A_255, %scan3A_256 : i32
      %scan3A_258 = arith.constant 1 : i32
      %scan3A_259:8 = scf.for %scan3A_801 = %scan3A_255 to %scan3A_257 step %scan3A_258 iter_args(%scan3A_802 = %broadcast_in_dim3A_254, %scan3A_803 = %broadcast_in_dim3A_254, %scan3A_804 = %broadcast_in_dim3A_254, %scan3A_805 = %broadcast_in_dim3A_254, %scan3A_806 = %broadcast_in_dim3A_254, %scan3A_807 = %broadcast_in_dim3A_254, %scan3A_808 = %broadcast_in_dim3A_254, %scan3A_809 = %broadcast_in_dim3A_254) -> (vector<16xf32>, vector<16xf32>, vector<16xf32>, vector<16xf32>, vector<16xf32>, vector<16xf32>, vector<16xf32>, vector<16xf32>)  : i32 {
        %mul3A_810 = arith.constant 8 : i32
        %mul3A_811 = arith.muli %scan3A_801, %mul3A_810 : i32
        %add3A_812 = arith.constant 200 : i32
        %add3A_813 = arith.addi %add3A_812, %mul3A_811 : i32
        %add3A_814 = arith.constant 0 : i32
        %add3A_815 = arith.addi %add3A_813, %add3A_814 : i32
        %get3A = arith.index_cast %add3A_815 : i32 to index
        %get3A_816 = arith.constant 0 : index
        %get3A_817 = tpu.vector_load %arg6[%get3A, %get3A_816] {strides = array<i32>} : memref<1600x32xf32, #tpu.memory_space<vmem>>, vector<1x16xf32>,
        %get3A_818 = vector.shape_cast %get3A_817 : vector<1x16xf32> to vector<16xf32>
        %add3A_819 = arith.addf %scan3A_802, %get3A_818 : vector<16xf32>
        %add3A_820 = arith.constant 0 : i32
        %add3A_821 = arith.addi %add3A_813, %add3A_820 : i32
        %get3A_822 = arith.index_cast %add3A_821 : i32 to index
        %get3A_823 = arith.constant 16 : index
        %get3A_824 = tpu.vector_load %arg6[%get3A_822, %get3A_823] {strides = array<i32>} : memref<1600x32xf32, #tpu.memory_space<vmem>>, vector<1x16xf32>,
        %get3A_825 = vector.shape_cast %get3A_824 : vector<1x16xf32> to vector<16xf32>
        %add3A_826 = arith.addf %scan3A_803, %get3A_825 : vector<16xf32>
        %add3A_827 = arith.constant 1 : i32
        %add3A_828 = arith.addi %add3A_813, %add3A_827 : i32
        %get3A_829 = arith.index_cast %add3A_828 : i32 to index
        %get3A_830 = arith.constant 0 : index
        %get3A_831 = tpu.vector_load %arg6[%get3A_829, %get3A_830] {strides = array<i32>} : memref<1600x32xf32, #tpu.memory_space<vmem>>, vector<1x16xf32>,
        %get3A_832 = vector.shape_cast %get3A_831 : vector<1x16xf32> to vector<16xf32>
        %add3A_833 = arith.addf %scan3A_804, %get3A_832 : vector<16xf32>
        %add3A_834 = arith.constant 1 : i32
        %add3A_835 = arith.addi %add3A_813, %add3A_834 : i32
        %get3A_836 = arith.index_cast %add3A_835 : i32 to index
        %get3A_837 = arith.constant 16 : index
        %get3A_838 = tpu.vector_load %arg6[%get3A_836, %get3A_837] {strides = array<i32>} : memref<1600x32xf32, #tpu.memory_space<vmem>>, vector<1x16xf32>,
        %get3A_839 = vector.shape_cast %get3A_838 : vector<1x16xf32> to vector<16xf32>
        %add3A_840 = arith.addf %scan3A_805, %get3A_839 : vector<16xf32>
        %add3A_841 = arith.constant 2 : i32
        %add3A_842 = arith.addi %add3A_813, %add3A_841 : i32
        %get3A_843 = arith.index_cast %add3A_842 : i32 to index
        %get3A_844 = arith.constant 0 : index
        %get3A_845 = tpu.vector_load %arg6[%get3A_843, %get3A_844] {strides = array<i32>} : memref<1600x32xf32, #tpu.memory_space<vmem>>, vector<1x16xf32>,
        %get3A_846 = vector.shape_cast %get3A_845 : vector<1x16xf32> to vector<16xf32>
        %add3A_847 = arith.addf %scan3A_806, %get3A_846 : vector<16xf32>
        %add3A_848 = arith.constant 2 : i32
        %add3A_849 = arith.addi %add3A_813, %add3A_848 : i32
        %get3A_850 = arith.index_cast %add3A_849 : i32 to index
        %get3A_851 = arith.constant 16 : index
        %get3A_852 = tpu.vector_load %arg6[%get3A_850, %get3A_851] {strides = array<i32>} : memref<1600x32xf32, #tpu.memory_space<vmem>>, vector<1x16xf32>,
        %get3A_853 = vector.shape_cast %get3A_852 : vector<1x16xf32> to vector<16xf32>
        %add3A_854 = arith.addf %scan3A_807, %get3A_853 : vector<16xf32>
        %add3A_855 = arith.constant 3 : i32
        %add3A_856 = arith.addi %add3A_813, %add3A_855 : i32
        %get3A_857 = arith.index_cast %add3A_856 : i32 to index
        %get3A_858 = arith.constant 0 : index
        %get3A_859 = tpu.vector_load %arg6[%get3A_857, %get3A_858] {strides = array<i32>} : memref<1600x32xf32, #tpu.memory_space<vmem>>, vector<1x16xf32>,
        %get3A_860 = vector.shape_cast %get3A_859 : vector<1x16xf32> to vector<16xf32>
        %add3A_861 = arith.addf %scan3A_808, %get3A_860 : vector<16xf32>
        %add3A_862 = arith.constant 3 : i32
        %add3A_863 = arith.addi %add3A_813, %add3A_862 : i32
        %get3A_864 = arith.index_cast %add3A_863 : i32 to index
        %get3A_865 = arith.constant 16 : index
        %get3A_866 = tpu.vector_load %arg6[%get3A_864, %get3A_865] {strides = array<i32>} : memref<1600x32xf32, #tpu.memory_space<vmem>>, vector<1x16xf32>,
        %get3A_867 = vector.shape_cast %get3A_866 : vector<1x16xf32> to vector<16xf32>
        %add3A_868 = arith.addf %scan3A_809, %get3A_867 : vector<16xf32>
        %add3A_869 = arith.constant 4 : i32
        %add3A_870 = arith.addi %add3A_813, %add3A_869 : i32
        %get3A_871 = arith.index_cast %add3A_870 : i32 to index
        %get3A_872 = arith.constant 0 : index
        %get3A_873 = tpu.vector_load %arg6[%get3A_871, %get3A_872] {strides = array<i32>} : memref<1600x32xf32, #tpu.memory_space<vmem>>, vector<1x16xf32>,
        %get3A_874 = vector.shape_cast %get3A_873 : vector<1x16xf32> to vector<16xf32>
        %add3A_875 = arith.addf %add3A_819, %get3A_874 : vector<16xf32>
        %add3A_876 = arith.constant 4 : i32
        %add3A_877 = arith.addi %add3A_813, %add3A_876 : i32
        %get3A_878 = arith.index_cast %add3A_877 : i32 to index
        %get3A_879 = arith.constant 16 : index
        %get3A_880 = tpu.vector_load %arg6[%get3A_878, %get3A_879] {strides = array<i32>} : memref<1600x32xf32, #tpu.memory_space<vmem>>, vector<1x16xf32>,
        %get3A_881 = vector.shape_cast %get3A_880 : vector<1x16xf32> to vector<16xf32>
        %add3A_882 = arith.addf %add3A_826, %get3A_881 : vector<16xf32>
        %add3A_883 = arith.constant 5 : i32
        %add3A_884 = arith.addi %add3A_813, %add3A_883 : i32
        %get3A_885 = arith.index_cast %add3A_884 : i32 to index
        %get3A_886 = arith.constant 0 : index
        %get3A_887 = tpu.vector_load %arg6[%get3A_885, %get3A_886] {strides = array<i32>} : memref<1600x32xf32, #tpu.memory_space<vmem>>, vector<1x16xf32>,
        %get3A_888 = vector.shape_cast %get3A_887 : vector<1x16xf32> to vector<16xf32>
        %add3A_889 = arith.addf %add3A_833, %get3A_888 : vector<16xf32>
        %add3A_890 = arith.constant 5 : i32
        %add3A_891 = arith.addi %add3A_813, %add3A_890 : i32
        %get3A_892 = arith.index_cast %add3A_891 : i32 to index
        %get3A_893 = arith.constant 16 : index
        %get3A_894 = tpu.vector_load %arg6[%get3A_892, %get3A_893] {strides = array<i32>} : memref<1600x32xf32, #tpu.memory_space<vmem>>, vector<1x16xf32>,
        %get3A_895 = vector.shape_cast %get3A_894 : vector<1x16xf32> to vector<16xf32>
        %add3A_896 = arith.addf %add3A_840, %get3A_895 : vector<16xf32>
        %add3A_897 = arith.constant 6 : i32
        %add3A_898 = arith.addi %add3A_813, %add3A_897 : i32
        %get3A_899 = arith.index_cast %add3A_898 : i32 to index
        %get3A_900 = arith.constant 0 : index
        %get3A_901 = tpu.vector_load %arg6[%get3A_899, %get3A_900] {strides = array<i32>} : memref<1600x32xf32, #tpu.memory_space<vmem>>, vector<1x16xf32>,
        %get3A_902 = vector.shape_cast %get3A_901 : vector<1x16xf32> to vector<16xf32>
        %add3A_903 = arith.addf %add3A_847, %get3A_902 : vector<16xf32>
        %add3A_904 = arith.constant 6 : i32
        %add3A_905 = arith.addi %add3A_813, %add3A_904 : i32
        %get3A_906 = arith.index_cast %add3A_905 : i32 to index
        %get3A_907 = arith.constant 16 : index
        %get3A_908 = tpu.vector_load %arg6[%get3A_906, %get3A_907] {strides = array<i32>} : memref<1600x32xf32, #tpu.memory_space<vmem>>, vector<1x16xf32>,
        %get3A_909 = vector.shape_cast %get3A_908 : vector<1x16xf32> to vector<16xf32>
        %add3A_910 = arith.addf %add3A_854, %get3A_909 : vector<16xf32>
        %add3A_911 = arith.constant 7 : i32
        %add3A_912 = arith.addi %add3A_813, %add3A_911 : i32
        %get3A_913 = arith.index_cast %add3A_912 : i32 to index
        %get3A_914 = arith.constant 0 : index
        %get3A_915 = tpu.vector_load %arg6[%get3A_913, %get3A_914] {strides = array<i32>} : memref<1600x32xf32, #tpu.memory_space<vmem>>, vector<1x16xf32>,
        %get3A_916 = vector.shape_cast %get3A_915 : vector<1x16xf32> to vector<16xf32>
        %add3A_917 = arith.addf %add3A_861, %get3A_916 : vector<16xf32>
        %add3A_918 = arith.constant 7 : i32
        %add3A_919 = arith.addi %add3A_813, %add3A_918 : i32
        %get3A_920 = arith.index_cast %add3A_919 : i32 to index
        %get3A_921 = arith.constant 16 : index
        %get3A_922 = tpu.vector_load %arg6[%get3A_920, %get3A_921] {strides = array<i32>} : memref<1600x32xf32, #tpu.memory_space<vmem>>, vector<1x16xf32>,
        %get3A_923 = vector.shape_cast %get3A_922 : vector<1x16xf32> to vector<16xf32>
        %add3A_924 = arith.addf %add3A_868, %get3A_923 : vector<16xf32>
        scf.yield %add3A_875, %add3A_882, %add3A_889, %add3A_896, %add3A_903, %add3A_910, %add3A_917, %add3A_924 : vector<16xf32>, vector<16xf32>, vector<16xf32>, vector<16xf32>, vector<16xf32>, vector<16xf32>, vector<16xf32>, vector<16xf32>
      }
      %scan3A_260 = arith.constant 25 : i32
      %add3A_261 = arith.addf %scan3A_259#0, %scan3A_259#2 : vector<16xf32>
      %add3A_262 = arith.addf %scan3A_259#4, %scan3A_259#6 : vector<16xf32>
      %add3A_263 = arith.addf %add3A_261, %add3A_262 : vector<16xf32>
      %add3A_264 = arith.constant 1 : i32
      %add3A_265 = arith.addi %mul3A_226, %add3A_264 : i32
      %swap3A_266 = arith.index_cast %add3A_265 : i32 to index
      %swap3A_267 = arith.constant 0 : index
      %swap3A_268 = tpu.vector_load %arg8[%swap3A_266, %swap3A_267] {strides = array<i32>} : memref<512x32xf32, #tpu.memory_space<vmem>>, vector<1x16xf32>,
      %swap3A_269 = vector.shape_cast %swap3A_268 : vector<1x16xf32> to vector<16xf32>
      %swap3A_270 = vector.shape_cast %add3A_263 : vector<16xf32> to vector<1x16xf32>
      tpu.vector_store %arg8[%swap3A_266, %swap3A_267], %swap3A_270 {strides = array<i32>} : memref<512x32xf32, #tpu.memory_space<vmem>>, vector<1x16xf32>,
      %add3A_271 = arith.addf %scan3A_259#1, %scan3A_259#3 : vector<16xf32>
      %add3A_272 = arith.addf %scan3A_259#5, %scan3A_259#7 : vector<16xf32>
      %add3A_273 = arith.addf %add3A_271, %add3A_272 : vector<16xf32>
      %add3A_274 = arith.constant 1 : i32
      %add3A_275 = arith.addi %mul3A_226, %add3A_274 : i32
      %swap3A_276 = arith.index_cast %add3A_275 : i32 to index
      %swap3A_277 = arith.constant 16 : index
      %swap3A_278 = tpu.vector_load %arg8[%swap3A_276, %swap3A_277] {strides = array<i32>} : memref<512x32xf32, #tpu.memory_space<vmem>>, vector<1x16xf32>,
      %swap3A_279 = vector.shape_cast %swap3A_278 : vector<1x16xf32> to vector<16xf32>
      %swap3A_280 = vector.shape_cast %add3A_273 : vector<16xf32> to vector<1x16xf32>
      tpu.vector_store %arg8[%swap3A_276, %swap3A_277], %swap3A_280 {strides = array<i32>} : memref<512x32xf32, #tpu.memory_space<vmem>>, vector<1x16xf32>,
      %dma_wait3A_281 = arith.constant 400 : i32
      %dma_wait3A_282 = arith.constant 0 : i32
      %dma_wait3A_283 = tpu.memref_slice %arg6[%dma_wait3A_281, %dma_wait3A_282] : memref<1600x32xf32, #tpu.memory_space<vmem>> -> memref<400x32xf32, #tpu.memory_space<vmem>>
      %dma_wait3A_284 = arith.constant 0 : i32
      %dma_wait3A_285 = arith.constant 0 : i32
      %dma_wait3A_286 = tpu.memref_slice %arg3[%dma_wait3A_284, %dma_wait3A_285] : memref<1000000x32xf32, #tpu.memory_space<hbm>> -> memref<400x32xf32, #tpu.memory_space<hbm>>
      %dma_wait3A_287 = arith.constant 400 : i32
      %dma_wait3A_288 = arith.constant 0 : i32
      %dma_wait3A_289 = tpu.memref_slice %arg6[%dma_wait3A_287, %dma_wait3A_288] : memref<1600x32xf32, #tpu.memory_space<vmem>> -> memref<400x32xf32, #tpu.memory_space<vmem>>
      %dma_wait3A_290 = arith.constant 0 : i32
      %dma_wait3A_291 = arith.constant 0 : i32
      %dma_wait3A_292 = tpu.memref_slice %arg3[%dma_wait3A_290, %dma_wait3A_291] : memref<1000000x32xf32, #tpu.memory_space<hbm>> -> memref<400x32xf32, #tpu.memory_space<hbm>>
      tpu.wait_dma2 semaphore(%arg9 : memref<!tpu.dma_semaphore, #tpu.memory_space<semaphore_mem>>) src(%dma_wait3A_292 : memref<400x32xf32, #tpu.memory_space<hbm>>) dst(%dma_wait3A_289 : memref<400x32xf32, #tpu.memory_space<vmem>>)
      %mul3A_293 = arith.constant 8 : i32
      %mul3A_294 = arith.muli %mul3A_202, %mul3A_293 : i32
      %add3A_295 = arith.constant 2 : i32
      %add3A_296 = arith.addi %mul3A_294, %add3A_295 : i32
      %broadcast_in_dim3A_297 = arith.constant 0.000000e+00 : f32
      %broadcast_in_dim3A_298 = vector.broadcast %broadcast_in_dim3A_297 : f32 to vector<16xf32>
      %scan3A_299 = arith.constant 0 : i32
      %scan3A_300 = arith.constant 25 : i32
      %scan3A_301 = arith.addi %scan3A_299, %scan3A_300 : i32
      %scan3A_302 = arith.constant 1 : i32
      %scan3A_303:8 = scf.for %scan3A_801 = %scan3A_299 to %scan3A_301 step %scan3A_302 iter_args(%scan3A_802 = %broadcast_in_dim3A_298, %scan3A_803 = %broadcast_in_dim3A_298, %scan3A_804 = %broadcast_in_dim3A_298, %scan3A_805 = %broadcast_in_dim3A_298, %scan3A_806 = %broadcast_in_dim3A_298, %scan3A_807 = %broadcast_in_dim3A_298, %scan3A_808 = %broadcast_in_dim3A_298, %scan3A_809 = %broadcast_in_dim3A_298) -> (vector<16xf32>, vector<16xf32>, vector<16xf32>, vector<16xf32>, vector<16xf32>, vector<16xf32>, vector<16xf32>, vector<16xf32>)  : i32 {
        %mul3A_810 = arith.constant 8 : i32
        %mul3A_811 = arith.muli %scan3A_801, %mul3A_810 : i32
        %add3A_812 = arith.constant 0 : i32
        %add3A_813 = arith.addi %add3A_812, %mul3A_811 : i32
        %add3A_814 = arith.constant 0 : i32
        %add3A_815 = arith.addi %add3A_813, %add3A_814 : i32
        %get3A = arith.constant 400 : i32
        %get3A_816 = arith.constant 0 : i32
        %get3A_817 = tpu.memref_slice %arg6[%get3A, %get3A_816] : memref<1600x32xf32, #tpu.memory_space<vmem>> -> memref<400x32xf32, #tpu.memory_space<vmem>>
        %get3A_818 = arith.index_cast %add3A_815 : i32 to index
        %get3A_819 = arith.constant 0 : index
        %get3A_820 = tpu.vector_load %get3A_817[%get3A_818, %get3A_819] {strides = array<i32>} : memref<400x32xf32, #tpu.memory_space<vmem>>, vector<1x16xf32>,
        %get3A_821 = vector.shape_cast %get3A_820 : vector<1x16xf32> to vector<16xf32>
        %add3A_822 = arith.addf %scan3A_802, %get3A_821 : vector<16xf32>
        %add3A_823 = arith.constant 0 : i32
        %add3A_824 = arith.addi %add3A_813, %add3A_823 : i32
        %get3A_825 = arith.constant 400 : i32
        %get3A_826 = arith.constant 0 : i32
        %get3A_827 = tpu.memref_slice %arg6[%get3A_825, %get3A_826] : memref<1600x32xf32, #tpu.memory_space<vmem>> -> memref<400x32xf32, #tpu.memory_space<vmem>>
        %get3A_828 = arith.index_cast %add3A_824 : i32 to index
        %get3A_829 = arith.constant 16 : index
        %get3A_830 = tpu.vector_load %get3A_827[%get3A_828, %get3A_829] {strides = array<i32>} : memref<400x32xf32, #tpu.memory_space<vmem>>, vector<1x16xf32>,
        %get3A_831 = vector.shape_cast %get3A_830 : vector<1x16xf32> to vector<16xf32>
        %add3A_832 = arith.addf %scan3A_803, %get3A_831 : vector<16xf32>
        %add3A_833 = arith.constant 1 : i32
        %add3A_834 = arith.addi %add3A_813, %add3A_833 : i32
        %get3A_835 = arith.constant 400 : i32
        %get3A_836 = arith.constant 0 : i32
        %get3A_837 = tpu.memref_slice %arg6[%get3A_835, %get3A_836] : memref<1600x32xf32, #tpu.memory_space<vmem>> -> memref<400x32xf32, #tpu.memory_space<vmem>>
        %get3A_838 = arith.index_cast %add3A_834 : i32 to index
        %get3A_839 = arith.constant 0 : index
        %get3A_840 = tpu.vector_load %get3A_837[%get3A_838, %get3A_839] {strides = array<i32>} : memref<400x32xf32, #tpu.memory_space<vmem>>, vector<1x16xf32>,
        %get3A_841 = vector.shape_cast %get3A_840 : vector<1x16xf32> to vector<16xf32>
        %add3A_842 = arith.addf %scan3A_804, %get3A_841 : vector<16xf32>
        %add3A_843 = arith.constant 1 : i32
        %add3A_844 = arith.addi %add3A_813, %add3A_843 : i32
        %get3A_845 = arith.constant 400 : i32
        %get3A_846 = arith.constant 0 : i32
        %get3A_847 = tpu.memref_slice %arg6[%get3A_845, %get3A_846] : memref<1600x32xf32, #tpu.memory_space<vmem>> -> memref<400x32xf32, #tpu.memory_space<vmem>>
        %get3A_848 = arith.index_cast %add3A_844 : i32 to index
        %get3A_849 = arith.constant 16 : index
        %get3A_850 = tpu.vector_load %get3A_847[%get3A_848, %get3A_849] {strides = array<i32>} : memref<400x32xf32, #tpu.memory_space<vmem>>, vector<1x16xf32>,
        %get3A_851 = vector.shape_cast %get3A_850 : vector<1x16xf32> to vector<16xf32>
        %add3A_852 = arith.addf %scan3A_805, %get3A_851 : vector<16xf32>
        %add3A_853 = arith.constant 2 : i32
        %add3A_854 = arith.addi %add3A_813, %add3A_853 : i32
        %get3A_855 = arith.constant 400 : i32
        %get3A_856 = arith.constant 0 : i32
        %get3A_857 = tpu.memref_slice %arg6[%get3A_855, %get3A_856] : memref<1600x32xf32, #tpu.memory_space<vmem>> -> memref<400x32xf32, #tpu.memory_space<vmem>>
        %get3A_858 = arith.index_cast %add3A_854 : i32 to index
        %get3A_859 = arith.constant 0 : index
        %get3A_860 = tpu.vector_load %get3A_857[%get3A_858, %get3A_859] {strides = array<i32>} : memref<400x32xf32, #tpu.memory_space<vmem>>, vector<1x16xf32>,
        %get3A_861 = vector.shape_cast %get3A_860 : vector<1x16xf32> to vector<16xf32>
        %add3A_862 = arith.addf %scan3A_806, %get3A_861 : vector<16xf32>
        %add3A_863 = arith.constant 2 : i32
        %add3A_864 = arith.addi %add3A_813, %add3A_863 : i32
        %get3A_865 = arith.constant 400 : i32
        %get3A_866 = arith.constant 0 : i32
        %get3A_867 = tpu.memref_slice %arg6[%get3A_865, %get3A_866] : memref<1600x32xf32, #tpu.memory_space<vmem>> -> memref<400x32xf32, #tpu.memory_space<vmem>>
        %get3A_868 = arith.index_cast %add3A_864 : i32 to index
        %get3A_869 = arith.constant 16 : index
        %get3A_870 = tpu.vector_load %get3A_867[%get3A_868, %get3A_869] {strides = array<i32>} : memref<400x32xf32, #tpu.memory_space<vmem>>, vector<1x16xf32>,
        %get3A_871 = vector.shape_cast %get3A_870 : vector<1x16xf32> to vector<16xf32>
        %add3A_872 = arith.addf %scan3A_807, %get3A_871 : vector<16xf32>
        %add3A_873 = arith.constant 3 : i32
        %add3A_874 = arith.addi %add3A_813, %add3A_873 : i32
        %get3A_875 = arith.constant 400 : i32
        %get3A_876 = arith.constant 0 : i32
        %get3A_877 = tpu.memref_slice %arg6[%get3A_875, %get3A_876] : memref<1600x32xf32, #tpu.memory_space<vmem>> -> memref<400x32xf32, #tpu.memory_space<vmem>>
        %get3A_878 = arith.index_cast %add3A_874 : i32 to index
        %get3A_879 = arith.constant 0 : index
        %get3A_880 = tpu.vector_load %get3A_877[%get3A_878, %get3A_879] {strides = array<i32>} : memref<400x32xf32, #tpu.memory_space<vmem>>, vector<1x16xf32>,
        %get3A_881 = vector.shape_cast %get3A_880 : vector<1x16xf32> to vector<16xf32>
        %add3A_882 = arith.addf %scan3A_808, %get3A_881 : vector<16xf32>
        %add3A_883 = arith.constant 3 : i32
        %add3A_884 = arith.addi %add3A_813, %add3A_883 : i32
        %get3A_885 = arith.constant 400 : i32
        %get3A_886 = arith.constant 0 : i32
        %get3A_887 = tpu.memref_slice %arg6[%get3A_885, %get3A_886] : memref<1600x32xf32, #tpu.memory_space<vmem>> -> memref<400x32xf32, #tpu.memory_space<vmem>>
        %get3A_888 = arith.index_cast %add3A_884 : i32 to index
        %get3A_889 = arith.constant 16 : index
        %get3A_890 = tpu.vector_load %get3A_887[%get3A_888, %get3A_889] {strides = array<i32>} : memref<400x32xf32, #tpu.memory_space<vmem>>, vector<1x16xf32>,
        %get3A_891 = vector.shape_cast %get3A_890 : vector<1x16xf32> to vector<16xf32>
        %add3A_892 = arith.addf %scan3A_809, %get3A_891 : vector<16xf32>
        %add3A_893 = arith.constant 4 : i32
        %add3A_894 = arith.addi %add3A_813, %add3A_893 : i32
        %get3A_895 = arith.constant 400 : i32
        %get3A_896 = arith.constant 0 : i32
        %get3A_897 = tpu.memref_slice %arg6[%get3A_895, %get3A_896] : memref<1600x32xf32, #tpu.memory_space<vmem>> -> memref<400x32xf32, #tpu.memory_space<vmem>>
        %get3A_898 = arith.index_cast %add3A_894 : i32 to index
        %get3A_899 = arith.constant 0 : index
        %get3A_900 = tpu.vector_load %get3A_897[%get3A_898, %get3A_899] {strides = array<i32>} : memref<400x32xf32, #tpu.memory_space<vmem>>, vector<1x16xf32>,
        %get3A_901 = vector.shape_cast %get3A_900 : vector<1x16xf32> to vector<16xf32>
        %add3A_902 = arith.addf %add3A_822, %get3A_901 : vector<16xf32>
        %add3A_903 = arith.constant 4 : i32
        %add3A_904 = arith.addi %add3A_813, %add3A_903 : i32
        %get3A_905 = arith.constant 400 : i32
        %get3A_906 = arith.constant 0 : i32
        %get3A_907 = tpu.memref_slice %arg6[%get3A_905, %get3A_906] : memref<1600x32xf32, #tpu.memory_space<vmem>> -> memref<400x32xf32, #tpu.memory_space<vmem>>
        %get3A_908 = arith.index_cast %add3A_904 : i32 to index
        %get3A_909 = arith.constant 16 : index
        %get3A_910 = tpu.vector_load %get3A_907[%get3A_908, %get3A_909] {strides = array<i32>} : memref<400x32xf32, #tpu.memory_space<vmem>>, vector<1x16xf32>,
        %get3A_911 = vector.shape_cast %get3A_910 : vector<1x16xf32> to vector<16xf32>
        %add3A_912 = arith.addf %add3A_832, %get3A_911 : vector<16xf32>
        %add3A_913 = arith.constant 5 : i32
        %add3A_914 = arith.addi %add3A_813, %add3A_913 : i32
        %get3A_915 = arith.constant 400 : i32
        %get3A_916 = arith.constant 0 : i32
        %get3A_917 = tpu.memref_slice %arg6[%get3A_915, %get3A_916] : memref<1600x32xf32, #tpu.memory_space<vmem>> -> memref<400x32xf32, #tpu.memory_space<vmem>>
        %get3A_918 = arith.index_cast %add3A_914 : i32 to index
        %get3A_919 = arith.constant 0 : index
        %get3A_920 = tpu.vector_load %get3A_917[%get3A_918, %get3A_919] {strides = array<i32>} : memref<400x32xf32, #tpu.memory_space<vmem>>, vector<1x16xf32>,
        %get3A_921 = vector.shape_cast %get3A_920 : vector<1x16xf32> to vector<16xf32>
        %add3A_922 = arith.addf %add3A_842, %get3A_921 : vector<16xf32>
        %add3A_923 = arith.constant 5 : i32
        %add3A_924 = arith.addi %add3A_813, %add3A_923 : i32
        %get3A_925 = arith.constant 400 : i32
        %get3A_926 = arith.constant 0 : i32
        %get3A_927 = tpu.memref_slice %arg6[%get3A_925, %get3A_926] : memref<1600x32xf32, #tpu.memory_space<vmem>> -> memref<400x32xf32, #tpu.memory_space<vmem>>
        %get3A_928 = arith.index_cast %add3A_924 : i32 to index
        %get3A_929 = arith.constant 16 : index
        %get3A_930 = tpu.vector_load %get3A_927[%get3A_928, %get3A_929] {strides = array<i32>} : memref<400x32xf32, #tpu.memory_space<vmem>>, vector<1x16xf32>,
        %get3A_931 = vector.shape_cast %get3A_930 : vector<1x16xf32> to vector<16xf32>
        %add3A_932 = arith.addf %add3A_852, %get3A_931 : vector<16xf32>
        %add3A_933 = arith.constant 6 : i32
        %add3A_934 = arith.addi %add3A_813, %add3A_933 : i32
        %get3A_935 = arith.constant 400 : i32
        %get3A_936 = arith.constant 0 : i32
        %get3A_937 = tpu.memref_slice %arg6[%get3A_935, %get3A_936] : memref<1600x32xf32, #tpu.memory_space<vmem>> -> memref<400x32xf32, #tpu.memory_space<vmem>>
        %get3A_938 = arith.index_cast %add3A_934 : i32 to index
        %get3A_939 = arith.constant 0 : index
        %get3A_940 = tpu.vector_load %get3A_937[%get3A_938, %get3A_939] {strides = array<i32>} : memref<400x32xf32, #tpu.memory_space<vmem>>, vector<1x16xf32>,
        %get3A_941 = vector.shape_cast %get3A_940 : vector<1x16xf32> to vector<16xf32>
        %add3A_942 = arith.addf %add3A_862, %get3A_941 : vector<16xf32>
        %add3A_943 = arith.constant 6 : i32
        %add3A_944 = arith.addi %add3A_813, %add3A_943 : i32
        %get3A_945 = arith.constant 400 : i32
        %get3A_946 = arith.constant 0 : i32
        %get3A_947 = tpu.memref_slice %arg6[%get3A_945, %get3A_946] : memref<1600x32xf32, #tpu.memory_space<vmem>> -> memref<400x32xf32, #tpu.memory_space<vmem>>
        %get3A_948 = arith.index_cast %add3A_944 : i32 to index
        %get3A_949 = arith.constant 16 : index
        %get3A_950 = tpu.vector_load %get3A_947[%get3A_948, %get3A_949] {strides = array<i32>} : memref<400x32xf32, #tpu.memory_space<vmem>>, vector<1x16xf32>,
        %get3A_951 = vector.shape_cast %get3A_950 : vector<1x16xf32> to vector<16xf32>
        %add3A_952 = arith.addf %add3A_872, %get3A_951 : vector<16xf32>
        %add3A_953 = arith.constant 7 : i32
        %add3A_954 = arith.addi %add3A_813, %add3A_953 : i32
        %get3A_955 = arith.constant 400 : i32
        %get3A_956 = arith.constant 0 : i32
        %get3A_957 = tpu.memref_slice %arg6[%get3A_955, %get3A_956] : memref<1600x32xf32, #tpu.memory_space<vmem>> -> memref<400x32xf32, #tpu.memory_space<vmem>>
        %get3A_958 = arith.index_cast %add3A_954 : i32 to index
        %get3A_959 = arith.constant 0 : index
        %get3A_960 = tpu.vector_load %get3A_957[%get3A_958, %get3A_959] {strides = array<i32>} : memref<400x32xf32, #tpu.memory_space<vmem>>, vector<1x16xf32>,
        %get3A_961 = vector.shape_cast %get3A_960 : vector<1x16xf32> to vector<16xf32>
        %add3A_962 = arith.addf %add3A_882, %get3A_961 : vector<16xf32>
        %add3A_963 = arith.constant 7 : i32
        %add3A_964 = arith.addi %add3A_813, %add3A_963 : i32
        %get3A_965 = arith.constant 400 : i32
        %get3A_966 = arith.constant 0 : i32
        %get3A_967 = tpu.memref_slice %arg6[%get3A_965, %get3A_966] : memref<1600x32xf32, #tpu.memory_space<vmem>> -> memref<400x32xf32, #tpu.memory_space<vmem>>
        %get3A_968 = arith.index_cast %add3A_964 : i32 to index
        %get3A_969 = arith.constant 16 : index
        %get3A_970 = tpu.vector_load %get3A_967[%get3A_968, %get3A_969] {strides = array<i32>} : memref<400x32xf32, #tpu.memory_space<vmem>>, vector<1x16xf32>,
        %get3A_971 = vector.shape_cast %get3A_970 : vector<1x16xf32> to vector<16xf32>
        %add3A_972 = arith.addf %add3A_892, %get3A_971 : vector<16xf32>
        scf.yield %add3A_902, %add3A_912, %add3A_922, %add3A_932, %add3A_942, %add3A_952, %add3A_962, %add3A_972 : vector<16xf32>, vector<16xf32>, vector<16xf32>, vector<16xf32>, vector<16xf32>, vector<16xf32>, vector<16xf32>, vector<16xf32>
      }
      %scan3A_304 = arith.constant 25 : i32
      %add3A_305 = arith.addf %scan3A_303#0, %scan3A_303#2 : vector<16xf32>
      %add3A_306 = arith.addf %scan3A_303#4, %scan3A_303#6 : vector<16xf32>
      %add3A_307 = arith.addf %add3A_305, %add3A_306 : vector<16xf32>
      %add3A_308 = arith.constant 0 : i32
      %add3A_309 = arith.addi %add3A_296, %add3A_308 : i32
      %swap3A_310 = arith.index_cast %add3A_309 : i32 to index
      %swap3A_311 = arith.constant 0 : index
      %swap3A_312 = tpu.vector_load %arg8[%swap3A_310, %swap3A_311] {strides = array<i32>} : memref<512x32xf32, #tpu.memory_space<vmem>>, vector<1x16xf32>,
      %swap3A_313 = vector.shape_cast %swap3A_312 : vector<1x16xf32> to vector<16xf32>
      %swap3A_314 = vector.shape_cast %add3A_307 : vector<16xf32> to vector<1x16xf32>
      tpu.vector_store %arg8[%swap3A_310, %swap3A_311], %swap3A_314 {strides = array<i32>} : memref<512x32xf32, #tpu.memory_space<vmem>>, vector<1x16xf32>,
      %add3A_315 = arith.addf %scan3A_303#1, %scan3A_303#3 : vector<16xf32>
      %add3A_316 = arith.addf %scan3A_303#5, %scan3A_303#7 : vector<16xf32>
      %add3A_317 = arith.addf %add3A_315, %add3A_316 : vector<16xf32>
      %add3A_318 = arith.constant 0 : i32
      %add3A_319 = arith.addi %add3A_296, %add3A_318 : i32
      %swap3A_320 = arith.index_cast %add3A_319 : i32 to index
      %swap3A_321 = arith.constant 16 : index
      %swap3A_322 = tpu.vector_load %arg8[%swap3A_320, %swap3A_321] {strides = array<i32>} : memref<512x32xf32, #tpu.memory_space<vmem>>, vector<1x16xf32>,
      %swap3A_323 = vector.shape_cast %swap3A_322 : vector<1x16xf32> to vector<16xf32>
      %swap3A_324 = vector.shape_cast %add3A_317 : vector<16xf32> to vector<1x16xf32>
      tpu.vector_store %arg8[%swap3A_320, %swap3A_321], %swap3A_324 {strides = array<i32>} : memref<512x32xf32, #tpu.memory_space<vmem>>, vector<1x16xf32>,
      %broadcast_in_dim3A_325 = arith.constant 0.000000e+00 : f32
      %broadcast_in_dim3A_326 = vector.broadcast %broadcast_in_dim3A_325 : f32 to vector<16xf32>
      %scan3A_327 = arith.constant 0 : i32
      %scan3A_328 = arith.constant 25 : i32
      %scan3A_329 = arith.addi %scan3A_327, %scan3A_328 : i32
      %scan3A_330 = arith.constant 1 : i32
      %scan3A_331:8 = scf.for %scan3A_801 = %scan3A_327 to %scan3A_329 step %scan3A_330 iter_args(%scan3A_802 = %broadcast_in_dim3A_326, %scan3A_803 = %broadcast_in_dim3A_326, %scan3A_804 = %broadcast_in_dim3A_326, %scan3A_805 = %broadcast_in_dim3A_326, %scan3A_806 = %broadcast_in_dim3A_326, %scan3A_807 = %broadcast_in_dim3A_326, %scan3A_808 = %broadcast_in_dim3A_326, %scan3A_809 = %broadcast_in_dim3A_326) -> (vector<16xf32>, vector<16xf32>, vector<16xf32>, vector<16xf32>, vector<16xf32>, vector<16xf32>, vector<16xf32>, vector<16xf32>)  : i32 {
        %mul3A_810 = arith.constant 8 : i32
        %mul3A_811 = arith.muli %scan3A_801, %mul3A_810 : i32
        %add3A_812 = arith.constant 200 : i32
        %add3A_813 = arith.addi %add3A_812, %mul3A_811 : i32
        %add3A_814 = arith.constant 0 : i32
        %add3A_815 = arith.addi %add3A_813, %add3A_814 : i32
        %get3A = arith.constant 400 : i32
        %get3A_816 = arith.constant 0 : i32
        %get3A_817 = tpu.memref_slice %arg6[%get3A, %get3A_816] : memref<1600x32xf32, #tpu.memory_space<vmem>> -> memref<400x32xf32, #tpu.memory_space<vmem>>
        %get3A_818 = arith.index_cast %add3A_815 : i32 to index
        %get3A_819 = arith.constant 0 : index
        %get3A_820 = tpu.vector_load %get3A_817[%get3A_818, %get3A_819] {strides = array<i32>} : memref<400x32xf32, #tpu.memory_space<vmem>>, vector<1x16xf32>,
        %get3A_821 = vector.shape_cast %get3A_820 : vector<1x16xf32> to vector<16xf32>
        %add3A_822 = arith.addf %scan3A_802, %get3A_821 : vector<16xf32>
        %add3A_823 = arith.constant 0 : i32
        %add3A_824 = arith.addi %add3A_813, %add3A_823 : i32
        %get3A_825 = arith.constant 400 : i32
        %get3A_826 = arith.constant 0 : i32
        %get3A_827 = tpu.memref_slice %arg6[%get3A_825, %get3A_826] : memref<1600x32xf32, #tpu.memory_space<vmem>> -> memref<400x32xf32, #tpu.memory_space<vmem>>
        %get3A_828 = arith.index_cast %add3A_824 : i32 to index
        %get3A_829 = arith.constant 16 : index
        %get3A_830 = tpu.vector_load %get3A_827[%get3A_828, %get3A_829] {strides = array<i32>} : memref<400x32xf32, #tpu.memory_space<vmem>>, vector<1x16xf32>,
        %get3A_831 = vector.shape_cast %get3A_830 : vector<1x16xf32> to vector<16xf32>
        %add3A_832 = arith.addf %scan3A_803, %get3A_831 : vector<16xf32>
        %add3A_833 = arith.constant 1 : i32
        %add3A_834 = arith.addi %add3A_813, %add3A_833 : i32
        %get3A_835 = arith.constant 400 : i32
        %get3A_836 = arith.constant 0 : i32
        %get3A_837 = tpu.memref_slice %arg6[%get3A_835, %get3A_836] : memref<1600x32xf32, #tpu.memory_space<vmem>> -> memref<400x32xf32, #tpu.memory_space<vmem>>
        %get3A_838 = arith.index_cast %add3A_834 : i32 to index
        %get3A_839 = arith.constant 0 : index
        %get3A_840 = tpu.vector_load %get3A_837[%get3A_838, %get3A_839] {strides = array<i32>} : memref<400x32xf32, #tpu.memory_space<vmem>>, vector<1x16xf32>,
        %get3A_841 = vector.shape_cast %get3A_840 : vector<1x16xf32> to vector<16xf32>
        %add3A_842 = arith.addf %scan3A_804, %get3A_841 : vector<16xf32>
        %add3A_843 = arith.constant 1 : i32
        %add3A_844 = arith.addi %add3A_813, %add3A_843 : i32
        %get3A_845 = arith.constant 400 : i32
        %get3A_846 = arith.constant 0 : i32
        %get3A_847 = tpu.memref_slice %arg6[%get3A_845, %get3A_846] : memref<1600x32xf32, #tpu.memory_space<vmem>> -> memref<400x32xf32, #tpu.memory_space<vmem>>
        %get3A_848 = arith.index_cast %add3A_844 : i32 to index
        %get3A_849 = arith.constant 16 : index
        %get3A_850 = tpu.vector_load %get3A_847[%get3A_848, %get3A_849] {strides = array<i32>} : memref<400x32xf32, #tpu.memory_space<vmem>>, vector<1x16xf32>,
        %get3A_851 = vector.shape_cast %get3A_850 : vector<1x16xf32> to vector<16xf32>
        %add3A_852 = arith.addf %scan3A_805, %get3A_851 : vector<16xf32>
        %add3A_853 = arith.constant 2 : i32
        %add3A_854 = arith.addi %add3A_813, %add3A_853 : i32
        %get3A_855 = arith.constant 400 : i32
        %get3A_856 = arith.constant 0 : i32
        %get3A_857 = tpu.memref_slice %arg6[%get3A_855, %get3A_856] : memref<1600x32xf32, #tpu.memory_space<vmem>> -> memref<400x32xf32, #tpu.memory_space<vmem>>
        %get3A_858 = arith.index_cast %add3A_854 : i32 to index
        %get3A_859 = arith.constant 0 : index
        %get3A_860 = tpu.vector_load %get3A_857[%get3A_858, %get3A_859] {strides = array<i32>} : memref<400x32xf32, #tpu.memory_space<vmem>>, vector<1x16xf32>,
        %get3A_861 = vector.shape_cast %get3A_860 : vector<1x16xf32> to vector<16xf32>
        %add3A_862 = arith.addf %scan3A_806, %get3A_861 : vector<16xf32>
        %add3A_863 = arith.constant 2 : i32
        %add3A_864 = arith.addi %add3A_813, %add3A_863 : i32
        %get3A_865 = arith.constant 400 : i32
        %get3A_866 = arith.constant 0 : i32
        %get3A_867 = tpu.memref_slice %arg6[%get3A_865, %get3A_866] : memref<1600x32xf32, #tpu.memory_space<vmem>> -> memref<400x32xf32, #tpu.memory_space<vmem>>
        %get3A_868 = arith.index_cast %add3A_864 : i32 to index
        %get3A_869 = arith.constant 16 : index
        %get3A_870 = tpu.vector_load %get3A_867[%get3A_868, %get3A_869] {strides = array<i32>} : memref<400x32xf32, #tpu.memory_space<vmem>>, vector<1x16xf32>,
        %get3A_871 = vector.shape_cast %get3A_870 : vector<1x16xf32> to vector<16xf32>
        %add3A_872 = arith.addf %scan3A_807, %get3A_871 : vector<16xf32>
        %add3A_873 = arith.constant 3 : i32
        %add3A_874 = arith.addi %add3A_813, %add3A_873 : i32
        %get3A_875 = arith.constant 400 : i32
        %get3A_876 = arith.constant 0 : i32
        %get3A_877 = tpu.memref_slice %arg6[%get3A_875, %get3A_876] : memref<1600x32xf32, #tpu.memory_space<vmem>> -> memref<400x32xf32, #tpu.memory_space<vmem>>
        %get3A_878 = arith.index_cast %add3A_874 : i32 to index
        %get3A_879 = arith.constant 0 : index
        %get3A_880 = tpu.vector_load %get3A_877[%get3A_878, %get3A_879] {strides = array<i32>} : memref<400x32xf32, #tpu.memory_space<vmem>>, vector<1x16xf32>,
        %get3A_881 = vector.shape_cast %get3A_880 : vector<1x16xf32> to vector<16xf32>
        %add3A_882 = arith.addf %scan3A_808, %get3A_881 : vector<16xf32>
        %add3A_883 = arith.constant 3 : i32
        %add3A_884 = arith.addi %add3A_813, %add3A_883 : i32
        %get3A_885 = arith.constant 400 : i32
        %get3A_886 = arith.constant 0 : i32
        %get3A_887 = tpu.memref_slice %arg6[%get3A_885, %get3A_886] : memref<1600x32xf32, #tpu.memory_space<vmem>> -> memref<400x32xf32, #tpu.memory_space<vmem>>
        %get3A_888 = arith.index_cast %add3A_884 : i32 to index
        %get3A_889 = arith.constant 16 : index
        %get3A_890 = tpu.vector_load %get3A_887[%get3A_888, %get3A_889] {strides = array<i32>} : memref<400x32xf32, #tpu.memory_space<vmem>>, vector<1x16xf32>,
        %get3A_891 = vector.shape_cast %get3A_890 : vector<1x16xf32> to vector<16xf32>
        %add3A_892 = arith.addf %scan3A_809, %get3A_891 : vector<16xf32>
        %add3A_893 = arith.constant 4 : i32
        %add3A_894 = arith.addi %add3A_813, %add3A_893 : i32
        %get3A_895 = arith.constant 400 : i32
        %get3A_896 = arith.constant 0 : i32
        %get3A_897 = tpu.memref_slice %arg6[%get3A_895, %get3A_896] : memref<1600x32xf32, #tpu.memory_space<vmem>> -> memref<400x32xf32, #tpu.memory_space<vmem>>
        %get3A_898 = arith.index_cast %add3A_894 : i32 to index
        %get3A_899 = arith.constant 0 : index
        %get3A_900 = tpu.vector_load %get3A_897[%get3A_898, %get3A_899] {strides = array<i32>} : memref<400x32xf32, #tpu.memory_space<vmem>>, vector<1x16xf32>,
        %get3A_901 = vector.shape_cast %get3A_900 : vector<1x16xf32> to vector<16xf32>
        %add3A_902 = arith.addf %add3A_822, %get3A_901 : vector<16xf32>
        %add3A_903 = arith.constant 4 : i32
        %add3A_904 = arith.addi %add3A_813, %add3A_903 : i32
        %get3A_905 = arith.constant 400 : i32
        %get3A_906 = arith.constant 0 : i32
        %get3A_907 = tpu.memref_slice %arg6[%get3A_905, %get3A_906] : memref<1600x32xf32, #tpu.memory_space<vmem>> -> memref<400x32xf32, #tpu.memory_space<vmem>>
        %get3A_908 = arith.index_cast %add3A_904 : i32 to index
        %get3A_909 = arith.constant 16 : index
        %get3A_910 = tpu.vector_load %get3A_907[%get3A_908, %get3A_909] {strides = array<i32>} : memref<400x32xf32, #tpu.memory_space<vmem>>, vector<1x16xf32>,
        %get3A_911 = vector.shape_cast %get3A_910 : vector<1x16xf32> to vector<16xf32>
        %add3A_912 = arith.addf %add3A_832, %get3A_911 : vector<16xf32>
        %add3A_913 = arith.constant 5 : i32
        %add3A_914 = arith.addi %add3A_813, %add3A_913 : i32
        %get3A_915 = arith.constant 400 : i32
        %get3A_916 = arith.constant 0 : i32
        %get3A_917 = tpu.memref_slice %arg6[%get3A_915, %get3A_916] : memref<1600x32xf32, #tpu.memory_space<vmem>> -> memref<400x32xf32, #tpu.memory_space<vmem>>
        %get3A_918 = arith.index_cast %add3A_914 : i32 to index
        %get3A_919 = arith.constant 0 : index
        %get3A_920 = tpu.vector_load %get3A_917[%get3A_918, %get3A_919] {strides = array<i32>} : memref<400x32xf32, #tpu.memory_space<vmem>>, vector<1x16xf32>,
        %get3A_921 = vector.shape_cast %get3A_920 : vector<1x16xf32> to vector<16xf32>
        %add3A_922 = arith.addf %add3A_842, %get3A_921 : vector<16xf32>
        %add3A_923 = arith.constant 5 : i32
        %add3A_924 = arith.addi %add3A_813, %add3A_923 : i32
        %get3A_925 = arith.constant 400 : i32
        %get3A_926 = arith.constant 0 : i32
        %get3A_927 = tpu.memref_slice %arg6[%get3A_925, %get3A_926] : memref<1600x32xf32, #tpu.memory_space<vmem>> -> memref<400x32xf32, #tpu.memory_space<vmem>>
        %get3A_928 = arith.index_cast %add3A_924 : i32 to index
        %get3A_929 = arith.constant 16 : index
        %get3A_930 = tpu.vector_load %get3A_927[%get3A_928, %get3A_929] {strides = array<i32>} : memref<400x32xf32, #tpu.memory_space<vmem>>, vector<1x16xf32>,
        %get3A_931 = vector.shape_cast %get3A_930 : vector<1x16xf32> to vector<16xf32>
        %add3A_932 = arith.addf %add3A_852, %get3A_931 : vector<16xf32>
        %add3A_933 = arith.constant 6 : i32
        %add3A_934 = arith.addi %add3A_813, %add3A_933 : i32
        %get3A_935 = arith.constant 400 : i32
        %get3A_936 = arith.constant 0 : i32
        %get3A_937 = tpu.memref_slice %arg6[%get3A_935, %get3A_936] : memref<1600x32xf32, #tpu.memory_space<vmem>> -> memref<400x32xf32, #tpu.memory_space<vmem>>
        %get3A_938 = arith.index_cast %add3A_934 : i32 to index
        %get3A_939 = arith.constant 0 : index
        %get3A_940 = tpu.vector_load %get3A_937[%get3A_938, %get3A_939] {strides = array<i32>} : memref<400x32xf32, #tpu.memory_space<vmem>>, vector<1x16xf32>,
        %get3A_941 = vector.shape_cast %get3A_940 : vector<1x16xf32> to vector<16xf32>
        %add3A_942 = arith.addf %add3A_862, %get3A_941 : vector<16xf32>
        %add3A_943 = arith.constant 6 : i32
        %add3A_944 = arith.addi %add3A_813, %add3A_943 : i32
        %get3A_945 = arith.constant 400 : i32
        %get3A_946 = arith.constant 0 : i32
        %get3A_947 = tpu.memref_slice %arg6[%get3A_945, %get3A_946] : memref<1600x32xf32, #tpu.memory_space<vmem>> -> memref<400x32xf32, #tpu.memory_space<vmem>>
        %get3A_948 = arith.index_cast %add3A_944 : i32 to index
        %get3A_949 = arith.constant 16 : index
        %get3A_950 = tpu.vector_load %get3A_947[%get3A_948, %get3A_949] {strides = array<i32>} : memref<400x32xf32, #tpu.memory_space<vmem>>, vector<1x16xf32>,
        %get3A_951 = vector.shape_cast %get3A_950 : vector<1x16xf32> to vector<16xf32>
        %add3A_952 = arith.addf %add3A_872, %get3A_951 : vector<16xf32>
        %add3A_953 = arith.constant 7 : i32
        %add3A_954 = arith.addi %add3A_813, %add3A_953 : i32
        %get3A_955 = arith.constant 400 : i32
        %get3A_956 = arith.constant 0 : i32
        %get3A_957 = tpu.memref_slice %arg6[%get3A_955, %get3A_956] : memref<1600x32xf32, #tpu.memory_space<vmem>> -> memref<400x32xf32, #tpu.memory_space<vmem>>
        %get3A_958 = arith.index_cast %add3A_954 : i32 to index
        %get3A_959 = arith.constant 0 : index
        %get3A_960 = tpu.vector_load %get3A_957[%get3A_958, %get3A_959] {strides = array<i32>} : memref<400x32xf32, #tpu.memory_space<vmem>>, vector<1x16xf32>,
        %get3A_961 = vector.shape_cast %get3A_960 : vector<1x16xf32> to vector<16xf32>
        %add3A_962 = arith.addf %add3A_882, %get3A_961 : vector<16xf32>
        %add3A_963 = arith.constant 7 : i32
        %add3A_964 = arith.addi %add3A_813, %add3A_963 : i32
        %get3A_965 = arith.constant 400 : i32
        %get3A_966 = arith.constant 0 : i32
        %get3A_967 = tpu.memref_slice %arg6[%get3A_965, %get3A_966] : memref<1600x32xf32, #tpu.memory_space<vmem>> -> memref<400x32xf32, #tpu.memory_space<vmem>>
        %get3A_968 = arith.index_cast %add3A_964 : i32 to index
        %get3A_969 = arith.constant 16 : index
        %get3A_970 = tpu.vector_load %get3A_967[%get3A_968, %get3A_969] {strides = array<i32>} : memref<400x32xf32, #tpu.memory_space<vmem>>, vector<1x16xf32>,
        %get3A_971 = vector.shape_cast %get3A_970 : vector<1x16xf32> to vector<16xf32>
        %add3A_972 = arith.addf %add3A_892, %get3A_971 : vector<16xf32>
        scf.yield %add3A_902, %add3A_912, %add3A_922, %add3A_932, %add3A_942, %add3A_952, %add3A_962, %add3A_972 : vector<16xf32>, vector<16xf32>, vector<16xf32>, vector<16xf32>, vector<16xf32>, vector<16xf32>, vector<16xf32>, vector<16xf32>
      }
      %scan3A_332 = arith.constant 25 : i32
      %add3A_333 = arith.addf %scan3A_331#0, %scan3A_331#2 : vector<16xf32>
      %add3A_334 = arith.addf %scan3A_331#4, %scan3A_331#6 : vector<16xf32>
      %add3A_335 = arith.addf %add3A_333, %add3A_334 : vector<16xf32>
      %add3A_336 = arith.constant 1 : i32
      %add3A_337 = arith.addi %add3A_296, %add3A_336 : i32
      %swap3A_338 = arith.index_cast %add3A_337 : i32 to index
      %swap3A_339 = arith.constant 0 : index
      %swap3A_340 = tpu.vector_load %arg8[%swap3A_338, %swap3A_339] {strides = array<i32>} : memref<512x32xf32, #tpu.memory_space<vmem>>, vector<1x16xf32>,
      %swap3A_341 = vector.shape_cast %swap3A_340 : vector<1x16xf32> to vector<16xf32>
      %swap3A_342 = vector.shape_cast %add3A_335 : vector<16xf32> to vector<1x16xf32>
      tpu.vector_store %arg8[%swap3A_338, %swap3A_339], %swap3A_342 {strides = array<i32>} : memref<512x32xf32, #tpu.memory_space<vmem>>, vector<1x16xf32>,
      %add3A_343 = arith.addf %scan3A_331#1, %scan3A_331#3 : vector<16xf32>
      %add3A_344 = arith.addf %scan3A_331#5, %scan3A_331#7 : vector<16xf32>
      %add3A_345 = arith.addf %add3A_343, %add3A_344 : vector<16xf32>
      %add3A_346 = arith.constant 1 : i32
      %add3A_347 = arith.addi %add3A_296, %add3A_346 : i32
      %swap3A_348 = arith.index_cast %add3A_347 : i32 to index
      %swap3A_349 = arith.constant 16 : index
      %swap3A_350 = tpu.vector_load %arg8[%swap3A_348, %swap3A_349] {strides = array<i32>} : memref<512x32xf32, #tpu.memory_space<vmem>>, vector<1x16xf32>,
      %swap3A_351 = vector.shape_cast %swap3A_350 : vector<1x16xf32> to vector<16xf32>
      %swap3A_352 = vector.shape_cast %add3A_345 : vector<16xf32> to vector<1x16xf32>
      tpu.vector_store %arg8[%swap3A_348, %swap3A_349], %swap3A_352 {strides = array<i32>} : memref<512x32xf32, #tpu.memory_space<vmem>>, vector<1x16xf32>,
      %dma_wait3A_353 = arith.constant 800 : i32
      %dma_wait3A_354 = arith.constant 0 : i32
      %dma_wait3A_355 = tpu.memref_slice %arg6[%dma_wait3A_353, %dma_wait3A_354] : memref<1600x32xf32, #tpu.memory_space<vmem>> -> memref<400x32xf32, #tpu.memory_space<vmem>>
      %dma_wait3A_356 = arith.constant 0 : i32
      %dma_wait3A_357 = arith.constant 0 : i32
      %dma_wait3A_358 = tpu.memref_slice %arg3[%dma_wait3A_356, %dma_wait3A_357] : memref<1000000x32xf32, #tpu.memory_space<hbm>> -> memref<400x32xf32, #tpu.memory_space<hbm>>
      %dma_wait3A_359 = arith.constant 800 : i32
      %dma_wait3A_360 = arith.constant 0 : i32
      %dma_wait3A_361 = tpu.memref_slice %arg6[%dma_wait3A_359, %dma_wait3A_360] : memref<1600x32xf32, #tpu.memory_space<vmem>> -> memref<400x32xf32, #tpu.memory_space<vmem>>
      %dma_wait3A_362 = arith.constant 0 : i32
      %dma_wait3A_363 = arith.constant 0 : i32
      %dma_wait3A_364 = tpu.memref_slice %arg3[%dma_wait3A_362, %dma_wait3A_363] : memref<1000000x32xf32, #tpu.memory_space<hbm>> -> memref<400x32xf32, #tpu.memory_space<hbm>>
      tpu.wait_dma2 semaphore(%arg9 : memref<!tpu.dma_semaphore, #tpu.memory_space<semaphore_mem>>) src(%dma_wait3A_364 : memref<400x32xf32, #tpu.memory_space<hbm>>) dst(%dma_wait3A_361 : memref<400x32xf32, #tpu.memory_space<vmem>>)
      %mul3A_365 = arith.constant 8 : i32
      %mul3A_366 = arith.muli %mul3A_202, %mul3A_365 : i32
      %add3A_367 = arith.constant 4 : i32
      %add3A_368 = arith.addi %mul3A_366, %add3A_367 : i32
      %broadcast_in_dim3A_369 = arith.constant 0.000000e+00 : f32
      %broadcast_in_dim3A_370 = vector.broadcast %broadcast_in_dim3A_369 : f32 to vector<16xf32>
      %scan3A_371 = arith.constant 0 : i32
      %scan3A_372 = arith.constant 25 : i32
      %scan3A_373 = arith.addi %scan3A_371, %scan3A_372 : i32
      %scan3A_374 = arith.constant 1 : i32
      %scan3A_375:8 = scf.for %scan3A_801 = %scan3A_371 to %scan3A_373 step %scan3A_374 iter_args(%scan3A_802 = %broadcast_in_dim3A_370, %scan3A_803 = %broadcast_in_dim3A_370, %scan3A_804 = %broadcast_in_dim3A_370, %scan3A_805 = %broadcast_in_dim3A_370, %scan3A_806 = %broadcast_in_dim3A_370, %scan3A_807 = %broadcast_in_dim3A_370, %scan3A_808 = %broadcast_in_dim3A_370, %scan3A_809 = %broadcast_in_dim3A_370) -> (vector<16xf32>, vector<16xf32>, vector<16xf32>, vector<16xf32>, vector<16xf32>, vector<16xf32>, vector<16xf32>, vector<16xf32>)  : i32 {
        %mul3A_810 = arith.constant 8 : i32
        %mul3A_811 = arith.muli %scan3A_801, %mul3A_810 : i32
        %add3A_812 = arith.constant 0 : i32
        %add3A_813 = arith.addi %add3A_812, %mul3A_811 : i32
        %add3A_814 = arith.constant 0 : i32
        %add3A_815 = arith.addi %add3A_813, %add3A_814 : i32
        %get3A = arith.constant 800 : i32
        %get3A_816 = arith.constant 0 : i32
        %get3A_817 = tpu.memref_slice %arg6[%get3A, %get3A_816] : memref<1600x32xf32, #tpu.memory_space<vmem>> -> memref<400x32xf32, #tpu.memory_space<vmem>>
        %get3A_818 = arith.index_cast %add3A_815 : i32 to index
        %get3A_819 = arith.constant 0 : index
        %get3A_820 = tpu.vector_load %get3A_817[%get3A_818, %get3A_819] {strides = array<i32>} : memref<400x32xf32, #tpu.memory_space<vmem>>, vector<1x16xf32>,
        %get3A_821 = vector.shape_cast %get3A_820 : vector<1x16xf32> to vector<16xf32>
        %add3A_822 = arith.addf %scan3A_802, %get3A_821 : vector<16xf32>
        %add3A_823 = arith.constant 0 : i32
        %add3A_824 = arith.addi %add3A_813, %add3A_823 : i32
        %get3A_825 = arith.constant 800 : i32
        %get3A_826 = arith.constant 0 : i32
        %get3A_827 = tpu.memref_slice %arg6[%get3A_825, %get3A_826] : memref<1600x32xf32, #tpu.memory_space<vmem>> -> memref<400x32xf32, #tpu.memory_space<vmem>>
        %get3A_828 = arith.index_cast %add3A_824 : i32 to index
        %get3A_829 = arith.constant 16 : index
        %get3A_830 = tpu.vector_load %get3A_827[%get3A_828, %get3A_829] {strides = array<i32>} : memref<400x32xf32, #tpu.memory_space<vmem>>, vector<1x16xf32>,
        %get3A_831 = vector.shape_cast %get3A_830 : vector<1x16xf32> to vector<16xf32>
        %add3A_832 = arith.addf %scan3A_803, %get3A_831 : vector<16xf32>
        %add3A_833 = arith.constant 1 : i32
        %add3A_834 = arith.addi %add3A_813, %add3A_833 : i32
        %get3A_835 = arith.constant 800 : i32
        %get3A_836 = arith.constant 0 : i32
        %get3A_837 = tpu.memref_slice %arg6[%get3A_835, %get3A_836] : memref<1600x32xf32, #tpu.memory_space<vmem>> -> memref<400x32xf32, #tpu.memory_space<vmem>>
        %get3A_838 = arith.index_cast %add3A_834 : i32 to index
        %get3A_839 = arith.constant 0 : index
        %get3A_840 = tpu.vector_load %get3A_837[%get3A_838, %get3A_839] {strides = array<i32>} : memref<400x32xf32, #tpu.memory_space<vmem>>, vector<1x16xf32>,
        %get3A_841 = vector.shape_cast %get3A_840 : vector<1x16xf32> to vector<16xf32>
        %add3A_842 = arith.addf %scan3A_804, %get3A_841 : vector<16xf32>
        %add3A_843 = arith.constant 1 : i32
        %add3A_844 = arith.addi %add3A_813, %add3A_843 : i32
        %get3A_845 = arith.constant 800 : i32
        %get3A_846 = arith.constant 0 : i32
        %get3A_847 = tpu.memref_slice %arg6[%get3A_845, %get3A_846] : memref<1600x32xf32, #tpu.memory_space<vmem>> -> memref<400x32xf32, #tpu.memory_space<vmem>>
        %get3A_848 = arith.index_cast %add3A_844 : i32 to index
        %get3A_849 = arith.constant 16 : index
        %get3A_850 = tpu.vector_load %get3A_847[%get3A_848, %get3A_849] {strides = array<i32>} : memref<400x32xf32, #tpu.memory_space<vmem>>, vector<1x16xf32>,
        %get3A_851 = vector.shape_cast %get3A_850 : vector<1x16xf32> to vector<16xf32>
        %add3A_852 = arith.addf %scan3A_805, %get3A_851 : vector<16xf32>
        %add3A_853 = arith.constant 2 : i32
        %add3A_854 = arith.addi %add3A_813, %add3A_853 : i32
        %get3A_855 = arith.constant 800 : i32
        %get3A_856 = arith.constant 0 : i32
        %get3A_857 = tpu.memref_slice %arg6[%get3A_855, %get3A_856] : memref<1600x32xf32, #tpu.memory_space<vmem>> -> memref<400x32xf32, #tpu.memory_space<vmem>>
        %get3A_858 = arith.index_cast %add3A_854 : i32 to index
        %get3A_859 = arith.constant 0 : index
        %get3A_860 = tpu.vector_load %get3A_857[%get3A_858, %get3A_859] {strides = array<i32>} : memref<400x32xf32, #tpu.memory_space<vmem>>, vector<1x16xf32>,
        %get3A_861 = vector.shape_cast %get3A_860 : vector<1x16xf32> to vector<16xf32>
        %add3A_862 = arith.addf %scan3A_806, %get3A_861 : vector<16xf32>
        %add3A_863 = arith.constant 2 : i32
        %add3A_864 = arith.addi %add3A_813, %add3A_863 : i32
        %get3A_865 = arith.constant 800 : i32
        %get3A_866 = arith.constant 0 : i32
        %get3A_867 = tpu.memref_slice %arg6[%get3A_865, %get3A_866] : memref<1600x32xf32, #tpu.memory_space<vmem>> -> memref<400x32xf32, #tpu.memory_space<vmem>>
        %get3A_868 = arith.index_cast %add3A_864 : i32 to index
        %get3A_869 = arith.constant 16 : index
        %get3A_870 = tpu.vector_load %get3A_867[%get3A_868, %get3A_869] {strides = array<i32>} : memref<400x32xf32, #tpu.memory_space<vmem>>, vector<1x16xf32>,
        %get3A_871 = vector.shape_cast %get3A_870 : vector<1x16xf32> to vector<16xf32>
        %add3A_872 = arith.addf %scan3A_807, %get3A_871 : vector<16xf32>
        %add3A_873 = arith.constant 3 : i32
        %add3A_874 = arith.addi %add3A_813, %add3A_873 : i32
        %get3A_875 = arith.constant 800 : i32
        %get3A_876 = arith.constant 0 : i32
        %get3A_877 = tpu.memref_slice %arg6[%get3A_875, %get3A_876] : memref<1600x32xf32, #tpu.memory_space<vmem>> -> memref<400x32xf32, #tpu.memory_space<vmem>>
        %get3A_878 = arith.index_cast %add3A_874 : i32 to index
        %get3A_879 = arith.constant 0 : index
        %get3A_880 = tpu.vector_load %get3A_877[%get3A_878, %get3A_879] {strides = array<i32>} : memref<400x32xf32, #tpu.memory_space<vmem>>, vector<1x16xf32>,
        %get3A_881 = vector.shape_cast %get3A_880 : vector<1x16xf32> to vector<16xf32>
        %add3A_882 = arith.addf %scan3A_808, %get3A_881 : vector<16xf32>
        %add3A_883 = arith.constant 3 : i32
        %add3A_884 = arith.addi %add3A_813, %add3A_883 : i32
        %get3A_885 = arith.constant 800 : i32
        %get3A_886 = arith.constant 0 : i32
        %get3A_887 = tpu.memref_slice %arg6[%get3A_885, %get3A_886] : memref<1600x32xf32, #tpu.memory_space<vmem>> -> memref<400x32xf32, #tpu.memory_space<vmem>>
        %get3A_888 = arith.index_cast %add3A_884 : i32 to index
        %get3A_889 = arith.constant 16 : index
        %get3A_890 = tpu.vector_load %get3A_887[%get3A_888, %get3A_889] {strides = array<i32>} : memref<400x32xf32, #tpu.memory_space<vmem>>, vector<1x16xf32>,
        %get3A_891 = vector.shape_cast %get3A_890 : vector<1x16xf32> to vector<16xf32>
        %add3A_892 = arith.addf %scan3A_809, %get3A_891 : vector<16xf32>
        %add3A_893 = arith.constant 4 : i32
        %add3A_894 = arith.addi %add3A_813, %add3A_893 : i32
        %get3A_895 = arith.constant 800 : i32
        %get3A_896 = arith.constant 0 : i32
        %get3A_897 = tpu.memref_slice %arg6[%get3A_895, %get3A_896] : memref<1600x32xf32, #tpu.memory_space<vmem>> -> memref<400x32xf32, #tpu.memory_space<vmem>>
        %get3A_898 = arith.index_cast %add3A_894 : i32 to index
        %get3A_899 = arith.constant 0 : index
        %get3A_900 = tpu.vector_load %get3A_897[%get3A_898, %get3A_899] {strides = array<i32>} : memref<400x32xf32, #tpu.memory_space<vmem>>, vector<1x16xf32>,
        %get3A_901 = vector.shape_cast %get3A_900 : vector<1x16xf32> to vector<16xf32>
        %add3A_902 = arith.addf %add3A_822, %get3A_901 : vector<16xf32>
        %add3A_903 = arith.constant 4 : i32
        %add3A_904 = arith.addi %add3A_813, %add3A_903 : i32
        %get3A_905 = arith.constant 800 : i32
        %get3A_906 = arith.constant 0 : i32
        %get3A_907 = tpu.memref_slice %arg6[%get3A_905, %get3A_906] : memref<1600x32xf32, #tpu.memory_space<vmem>> -> memref<400x32xf32, #tpu.memory_space<vmem>>
        %get3A_908 = arith.index_cast %add3A_904 : i32 to index
        %get3A_909 = arith.constant 16 : index
        %get3A_910 = tpu.vector_load %get3A_907[%get3A_908, %get3A_909] {strides = array<i32>} : memref<400x32xf32, #tpu.memory_space<vmem>>, vector<1x16xf32>,
        %get3A_911 = vector.shape_cast %get3A_910 : vector<1x16xf32> to vector<16xf32>
        %add3A_912 = arith.addf %add3A_832, %get3A_911 : vector<16xf32>
        %add3A_913 = arith.constant 5 : i32
        %add3A_914 = arith.addi %add3A_813, %add3A_913 : i32
        %get3A_915 = arith.constant 800 : i32
        %get3A_916 = arith.constant 0 : i32
        %get3A_917 = tpu.memref_slice %arg6[%get3A_915, %get3A_916] : memref<1600x32xf32, #tpu.memory_space<vmem>> -> memref<400x32xf32, #tpu.memory_space<vmem>>
        %get3A_918 = arith.index_cast %add3A_914 : i32 to index
        %get3A_919 = arith.constant 0 : index
        %get3A_920 = tpu.vector_load %get3A_917[%get3A_918, %get3A_919] {strides = array<i32>} : memref<400x32xf32, #tpu.memory_space<vmem>>, vector<1x16xf32>,
        %get3A_921 = vector.shape_cast %get3A_920 : vector<1x16xf32> to vector<16xf32>
        %add3A_922 = arith.addf %add3A_842, %get3A_921 : vector<16xf32>
        %add3A_923 = arith.constant 5 : i32
        %add3A_924 = arith.addi %add3A_813, %add3A_923 : i32
        %get3A_925 = arith.constant 800 : i32
        %get3A_926 = arith.constant 0 : i32
        %get3A_927 = tpu.memref_slice %arg6[%get3A_925, %get3A_926] : memref<1600x32xf32, #tpu.memory_space<vmem>> -> memref<400x32xf32, #tpu.memory_space<vmem>>
        %get3A_928 = arith.index_cast %add3A_924 : i32 to index
        %get3A_929 = arith.constant 16 : index
        %get3A_930 = tpu.vector_load %get3A_927[%get3A_928, %get3A_929] {strides = array<i32>} : memref<400x32xf32, #tpu.memory_space<vmem>>, vector<1x16xf32>,
        %get3A_931 = vector.shape_cast %get3A_930 : vector<1x16xf32> to vector<16xf32>
        %add3A_932 = arith.addf %add3A_852, %get3A_931 : vector<16xf32>
        %add3A_933 = arith.constant 6 : i32
        %add3A_934 = arith.addi %add3A_813, %add3A_933 : i32
        %get3A_935 = arith.constant 800 : i32
        %get3A_936 = arith.constant 0 : i32
        %get3A_937 = tpu.memref_slice %arg6[%get3A_935, %get3A_936] : memref<1600x32xf32, #tpu.memory_space<vmem>> -> memref<400x32xf32, #tpu.memory_space<vmem>>
        %get3A_938 = arith.index_cast %add3A_934 : i32 to index
        %get3A_939 = arith.constant 0 : index
        %get3A_940 = tpu.vector_load %get3A_937[%get3A_938, %get3A_939] {strides = array<i32>} : memref<400x32xf32, #tpu.memory_space<vmem>>, vector<1x16xf32>,
        %get3A_941 = vector.shape_cast %get3A_940 : vector<1x16xf32> to vector<16xf32>
        %add3A_942 = arith.addf %add3A_862, %get3A_941 : vector<16xf32>
        %add3A_943 = arith.constant 6 : i32
        %add3A_944 = arith.addi %add3A_813, %add3A_943 : i32
        %get3A_945 = arith.constant 800 : i32
        %get3A_946 = arith.constant 0 : i32
        %get3A_947 = tpu.memref_slice %arg6[%get3A_945, %get3A_946] : memref<1600x32xf32, #tpu.memory_space<vmem>> -> memref<400x32xf32, #tpu.memory_space<vmem>>
        %get3A_948 = arith.index_cast %add3A_944 : i32 to index
        %get3A_949 = arith.constant 16 : index
        %get3A_950 = tpu.vector_load %get3A_947[%get3A_948, %get3A_949] {strides = array<i32>} : memref<400x32xf32, #tpu.memory_space<vmem>>, vector<1x16xf32>,
        %get3A_951 = vector.shape_cast %get3A_950 : vector<1x16xf32> to vector<16xf32>
        %add3A_952 = arith.addf %add3A_872, %get3A_951 : vector<16xf32>
        %add3A_953 = arith.constant 7 : i32
        %add3A_954 = arith.addi %add3A_813, %add3A_953 : i32
        %get3A_955 = arith.constant 800 : i32
        %get3A_956 = arith.constant 0 : i32
        %get3A_957 = tpu.memref_slice %arg6[%get3A_955, %get3A_956] : memref<1600x32xf32, #tpu.memory_space<vmem>> -> memref<400x32xf32, #tpu.memory_space<vmem>>
        %get3A_958 = arith.index_cast %add3A_954 : i32 to index
        %get3A_959 = arith.constant 0 : index
        %get3A_960 = tpu.vector_load %get3A_957[%get3A_958, %get3A_959] {strides = array<i32>} : memref<400x32xf32, #tpu.memory_space<vmem>>, vector<1x16xf32>,
        %get3A_961 = vector.shape_cast %get3A_960 : vector<1x16xf32> to vector<16xf32>
        %add3A_962 = arith.addf %add3A_882, %get3A_961 : vector<16xf32>
        %add3A_963 = arith.constant 7 : i32
        %add3A_964 = arith.addi %add3A_813, %add3A_963 : i32
        %get3A_965 = arith.constant 800 : i32
        %get3A_966 = arith.constant 0 : i32
        %get3A_967 = tpu.memref_slice %arg6[%get3A_965, %get3A_966] : memref<1600x32xf32, #tpu.memory_space<vmem>> -> memref<400x32xf32, #tpu.memory_space<vmem>>
        %get3A_968 = arith.index_cast %add3A_964 : i32 to index
        %get3A_969 = arith.constant 16 : index
        %get3A_970 = tpu.vector_load %get3A_967[%get3A_968, %get3A_969] {strides = array<i32>} : memref<400x32xf32, #tpu.memory_space<vmem>>, vector<1x16xf32>,
        %get3A_971 = vector.shape_cast %get3A_970 : vector<1x16xf32> to vector<16xf32>
        %add3A_972 = arith.addf %add3A_892, %get3A_971 : vector<16xf32>
        scf.yield %add3A_902, %add3A_912, %add3A_922, %add3A_932, %add3A_942, %add3A_952, %add3A_962, %add3A_972 : vector<16xf32>, vector<16xf32>, vector<16xf32>, vector<16xf32>, vector<16xf32>, vector<16xf32>, vector<16xf32>, vector<16xf32>
      }
      %scan3A_376 = arith.constant 25 : i32
      %add3A_377 = arith.addf %scan3A_375#0, %scan3A_375#2 : vector<16xf32>
      %add3A_378 = arith.addf %scan3A_375#4, %scan3A_375#6 : vector<16xf32>
      %add3A_379 = arith.addf %add3A_377, %add3A_378 : vector<16xf32>
      %add3A_380 = arith.constant 0 : i32
      %add3A_381 = arith.addi %add3A_368, %add3A_380 : i32
      %swap3A_382 = arith.index_cast %add3A_381 : i32 to index
      %swap3A_383 = arith.constant 0 : index
      %swap3A_384 = tpu.vector_load %arg8[%swap3A_382, %swap3A_383] {strides = array<i32>} : memref<512x32xf32, #tpu.memory_space<vmem>>, vector<1x16xf32>,
      %swap3A_385 = vector.shape_cast %swap3A_384 : vector<1x16xf32> to vector<16xf32>
      %swap3A_386 = vector.shape_cast %add3A_379 : vector<16xf32> to vector<1x16xf32>
      tpu.vector_store %arg8[%swap3A_382, %swap3A_383], %swap3A_386 {strides = array<i32>} : memref<512x32xf32, #tpu.memory_space<vmem>>, vector<1x16xf32>,
      %add3A_387 = arith.addf %scan3A_375#1, %scan3A_375#3 : vector<16xf32>
      %add3A_388 = arith.addf %scan3A_375#5, %scan3A_375#7 : vector<16xf32>
      %add3A_389 = arith.addf %add3A_387, %add3A_388 : vector<16xf32>
      %add3A_390 = arith.constant 0 : i32
      %add3A_391 = arith.addi %add3A_368, %add3A_390 : i32
      %swap3A_392 = arith.index_cast %add3A_391 : i32 to index
      %swap3A_393 = arith.constant 16 : index
      %swap3A_394 = tpu.vector_load %arg8[%swap3A_392, %swap3A_393] {strides = array<i32>} : memref<512x32xf32, #tpu.memory_space<vmem>>, vector<1x16xf32>,
      %swap3A_395 = vector.shape_cast %swap3A_394 : vector<1x16xf32> to vector<16xf32>
      %swap3A_396 = vector.shape_cast %add3A_389 : vector<16xf32> to vector<1x16xf32>
      tpu.vector_store %arg8[%swap3A_392, %swap3A_393], %swap3A_396 {strides = array<i32>} : memref<512x32xf32, #tpu.memory_space<vmem>>, vector<1x16xf32>,
      %broadcast_in_dim3A_397 = arith.constant 0.000000e+00 : f32
      %broadcast_in_dim3A_398 = vector.broadcast %broadcast_in_dim3A_397 : f32 to vector<16xf32>
      %scan3A_399 = arith.constant 0 : i32
      %scan3A_400 = arith.constant 25 : i32
      %scan3A_401 = arith.addi %scan3A_399, %scan3A_400 : i32
      %scan3A_402 = arith.constant 1 : i32
      %scan3A_403:8 = scf.for %scan3A_801 = %scan3A_399 to %scan3A_401 step %scan3A_402 iter_args(%scan3A_802 = %broadcast_in_dim3A_398, %scan3A_803 = %broadcast_in_dim3A_398, %scan3A_804 = %broadcast_in_dim3A_398, %scan3A_805 = %broadcast_in_dim3A_398, %scan3A_806 = %broadcast_in_dim3A_398, %scan3A_807 = %broadcast_in_dim3A_398, %scan3A_808 = %broadcast_in_dim3A_398, %scan3A_809 = %broadcast_in_dim3A_398) -> (vector<16xf32>, vector<16xf32>, vector<16xf32>, vector<16xf32>, vector<16xf32>, vector<16xf32>, vector<16xf32>, vector<16xf32>)  : i32 {
        %mul3A_810 = arith.constant 8 : i32
        %mul3A_811 = arith.muli %scan3A_801, %mul3A_810 : i32
        %add3A_812 = arith.constant 200 : i32
        %add3A_813 = arith.addi %add3A_812, %mul3A_811 : i32
        %add3A_814 = arith.constant 0 : i32
        %add3A_815 = arith.addi %add3A_813, %add3A_814 : i32
        %get3A = arith.constant 800 : i32
        %get3A_816 = arith.constant 0 : i32
        %get3A_817 = tpu.memref_slice %arg6[%get3A, %get3A_816] : memref<1600x32xf32, #tpu.memory_space<vmem>> -> memref<400x32xf32, #tpu.memory_space<vmem>>
        %get3A_818 = arith.index_cast %add3A_815 : i32 to index
        %get3A_819 = arith.constant 0 : index
        %get3A_820 = tpu.vector_load %get3A_817[%get3A_818, %get3A_819] {strides = array<i32>} : memref<400x32xf32, #tpu.memory_space<vmem>>, vector<1x16xf32>,
        %get3A_821 = vector.shape_cast %get3A_820 : vector<1x16xf32> to vector<16xf32>
        %add3A_822 = arith.addf %scan3A_802, %get3A_821 : vector<16xf32>
        %add3A_823 = arith.constant 0 : i32
        %add3A_824 = arith.addi %add3A_813, %add3A_823 : i32
        %get3A_825 = arith.constant 800 : i32
        %get3A_826 = arith.constant 0 : i32
        %get3A_827 = tpu.memref_slice %arg6[%get3A_825, %get3A_826] : memref<1600x32xf32, #tpu.memory_space<vmem>> -> memref<400x32xf32, #tpu.memory_space<vmem>>
        %get3A_828 = arith.index_cast %add3A_824 : i32 to index
        %get3A_829 = arith.constant 16 : index
        %get3A_830 = tpu.vector_load %get3A_827[%get3A_828, %get3A_829] {strides = array<i32>} : memref<400x32xf32, #tpu.memory_space<vmem>>, vector<1x16xf32>,
        %get3A_831 = vector.shape_cast %get3A_830 : vector<1x16xf32> to vector<16xf32>
        %add3A_832 = arith.addf %scan3A_803, %get3A_831 : vector<16xf32>
        %add3A_833 = arith.constant 1 : i32
        %add3A_834 = arith.addi %add3A_813, %add3A_833 : i32
        %get3A_835 = arith.constant 800 : i32
        %get3A_836 = arith.constant 0 : i32
        %get3A_837 = tpu.memref_slice %arg6[%get3A_835, %get3A_836] : memref<1600x32xf32, #tpu.memory_space<vmem>> -> memref<400x32xf32, #tpu.memory_space<vmem>>
        %get3A_838 = arith.index_cast %add3A_834 : i32 to index
        %get3A_839 = arith.constant 0 : index
        %get3A_840 = tpu.vector_load %get3A_837[%get3A_838, %get3A_839] {strides = array<i32>} : memref<400x32xf32, #tpu.memory_space<vmem>>, vector<1x16xf32>,
        %get3A_841 = vector.shape_cast %get3A_840 : vector<1x16xf32> to vector<16xf32>
        %add3A_842 = arith.addf %scan3A_804, %get3A_841 : vector<16xf32>
        %add3A_843 = arith.constant 1 : i32
        %add3A_844 = arith.addi %add3A_813, %add3A_843 : i32
        %get3A_845 = arith.constant 800 : i32
        %get3A_846 = arith.constant 0 : i32
        %get3A_847 = tpu.memref_slice %arg6[%get3A_845, %get3A_846] : memref<1600x32xf32, #tpu.memory_space<vmem>> -> memref<400x32xf32, #tpu.memory_space<vmem>>
        %get3A_848 = arith.index_cast %add3A_844 : i32 to index
        %get3A_849 = arith.constant 16 : index
        %get3A_850 = tpu.vector_load %get3A_847[%get3A_848, %get3A_849] {strides = array<i32>} : memref<400x32xf32, #tpu.memory_space<vmem>>, vector<1x16xf32>,
        %get3A_851 = vector.shape_cast %get3A_850 : vector<1x16xf32> to vector<16xf32>
        %add3A_852 = arith.addf %scan3A_805, %get3A_851 : vector<16xf32>
        %add3A_853 = arith.constant 2 : i32
        %add3A_854 = arith.addi %add3A_813, %add3A_853 : i32
        %get3A_855 = arith.constant 800 : i32
        %get3A_856 = arith.constant 0 : i32
        %get3A_857 = tpu.memref_slice %arg6[%get3A_855, %get3A_856] : memref<1600x32xf32, #tpu.memory_space<vmem>> -> memref<400x32xf32, #tpu.memory_space<vmem>>
        %get3A_858 = arith.index_cast %add3A_854 : i32 to index
        %get3A_859 = arith.constant 0 : index
        %get3A_860 = tpu.vector_load %get3A_857[%get3A_858, %get3A_859] {strides = array<i32>} : memref<400x32xf32, #tpu.memory_space<vmem>>, vector<1x16xf32>,
        %get3A_861 = vector.shape_cast %get3A_860 : vector<1x16xf32> to vector<16xf32>
        %add3A_862 = arith.addf %scan3A_806, %get3A_861 : vector<16xf32>
        %add3A_863 = arith.constant 2 : i32
        %add3A_864 = arith.addi %add3A_813, %add3A_863 : i32
        %get3A_865 = arith.constant 800 : i32
        %get3A_866 = arith.constant 0 : i32
        %get3A_867 = tpu.memref_slice %arg6[%get3A_865, %get3A_866] : memref<1600x32xf32, #tpu.memory_space<vmem>> -> memref<400x32xf32, #tpu.memory_space<vmem>>
        %get3A_868 = arith.index_cast %add3A_864 : i32 to index
        %get3A_869 = arith.constant 16 : index
        %get3A_870 = tpu.vector_load %get3A_867[%get3A_868, %get3A_869] {strides = array<i32>} : memref<400x32xf32, #tpu.memory_space<vmem>>, vector<1x16xf32>,
        %get3A_871 = vector.shape_cast %get3A_870 : vector<1x16xf32> to vector<16xf32>
        %add3A_872 = arith.addf %scan3A_807, %get3A_871 : vector<16xf32>
        %add3A_873 = arith.constant 3 : i32
        %add3A_874 = arith.addi %add3A_813, %add3A_873 : i32
        %get3A_875 = arith.constant 800 : i32
        %get3A_876 = arith.constant 0 : i32
        %get3A_877 = tpu.memref_slice %arg6[%get3A_875, %get3A_876] : memref<1600x32xf32, #tpu.memory_space<vmem>> -> memref<400x32xf32, #tpu.memory_space<vmem>>
        %get3A_878 = arith.index_cast %add3A_874 : i32 to index
        %get3A_879 = arith.constant 0 : index
        %get3A_880 = tpu.vector_load %get3A_877[%get3A_878, %get3A_879] {strides = array<i32>} : memref<400x32xf32, #tpu.memory_space<vmem>>, vector<1x16xf32>,
        %get3A_881 = vector.shape_cast %get3A_880 : vector<1x16xf32> to vector<16xf32>
        %add3A_882 = arith.addf %scan3A_808, %get3A_881 : vector<16xf32>
        %add3A_883 = arith.constant 3 : i32
        %add3A_884 = arith.addi %add3A_813, %add3A_883 : i32
        %get3A_885 = arith.constant 800 : i32
        %get3A_886 = arith.constant 0 : i32
        %get3A_887 = tpu.memref_slice %arg6[%get3A_885, %get3A_886] : memref<1600x32xf32, #tpu.memory_space<vmem>> -> memref<400x32xf32, #tpu.memory_space<vmem>>
        %get3A_888 = arith.index_cast %add3A_884 : i32 to index
        %get3A_889 = arith.constant 16 : index
        %get3A_890 = tpu.vector_load %get3A_887[%get3A_888, %get3A_889] {strides = array<i32>} : memref<400x32xf32, #tpu.memory_space<vmem>>, vector<1x16xf32>,
        %get3A_891 = vector.shape_cast %get3A_890 : vector<1x16xf32> to vector<16xf32>
        %add3A_892 = arith.addf %scan3A_809, %get3A_891 : vector<16xf32>
        %add3A_893 = arith.constant 4 : i32
        %add3A_894 = arith.addi %add3A_813, %add3A_893 : i32
        %get3A_895 = arith.constant 800 : i32
        %get3A_896 = arith.constant 0 : i32
        %get3A_897 = tpu.memref_slice %arg6[%get3A_895, %get3A_896] : memref<1600x32xf32, #tpu.memory_space<vmem>> -> memref<400x32xf32, #tpu.memory_space<vmem>>
        %get3A_898 = arith.index_cast %add3A_894 : i32 to index
        %get3A_899 = arith.constant 0 : index
        %get3A_900 = tpu.vector_load %get3A_897[%get3A_898, %get3A_899] {strides = array<i32>} : memref<400x32xf32, #tpu.memory_space<vmem>>, vector<1x16xf32>,
        %get3A_901 = vector.shape_cast %get3A_900 : vector<1x16xf32> to vector<16xf32>
        %add3A_902 = arith.addf %add3A_822, %get3A_901 : vector<16xf32>
        %add3A_903 = arith.constant 4 : i32
        %add3A_904 = arith.addi %add3A_813, %add3A_903 : i32
        %get3A_905 = arith.constant 800 : i32
        %get3A_906 = arith.constant 0 : i32
        %get3A_907 = tpu.memref_slice %arg6[%get3A_905, %get3A_906] : memref<1600x32xf32, #tpu.memory_space<vmem>> -> memref<400x32xf32, #tpu.memory_space<vmem>>
        %get3A_908 = arith.index_cast %add3A_904 : i32 to index
        %get3A_909 = arith.constant 16 : index
        %get3A_910 = tpu.vector_load %get3A_907[%get3A_908, %get3A_909] {strides = array<i32>} : memref<400x32xf32, #tpu.memory_space<vmem>>, vector<1x16xf32>,
        %get3A_911 = vector.shape_cast %get3A_910 : vector<1x16xf32> to vector<16xf32>
        %add3A_912 = arith.addf %add3A_832, %get3A_911 : vector<16xf32>
        %add3A_913 = arith.constant 5 : i32
        %add3A_914 = arith.addi %add3A_813, %add3A_913 : i32
        %get3A_915 = arith.constant 800 : i32
        %get3A_916 = arith.constant 0 : i32
        %get3A_917 = tpu.memref_slice %arg6[%get3A_915, %get3A_916] : memref<1600x32xf32, #tpu.memory_space<vmem>> -> memref<400x32xf32, #tpu.memory_space<vmem>>
        %get3A_918 = arith.index_cast %add3A_914 : i32 to index
        %get3A_919 = arith.constant 0 : index
        %get3A_920 = tpu.vector_load %get3A_917[%get3A_918, %get3A_919] {strides = array<i32>} : memref<400x32xf32, #tpu.memory_space<vmem>>, vector<1x16xf32>,
        %get3A_921 = vector.shape_cast %get3A_920 : vector<1x16xf32> to vector<16xf32>
        %add3A_922 = arith.addf %add3A_842, %get3A_921 : vector<16xf32>
        %add3A_923 = arith.constant 5 : i32
        %add3A_924 = arith.addi %add3A_813, %add3A_923 : i32
        %get3A_925 = arith.constant 800 : i32
        %get3A_926 = arith.constant 0 : i32
        %get3A_927 = tpu.memref_slice %arg6[%get3A_925, %get3A_926] : memref<1600x32xf32, #tpu.memory_space<vmem>> -> memref<400x32xf32, #tpu.memory_space<vmem>>
        %get3A_928 = arith.index_cast %add3A_924 : i32 to index
        %get3A_929 = arith.constant 16 : index
        %get3A_930 = tpu.vector_load %get3A_927[%get3A_928, %get3A_929] {strides = array<i32>} : memref<400x32xf32, #tpu.memory_space<vmem>>, vector<1x16xf32>,
        %get3A_931 = vector.shape_cast %get3A_930 : vector<1x16xf32> to vector<16xf32>
        %add3A_932 = arith.addf %add3A_852, %get3A_931 : vector<16xf32>
        %add3A_933 = arith.constant 6 : i32
        %add3A_934 = arith.addi %add3A_813, %add3A_933 : i32
        %get3A_935 = arith.constant 800 : i32
        %get3A_936 = arith.constant 0 : i32
        %get3A_937 = tpu.memref_slice %arg6[%get3A_935, %get3A_936] : memref<1600x32xf32, #tpu.memory_space<vmem>> -> memref<400x32xf32, #tpu.memory_space<vmem>>
        %get3A_938 = arith.index_cast %add3A_934 : i32 to index
        %get3A_939 = arith.constant 0 : index
        %get3A_940 = tpu.vector_load %get3A_937[%get3A_938, %get3A_939] {strides = array<i32>} : memref<400x32xf32, #tpu.memory_space<vmem>>, vector<1x16xf32>,
        %get3A_941 = vector.shape_cast %get3A_940 : vector<1x16xf32> to vector<16xf32>
        %add3A_942 = arith.addf %add3A_862, %get3A_941 : vector<16xf32>
        %add3A_943 = arith.constant 6 : i32
        %add3A_944 = arith.addi %add3A_813, %add3A_943 : i32
        %get3A_945 = arith.constant 800 : i32
        %get3A_946 = arith.constant 0 : i32
        %get3A_947 = tpu.memref_slice %arg6[%get3A_945, %get3A_946] : memref<1600x32xf32, #tpu.memory_space<vmem>> -> memref<400x32xf32, #tpu.memory_space<vmem>>
        %get3A_948 = arith.index_cast %add3A_944 : i32 to index
        %get3A_949 = arith.constant 16 : index
        %get3A_950 = tpu.vector_load %get3A_947[%get3A_948, %get3A_949] {strides = array<i32>} : memref<400x32xf32, #tpu.memory_space<vmem>>, vector<1x16xf32>,
        %get3A_951 = vector.shape_cast %get3A_950 : vector<1x16xf32> to vector<16xf32>
        %add3A_952 = arith.addf %add3A_872, %get3A_951 : vector<16xf32>
        %add3A_953 = arith.constant 7 : i32
        %add3A_954 = arith.addi %add3A_813, %add3A_953 : i32
        %get3A_955 = arith.constant 800 : i32
        %get3A_956 = arith.constant 0 : i32
        %get3A_957 = tpu.memref_slice %arg6[%get3A_955, %get3A_956] : memref<1600x32xf32, #tpu.memory_space<vmem>> -> memref<400x32xf32, #tpu.memory_space<vmem>>
        %get3A_958 = arith.index_cast %add3A_954 : i32 to index
        %get3A_959 = arith.constant 0 : index
        %get3A_960 = tpu.vector_load %get3A_957[%get3A_958, %get3A_959] {strides = array<i32>} : memref<400x32xf32, #tpu.memory_space<vmem>>, vector<1x16xf32>,
        %get3A_961 = vector.shape_cast %get3A_960 : vector<1x16xf32> to vector<16xf32>
        %add3A_962 = arith.addf %add3A_882, %get3A_961 : vector<16xf32>
        %add3A_963 = arith.constant 7 : i32
        %add3A_964 = arith.addi %add3A_813, %add3A_963 : i32
        %get3A_965 = arith.constant 800 : i32
        %get3A_966 = arith.constant 0 : i32
        %get3A_967 = tpu.memref_slice %arg6[%get3A_965, %get3A_966] : memref<1600x32xf32, #tpu.memory_space<vmem>> -> memref<400x32xf32, #tpu.memory_space<vmem>>
        %get3A_968 = arith.index_cast %add3A_964 : i32 to index
        %get3A_969 = arith.constant 16 : index
        %get3A_970 = tpu.vector_load %get3A_967[%get3A_968, %get3A_969] {strides = array<i32>} : memref<400x32xf32, #tpu.memory_space<vmem>>, vector<1x16xf32>,
        %get3A_971 = vector.shape_cast %get3A_970 : vector<1x16xf32> to vector<16xf32>
        %add3A_972 = arith.addf %add3A_892, %get3A_971 : vector<16xf32>
        scf.yield %add3A_902, %add3A_912, %add3A_922, %add3A_932, %add3A_942, %add3A_952, %add3A_962, %add3A_972 : vector<16xf32>, vector<16xf32>, vector<16xf32>, vector<16xf32>, vector<16xf32>, vector<16xf32>, vector<16xf32>, vector<16xf32>
      }
      %scan3A_404 = arith.constant 25 : i32
      %add3A_405 = arith.addf %scan3A_403#0, %scan3A_403#2 : vector<16xf32>
      %add3A_406 = arith.addf %scan3A_403#4, %scan3A_403#6 : vector<16xf32>
      %add3A_407 = arith.addf %add3A_405, %add3A_406 : vector<16xf32>
      %add3A_408 = arith.constant 1 : i32
      %add3A_409 = arith.addi %add3A_368, %add3A_408 : i32
      %swap3A_410 = arith.index_cast %add3A_409 : i32 to index
      %swap3A_411 = arith.constant 0 : index
      %swap3A_412 = tpu.vector_load %arg8[%swap3A_410, %swap3A_411] {strides = array<i32>} : memref<512x32xf32, #tpu.memory_space<vmem>>, vector<1x16xf32>,
      %swap3A_413 = vector.shape_cast %swap3A_412 : vector<1x16xf32> to vector<16xf32>
      %swap3A_414 = vector.shape_cast %add3A_407 : vector<16xf32> to vector<1x16xf32>
      tpu.vector_store %arg8[%swap3A_410, %swap3A_411], %swap3A_414 {strides = array<i32>} : memref<512x32xf32, #tpu.memory_space<vmem>>, vector<1x16xf32>,
      %add3A_415 = arith.addf %scan3A_403#1, %scan3A_403#3 : vector<16xf32>
      %add3A_416 = arith.addf %scan3A_403#5, %scan3A_403#7 : vector<16xf32>
      %add3A_417 = arith.addf %add3A_415, %add3A_416 : vector<16xf32>
      %add3A_418 = arith.constant 1 : i32
      %add3A_419 = arith.addi %add3A_368, %add3A_418 : i32
      %swap3A_420 = arith.index_cast %add3A_419 : i32 to index
      %swap3A_421 = arith.constant 16 : index
      %swap3A_422 = tpu.vector_load %arg8[%swap3A_420, %swap3A_421] {strides = array<i32>} : memref<512x32xf32, #tpu.memory_space<vmem>>, vector<1x16xf32>,
      %swap3A_423 = vector.shape_cast %swap3A_422 : vector<1x16xf32> to vector<16xf32>
      %swap3A_424 = vector.shape_cast %add3A_417 : vector<16xf32> to vector<1x16xf32>
      tpu.vector_store %arg8[%swap3A_420, %swap3A_421], %swap3A_424 {strides = array<i32>} : memref<512x32xf32, #tpu.memory_space<vmem>>, vector<1x16xf32>,
      %dma_wait3A_425 = arith.constant 1200 : i32
      %dma_wait3A_426 = arith.constant 0 : i32
      %dma_wait3A_427 = tpu.memref_slice %arg6[%dma_wait3A_425, %dma_wait3A_426] : memref<1600x32xf32, #tpu.memory_space<vmem>> -> memref<400x32xf32, #tpu.memory_space<vmem>>
      %dma_wait3A_428 = arith.constant 0 : i32
      %dma_wait3A_429 = arith.constant 0 : i32
      %dma_wait3A_430 = tpu.memref_slice %arg3[%dma_wait3A_428, %dma_wait3A_429] : memref<1000000x32xf32, #tpu.memory_space<hbm>> -> memref<400x32xf32, #tpu.memory_space<hbm>>
      %dma_wait3A_431 = arith.constant 1200 : i32
      %dma_wait3A_432 = arith.constant 0 : i32
      %dma_wait3A_433 = tpu.memref_slice %arg6[%dma_wait3A_431, %dma_wait3A_432] : memref<1600x32xf32, #tpu.memory_space<vmem>> -> memref<400x32xf32, #tpu.memory_space<vmem>>
      %dma_wait3A_434 = arith.constant 0 : i32
      %dma_wait3A_435 = arith.constant 0 : i32
      %dma_wait3A_436 = tpu.memref_slice %arg3[%dma_wait3A_434, %dma_wait3A_435] : memref<1000000x32xf32, #tpu.memory_space<hbm>> -> memref<400x32xf32, #tpu.memory_space<hbm>>
      tpu.wait_dma2 semaphore(%arg9 : memref<!tpu.dma_semaphore, #tpu.memory_space<semaphore_mem>>) src(%dma_wait3A_436 : memref<400x32xf32, #tpu.memory_space<hbm>>) dst(%dma_wait3A_433 : memref<400x32xf32, #tpu.memory_space<vmem>>)
      %mul3A_437 = arith.constant 8 : i32
      %mul3A_438 = arith.muli %mul3A_202, %mul3A_437 : i32
      %add3A_439 = arith.constant 6 : i32
      %add3A_440 = arith.addi %mul3A_438, %add3A_439 : i32
      %broadcast_in_dim3A_441 = arith.constant 0.000000e+00 : f32
      %broadcast_in_dim3A_442 = vector.broadcast %broadcast_in_dim3A_441 : f32 to vector<16xf32>
      %scan3A_443 = arith.constant 0 : i32
      %scan3A_444 = arith.constant 25 : i32
      %scan3A_445 = arith.addi %scan3A_443, %scan3A_444 : i32
      %scan3A_446 = arith.constant 1 : i32
      %scan3A_447:8 = scf.for %scan3A_801 = %scan3A_443 to %scan3A_445 step %scan3A_446 iter_args(%scan3A_802 = %broadcast_in_dim3A_442, %scan3A_803 = %broadcast_in_dim3A_442, %scan3A_804 = %broadcast_in_dim3A_442, %scan3A_805 = %broadcast_in_dim3A_442, %scan3A_806 = %broadcast_in_dim3A_442, %scan3A_807 = %broadcast_in_dim3A_442, %scan3A_808 = %broadcast_in_dim3A_442, %scan3A_809 = %broadcast_in_dim3A_442) -> (vector<16xf32>, vector<16xf32>, vector<16xf32>, vector<16xf32>, vector<16xf32>, vector<16xf32>, vector<16xf32>, vector<16xf32>)  : i32 {
        %mul3A_810 = arith.constant 8 : i32
        %mul3A_811 = arith.muli %scan3A_801, %mul3A_810 : i32
        %add3A_812 = arith.constant 0 : i32
        %add3A_813 = arith.addi %add3A_812, %mul3A_811 : i32
        %add3A_814 = arith.constant 0 : i32
        %add3A_815 = arith.addi %add3A_813, %add3A_814 : i32
        %get3A = arith.constant 1200 : i32
        %get3A_816 = arith.constant 0 : i32
        %get3A_817 = tpu.memref_slice %arg6[%get3A, %get3A_816] : memref<1600x32xf32, #tpu.memory_space<vmem>> -> memref<400x32xf32, #tpu.memory_space<vmem>>
        %get3A_818 = arith.index_cast %add3A_815 : i32 to index
        %get3A_819 = arith.constant 0 : index
        %get3A_820 = tpu.vector_load %get3A_817[%get3A_818, %get3A_819] {strides = array<i32>} : memref<400x32xf32, #tpu.memory_space<vmem>>, vector<1x16xf32>,
        %get3A_821 = vector.shape_cast %get3A_820 : vector<1x16xf32> to vector<16xf32>
        %add3A_822 = arith.addf %scan3A_802, %get3A_821 : vector<16xf32>
        %add3A_823 = arith.constant 0 : i32
        %add3A_824 = arith.addi %add3A_813, %add3A_823 : i32
        %get3A_825 = arith.constant 1200 : i32
        %get3A_826 = arith.constant 0 : i32
        %get3A_827 = tpu.memref_slice %arg6[%get3A_825, %get3A_826] : memref<1600x32xf32, #tpu.memory_space<vmem>> -> memref<400x32xf32, #tpu.memory_space<vmem>>
        %get3A_828 = arith.index_cast %add3A_824 : i32 to index
        %get3A_829 = arith.constant 16 : index
        %get3A_830 = tpu.vector_load %get3A_827[%get3A_828, %get3A_829] {strides = array<i32>} : memref<400x32xf32, #tpu.memory_space<vmem>>, vector<1x16xf32>,
        %get3A_831 = vector.shape_cast %get3A_830 : vector<1x16xf32> to vector<16xf32>
        %add3A_832 = arith.addf %scan3A_803, %get3A_831 : vector<16xf32>
        %add3A_833 = arith.constant 1 : i32
        %add3A_834 = arith.addi %add3A_813, %add3A_833 : i32
        %get3A_835 = arith.constant 1200 : i32
        %get3A_836 = arith.constant 0 : i32
        %get3A_837 = tpu.memref_slice %arg6[%get3A_835, %get3A_836] : memref<1600x32xf32, #tpu.memory_space<vmem>> -> memref<400x32xf32, #tpu.memory_space<vmem>>
        %get3A_838 = arith.index_cast %add3A_834 : i32 to index
        %get3A_839 = arith.constant 0 : index
        %get3A_840 = tpu.vector_load %get3A_837[%get3A_838, %get3A_839] {strides = array<i32>} : memref<400x32xf32, #tpu.memory_space<vmem>>, vector<1x16xf32>,
        %get3A_841 = vector.shape_cast %get3A_840 : vector<1x16xf32> to vector<16xf32>
        %add3A_842 = arith.addf %scan3A_804, %get3A_841 : vector<16xf32>
        %add3A_843 = arith.constant 1 : i32
        %add3A_844 = arith.addi %add3A_813, %add3A_843 : i32
        %get3A_845 = arith.constant 1200 : i32
        %get3A_846 = arith.constant 0 : i32
        %get3A_847 = tpu.memref_slice %arg6[%get3A_845, %get3A_846] : memref<1600x32xf32, #tpu.memory_space<vmem>> -> memref<400x32xf32, #tpu.memory_space<vmem>>
        %get3A_848 = arith.index_cast %add3A_844 : i32 to index
        %get3A_849 = arith.constant 16 : index
        %get3A_850 = tpu.vector_load %get3A_847[%get3A_848, %get3A_849] {strides = array<i32>} : memref<400x32xf32, #tpu.memory_space<vmem>>, vector<1x16xf32>,
        %get3A_851 = vector.shape_cast %get3A_850 : vector<1x16xf32> to vector<16xf32>
        %add3A_852 = arith.addf %scan3A_805, %get3A_851 : vector<16xf32>
        %add3A_853 = arith.constant 2 : i32
        %add3A_854 = arith.addi %add3A_813, %add3A_853 : i32
        %get3A_855 = arith.constant 1200 : i32
        %get3A_856 = arith.constant 0 : i32
        %get3A_857 = tpu.memref_slice %arg6[%get3A_855, %get3A_856] : memref<1600x32xf32, #tpu.memory_space<vmem>> -> memref<400x32xf32, #tpu.memory_space<vmem>>
        %get3A_858 = arith.index_cast %add3A_854 : i32 to index
        %get3A_859 = arith.constant 0 : index
        %get3A_860 = tpu.vector_load %get3A_857[%get3A_858, %get3A_859] {strides = array<i32>} : memref<400x32xf32, #tpu.memory_space<vmem>>, vector<1x16xf32>,
        %get3A_861 = vector.shape_cast %get3A_860 : vector<1x16xf32> to vector<16xf32>
        %add3A_862 = arith.addf %scan3A_806, %get3A_861 : vector<16xf32>
        %add3A_863 = arith.constant 2 : i32
        %add3A_864 = arith.addi %add3A_813, %add3A_863 : i32
        %get3A_865 = arith.constant 1200 : i32
        %get3A_866 = arith.constant 0 : i32
        %get3A_867 = tpu.memref_slice %arg6[%get3A_865, %get3A_866] : memref<1600x32xf32, #tpu.memory_space<vmem>> -> memref<400x32xf32, #tpu.memory_space<vmem>>
        %get3A_868 = arith.index_cast %add3A_864 : i32 to index
        %get3A_869 = arith.constant 16 : index
        %get3A_870 = tpu.vector_load %get3A_867[%get3A_868, %get3A_869] {strides = array<i32>} : memref<400x32xf32, #tpu.memory_space<vmem>>, vector<1x16xf32>,
        %get3A_871 = vector.shape_cast %get3A_870 : vector<1x16xf32> to vector<16xf32>
        %add3A_872 = arith.addf %scan3A_807, %get3A_871 : vector<16xf32>
        %add3A_873 = arith.constant 3 : i32
        %add3A_874 = arith.addi %add3A_813, %add3A_873 : i32
        %get3A_875 = arith.constant 1200 : i32
        %get3A_876 = arith.constant 0 : i32
        %get3A_877 = tpu.memref_slice %arg6[%get3A_875, %get3A_876] : memref<1600x32xf32, #tpu.memory_space<vmem>> -> memref<400x32xf32, #tpu.memory_space<vmem>>
        %get3A_878 = arith.index_cast %add3A_874 : i32 to index
        %get3A_879 = arith.constant 0 : index
        %get3A_880 = tpu.vector_load %get3A_877[%get3A_878, %get3A_879] {strides = array<i32>} : memref<400x32xf32, #tpu.memory_space<vmem>>, vector<1x16xf32>,
        %get3A_881 = vector.shape_cast %get3A_880 : vector<1x16xf32> to vector<16xf32>
        %add3A_882 = arith.addf %scan3A_808, %get3A_881 : vector<16xf32>
        %add3A_883 = arith.constant 3 : i32
        %add3A_884 = arith.addi %add3A_813, %add3A_883 : i32
        %get3A_885 = arith.constant 1200 : i32
        %get3A_886 = arith.constant 0 : i32
        %get3A_887 = tpu.memref_slice %arg6[%get3A_885, %get3A_886] : memref<1600x32xf32, #tpu.memory_space<vmem>> -> memref<400x32xf32, #tpu.memory_space<vmem>>
        %get3A_888 = arith.index_cast %add3A_884 : i32 to index
        %get3A_889 = arith.constant 16 : index
        %get3A_890 = tpu.vector_load %get3A_887[%get3A_888, %get3A_889] {strides = array<i32>} : memref<400x32xf32, #tpu.memory_space<vmem>>, vector<1x16xf32>,
        %get3A_891 = vector.shape_cast %get3A_890 : vector<1x16xf32> to vector<16xf32>
        %add3A_892 = arith.addf %scan3A_809, %get3A_891 : vector<16xf32>
        %add3A_893 = arith.constant 4 : i32
        %add3A_894 = arith.addi %add3A_813, %add3A_893 : i32
        %get3A_895 = arith.constant 1200 : i32
        %get3A_896 = arith.constant 0 : i32
        %get3A_897 = tpu.memref_slice %arg6[%get3A_895, %get3A_896] : memref<1600x32xf32, #tpu.memory_space<vmem>> -> memref<400x32xf32, #tpu.memory_space<vmem>>
        %get3A_898 = arith.index_cast %add3A_894 : i32 to index
        %get3A_899 = arith.constant 0 : index
        %get3A_900 = tpu.vector_load %get3A_897[%get3A_898, %get3A_899] {strides = array<i32>} : memref<400x32xf32, #tpu.memory_space<vmem>>, vector<1x16xf32>,
        %get3A_901 = vector.shape_cast %get3A_900 : vector<1x16xf32> to vector<16xf32>
        %add3A_902 = arith.addf %add3A_822, %get3A_901 : vector<16xf32>
        %add3A_903 = arith.constant 4 : i32
        %add3A_904 = arith.addi %add3A_813, %add3A_903 : i32
        %get3A_905 = arith.constant 1200 : i32
        %get3A_906 = arith.constant 0 : i32
        %get3A_907 = tpu.memref_slice %arg6[%get3A_905, %get3A_906] : memref<1600x32xf32, #tpu.memory_space<vmem>> -> memref<400x32xf32, #tpu.memory_space<vmem>>
        %get3A_908 = arith.index_cast %add3A_904 : i32 to index
        %get3A_909 = arith.constant 16 : index
        %get3A_910 = tpu.vector_load %get3A_907[%get3A_908, %get3A_909] {strides = array<i32>} : memref<400x32xf32, #tpu.memory_space<vmem>>, vector<1x16xf32>,
        %get3A_911 = vector.shape_cast %get3A_910 : vector<1x16xf32> to vector<16xf32>
        %add3A_912 = arith.addf %add3A_832, %get3A_911 : vector<16xf32>
        %add3A_913 = arith.constant 5 : i32
        %add3A_914 = arith.addi %add3A_813, %add3A_913 : i32
        %get3A_915 = arith.constant 1200 : i32
        %get3A_916 = arith.constant 0 : i32
        %get3A_917 = tpu.memref_slice %arg6[%get3A_915, %get3A_916] : memref<1600x32xf32, #tpu.memory_space<vmem>> -> memref<400x32xf32, #tpu.memory_space<vmem>>
        %get3A_918 = arith.index_cast %add3A_914 : i32 to index
        %get3A_919 = arith.constant 0 : index
        %get3A_920 = tpu.vector_load %get3A_917[%get3A_918, %get3A_919] {strides = array<i32>} : memref<400x32xf32, #tpu.memory_space<vmem>>, vector<1x16xf32>,
        %get3A_921 = vector.shape_cast %get3A_920 : vector<1x16xf32> to vector<16xf32>
        %add3A_922 = arith.addf %add3A_842, %get3A_921 : vector<16xf32>
        %add3A_923 = arith.constant 5 : i32
        %add3A_924 = arith.addi %add3A_813, %add3A_923 : i32
        %get3A_925 = arith.constant 1200 : i32
        %get3A_926 = arith.constant 0 : i32
        %get3A_927 = tpu.memref_slice %arg6[%get3A_925, %get3A_926] : memref<1600x32xf32, #tpu.memory_space<vmem>> -> memref<400x32xf32, #tpu.memory_space<vmem>>
        %get3A_928 = arith.index_cast %add3A_924 : i32 to index
        %get3A_929 = arith.constant 16 : index
        %get3A_930 = tpu.vector_load %get3A_927[%get3A_928, %get3A_929] {strides = array<i32>} : memref<400x32xf32, #tpu.memory_space<vmem>>, vector<1x16xf32>,
        %get3A_931 = vector.shape_cast %get3A_930 : vector<1x16xf32> to vector<16xf32>
        %add3A_932 = arith.addf %add3A_852, %get3A_931 : vector<16xf32>
        %add3A_933 = arith.constant 6 : i32
        %add3A_934 = arith.addi %add3A_813, %add3A_933 : i32
        %get3A_935 = arith.constant 1200 : i32
        %get3A_936 = arith.constant 0 : i32
        %get3A_937 = tpu.memref_slice %arg6[%get3A_935, %get3A_936] : memref<1600x32xf32, #tpu.memory_space<vmem>> -> memref<400x32xf32, #tpu.memory_space<vmem>>
        %get3A_938 = arith.index_cast %add3A_934 : i32 to index
        %get3A_939 = arith.constant 0 : index
        %get3A_940 = tpu.vector_load %get3A_937[%get3A_938, %get3A_939] {strides = array<i32>} : memref<400x32xf32, #tpu.memory_space<vmem>>, vector<1x16xf32>,
        %get3A_941 = vector.shape_cast %get3A_940 : vector<1x16xf32> to vector<16xf32>
        %add3A_942 = arith.addf %add3A_862, %get3A_941 : vector<16xf32>
        %add3A_943 = arith.constant 6 : i32
        %add3A_944 = arith.addi %add3A_813, %add3A_943 : i32
        %get3A_945 = arith.constant 1200 : i32
        %get3A_946 = arith.constant 0 : i32
        %get3A_947 = tpu.memref_slice %arg6[%get3A_945, %get3A_946] : memref<1600x32xf32, #tpu.memory_space<vmem>> -> memref<400x32xf32, #tpu.memory_space<vmem>>
        %get3A_948 = arith.index_cast %add3A_944 : i32 to index
        %get3A_949 = arith.constant 16 : index
        %get3A_950 = tpu.vector_load %get3A_947[%get3A_948, %get3A_949] {strides = array<i32>} : memref<400x32xf32, #tpu.memory_space<vmem>>, vector<1x16xf32>,
        %get3A_951 = vector.shape_cast %get3A_950 : vector<1x16xf32> to vector<16xf32>
        %add3A_952 = arith.addf %add3A_872, %get3A_951 : vector<16xf32>
        %add3A_953 = arith.constant 7 : i32
        %add3A_954 = arith.addi %add3A_813, %add3A_953 : i32
        %get3A_955 = arith.constant 1200 : i32
        %get3A_956 = arith.constant 0 : i32
        %get3A_957 = tpu.memref_slice %arg6[%get3A_955, %get3A_956] : memref<1600x32xf32, #tpu.memory_space<vmem>> -> memref<400x32xf32, #tpu.memory_space<vmem>>
        %get3A_958 = arith.index_cast %add3A_954 : i32 to index
        %get3A_959 = arith.constant 0 : index
        %get3A_960 = tpu.vector_load %get3A_957[%get3A_958, %get3A_959] {strides = array<i32>} : memref<400x32xf32, #tpu.memory_space<vmem>>, vector<1x16xf32>,
        %get3A_961 = vector.shape_cast %get3A_960 : vector<1x16xf32> to vector<16xf32>
        %add3A_962 = arith.addf %add3A_882, %get3A_961 : vector<16xf32>
        %add3A_963 = arith.constant 7 : i32
        %add3A_964 = arith.addi %add3A_813, %add3A_963 : i32
        %get3A_965 = arith.constant 1200 : i32
        %get3A_966 = arith.constant 0 : i32
        %get3A_967 = tpu.memref_slice %arg6[%get3A_965, %get3A_966] : memref<1600x32xf32, #tpu.memory_space<vmem>> -> memref<400x32xf32, #tpu.memory_space<vmem>>
        %get3A_968 = arith.index_cast %add3A_964 : i32 to index
        %get3A_969 = arith.constant 16 : index
        %get3A_970 = tpu.vector_load %get3A_967[%get3A_968, %get3A_969] {strides = array<i32>} : memref<400x32xf32, #tpu.memory_space<vmem>>, vector<1x16xf32>,
        %get3A_971 = vector.shape_cast %get3A_970 : vector<1x16xf32> to vector<16xf32>
        %add3A_972 = arith.addf %add3A_892, %get3A_971 : vector<16xf32>
        scf.yield %add3A_902, %add3A_912, %add3A_922, %add3A_932, %add3A_942, %add3A_952, %add3A_962, %add3A_972 : vector<16xf32>, vector<16xf32>, vector<16xf32>, vector<16xf32>, vector<16xf32>, vector<16xf32>, vector<16xf32>, vector<16xf32>
      }
      %scan3A_448 = arith.constant 25 : i32
      %add3A_449 = arith.addf %scan3A_447#0, %scan3A_447#2 : vector<16xf32>
      %add3A_450 = arith.addf %scan3A_447#4, %scan3A_447#6 : vector<16xf32>
      %add3A_451 = arith.addf %add3A_449, %add3A_450 : vector<16xf32>
      %add3A_452 = arith.constant 0 : i32
      %add3A_453 = arith.addi %add3A_440, %add3A_452 : i32
      %swap3A_454 = arith.index_cast %add3A_453 : i32 to index
      %swap3A_455 = arith.constant 0 : index
      %swap3A_456 = tpu.vector_load %arg8[%swap3A_454, %swap3A_455] {strides = array<i32>} : memref<512x32xf32, #tpu.memory_space<vmem>>, vector<1x16xf32>,
      %swap3A_457 = vector.shape_cast %swap3A_456 : vector<1x16xf32> to vector<16xf32>
      %swap3A_458 = vector.shape_cast %add3A_451 : vector<16xf32> to vector<1x16xf32>
      tpu.vector_store %arg8[%swap3A_454, %swap3A_455], %swap3A_458 {strides = array<i32>} : memref<512x32xf32, #tpu.memory_space<vmem>>, vector<1x16xf32>,
      %add3A_459 = arith.addf %scan3A_447#1, %scan3A_447#3 : vector<16xf32>
      %add3A_460 = arith.addf %scan3A_447#5, %scan3A_447#7 : vector<16xf32>
      %add3A_461 = arith.addf %add3A_459, %add3A_460 : vector<16xf32>
      %add3A_462 = arith.constant 0 : i32
      %add3A_463 = arith.addi %add3A_440, %add3A_462 : i32
      %swap3A_464 = arith.index_cast %add3A_463 : i32 to index
      %swap3A_465 = arith.constant 16 : index
      %swap3A_466 = tpu.vector_load %arg8[%swap3A_464, %swap3A_465] {strides = array<i32>} : memref<512x32xf32, #tpu.memory_space<vmem>>, vector<1x16xf32>,
      %swap3A_467 = vector.shape_cast %swap3A_466 : vector<1x16xf32> to vector<16xf32>
      %swap3A_468 = vector.shape_cast %add3A_461 : vector<16xf32> to vector<1x16xf32>
      tpu.vector_store %arg8[%swap3A_464, %swap3A_465], %swap3A_468 {strides = array<i32>} : memref<512x32xf32, #tpu.memory_space<vmem>>, vector<1x16xf32>,
      %broadcast_in_dim3A_469 = arith.constant 0.000000e+00 : f32
      %broadcast_in_dim3A_470 = vector.broadcast %broadcast_in_dim3A_469 : f32 to vector<16xf32>
      %scan3A_471 = arith.constant 0 : i32
      %scan3A_472 = arith.constant 25 : i32
      %scan3A_473 = arith.addi %scan3A_471, %scan3A_472 : i32
      %scan3A_474 = arith.constant 1 : i32
      %scan3A_475:8 = scf.for %scan3A_801 = %scan3A_471 to %scan3A_473 step %scan3A_474 iter_args(%scan3A_802 = %broadcast_in_dim3A_470, %scan3A_803 = %broadcast_in_dim3A_470, %scan3A_804 = %broadcast_in_dim3A_470, %scan3A_805 = %broadcast_in_dim3A_470, %scan3A_806 = %broadcast_in_dim3A_470, %scan3A_807 = %broadcast_in_dim3A_470, %scan3A_808 = %broadcast_in_dim3A_470, %scan3A_809 = %broadcast_in_dim3A_470) -> (vector<16xf32>, vector<16xf32>, vector<16xf32>, vector<16xf32>, vector<16xf32>, vector<16xf32>, vector<16xf32>, vector<16xf32>)  : i32 {
        %mul3A_810 = arith.constant 8 : i32
        %mul3A_811 = arith.muli %scan3A_801, %mul3A_810 : i32
        %add3A_812 = arith.constant 200 : i32
        %add3A_813 = arith.addi %add3A_812, %mul3A_811 : i32
        %add3A_814 = arith.constant 0 : i32
        %add3A_815 = arith.addi %add3A_813, %add3A_814 : i32
        %get3A = arith.constant 1200 : i32
        %get3A_816 = arith.constant 0 : i32
        %get3A_817 = tpu.memref_slice %arg6[%get3A, %get3A_816] : memref<1600x32xf32, #tpu.memory_space<vmem>> -> memref<400x32xf32, #tpu.memory_space<vmem>>
        %get3A_818 = arith.index_cast %add3A_815 : i32 to index
        %get3A_819 = arith.constant 0 : index
        %get3A_820 = tpu.vector_load %get3A_817[%get3A_818, %get3A_819] {strides = array<i32>} : memref<400x32xf32, #tpu.memory_space<vmem>>, vector<1x16xf32>,
        %get3A_821 = vector.shape_cast %get3A_820 : vector<1x16xf32> to vector<16xf32>
        %add3A_822 = arith.addf %scan3A_802, %get3A_821 : vector<16xf32>
        %add3A_823 = arith.constant 0 : i32
        %add3A_824 = arith.addi %add3A_813, %add3A_823 : i32
        %get3A_825 = arith.constant 1200 : i32
        %get3A_826 = arith.constant 0 : i32
        %get3A_827 = tpu.memref_slice %arg6[%get3A_825, %get3A_826] : memref<1600x32xf32, #tpu.memory_space<vmem>> -> memref<400x32xf32, #tpu.memory_space<vmem>>
        %get3A_828 = arith.index_cast %add3A_824 : i32 to index
        %get3A_829 = arith.constant 16 : index
        %get3A_830 = tpu.vector_load %get3A_827[%get3A_828, %get3A_829] {strides = array<i32>} : memref<400x32xf32, #tpu.memory_space<vmem>>, vector<1x16xf32>,
        %get3A_831 = vector.shape_cast %get3A_830 : vector<1x16xf32> to vector<16xf32>
        %add3A_832 = arith.addf %scan3A_803, %get3A_831 : vector<16xf32>
        %add3A_833 = arith.constant 1 : i32
        %add3A_834 = arith.addi %add3A_813, %add3A_833 : i32
        %get3A_835 = arith.constant 1200 : i32
        %get3A_836 = arith.constant 0 : i32
        %get3A_837 = tpu.memref_slice %arg6[%get3A_835, %get3A_836] : memref<1600x32xf32, #tpu.memory_space<vmem>> -> memref<400x32xf32, #tpu.memory_space<vmem>>
        %get3A_838 = arith.index_cast %add3A_834 : i32 to index
        %get3A_839 = arith.constant 0 : index
        %get3A_840 = tpu.vector_load %get3A_837[%get3A_838, %get3A_839] {strides = array<i32>} : memref<400x32xf32, #tpu.memory_space<vmem>>, vector<1x16xf32>,
        %get3A_841 = vector.shape_cast %get3A_840 : vector<1x16xf32> to vector<16xf32>
        %add3A_842 = arith.addf %scan3A_804, %get3A_841 : vector<16xf32>
        %add3A_843 = arith.constant 1 : i32
        %add3A_844 = arith.addi %add3A_813, %add3A_843 : i32
        %get3A_845 = arith.constant 1200 : i32
        %get3A_846 = arith.constant 0 : i32
        %get3A_847 = tpu.memref_slice %arg6[%get3A_845, %get3A_846] : memref<1600x32xf32, #tpu.memory_space<vmem>> -> memref<400x32xf32, #tpu.memory_space<vmem>>
        %get3A_848 = arith.index_cast %add3A_844 : i32 to index
        %get3A_849 = arith.constant 16 : index
        %get3A_850 = tpu.vector_load %get3A_847[%get3A_848, %get3A_849] {strides = array<i32>} : memref<400x32xf32, #tpu.memory_space<vmem>>, vector<1x16xf32>,
        %get3A_851 = vector.shape_cast %get3A_850 : vector<1x16xf32> to vector<16xf32>
        %add3A_852 = arith.addf %scan3A_805, %get3A_851 : vector<16xf32>
        %add3A_853 = arith.constant 2 : i32
        %add3A_854 = arith.addi %add3A_813, %add3A_853 : i32
        %get3A_855 = arith.constant 1200 : i32
        %get3A_856 = arith.constant 0 : i32
        %get3A_857 = tpu.memref_slice %arg6[%get3A_855, %get3A_856] : memref<1600x32xf32, #tpu.memory_space<vmem>> -> memref<400x32xf32, #tpu.memory_space<vmem>>
        %get3A_858 = arith.index_cast %add3A_854 : i32 to index
        %get3A_859 = arith.constant 0 : index
        %get3A_860 = tpu.vector_load %get3A_857[%get3A_858, %get3A_859] {strides = array<i32>} : memref<400x32xf32, #tpu.memory_space<vmem>>, vector<1x16xf32>,
        %get3A_861 = vector.shape_cast %get3A_860 : vector<1x16xf32> to vector<16xf32>
        %add3A_862 = arith.addf %scan3A_806, %get3A_861 : vector<16xf32>
        %add3A_863 = arith.constant 2 : i32
        %add3A_864 = arith.addi %add3A_813, %add3A_863 : i32
        %get3A_865 = arith.constant 1200 : i32
        %get3A_866 = arith.constant 0 : i32
        %get3A_867 = tpu.memref_slice %arg6[%get3A_865, %get3A_866] : memref<1600x32xf32, #tpu.memory_space<vmem>> -> memref<400x32xf32, #tpu.memory_space<vmem>>
        %get3A_868 = arith.index_cast %add3A_864 : i32 to index
        %get3A_869 = arith.constant 16 : index
        %get3A_870 = tpu.vector_load %get3A_867[%get3A_868, %get3A_869] {strides = array<i32>} : memref<400x32xf32, #tpu.memory_space<vmem>>, vector<1x16xf32>,
        %get3A_871 = vector.shape_cast %get3A_870 : vector<1x16xf32> to vector<16xf32>
        %add3A_872 = arith.addf %scan3A_807, %get3A_871 : vector<16xf32>
        %add3A_873 = arith.constant 3 : i32
        %add3A_874 = arith.addi %add3A_813, %add3A_873 : i32
        %get3A_875 = arith.constant 1200 : i32
        %get3A_876 = arith.constant 0 : i32
        %get3A_877 = tpu.memref_slice %arg6[%get3A_875, %get3A_876] : memref<1600x32xf32, #tpu.memory_space<vmem>> -> memref<400x32xf32, #tpu.memory_space<vmem>>
        %get3A_878 = arith.index_cast %add3A_874 : i32 to index
        %get3A_879 = arith.constant 0 : index
        %get3A_880 = tpu.vector_load %get3A_877[%get3A_878, %get3A_879] {strides = array<i32>} : memref<400x32xf32, #tpu.memory_space<vmem>>, vector<1x16xf32>,
        %get3A_881 = vector.shape_cast %get3A_880 : vector<1x16xf32> to vector<16xf32>
        %add3A_882 = arith.addf %scan3A_808, %get3A_881 : vector<16xf32>
        %add3A_883 = arith.constant 3 : i32
        %add3A_884 = arith.addi %add3A_813, %add3A_883 : i32
        %get3A_885 = arith.constant 1200 : i32
        %get3A_886 = arith.constant 0 : i32
        %get3A_887 = tpu.memref_slice %arg6[%get3A_885, %get3A_886] : memref<1600x32xf32, #tpu.memory_space<vmem>> -> memref<400x32xf32, #tpu.memory_space<vmem>>
        %get3A_888 = arith.index_cast %add3A_884 : i32 to index
        %get3A_889 = arith.constant 16 : index
        %get3A_890 = tpu.vector_load %get3A_887[%get3A_888, %get3A_889] {strides = array<i32>} : memref<400x32xf32, #tpu.memory_space<vmem>>, vector<1x16xf32>,
        %get3A_891 = vector.shape_cast %get3A_890 : vector<1x16xf32> to vector<16xf32>
        %add3A_892 = arith.addf %scan3A_809, %get3A_891 : vector<16xf32>
        %add3A_893 = arith.constant 4 : i32
        %add3A_894 = arith.addi %add3A_813, %add3A_893 : i32
        %get3A_895 = arith.constant 1200 : i32
        %get3A_896 = arith.constant 0 : i32
        %get3A_897 = tpu.memref_slice %arg6[%get3A_895, %get3A_896] : memref<1600x32xf32, #tpu.memory_space<vmem>> -> memref<400x32xf32, #tpu.memory_space<vmem>>
        %get3A_898 = arith.index_cast %add3A_894 : i32 to index
        %get3A_899 = arith.constant 0 : index
        %get3A_900 = tpu.vector_load %get3A_897[%get3A_898, %get3A_899] {strides = array<i32>} : memref<400x32xf32, #tpu.memory_space<vmem>>, vector<1x16xf32>,
        %get3A_901 = vector.shape_cast %get3A_900 : vector<1x16xf32> to vector<16xf32>
        %add3A_902 = arith.addf %add3A_822, %get3A_901 : vector<16xf32>
        %add3A_903 = arith.constant 4 : i32
        %add3A_904 = arith.addi %add3A_813, %add3A_903 : i32
        %get3A_905 = arith.constant 1200 : i32
        %get3A_906 = arith.constant 0 : i32
        %get3A_907 = tpu.memref_slice %arg6[%get3A_905, %get3A_906] : memref<1600x32xf32, #tpu.memory_space<vmem>> -> memref<400x32xf32, #tpu.memory_space<vmem>>
        %get3A_908 = arith.index_cast %add3A_904 : i32 to index
        %get3A_909 = arith.constant 16 : index
        %get3A_910 = tpu.vector_load %get3A_907[%get3A_908, %get3A_909] {strides = array<i32>} : memref<400x32xf32, #tpu.memory_space<vmem>>, vector<1x16xf32>,
        %get3A_911 = vector.shape_cast %get3A_910 : vector<1x16xf32> to vector<16xf32>
        %add3A_912 = arith.addf %add3A_832, %get3A_911 : vector<16xf32>
        %add3A_913 = arith.constant 5 : i32
        %add3A_914 = arith.addi %add3A_813, %add3A_913 : i32
        %get3A_915 = arith.constant 1200 : i32
        %get3A_916 = arith.constant 0 : i32
        %get3A_917 = tpu.memref_slice %arg6[%get3A_915, %get3A_916] : memref<1600x32xf32, #tpu.memory_space<vmem>> -> memref<400x32xf32, #tpu.memory_space<vmem>>
        %get3A_918 = arith.index_cast %add3A_914 : i32 to index
        %get3A_919 = arith.constant 0 : index
        %get3A_920 = tpu.vector_load %get3A_917[%get3A_918, %get3A_919] {strides = array<i32>} : memref<400x32xf32, #tpu.memory_space<vmem>>, vector<1x16xf32>,
        %get3A_921 = vector.shape_cast %get3A_920 : vector<1x16xf32> to vector<16xf32>
        %add3A_922 = arith.addf %add3A_842, %get3A_921 : vector<16xf32>
        %add3A_923 = arith.constant 5 : i32
        %add3A_924 = arith.addi %add3A_813, %add3A_923 : i32
        %get3A_925 = arith.constant 1200 : i32
        %get3A_926 = arith.constant 0 : i32
        %get3A_927 = tpu.memref_slice %arg6[%get3A_925, %get3A_926] : memref<1600x32xf32, #tpu.memory_space<vmem>> -> memref<400x32xf32, #tpu.memory_space<vmem>>
        %get3A_928 = arith.index_cast %add3A_924 : i32 to index
        %get3A_929 = arith.constant 16 : index
        %get3A_930 = tpu.vector_load %get3A_927[%get3A_928, %get3A_929] {strides = array<i32>} : memref<400x32xf32, #tpu.memory_space<vmem>>, vector<1x16xf32>,
        %get3A_931 = vector.shape_cast %get3A_930 : vector<1x16xf32> to vector<16xf32>
        %add3A_932 = arith.addf %add3A_852, %get3A_931 : vector<16xf32>
        %add3A_933 = arith.constant 6 : i32
        %add3A_934 = arith.addi %add3A_813, %add3A_933 : i32
        %get3A_935 = arith.constant 1200 : i32
        %get3A_936 = arith.constant 0 : i32
        %get3A_937 = tpu.memref_slice %arg6[%get3A_935, %get3A_936] : memref<1600x32xf32, #tpu.memory_space<vmem>> -> memref<400x32xf32, #tpu.memory_space<vmem>>
        %get3A_938 = arith.index_cast %add3A_934 : i32 to index
        %get3A_939 = arith.constant 0 : index
        %get3A_940 = tpu.vector_load %get3A_937[%get3A_938, %get3A_939] {strides = array<i32>} : memref<400x32xf32, #tpu.memory_space<vmem>>, vector<1x16xf32>,
        %get3A_941 = vector.shape_cast %get3A_940 : vector<1x16xf32> to vector<16xf32>
        %add3A_942 = arith.addf %add3A_862, %get3A_941 : vector<16xf32>
        %add3A_943 = arith.constant 6 : i32
        %add3A_944 = arith.addi %add3A_813, %add3A_943 : i32
        %get3A_945 = arith.constant 1200 : i32
        %get3A_946 = arith.constant 0 : i32
        %get3A_947 = tpu.memref_slice %arg6[%get3A_945, %get3A_946] : memref<1600x32xf32, #tpu.memory_space<vmem>> -> memref<400x32xf32, #tpu.memory_space<vmem>>
        %get3A_948 = arith.index_cast %add3A_944 : i32 to index
        %get3A_949 = arith.constant 16 : index
        %get3A_950 = tpu.vector_load %get3A_947[%get3A_948, %get3A_949] {strides = array<i32>} : memref<400x32xf32, #tpu.memory_space<vmem>>, vector<1x16xf32>,
        %get3A_951 = vector.shape_cast %get3A_950 : vector<1x16xf32> to vector<16xf32>
        %add3A_952 = arith.addf %add3A_872, %get3A_951 : vector<16xf32>
        %add3A_953 = arith.constant 7 : i32
        %add3A_954 = arith.addi %add3A_813, %add3A_953 : i32
        %get3A_955 = arith.constant 1200 : i32
        %get3A_956 = arith.constant 0 : i32
        %get3A_957 = tpu.memref_slice %arg6[%get3A_955, %get3A_956] : memref<1600x32xf32, #tpu.memory_space<vmem>> -> memref<400x32xf32, #tpu.memory_space<vmem>>
        %get3A_958 = arith.index_cast %add3A_954 : i32 to index
        %get3A_959 = arith.constant 0 : index
        %get3A_960 = tpu.vector_load %get3A_957[%get3A_958, %get3A_959] {strides = array<i32>} : memref<400x32xf32, #tpu.memory_space<vmem>>, vector<1x16xf32>,
        %get3A_961 = vector.shape_cast %get3A_960 : vector<1x16xf32> to vector<16xf32>
        %add3A_962 = arith.addf %add3A_882, %get3A_961 : vector<16xf32>
        %add3A_963 = arith.constant 7 : i32
        %add3A_964 = arith.addi %add3A_813, %add3A_963 : i32
        %get3A_965 = arith.constant 1200 : i32
        %get3A_966 = arith.constant 0 : i32
        %get3A_967 = tpu.memref_slice %arg6[%get3A_965, %get3A_966] : memref<1600x32xf32, #tpu.memory_space<vmem>> -> memref<400x32xf32, #tpu.memory_space<vmem>>
        %get3A_968 = arith.index_cast %add3A_964 : i32 to index
        %get3A_969 = arith.constant 16 : index
        %get3A_970 = tpu.vector_load %get3A_967[%get3A_968, %get3A_969] {strides = array<i32>} : memref<400x32xf32, #tpu.memory_space<vmem>>, vector<1x16xf32>,
        %get3A_971 = vector.shape_cast %get3A_970 : vector<1x16xf32> to vector<16xf32>
        %add3A_972 = arith.addf %add3A_892, %get3A_971 : vector<16xf32>
        scf.yield %add3A_902, %add3A_912, %add3A_922, %add3A_932, %add3A_942, %add3A_952, %add3A_962, %add3A_972 : vector<16xf32>, vector<16xf32>, vector<16xf32>, vector<16xf32>, vector<16xf32>, vector<16xf32>, vector<16xf32>, vector<16xf32>
      }
      %scan3A_476 = arith.constant 25 : i32
      %add3A_477 = arith.addf %scan3A_475#0, %scan3A_475#2 : vector<16xf32>
      %add3A_478 = arith.addf %scan3A_475#4, %scan3A_475#6 : vector<16xf32>
      %add3A_479 = arith.addf %add3A_477, %add3A_478 : vector<16xf32>
      %add3A_480 = arith.constant 1 : i32
      %add3A_481 = arith.addi %add3A_440, %add3A_480 : i32
      %swap3A_482 = arith.index_cast %add3A_481 : i32 to index
      %swap3A_483 = arith.constant 0 : index
      %swap3A_484 = tpu.vector_load %arg8[%swap3A_482, %swap3A_483] {strides = array<i32>} : memref<512x32xf32, #tpu.memory_space<vmem>>, vector<1x16xf32>,
      %swap3A_485 = vector.shape_cast %swap3A_484 : vector<1x16xf32> to vector<16xf32>
      %swap3A_486 = vector.shape_cast %add3A_479 : vector<16xf32> to vector<1x16xf32>
      tpu.vector_store %arg8[%swap3A_482, %swap3A_483], %swap3A_486 {strides = array<i32>} : memref<512x32xf32, #tpu.memory_space<vmem>>, vector<1x16xf32>,
      %add3A_487 = arith.addf %scan3A_475#1, %scan3A_475#3 : vector<16xf32>
      %add3A_488 = arith.addf %scan3A_475#5, %scan3A_475#7 : vector<16xf32>
      %add3A_489 = arith.addf %add3A_487, %add3A_488 : vector<16xf32>
      %add3A_490 = arith.constant 1 : i32
      %add3A_491 = arith.addi %add3A_440, %add3A_490 : i32
      %swap3A_492 = arith.index_cast %add3A_491 : i32 to index
      %swap3A_493 = arith.constant 16 : index
      %swap3A_494 = tpu.vector_load %arg8[%swap3A_492, %swap3A_493] {strides = array<i32>} : memref<512x32xf32, #tpu.memory_space<vmem>>, vector<1x16xf32>,
      %swap3A_495 = vector.shape_cast %swap3A_494 : vector<1x16xf32> to vector<16xf32>
      %swap3A_496 = vector.shape_cast %add3A_489 : vector<16xf32> to vector<1x16xf32>
      tpu.vector_store %arg8[%swap3A_492, %swap3A_493], %swap3A_496 {strides = array<i32>} : memref<512x32xf32, #tpu.memory_space<vmem>>, vector<1x16xf32>,
      %mul3A_497 = arith.constant 2 : i32
      %mul3A_498 = arith.muli %mul3A_497, %scan3A_200 : i32
      %add3A_499 = arith.constant 1 : i32
      %add3A_500 = arith.addi %mul3A_498, %add3A_499 : i32
      %add3A_501 = arith.constant 1 : i32
      %add3A_502 = arith.addi %add3A_500, %add3A_501 : i32
      %lt3A_503 = arith.constant 64 : i32
      %lt3A_504 = arith.cmpi slt, %add3A_502, %lt3A_503 : i32
      %convert_element_type3A_505 = arith.extui %lt3A_504 : i1 to i32
      %cond3A_506 = arith.constant 0 : i32
      %cond3A_507 = arith.cmpi ne, %convert_element_type3A_505, %cond3A_506 : i32
      scf.if %cond3A_507 {
        %add3A_801 = arith.constant 1 : i32
        %add3A_802 = arith.addi %add3A_500, %add3A_801 : i32
        %mul3A_803 = arith.constant 8 : i32
        %mul3A_804 = arith.muli %add3A_802, %mul3A_803 : i32
        %add3A_805 = arith.addi %mul3A_2, %mul3A_804 : i32
        %dma_wait3A_806 = arith.constant 0 : i32
        %dma_wait3A_807 = arith.constant 0 : i32
        %dma_wait3A_808 = arith.constant 0 : i32
        %dma_wait3A_809 = tpu.memref_slice %arg5[%dma_wait3A_806, %dma_wait3A_807, %dma_wait3A_808] : memref<2x8x200xi32, #tpu.memory_space<vmem>> -> memref<1x8x200xi32, #tpu.memory_space<vmem>>
        %dma_wait3A_810 = tpu.memref_squeeze %dma_wait3A_809 : memref<1x8x200xi32, #tpu.memory_space<vmem>> -> memref<8x200xi32, #tpu.memory_space<vmem>>
        %dma_wait3A_811 = arith.constant 0 : i32
        %dma_wait3A_812 = tpu.memref_slice %arg2[%add3A_805, %dma_wait3A_811] : memref<16384x200xi32, #tpu.memory_space<hbm>> -> memref<8x200xi32, #tpu.memory_space<hbm>>
        %dma_wait3A_813 = arith.constant 0 : i32
        %dma_wait3A_814 = arith.constant 0 : i32
        %dma_wait3A_815 = tpu.memref_slice %arg5[%dma_wait3A_806, %dma_wait3A_813, %dma_wait3A_814] : memref<2x8x200xi32, #tpu.memory_space<vmem>> -> memref<1x8x200xi32, #tpu.memory_space<vmem>>
        %dma_wait3A_816 = tpu.memref_squeeze %dma_wait3A_815 : memref<1x8x200xi32, #tpu.memory_space<vmem>> -> memref<8x200xi32, #tpu.memory_space<vmem>>
        %dma_wait3A_817 = arith.constant 0 : i32
        %dma_wait3A_818 = tpu.memref_slice %arg2[%add3A_805, %dma_wait3A_817] : memref<16384x200xi32, #tpu.memory_space<hbm>> -> memref<8x200xi32, #tpu.memory_space<hbm>>
        tpu.wait_dma2 semaphore(%arg11 : memref<!tpu.dma_semaphore, #tpu.memory_space<semaphore_mem>>) src(%dma_wait3A_818 : memref<8x200xi32, #tpu.memory_space<hbm>>) dst(%dma_wait3A_816 : memref<8x200xi32, #tpu.memory_space<vmem>>)
        %dma_start3A_819 = arith.constant 0 : i32
        %dma_start3A_820 = arith.constant 0 : i32
        %dma_start3A_821 = arith.constant 0 : i32
        %dma_start3A_822 = arith.constant 0 : i32
        %dma_start3A_823 = tpu.memref_slice %arg6[%dma_start3A_821, %dma_start3A_822] : memref<1600x32xf32, #tpu.memory_space<vmem>> -> memref<104x32xf32, #tpu.memory_space<vmem>>
        %dma_start3A_824 = arith.constant 0 : i32
        %dma_start3A_825 = tpu.memref_slice %arg5[%dma_start3A_819, %dma_start3A_820, %dma_start3A_824] : memref<2x8x200xi32, #tpu.memory_space<vmem>> -> memref<1x1x104xi32, #tpu.memory_space<vmem>>
        %dma_start3A_826 = tpu.memref_squeeze %dma_start3A_825 : memref<1x1x104xi32, #tpu.memory_space<vmem>> -> memref<104xi32, #tpu.memory_space<vmem>>
        %dma_start3A_827 = arith.constant 0 : i32
        %dma_start3A_828 = arith.constant 0 : i32
        %dma_start3A_829 = tpu.memref_slice %arg3[%dma_start3A_827, %dma_start3A_828] : memref<1000000x32xf32, #tpu.memory_space<hbm>> -> memref<1000000x32xf32, #tpu.memory_space<hbm>>
        tpu.enqueue_indirect_dma source(%dma_start3A_829 : memref<1000000x32xf32, #tpu.memory_space<hbm>>) target(%dma_start3A_823 : memref<104x32xf32, #tpu.memory_space<vmem>>) offsets(%dma_start3A_826 : memref<104xi32, #tpu.memory_space<vmem>>) semaphore(%arg9 : memref<!tpu.dma_semaphore, #tpu.memory_space<semaphore_mem>>)
        %dma_start3A_830 = arith.constant 0 : i32
        %dma_start3A_831 = arith.constant 0 : i32
        %dma_start3A_832 = arith.constant 104 : i32
        %dma_start3A_833 = arith.constant 0 : i32
        %dma_start3A_834 = tpu.memref_slice %arg6[%dma_start3A_832, %dma_start3A_833] : memref<1600x32xf32, #tpu.memory_space<vmem>> -> memref<96x32xf32, #tpu.memory_space<vmem>>
        %dma_start3A_835 = arith.constant 104 : i32
        %dma_start3A_836 = tpu.memref_slice %arg5[%dma_start3A_830, %dma_start3A_831, %dma_start3A_835] : memref<2x8x200xi32, #tpu.memory_space<vmem>> -> memref<1x1x96xi32, #tpu.memory_space<vmem>>
        %dma_start3A_837 = tpu.memref_squeeze %dma_start3A_836 : memref<1x1x96xi32, #tpu.memory_space<vmem>> -> memref<96xi32, #tpu.memory_space<vmem>>
        %dma_start3A_838 = arith.constant 0 : i32
        %dma_start3A_839 = arith.constant 0 : i32
        %dma_start3A_840 = tpu.memref_slice %arg3[%dma_start3A_838, %dma_start3A_839] : memref<1000000x32xf32, #tpu.memory_space<hbm>> -> memref<1000000x32xf32, #tpu.memory_space<hbm>>
        tpu.enqueue_indirect_dma source(%dma_start3A_840 : memref<1000000x32xf32, #tpu.memory_space<hbm>>) target(%dma_start3A_834 : memref<96x32xf32, #tpu.memory_space<vmem>>) offsets(%dma_start3A_837 : memref<96xi32, #tpu.memory_space<vmem>>) semaphore(%arg9 : memref<!tpu.dma_semaphore, #tpu.memory_space<semaphore_mem>>)
        %dma_start3A_841 = arith.constant 0 : i32
        %dma_start3A_842 = arith.constant 1 : i32
        %dma_start3A_843 = arith.constant 200 : i32
        %dma_start3A_844 = arith.constant 0 : i32
        %dma_start3A_845 = tpu.memref_slice %arg6[%dma_start3A_843, %dma_start3A_844] : memref<1600x32xf32, #tpu.memory_space<vmem>> -> memref<104x32xf32, #tpu.memory_space<vmem>>
        %dma_start3A_846 = arith.constant 0 : i32
        %dma_start3A_847 = tpu.memref_slice %arg5[%dma_start3A_841, %dma_start3A_842, %dma_start3A_846] : memref<2x8x200xi32, #tpu.memory_space<vmem>> -> memref<1x1x104xi32, #tpu.memory_space<vmem>>
        %dma_start3A_848 = tpu.memref_squeeze %dma_start3A_847 : memref<1x1x104xi32, #tpu.memory_space<vmem>> -> memref<104xi32, #tpu.memory_space<vmem>>
        %dma_start3A_849 = arith.constant 0 : i32
        %dma_start3A_850 = arith.constant 0 : i32
        %dma_start3A_851 = tpu.memref_slice %arg3[%dma_start3A_849, %dma_start3A_850] : memref<1000000x32xf32, #tpu.memory_space<hbm>> -> memref<1000000x32xf32, #tpu.memory_space<hbm>>
        tpu.enqueue_indirect_dma source(%dma_start3A_851 : memref<1000000x32xf32, #tpu.memory_space<hbm>>) target(%dma_start3A_845 : memref<104x32xf32, #tpu.memory_space<vmem>>) offsets(%dma_start3A_848 : memref<104xi32, #tpu.memory_space<vmem>>) semaphore(%arg9 : memref<!tpu.dma_semaphore, #tpu.memory_space<semaphore_mem>>)
        %dma_start3A_852 = arith.constant 0 : i32
        %dma_start3A_853 = arith.constant 1 : i32
        %dma_start3A_854 = arith.constant 304 : i32
        %dma_start3A_855 = arith.constant 0 : i32
        %dma_start3A_856 = tpu.memref_slice %arg6[%dma_start3A_854, %dma_start3A_855] : memref<1600x32xf32, #tpu.memory_space<vmem>> -> memref<96x32xf32, #tpu.memory_space<vmem>>
        %dma_start3A_857 = arith.constant 104 : i32
        %dma_start3A_858 = tpu.memref_slice %arg5[%dma_start3A_852, %dma_start3A_853, %dma_start3A_857] : memref<2x8x200xi32, #tpu.memory_space<vmem>> -> memref<1x1x96xi32, #tpu.memory_space<vmem>>
        %dma_start3A_859 = tpu.memref_squeeze %dma_start3A_858 : memref<1x1x96xi32, #tpu.memory_space<vmem>> -> memref<96xi32, #tpu.memory_space<vmem>>
        %dma_start3A_860 = arith.constant 0 : i32
        %dma_start3A_861 = arith.constant 0 : i32
        %dma_start3A_862 = tpu.memref_slice %arg3[%dma_start3A_860, %dma_start3A_861] : memref<1000000x32xf32, #tpu.memory_space<hbm>> -> memref<1000000x32xf32, #tpu.memory_space<hbm>>
        tpu.enqueue_indirect_dma source(%dma_start3A_862 : memref<1000000x32xf32, #tpu.memory_space<hbm>>) target(%dma_start3A_856 : memref<96x32xf32, #tpu.memory_space<vmem>>) offsets(%dma_start3A_859 : memref<96xi32, #tpu.memory_space<vmem>>) semaphore(%arg9 : memref<!tpu.dma_semaphore, #tpu.memory_space<semaphore_mem>>)
        %dma_start3A_863 = arith.constant 0 : i32
        %dma_start3A_864 = arith.constant 2 : i32
        %dma_start3A_865 = arith.constant 400 : i32
        %dma_start3A_866 = arith.constant 0 : i32
        %dma_start3A_867 = tpu.memref_slice %arg6[%dma_start3A_865, %dma_start3A_866] : memref<1600x32xf32, #tpu.memory_space<vmem>> -> memref<104x32xf32, #tpu.memory_space<vmem>>
        %dma_start3A_868 = arith.constant 0 : i32
        %dma_start3A_869 = tpu.memref_slice %arg5[%dma_start3A_863, %dma_start3A_864, %dma_start3A_868] : memref<2x8x200xi32, #tpu.memory_space<vmem>> -> memref<1x1x104xi32, #tpu.memory_space<vmem>>
        %dma_start3A_870 = tpu.memref_squeeze %dma_start3A_869 : memref<1x1x104xi32, #tpu.memory_space<vmem>> -> memref<104xi32, #tpu.memory_space<vmem>>
        %dma_start3A_871 = arith.constant 0 : i32
        %dma_start3A_872 = arith.constant 0 : i32
        %dma_start3A_873 = tpu.memref_slice %arg3[%dma_start3A_871, %dma_start3A_872] : memref<1000000x32xf32, #tpu.memory_space<hbm>> -> memref<1000000x32xf32, #tpu.memory_space<hbm>>
        tpu.enqueue_indirect_dma source(%dma_start3A_873 : memref<1000000x32xf32, #tpu.memory_space<hbm>>) target(%dma_start3A_867 : memref<104x32xf32, #tpu.memory_space<vmem>>) offsets(%dma_start3A_870 : memref<104xi32, #tpu.memory_space<vmem>>) semaphore(%arg9 : memref<!tpu.dma_semaphore, #tpu.memory_space<semaphore_mem>>)
        %dma_start3A_874 = arith.constant 0 : i32
        %dma_start3A_875 = arith.constant 2 : i32
        %dma_start3A_876 = arith.constant 504 : i32
        %dma_start3A_877 = arith.constant 0 : i32
        %dma_start3A_878 = tpu.memref_slice %arg6[%dma_start3A_876, %dma_start3A_877] : memref<1600x32xf32, #tpu.memory_space<vmem>> -> memref<96x32xf32, #tpu.memory_space<vmem>>
        %dma_start3A_879 = arith.constant 104 : i32
        %dma_start3A_880 = tpu.memref_slice %arg5[%dma_start3A_874, %dma_start3A_875, %dma_start3A_879] : memref<2x8x200xi32, #tpu.memory_space<vmem>> -> memref<1x1x96xi32, #tpu.memory_space<vmem>>
        %dma_start3A_881 = tpu.memref_squeeze %dma_start3A_880 : memref<1x1x96xi32, #tpu.memory_space<vmem>> -> memref<96xi32, #tpu.memory_space<vmem>>
        %dma_start3A_882 = arith.constant 0 : i32
        %dma_start3A_883 = arith.constant 0 : i32
        %dma_start3A_884 = tpu.memref_slice %arg3[%dma_start3A_882, %dma_start3A_883] : memref<1000000x32xf32, #tpu.memory_space<hbm>> -> memref<1000000x32xf32, #tpu.memory_space<hbm>>
        tpu.enqueue_indirect_dma source(%dma_start3A_884 : memref<1000000x32xf32, #tpu.memory_space<hbm>>) target(%dma_start3A_878 : memref<96x32xf32, #tpu.memory_space<vmem>>) offsets(%dma_start3A_881 : memref<96xi32, #tpu.memory_space<vmem>>) semaphore(%arg9 : memref<!tpu.dma_semaphore, #tpu.memory_space<semaphore_mem>>)
        %dma_start3A_885 = arith.constant 0 : i32
        %dma_start3A_886 = arith.constant 3 : i32
        %dma_start3A_887 = arith.constant 600 : i32
        %dma_start3A_888 = arith.constant 0 : i32
        %dma_start3A_889 = tpu.memref_slice %arg6[%dma_start3A_887, %dma_start3A_888] : memref<1600x32xf32, #tpu.memory_space<vmem>> -> memref<104x32xf32, #tpu.memory_space<vmem>>
        %dma_start3A_890 = arith.constant 0 : i32
        %dma_start3A_891 = tpu.memref_slice %arg5[%dma_start3A_885, %dma_start3A_886, %dma_start3A_890] : memref<2x8x200xi32, #tpu.memory_space<vmem>> -> memref<1x1x104xi32, #tpu.memory_space<vmem>>
        %dma_start3A_892 = tpu.memref_squeeze %dma_start3A_891 : memref<1x1x104xi32, #tpu.memory_space<vmem>> -> memref<104xi32, #tpu.memory_space<vmem>>
        %dma_start3A_893 = arith.constant 0 : i32
        %dma_start3A_894 = arith.constant 0 : i32
        %dma_start3A_895 = tpu.memref_slice %arg3[%dma_start3A_893, %dma_start3A_894] : memref<1000000x32xf32, #tpu.memory_space<hbm>> -> memref<1000000x32xf32, #tpu.memory_space<hbm>>
        tpu.enqueue_indirect_dma source(%dma_start3A_895 : memref<1000000x32xf32, #tpu.memory_space<hbm>>) target(%dma_start3A_889 : memref<104x32xf32, #tpu.memory_space<vmem>>) offsets(%dma_start3A_892 : memref<104xi32, #tpu.memory_space<vmem>>) semaphore(%arg9 : memref<!tpu.dma_semaphore, #tpu.memory_space<semaphore_mem>>)
        %dma_start3A_896 = arith.constant 0 : i32
        %dma_start3A_897 = arith.constant 3 : i32
        %dma_start3A_898 = arith.constant 704 : i32
        %dma_start3A_899 = arith.constant 0 : i32
        %dma_start3A_900 = tpu.memref_slice %arg6[%dma_start3A_898, %dma_start3A_899] : memref<1600x32xf32, #tpu.memory_space<vmem>> -> memref<96x32xf32, #tpu.memory_space<vmem>>
        %dma_start3A_901 = arith.constant 104 : i32
        %dma_start3A_902 = tpu.memref_slice %arg5[%dma_start3A_896, %dma_start3A_897, %dma_start3A_901] : memref<2x8x200xi32, #tpu.memory_space<vmem>> -> memref<1x1x96xi32, #tpu.memory_space<vmem>>
        %dma_start3A_903 = tpu.memref_squeeze %dma_start3A_902 : memref<1x1x96xi32, #tpu.memory_space<vmem>> -> memref<96xi32, #tpu.memory_space<vmem>>
        %dma_start3A_904 = arith.constant 0 : i32
        %dma_start3A_905 = arith.constant 0 : i32
        %dma_start3A_906 = tpu.memref_slice %arg3[%dma_start3A_904, %dma_start3A_905] : memref<1000000x32xf32, #tpu.memory_space<hbm>> -> memref<1000000x32xf32, #tpu.memory_space<hbm>>
        tpu.enqueue_indirect_dma source(%dma_start3A_906 : memref<1000000x32xf32, #tpu.memory_space<hbm>>) target(%dma_start3A_900 : memref<96x32xf32, #tpu.memory_space<vmem>>) offsets(%dma_start3A_903 : memref<96xi32, #tpu.memory_space<vmem>>) semaphore(%arg9 : memref<!tpu.dma_semaphore, #tpu.memory_space<semaphore_mem>>)
        %dma_start3A_907 = arith.constant 0 : i32
        %dma_start3A_908 = arith.constant 4 : i32
        %dma_start3A_909 = arith.constant 800 : i32
        %dma_start3A_910 = arith.constant 0 : i32
        %dma_start3A_911 = tpu.memref_slice %arg6[%dma_start3A_909, %dma_start3A_910] : memref<1600x32xf32, #tpu.memory_space<vmem>> -> memref<104x32xf32, #tpu.memory_space<vmem>>
        %dma_start3A_912 = arith.constant 0 : i32
        %dma_start3A_913 = tpu.memref_slice %arg5[%dma_start3A_907, %dma_start3A_908, %dma_start3A_912] : memref<2x8x200xi32, #tpu.memory_space<vmem>> -> memref<1x1x104xi32, #tpu.memory_space<vmem>>
        %dma_start3A_914 = tpu.memref_squeeze %dma_start3A_913 : memref<1x1x104xi32, #tpu.memory_space<vmem>> -> memref<104xi32, #tpu.memory_space<vmem>>
        %dma_start3A_915 = arith.constant 0 : i32
        %dma_start3A_916 = arith.constant 0 : i32
        %dma_start3A_917 = tpu.memref_slice %arg3[%dma_start3A_915, %dma_start3A_916] : memref<1000000x32xf32, #tpu.memory_space<hbm>> -> memref<1000000x32xf32, #tpu.memory_space<hbm>>
        tpu.enqueue_indirect_dma source(%dma_start3A_917 : memref<1000000x32xf32, #tpu.memory_space<hbm>>) target(%dma_start3A_911 : memref<104x32xf32, #tpu.memory_space<vmem>>) offsets(%dma_start3A_914 : memref<104xi32, #tpu.memory_space<vmem>>) semaphore(%arg9 : memref<!tpu.dma_semaphore, #tpu.memory_space<semaphore_mem>>)
        %dma_start3A_918 = arith.constant 0 : i32
        %dma_start3A_919 = arith.constant 4 : i32
        %dma_start3A_920 = arith.constant 904 : i32
        %dma_start3A_921 = arith.constant 0 : i32
        %dma_start3A_922 = tpu.memref_slice %arg6[%dma_start3A_920, %dma_start3A_921] : memref<1600x32xf32, #tpu.memory_space<vmem>> -> memref<96x32xf32, #tpu.memory_space<vmem>>
        %dma_start3A_923 = arith.constant 104 : i32
        %dma_start3A_924 = tpu.memref_slice %arg5[%dma_start3A_918, %dma_start3A_919, %dma_start3A_923] : memref<2x8x200xi32, #tpu.memory_space<vmem>> -> memref<1x1x96xi32, #tpu.memory_space<vmem>>
        %dma_start3A_925 = tpu.memref_squeeze %dma_start3A_924 : memref<1x1x96xi32, #tpu.memory_space<vmem>> -> memref<96xi32, #tpu.memory_space<vmem>>
        %dma_start3A_926 = arith.constant 0 : i32
        %dma_start3A_927 = arith.constant 0 : i32
        %dma_start3A_928 = tpu.memref_slice %arg3[%dma_start3A_926, %dma_start3A_927] : memref<1000000x32xf32, #tpu.memory_space<hbm>> -> memref<1000000x32xf32, #tpu.memory_space<hbm>>
        tpu.enqueue_indirect_dma source(%dma_start3A_928 : memref<1000000x32xf32, #tpu.memory_space<hbm>>) target(%dma_start3A_922 : memref<96x32xf32, #tpu.memory_space<vmem>>) offsets(%dma_start3A_925 : memref<96xi32, #tpu.memory_space<vmem>>) semaphore(%arg9 : memref<!tpu.dma_semaphore, #tpu.memory_space<semaphore_mem>>)
        %dma_start3A_929 = arith.constant 0 : i32
        %dma_start3A_930 = arith.constant 5 : i32
        %dma_start3A_931 = arith.constant 1000 : i32
        %dma_start3A_932 = arith.constant 0 : i32
        %dma_start3A_933 = tpu.memref_slice %arg6[%dma_start3A_931, %dma_start3A_932] : memref<1600x32xf32, #tpu.memory_space<vmem>> -> memref<104x32xf32, #tpu.memory_space<vmem>>
        %dma_start3A_934 = arith.constant 0 : i32
        %dma_start3A_935 = tpu.memref_slice %arg5[%dma_start3A_929, %dma_start3A_930, %dma_start3A_934] : memref<2x8x200xi32, #tpu.memory_space<vmem>> -> memref<1x1x104xi32, #tpu.memory_space<vmem>>
        %dma_start3A_936 = tpu.memref_squeeze %dma_start3A_935 : memref<1x1x104xi32, #tpu.memory_space<vmem>> -> memref<104xi32, #tpu.memory_space<vmem>>
        %dma_start3A_937 = arith.constant 0 : i32
        %dma_start3A_938 = arith.constant 0 : i32
        %dma_start3A_939 = tpu.memref_slice %arg3[%dma_start3A_937, %dma_start3A_938] : memref<1000000x32xf32, #tpu.memory_space<hbm>> -> memref<1000000x32xf32, #tpu.memory_space<hbm>>
        tpu.enqueue_indirect_dma source(%dma_start3A_939 : memref<1000000x32xf32, #tpu.memory_space<hbm>>) target(%dma_start3A_933 : memref<104x32xf32, #tpu.memory_space<vmem>>) offsets(%dma_start3A_936 : memref<104xi32, #tpu.memory_space<vmem>>) semaphore(%arg9 : memref<!tpu.dma_semaphore, #tpu.memory_space<semaphore_mem>>)
        %dma_start3A_940 = arith.constant 0 : i32
        %dma_start3A_941 = arith.constant 5 : i32
        %dma_start3A_942 = arith.constant 1104 : i32
        %dma_start3A_943 = arith.constant 0 : i32
        %dma_start3A_944 = tpu.memref_slice %arg6[%dma_start3A_942, %dma_start3A_943] : memref<1600x32xf32, #tpu.memory_space<vmem>> -> memref<96x32xf32, #tpu.memory_space<vmem>>
        %dma_start3A_945 = arith.constant 104 : i32
        %dma_start3A_946 = tpu.memref_slice %arg5[%dma_start3A_940, %dma_start3A_941, %dma_start3A_945] : memref<2x8x200xi32, #tpu.memory_space<vmem>> -> memref<1x1x96xi32, #tpu.memory_space<vmem>>
        %dma_start3A_947 = tpu.memref_squeeze %dma_start3A_946 : memref<1x1x96xi32, #tpu.memory_space<vmem>> -> memref<96xi32, #tpu.memory_space<vmem>>
        %dma_start3A_948 = arith.constant 0 : i32
        %dma_start3A_949 = arith.constant 0 : i32
        %dma_start3A_950 = tpu.memref_slice %arg3[%dma_start3A_948, %dma_start3A_949] : memref<1000000x32xf32, #tpu.memory_space<hbm>> -> memref<1000000x32xf32, #tpu.memory_space<hbm>>
        tpu.enqueue_indirect_dma source(%dma_start3A_950 : memref<1000000x32xf32, #tpu.memory_space<hbm>>) target(%dma_start3A_944 : memref<96x32xf32, #tpu.memory_space<vmem>>) offsets(%dma_start3A_947 : memref<96xi32, #tpu.memory_space<vmem>>) semaphore(%arg9 : memref<!tpu.dma_semaphore, #tpu.memory_space<semaphore_mem>>)
        %dma_start3A_951 = arith.constant 0 : i32
        %dma_start3A_952 = arith.constant 6 : i32
        %dma_start3A_953 = arith.constant 1200 : i32
        %dma_start3A_954 = arith.constant 0 : i32
        %dma_start3A_955 = tpu.memref_slice %arg6[%dma_start3A_953, %dma_start3A_954] : memref<1600x32xf32, #tpu.memory_space<vmem>> -> memref<104x32xf32, #tpu.memory_space<vmem>>
        %dma_start3A_956 = arith.constant 0 : i32
        %dma_start3A_957 = tpu.memref_slice %arg5[%dma_start3A_951, %dma_start3A_952, %dma_start3A_956] : memref<2x8x200xi32, #tpu.memory_space<vmem>> -> memref<1x1x104xi32, #tpu.memory_space<vmem>>
        %dma_start3A_958 = tpu.memref_squeeze %dma_start3A_957 : memref<1x1x104xi32, #tpu.memory_space<vmem>> -> memref<104xi32, #tpu.memory_space<vmem>>
        %dma_start3A_959 = arith.constant 0 : i32
        %dma_start3A_960 = arith.constant 0 : i32
        %dma_start3A_961 = tpu.memref_slice %arg3[%dma_start3A_959, %dma_start3A_960] : memref<1000000x32xf32, #tpu.memory_space<hbm>> -> memref<1000000x32xf32, #tpu.memory_space<hbm>>
        tpu.enqueue_indirect_dma source(%dma_start3A_961 : memref<1000000x32xf32, #tpu.memory_space<hbm>>) target(%dma_start3A_955 : memref<104x32xf32, #tpu.memory_space<vmem>>) offsets(%dma_start3A_958 : memref<104xi32, #tpu.memory_space<vmem>>) semaphore(%arg9 : memref<!tpu.dma_semaphore, #tpu.memory_space<semaphore_mem>>)
        %dma_start3A_962 = arith.constant 0 : i32
        %dma_start3A_963 = arith.constant 6 : i32
        %dma_start3A_964 = arith.constant 1304 : i32
        %dma_start3A_965 = arith.constant 0 : i32
        %dma_start3A_966 = tpu.memref_slice %arg6[%dma_start3A_964, %dma_start3A_965] : memref<1600x32xf32, #tpu.memory_space<vmem>> -> memref<96x32xf32, #tpu.memory_space<vmem>>
        %dma_start3A_967 = arith.constant 104 : i32
        %dma_start3A_968 = tpu.memref_slice %arg5[%dma_start3A_962, %dma_start3A_963, %dma_start3A_967] : memref<2x8x200xi32, #tpu.memory_space<vmem>> -> memref<1x1x96xi32, #tpu.memory_space<vmem>>
        %dma_start3A_969 = tpu.memref_squeeze %dma_start3A_968 : memref<1x1x96xi32, #tpu.memory_space<vmem>> -> memref<96xi32, #tpu.memory_space<vmem>>
        %dma_start3A_970 = arith.constant 0 : i32
        %dma_start3A_971 = arith.constant 0 : i32
        %dma_start3A_972 = tpu.memref_slice %arg3[%dma_start3A_970, %dma_start3A_971] : memref<1000000x32xf32, #tpu.memory_space<hbm>> -> memref<1000000x32xf32, #tpu.memory_space<hbm>>
        tpu.enqueue_indirect_dma source(%dma_start3A_972 : memref<1000000x32xf32, #tpu.memory_space<hbm>>) target(%dma_start3A_966 : memref<96x32xf32, #tpu.memory_space<vmem>>) offsets(%dma_start3A_969 : memref<96xi32, #tpu.memory_space<vmem>>) semaphore(%arg9 : memref<!tpu.dma_semaphore, #tpu.memory_space<semaphore_mem>>)
        %dma_start3A_973 = arith.constant 0 : i32
        %dma_start3A_974 = arith.constant 7 : i32
        %dma_start3A_975 = arith.constant 1400 : i32
        %dma_start3A_976 = arith.constant 0 : i32
        %dma_start3A_977 = tpu.memref_slice %arg6[%dma_start3A_975, %dma_start3A_976] : memref<1600x32xf32, #tpu.memory_space<vmem>> -> memref<104x32xf32, #tpu.memory_space<vmem>>
        %dma_start3A_978 = arith.constant 0 : i32
        %dma_start3A_979 = tpu.memref_slice %arg5[%dma_start3A_973, %dma_start3A_974, %dma_start3A_978] : memref<2x8x200xi32, #tpu.memory_space<vmem>> -> memref<1x1x104xi32, #tpu.memory_space<vmem>>
        %dma_start3A_980 = tpu.memref_squeeze %dma_start3A_979 : memref<1x1x104xi32, #tpu.memory_space<vmem>> -> memref<104xi32, #tpu.memory_space<vmem>>
        %dma_start3A_981 = arith.constant 0 : i32
        %dma_start3A_982 = arith.constant 0 : i32
        %dma_start3A_983 = tpu.memref_slice %arg3[%dma_start3A_981, %dma_start3A_982] : memref<1000000x32xf32, #tpu.memory_space<hbm>> -> memref<1000000x32xf32, #tpu.memory_space<hbm>>
        tpu.enqueue_indirect_dma source(%dma_start3A_983 : memref<1000000x32xf32, #tpu.memory_space<hbm>>) target(%dma_start3A_977 : memref<104x32xf32, #tpu.memory_space<vmem>>) offsets(%dma_start3A_980 : memref<104xi32, #tpu.memory_space<vmem>>) semaphore(%arg9 : memref<!tpu.dma_semaphore, #tpu.memory_space<semaphore_mem>>)
        %dma_start3A_984 = arith.constant 0 : i32
        %dma_start3A_985 = arith.constant 7 : i32
        %dma_start3A_986 = arith.constant 1504 : i32
        %dma_start3A_987 = arith.constant 0 : i32
        %dma_start3A_988 = tpu.memref_slice %arg6[%dma_start3A_986, %dma_start3A_987] : memref<1600x32xf32, #tpu.memory_space<vmem>> -> memref<96x32xf32, #tpu.memory_space<vmem>>
        %dma_start3A_989 = arith.constant 104 : i32
        %dma_start3A_990 = tpu.memref_slice %arg5[%dma_start3A_984, %dma_start3A_985, %dma_start3A_989] : memref<2x8x200xi32, #tpu.memory_space<vmem>> -> memref<1x1x96xi32, #tpu.memory_space<vmem>>
        %dma_start3A_991 = tpu.memref_squeeze %dma_start3A_990 : memref<1x1x96xi32, #tpu.memory_space<vmem>> -> memref<96xi32, #tpu.memory_space<vmem>>
        %dma_start3A_992 = arith.constant 0 : i32
        %dma_start3A_993 = arith.constant 0 : i32
        %dma_start3A_994 = tpu.memref_slice %arg3[%dma_start3A_992, %dma_start3A_993] : memref<1000000x32xf32, #tpu.memory_space<hbm>> -> memref<1000000x32xf32, #tpu.memory_space<hbm>>
        tpu.enqueue_indirect_dma source(%dma_start3A_994 : memref<1000000x32xf32, #tpu.memory_space<hbm>>) target(%dma_start3A_988 : memref<96x32xf32, #tpu.memory_space<vmem>>) offsets(%dma_start3A_991 : memref<96xi32, #tpu.memory_space<vmem>>) semaphore(%arg9 : memref<!tpu.dma_semaphore, #tpu.memory_space<semaphore_mem>>)
      } else {
      }
      %dma_wait3A_508 = arith.constant 0 : i32
      %dma_wait3A_509 = arith.constant 0 : i32
      %dma_wait3A_510 = tpu.memref_slice %arg7[%dma_wait3A_508, %dma_wait3A_509] : memref<1600x32xf32, #tpu.memory_space<vmem>> -> memref<400x32xf32, #tpu.memory_space<vmem>>
      %dma_wait3A_511 = arith.constant 0 : i32
      %dma_wait3A_512 = arith.constant 0 : i32
      %dma_wait3A_513 = tpu.memref_slice %arg3[%dma_wait3A_511, %dma_wait3A_512] : memref<1000000x32xf32, #tpu.memory_space<hbm>> -> memref<400x32xf32, #tpu.memory_space<hbm>>
      %dma_wait3A_514 = arith.constant 0 : i32
      %dma_wait3A_515 = arith.constant 0 : i32
      %dma_wait3A_516 = tpu.memref_slice %arg7[%dma_wait3A_514, %dma_wait3A_515] : memref<1600x32xf32, #tpu.memory_space<vmem>> -> memref<400x32xf32, #tpu.memory_space<vmem>>
      %dma_wait3A_517 = arith.constant 0 : i32
      %dma_wait3A_518 = arith.constant 0 : i32
      %dma_wait3A_519 = tpu.memref_slice %arg3[%dma_wait3A_517, %dma_wait3A_518] : memref<1000000x32xf32, #tpu.memory_space<hbm>> -> memref<400x32xf32, #tpu.memory_space<hbm>>
      tpu.wait_dma2 semaphore(%arg10 : memref<!tpu.dma_semaphore, #tpu.memory_space<semaphore_mem>>) src(%dma_wait3A_519 : memref<400x32xf32, #tpu.memory_space<hbm>>) dst(%dma_wait3A_516 : memref<400x32xf32, #tpu.memory_space<vmem>>)
      %add3A_520 = arith.constant 2 : i32
      %add3A_521 = arith.addi %add3A_500, %add3A_520 : i32
      %lt3A_522 = arith.constant 64 : i32
      %lt3A_523 = arith.cmpi slt, %add3A_521, %lt3A_522 : i32
      %convert_element_type3A_524 = arith.extui %lt3A_523 : i1 to i32
      %cond3A_525 = arith.constant 0 : i32
      %cond3A_526 = arith.cmpi ne, %convert_element_type3A_524, %cond3A_525 : i32
      scf.if %cond3A_526 {
        %add3A_801 = arith.constant 2 : i32
        %add3A_802 = arith.addi %add3A_500, %add3A_801 : i32
        %mul3A_803 = arith.constant 8 : i32
        %mul3A_804 = arith.muli %add3A_802, %mul3A_803 : i32
        %add3A_805 = arith.addi %mul3A_2, %mul3A_804 : i32
        %dma_start3A_806 = arith.constant 1 : i32
        %dma_start3A_807 = arith.constant 0 : i32
        %dma_start3A_808 = arith.constant 0 : i32
        %dma_start3A_809 = tpu.memref_slice %arg5[%dma_start3A_806, %dma_start3A_807, %dma_start3A_808] : memref<2x8x200xi32, #tpu.memory_space<vmem>> -> memref<1x8x200xi32, #tpu.memory_space<vmem>>
        %dma_start3A_810 = tpu.memref_squeeze %dma_start3A_809 : memref<1x8x200xi32, #tpu.memory_space<vmem>> -> memref<8x200xi32, #tpu.memory_space<vmem>>
        %dma_start3A_811 = arith.constant 0 : i32
        %dma_start3A_812 = tpu.memref_slice %arg2[%add3A_805, %dma_start3A_811] : memref<16384x200xi32, #tpu.memory_space<hbm>> -> memref<8x200xi32, #tpu.memory_space<hbm>>
        %dma_start3A_813 = arith.constant 0 : i32
        %dma_start3A_814 = arith.constant 0 : i32
        %dma_start3A_815 = tpu.memref_slice %arg5[%dma_start3A_806, %dma_start3A_813, %dma_start3A_814] : memref<2x8x200xi32, #tpu.memory_space<vmem>> -> memref<1x8x200xi32, #tpu.memory_space<vmem>>
        %dma_start3A_816 = tpu.memref_squeeze %dma_start3A_815 : memref<1x8x200xi32, #tpu.memory_space<vmem>> -> memref<8x200xi32, #tpu.memory_space<vmem>>
        %dma_start3A_817 = arith.constant 0 : i32
        %dma_start3A_818 = tpu.memref_slice %arg2[%add3A_805, %dma_start3A_817] : memref<16384x200xi32, #tpu.memory_space<hbm>> -> memref<8x200xi32, #tpu.memory_space<hbm>>
        tpu.enqueue_dma source(%dma_start3A_818 : memref<8x200xi32, #tpu.memory_space<hbm>>) target(%dma_start3A_816 : memref<8x200xi32, #tpu.memory_space<vmem>>) target_semaphore(%arg12 : memref<!tpu.dma_semaphore, #tpu.memory_space<semaphore_mem>>)
      } else {
      }
      %mul3A_527 = arith.constant 8 : i32
      %mul3A_528 = arith.muli %add3A_500, %mul3A_527 : i32
      %broadcast_in_dim3A_529 = arith.constant 0.000000e+00 : f32
      %broadcast_in_dim3A_530 = vector.broadcast %broadcast_in_dim3A_529 : f32 to vector<16xf32>
      %scan3A_531 = arith.constant 0 : i32
      %scan3A_532 = arith.constant 25 : i32
      %scan3A_533 = arith.addi %scan3A_531, %scan3A_532 : i32
      %scan3A_534 = arith.constant 1 : i32
      %scan3A_535:8 = scf.for %scan3A_801 = %scan3A_531 to %scan3A_533 step %scan3A_534 iter_args(%scan3A_802 = %broadcast_in_dim3A_530, %scan3A_803 = %broadcast_in_dim3A_530, %scan3A_804 = %broadcast_in_dim3A_530, %scan3A_805 = %broadcast_in_dim3A_530, %scan3A_806 = %broadcast_in_dim3A_530, %scan3A_807 = %broadcast_in_dim3A_530, %scan3A_808 = %broadcast_in_dim3A_530, %scan3A_809 = %broadcast_in_dim3A_530) -> (vector<16xf32>, vector<16xf32>, vector<16xf32>, vector<16xf32>, vector<16xf32>, vector<16xf32>, vector<16xf32>, vector<16xf32>)  : i32 {
        %mul3A_810 = arith.constant 8 : i32
        %mul3A_811 = arith.muli %scan3A_801, %mul3A_810 : i32
        %add3A_812 = arith.constant 0 : i32
        %add3A_813 = arith.addi %add3A_812, %mul3A_811 : i32
        %add3A_814 = arith.constant 0 : i32
        %add3A_815 = arith.addi %add3A_813, %add3A_814 : i32
        %get3A = arith.index_cast %add3A_815 : i32 to index
        %get3A_816 = arith.constant 0 : index
        %get3A_817 = tpu.vector_load %arg7[%get3A, %get3A_816] {strides = array<i32>} : memref<1600x32xf32, #tpu.memory_space<vmem>>, vector<1x16xf32>,
        %get3A_818 = vector.shape_cast %get3A_817 : vector<1x16xf32> to vector<16xf32>
        %add3A_819 = arith.addf %scan3A_802, %get3A_818 : vector<16xf32>
        %add3A_820 = arith.constant 0 : i32
        %add3A_821 = arith.addi %add3A_813, %add3A_820 : i32
        %get3A_822 = arith.index_cast %add3A_821 : i32 to index
        %get3A_823 = arith.constant 16 : index
        %get3A_824 = tpu.vector_load %arg7[%get3A_822, %get3A_823] {strides = array<i32>} : memref<1600x32xf32, #tpu.memory_space<vmem>>, vector<1x16xf32>,
        %get3A_825 = vector.shape_cast %get3A_824 : vector<1x16xf32> to vector<16xf32>
        %add3A_826 = arith.addf %scan3A_803, %get3A_825 : vector<16xf32>
        %add3A_827 = arith.constant 1 : i32
        %add3A_828 = arith.addi %add3A_813, %add3A_827 : i32
        %get3A_829 = arith.index_cast %add3A_828 : i32 to index
        %get3A_830 = arith.constant 0 : index
        %get3A_831 = tpu.vector_load %arg7[%get3A_829, %get3A_830] {strides = array<i32>} : memref<1600x32xf32, #tpu.memory_space<vmem>>, vector<1x16xf32>,
        %get3A_832 = vector.shape_cast %get3A_831 : vector<1x16xf32> to vector<16xf32>
        %add3A_833 = arith.addf %scan3A_804, %get3A_832 : vector<16xf32>
        %add3A_834 = arith.constant 1 : i32
        %add3A_835 = arith.addi %add3A_813, %add3A_834 : i32
        %get3A_836 = arith.index_cast %add3A_835 : i32 to index
        %get3A_837 = arith.constant 16 : index
        %get3A_838 = tpu.vector_load %arg7[%get3A_836, %get3A_837] {strides = array<i32>} : memref<1600x32xf32, #tpu.memory_space<vmem>>, vector<1x16xf32>,
        %get3A_839 = vector.shape_cast %get3A_838 : vector<1x16xf32> to vector<16xf32>
        %add3A_840 = arith.addf %scan3A_805, %get3A_839 : vector<16xf32>
        %add3A_841 = arith.constant 2 : i32
        %add3A_842 = arith.addi %add3A_813, %add3A_841 : i32
        %get3A_843 = arith.index_cast %add3A_842 : i32 to index
        %get3A_844 = arith.constant 0 : index
        %get3A_845 = tpu.vector_load %arg7[%get3A_843, %get3A_844] {strides = array<i32>} : memref<1600x32xf32, #tpu.memory_space<vmem>>, vector<1x16xf32>,
        %get3A_846 = vector.shape_cast %get3A_845 : vector<1x16xf32> to vector<16xf32>
        %add3A_847 = arith.addf %scan3A_806, %get3A_846 : vector<16xf32>
        %add3A_848 = arith.constant 2 : i32
        %add3A_849 = arith.addi %add3A_813, %add3A_848 : i32
        %get3A_850 = arith.index_cast %add3A_849 : i32 to index
        %get3A_851 = arith.constant 16 : index
        %get3A_852 = tpu.vector_load %arg7[%get3A_850, %get3A_851] {strides = array<i32>} : memref<1600x32xf32, #tpu.memory_space<vmem>>, vector<1x16xf32>,
        %get3A_853 = vector.shape_cast %get3A_852 : vector<1x16xf32> to vector<16xf32>
        %add3A_854 = arith.addf %scan3A_807, %get3A_853 : vector<16xf32>
        %add3A_855 = arith.constant 3 : i32
        %add3A_856 = arith.addi %add3A_813, %add3A_855 : i32
        %get3A_857 = arith.index_cast %add3A_856 : i32 to index
        %get3A_858 = arith.constant 0 : index
        %get3A_859 = tpu.vector_load %arg7[%get3A_857, %get3A_858] {strides = array<i32>} : memref<1600x32xf32, #tpu.memory_space<vmem>>, vector<1x16xf32>,
        %get3A_860 = vector.shape_cast %get3A_859 : vector<1x16xf32> to vector<16xf32>
        %add3A_861 = arith.addf %scan3A_808, %get3A_860 : vector<16xf32>
        %add3A_862 = arith.constant 3 : i32
        %add3A_863 = arith.addi %add3A_813, %add3A_862 : i32
        %get3A_864 = arith.index_cast %add3A_863 : i32 to index
        %get3A_865 = arith.constant 16 : index
        %get3A_866 = tpu.vector_load %arg7[%get3A_864, %get3A_865] {strides = array<i32>} : memref<1600x32xf32, #tpu.memory_space<vmem>>, vector<1x16xf32>,
        %get3A_867 = vector.shape_cast %get3A_866 : vector<1x16xf32> to vector<16xf32>
        %add3A_868 = arith.addf %scan3A_809, %get3A_867 : vector<16xf32>
        %add3A_869 = arith.constant 4 : i32
        %add3A_870 = arith.addi %add3A_813, %add3A_869 : i32
        %get3A_871 = arith.index_cast %add3A_870 : i32 to index
        %get3A_872 = arith.constant 0 : index
        %get3A_873 = tpu.vector_load %arg7[%get3A_871, %get3A_872] {strides = array<i32>} : memref<1600x32xf32, #tpu.memory_space<vmem>>, vector<1x16xf32>,
        %get3A_874 = vector.shape_cast %get3A_873 : vector<1x16xf32> to vector<16xf32>
        %add3A_875 = arith.addf %add3A_819, %get3A_874 : vector<16xf32>
        %add3A_876 = arith.constant 4 : i32
        %add3A_877 = arith.addi %add3A_813, %add3A_876 : i32
        %get3A_878 = arith.index_cast %add3A_877 : i32 to index
        %get3A_879 = arith.constant 16 : index
        %get3A_880 = tpu.vector_load %arg7[%get3A_878, %get3A_879] {strides = array<i32>} : memref<1600x32xf32, #tpu.memory_space<vmem>>, vector<1x16xf32>,
        %get3A_881 = vector.shape_cast %get3A_880 : vector<1x16xf32> to vector<16xf32>
        %add3A_882 = arith.addf %add3A_826, %get3A_881 : vector<16xf32>
        %add3A_883 = arith.constant 5 : i32
        %add3A_884 = arith.addi %add3A_813, %add3A_883 : i32
        %get3A_885 = arith.index_cast %add3A_884 : i32 to index
        %get3A_886 = arith.constant 0 : index
        %get3A_887 = tpu.vector_load %arg7[%get3A_885, %get3A_886] {strides = array<i32>} : memref<1600x32xf32, #tpu.memory_space<vmem>>, vector<1x16xf32>,
        %get3A_888 = vector.shape_cast %get3A_887 : vector<1x16xf32> to vector<16xf32>
        %add3A_889 = arith.addf %add3A_833, %get3A_888 : vector<16xf32>
        %add3A_890 = arith.constant 5 : i32
        %add3A_891 = arith.addi %add3A_813, %add3A_890 : i32
        %get3A_892 = arith.index_cast %add3A_891 : i32 to index
        %get3A_893 = arith.constant 16 : index
        %get3A_894 = tpu.vector_load %arg7[%get3A_892, %get3A_893] {strides = array<i32>} : memref<1600x32xf32, #tpu.memory_space<vmem>>, vector<1x16xf32>,
        %get3A_895 = vector.shape_cast %get3A_894 : vector<1x16xf32> to vector<16xf32>
        %add3A_896 = arith.addf %add3A_840, %get3A_895 : vector<16xf32>
        %add3A_897 = arith.constant 6 : i32
        %add3A_898 = arith.addi %add3A_813, %add3A_897 : i32
        %get3A_899 = arith.index_cast %add3A_898 : i32 to index
        %get3A_900 = arith.constant 0 : index
        %get3A_901 = tpu.vector_load %arg7[%get3A_899, %get3A_900] {strides = array<i32>} : memref<1600x32xf32, #tpu.memory_space<vmem>>, vector<1x16xf32>,
        %get3A_902 = vector.shape_cast %get3A_901 : vector<1x16xf32> to vector<16xf32>
        %add3A_903 = arith.addf %add3A_847, %get3A_902 : vector<16xf32>
        %add3A_904 = arith.constant 6 : i32
        %add3A_905 = arith.addi %add3A_813, %add3A_904 : i32
        %get3A_906 = arith.index_cast %add3A_905 : i32 to index
        %get3A_907 = arith.constant 16 : index
        %get3A_908 = tpu.vector_load %arg7[%get3A_906, %get3A_907] {strides = array<i32>} : memref<1600x32xf32, #tpu.memory_space<vmem>>, vector<1x16xf32>,
        %get3A_909 = vector.shape_cast %get3A_908 : vector<1x16xf32> to vector<16xf32>
        %add3A_910 = arith.addf %add3A_854, %get3A_909 : vector<16xf32>
        %add3A_911 = arith.constant 7 : i32
        %add3A_912 = arith.addi %add3A_813, %add3A_911 : i32
        %get3A_913 = arith.index_cast %add3A_912 : i32 to index
        %get3A_914 = arith.constant 0 : index
        %get3A_915 = tpu.vector_load %arg7[%get3A_913, %get3A_914] {strides = array<i32>} : memref<1600x32xf32, #tpu.memory_space<vmem>>, vector<1x16xf32>,
        %get3A_916 = vector.shape_cast %get3A_915 : vector<1x16xf32> to vector<16xf32>
        %add3A_917 = arith.addf %add3A_861, %get3A_916 : vector<16xf32>
        %add3A_918 = arith.constant 7 : i32
        %add3A_919 = arith.addi %add3A_813, %add3A_918 : i32
        %get3A_920 = arith.index_cast %add3A_919 : i32 to index
        %get3A_921 = arith.constant 16 : index
        %get3A_922 = tpu.vector_load %arg7[%get3A_920, %get3A_921] {strides = array<i32>} : memref<1600x32xf32, #tpu.memory_space<vmem>>, vector<1x16xf32>,
        %get3A_923 = vector.shape_cast %get3A_922 : vector<1x16xf32> to vector<16xf32>
        %add3A_924 = arith.addf %add3A_868, %get3A_923 : vector<16xf32>
        scf.yield %add3A_875, %add3A_882, %add3A_889, %add3A_896, %add3A_903, %add3A_910, %add3A_917, %add3A_924 : vector<16xf32>, vector<16xf32>, vector<16xf32>, vector<16xf32>, vector<16xf32>, vector<16xf32>, vector<16xf32>, vector<16xf32>
      }
      %scan3A_536 = arith.constant 25 : i32
      %add3A_537 = arith.addf %scan3A_535#0, %scan3A_535#2 : vector<16xf32>
      %add3A_538 = arith.addf %scan3A_535#4, %scan3A_535#6 : vector<16xf32>
      %add3A_539 = arith.addf %add3A_537, %add3A_538 : vector<16xf32>
      %add3A_540 = arith.constant 0 : i32
      %add3A_541 = arith.addi %mul3A_528, %add3A_540 : i32
      %swap3A_542 = arith.index_cast %add3A_541 : i32 to index
      %swap3A_543 = arith.constant 0 : index
      %swap3A_544 = tpu.vector_load %arg8[%swap3A_542, %swap3A_543] {strides = array<i32>} : memref<512x32xf32, #tpu.memory_space<vmem>>, vector<1x16xf32>,
      %swap3A_545 = vector.shape_cast %swap3A_544 : vector<1x16xf32> to vector<16xf32>
      %swap3A_546 = vector.shape_cast %add3A_539 : vector<16xf32> to vector<1x16xf32>
      tpu.vector_store %arg8[%swap3A_542, %swap3A_543], %swap3A_546 {strides = array<i32>} : memref<512x32xf32, #tpu.memory_space<vmem>>, vector<1x16xf32>,
      %add3A_547 = arith.addf %scan3A_535#1, %scan3A_535#3 : vector<16xf32>
      %add3A_548 = arith.addf %scan3A_535#5, %scan3A_535#7 : vector<16xf32>
      %add3A_549 = arith.addf %add3A_547, %add3A_548 : vector<16xf32>
      %add3A_550 = arith.constant 0 : i32
      %add3A_551 = arith.addi %mul3A_528, %add3A_550 : i32
      %swap3A_552 = arith.index_cast %add3A_551 : i32 to index
      %swap3A_553 = arith.constant 16 : index
      %swap3A_554 = tpu.vector_load %arg8[%swap3A_552, %swap3A_553] {strides = array<i32>} : memref<512x32xf32, #tpu.memory_space<vmem>>, vector<1x16xf32>,
      %swap3A_555 = vector.shape_cast %swap3A_554 : vector<1x16xf32> to vector<16xf32>
      %swap3A_556 = vector.shape_cast %add3A_549 : vector<16xf32> to vector<1x16xf32>
      tpu.vector_store %arg8[%swap3A_552, %swap3A_553], %swap3A_556 {strides = array<i32>} : memref<512x32xf32, #tpu.memory_space<vmem>>, vector<1x16xf32>,
      %broadcast_in_dim3A_557 = arith.constant 0.000000e+00 : f32
      %broadcast_in_dim3A_558 = vector.broadcast %broadcast_in_dim3A_557 : f32 to vector<16xf32>
      %scan3A_559 = arith.constant 0 : i32
      %scan3A_560 = arith.constant 25 : i32
      %scan3A_561 = arith.addi %scan3A_559, %scan3A_560 : i32
      %scan3A_562 = arith.constant 1 : i32
      %scan3A_563:8 = scf.for %scan3A_801 = %scan3A_559 to %scan3A_561 step %scan3A_562 iter_args(%scan3A_802 = %broadcast_in_dim3A_558, %scan3A_803 = %broadcast_in_dim3A_558, %scan3A_804 = %broadcast_in_dim3A_558, %scan3A_805 = %broadcast_in_dim3A_558, %scan3A_806 = %broadcast_in_dim3A_558, %scan3A_807 = %broadcast_in_dim3A_558, %scan3A_808 = %broadcast_in_dim3A_558, %scan3A_809 = %broadcast_in_dim3A_558) -> (vector<16xf32>, vector<16xf32>, vector<16xf32>, vector<16xf32>, vector<16xf32>, vector<16xf32>, vector<16xf32>, vector<16xf32>)  : i32 {
        %mul3A_810 = arith.constant 8 : i32
        %mul3A_811 = arith.muli %scan3A_801, %mul3A_810 : i32
        %add3A_812 = arith.constant 200 : i32
        %add3A_813 = arith.addi %add3A_812, %mul3A_811 : i32
        %add3A_814 = arith.constant 0 : i32
        %add3A_815 = arith.addi %add3A_813, %add3A_814 : i32
        %get3A = arith.index_cast %add3A_815 : i32 to index
        %get3A_816 = arith.constant 0 : index
        %get3A_817 = tpu.vector_load %arg7[%get3A, %get3A_816] {strides = array<i32>} : memref<1600x32xf32, #tpu.memory_space<vmem>>, vector<1x16xf32>,
        %get3A_818 = vector.shape_cast %get3A_817 : vector<1x16xf32> to vector<16xf32>
        %add3A_819 = arith.addf %scan3A_802, %get3A_818 : vector<16xf32>
        %add3A_820 = arith.constant 0 : i32
        %add3A_821 = arith.addi %add3A_813, %add3A_820 : i32
        %get3A_822 = arith.index_cast %add3A_821 : i32 to index
        %get3A_823 = arith.constant 16 : index
        %get3A_824 = tpu.vector_load %arg7[%get3A_822, %get3A_823] {strides = array<i32>} : memref<1600x32xf32, #tpu.memory_space<vmem>>, vector<1x16xf32>,
        %get3A_825 = vector.shape_cast %get3A_824 : vector<1x16xf32> to vector<16xf32>
        %add3A_826 = arith.addf %scan3A_803, %get3A_825 : vector<16xf32>
        %add3A_827 = arith.constant 1 : i32
        %add3A_828 = arith.addi %add3A_813, %add3A_827 : i32
        %get3A_829 = arith.index_cast %add3A_828 : i32 to index
        %get3A_830 = arith.constant 0 : index
        %get3A_831 = tpu.vector_load %arg7[%get3A_829, %get3A_830] {strides = array<i32>} : memref<1600x32xf32, #tpu.memory_space<vmem>>, vector<1x16xf32>,
        %get3A_832 = vector.shape_cast %get3A_831 : vector<1x16xf32> to vector<16xf32>
        %add3A_833 = arith.addf %scan3A_804, %get3A_832 : vector<16xf32>
        %add3A_834 = arith.constant 1 : i32
        %add3A_835 = arith.addi %add3A_813, %add3A_834 : i32
        %get3A_836 = arith.index_cast %add3A_835 : i32 to index
        %get3A_837 = arith.constant 16 : index
        %get3A_838 = tpu.vector_load %arg7[%get3A_836, %get3A_837] {strides = array<i32>} : memref<1600x32xf32, #tpu.memory_space<vmem>>, vector<1x16xf32>,
        %get3A_839 = vector.shape_cast %get3A_838 : vector<1x16xf32> to vector<16xf32>
        %add3A_840 = arith.addf %scan3A_805, %get3A_839 : vector<16xf32>
        %add3A_841 = arith.constant 2 : i32
        %add3A_842 = arith.addi %add3A_813, %add3A_841 : i32
        %get3A_843 = arith.index_cast %add3A_842 : i32 to index
        %get3A_844 = arith.constant 0 : index
        %get3A_845 = tpu.vector_load %arg7[%get3A_843, %get3A_844] {strides = array<i32>} : memref<1600x32xf32, #tpu.memory_space<vmem>>, vector<1x16xf32>,
        %get3A_846 = vector.shape_cast %get3A_845 : vector<1x16xf32> to vector<16xf32>
        %add3A_847 = arith.addf %scan3A_806, %get3A_846 : vector<16xf32>
        %add3A_848 = arith.constant 2 : i32
        %add3A_849 = arith.addi %add3A_813, %add3A_848 : i32
        %get3A_850 = arith.index_cast %add3A_849 : i32 to index
        %get3A_851 = arith.constant 16 : index
        %get3A_852 = tpu.vector_load %arg7[%get3A_850, %get3A_851] {strides = array<i32>} : memref<1600x32xf32, #tpu.memory_space<vmem>>, vector<1x16xf32>,
        %get3A_853 = vector.shape_cast %get3A_852 : vector<1x16xf32> to vector<16xf32>
        %add3A_854 = arith.addf %scan3A_807, %get3A_853 : vector<16xf32>
        %add3A_855 = arith.constant 3 : i32
        %add3A_856 = arith.addi %add3A_813, %add3A_855 : i32
        %get3A_857 = arith.index_cast %add3A_856 : i32 to index
        %get3A_858 = arith.constant 0 : index
        %get3A_859 = tpu.vector_load %arg7[%get3A_857, %get3A_858] {strides = array<i32>} : memref<1600x32xf32, #tpu.memory_space<vmem>>, vector<1x16xf32>,
        %get3A_860 = vector.shape_cast %get3A_859 : vector<1x16xf32> to vector<16xf32>
        %add3A_861 = arith.addf %scan3A_808, %get3A_860 : vector<16xf32>
        %add3A_862 = arith.constant 3 : i32
        %add3A_863 = arith.addi %add3A_813, %add3A_862 : i32
        %get3A_864 = arith.index_cast %add3A_863 : i32 to index
        %get3A_865 = arith.constant 16 : index
        %get3A_866 = tpu.vector_load %arg7[%get3A_864, %get3A_865] {strides = array<i32>} : memref<1600x32xf32, #tpu.memory_space<vmem>>, vector<1x16xf32>,
        %get3A_867 = vector.shape_cast %get3A_866 : vector<1x16xf32> to vector<16xf32>
        %add3A_868 = arith.addf %scan3A_809, %get3A_867 : vector<16xf32>
        %add3A_869 = arith.constant 4 : i32
        %add3A_870 = arith.addi %add3A_813, %add3A_869 : i32
        %get3A_871 = arith.index_cast %add3A_870 : i32 to index
        %get3A_872 = arith.constant 0 : index
        %get3A_873 = tpu.vector_load %arg7[%get3A_871, %get3A_872] {strides = array<i32>} : memref<1600x32xf32, #tpu.memory_space<vmem>>, vector<1x16xf32>,
        %get3A_874 = vector.shape_cast %get3A_873 : vector<1x16xf32> to vector<16xf32>
        %add3A_875 = arith.addf %add3A_819, %get3A_874 : vector<16xf32>
        %add3A_876 = arith.constant 4 : i32
        %add3A_877 = arith.addi %add3A_813, %add3A_876 : i32
        %get3A_878 = arith.index_cast %add3A_877 : i32 to index
        %get3A_879 = arith.constant 16 : index
        %get3A_880 = tpu.vector_load %arg7[%get3A_878, %get3A_879] {strides = array<i32>} : memref<1600x32xf32, #tpu.memory_space<vmem>>, vector<1x16xf32>,
        %get3A_881 = vector.shape_cast %get3A_880 : vector<1x16xf32> to vector<16xf32>
        %add3A_882 = arith.addf %add3A_826, %get3A_881 : vector<16xf32>
        %add3A_883 = arith.constant 5 : i32
        %add3A_884 = arith.addi %add3A_813, %add3A_883 : i32
        %get3A_885 = arith.index_cast %add3A_884 : i32 to index
        %get3A_886 = arith.constant 0 : index
        %get3A_887 = tpu.vector_load %arg7[%get3A_885, %get3A_886] {strides = array<i32>} : memref<1600x32xf32, #tpu.memory_space<vmem>>, vector<1x16xf32>,
        %get3A_888 = vector.shape_cast %get3A_887 : vector<1x16xf32> to vector<16xf32>
        %add3A_889 = arith.addf %add3A_833, %get3A_888 : vector<16xf32>
        %add3A_890 = arith.constant 5 : i32
        %add3A_891 = arith.addi %add3A_813, %add3A_890 : i32
        %get3A_892 = arith.index_cast %add3A_891 : i32 to index
        %get3A_893 = arith.constant 16 : index
        %get3A_894 = tpu.vector_load %arg7[%get3A_892, %get3A_893] {strides = array<i32>} : memref<1600x32xf32, #tpu.memory_space<vmem>>, vector<1x16xf32>,
        %get3A_895 = vector.shape_cast %get3A_894 : vector<1x16xf32> to vector<16xf32>
        %add3A_896 = arith.addf %add3A_840, %get3A_895 : vector<16xf32>
        %add3A_897 = arith.constant 6 : i32
        %add3A_898 = arith.addi %add3A_813, %add3A_897 : i32
        %get3A_899 = arith.index_cast %add3A_898 : i32 to index
        %get3A_900 = arith.constant 0 : index
        %get3A_901 = tpu.vector_load %arg7[%get3A_899, %get3A_900] {strides = array<i32>} : memref<1600x32xf32, #tpu.memory_space<vmem>>, vector<1x16xf32>,
        %get3A_902 = vector.shape_cast %get3A_901 : vector<1x16xf32> to vector<16xf32>
        %add3A_903 = arith.addf %add3A_847, %get3A_902 : vector<16xf32>
        %add3A_904 = arith.constant 6 : i32
        %add3A_905 = arith.addi %add3A_813, %add3A_904 : i32
        %get3A_906 = arith.index_cast %add3A_905 : i32 to index
        %get3A_907 = arith.constant 16 : index
        %get3A_908 = tpu.vector_load %arg7[%get3A_906, %get3A_907] {strides = array<i32>} : memref<1600x32xf32, #tpu.memory_space<vmem>>, vector<1x16xf32>,
        %get3A_909 = vector.shape_cast %get3A_908 : vector<1x16xf32> to vector<16xf32>
        %add3A_910 = arith.addf %add3A_854, %get3A_909 : vector<16xf32>
        %add3A_911 = arith.constant 7 : i32
        %add3A_912 = arith.addi %add3A_813, %add3A_911 : i32
        %get3A_913 = arith.index_cast %add3A_912 : i32 to index
        %get3A_914 = arith.constant 0 : index
        %get3A_915 = tpu.vector_load %arg7[%get3A_913, %get3A_914] {strides = array<i32>} : memref<1600x32xf32, #tpu.memory_space<vmem>>, vector<1x16xf32>,
        %get3A_916 = vector.shape_cast %get3A_915 : vector<1x16xf32> to vector<16xf32>
        %add3A_917 = arith.addf %add3A_861, %get3A_916 : vector<16xf32>
        %add3A_918 = arith.constant 7 : i32
        %add3A_919 = arith.addi %add3A_813, %add3A_918 : i32
        %get3A_920 = arith.index_cast %add3A_919 : i32 to index
        %get3A_921 = arith.constant 16 : index
        %get3A_922 = tpu.vector_load %arg7[%get3A_920, %get3A_921] {strides = array<i32>} : memref<1600x32xf32, #tpu.memory_space<vmem>>, vector<1x16xf32>,
        %get3A_923 = vector.shape_cast %get3A_922 : vector<1x16xf32> to vector<16xf32>
        %add3A_924 = arith.addf %add3A_868, %get3A_923 : vector<16xf32>
        scf.yield %add3A_875, %add3A_882, %add3A_889, %add3A_896, %add3A_903, %add3A_910, %add3A_917, %add3A_924 : vector<16xf32>, vector<16xf32>, vector<16xf32>, vector<16xf32>, vector<16xf32>, vector<16xf32>, vector<16xf32>, vector<16xf32>
      }
      %scan3A_564 = arith.constant 25 : i32
      %add3A_565 = arith.addf %scan3A_563#0, %scan3A_563#2 : vector<16xf32>
      %add3A_566 = arith.addf %scan3A_563#4, %scan3A_563#6 : vector<16xf32>
      %add3A_567 = arith.addf %add3A_565, %add3A_566 : vector<16xf32>
      %add3A_568 = arith.constant 1 : i32
      %add3A_569 = arith.addi %mul3A_528, %add3A_568 : i32
      %swap3A_570 = arith.index_cast %add3A_569 : i32 to index
      %swap3A_571 = arith.constant 0 : index
      %swap3A_572 = tpu.vector_load %arg8[%swap3A_570, %swap3A_571] {strides = array<i32>} : memref<512x32xf32, #tpu.memory_space<vmem>>, vector<1x16xf32>,
      %swap3A_573 = vector.shape_cast %swap3A_572 : vector<1x16xf32> to vector<16xf32>
      %swap3A_574 = vector.shape_cast %add3A_567 : vector<16xf32> to vector<1x16xf32>
      tpu.vector_store %arg8[%swap3A_570, %swap3A_571], %swap3A_574 {strides = array<i32>} : memref<512x32xf32, #tpu.memory_space<vmem>>, vector<1x16xf32>,
      %add3A_575 = arith.addf %scan3A_563#1, %scan3A_563#3 : vector<16xf32>
      %add3A_576 = arith.addf %scan3A_563#5, %scan3A_563#7 : vector<16xf32>
      %add3A_577 = arith.addf %add3A_575, %add3A_576 : vector<16xf32>
      %add3A_578 = arith.constant 1 : i32
      %add3A_579 = arith.addi %mul3A_528, %add3A_578 : i32
      %swap3A_580 = arith.index_cast %add3A_579 : i32 to index
      %swap3A_581 = arith.constant 16 : index
      %swap3A_582 = tpu.vector_load %arg8[%swap3A_580, %swap3A_581] {strides = array<i32>} : memref<512x32xf32, #tpu.memory_space<vmem>>, vector<1x16xf32>,
      %swap3A_583 = vector.shape_cast %swap3A_582 : vector<1x16xf32> to vector<16xf32>
      %swap3A_584 = vector.shape_cast %add3A_577 : vector<16xf32> to vector<1x16xf32>
      tpu.vector_store %arg8[%swap3A_580, %swap3A_581], %swap3A_584 {strides = array<i32>} : memref<512x32xf32, #tpu.memory_space<vmem>>, vector<1x16xf32>,
      %dma_wait3A_585 = arith.constant 400 : i32
      %dma_wait3A_586 = arith.constant 0 : i32
      %dma_wait3A_587 = tpu.memref_slice %arg7[%dma_wait3A_585, %dma_wait3A_586] : memref<1600x32xf32, #tpu.memory_space<vmem>> -> memref<400x32xf32, #tpu.memory_space<vmem>>
      %dma_wait3A_588 = arith.constant 0 : i32
      %dma_wait3A_589 = arith.constant 0 : i32
      %dma_wait3A_590 = tpu.memref_slice %arg3[%dma_wait3A_588, %dma_wait3A_589] : memref<1000000x32xf32, #tpu.memory_space<hbm>> -> memref<400x32xf32, #tpu.memory_space<hbm>>
      %dma_wait3A_591 = arith.constant 400 : i32
      %dma_wait3A_592 = arith.constant 0 : i32
      %dma_wait3A_593 = tpu.memref_slice %arg7[%dma_wait3A_591, %dma_wait3A_592] : memref<1600x32xf32, #tpu.memory_space<vmem>> -> memref<400x32xf32, #tpu.memory_space<vmem>>
      %dma_wait3A_594 = arith.constant 0 : i32
      %dma_wait3A_595 = arith.constant 0 : i32
      %dma_wait3A_596 = tpu.memref_slice %arg3[%dma_wait3A_594, %dma_wait3A_595] : memref<1000000x32xf32, #tpu.memory_space<hbm>> -> memref<400x32xf32, #tpu.memory_space<hbm>>
      tpu.wait_dma2 semaphore(%arg10 : memref<!tpu.dma_semaphore, #tpu.memory_space<semaphore_mem>>) src(%dma_wait3A_596 : memref<400x32xf32, #tpu.memory_space<hbm>>) dst(%dma_wait3A_593 : memref<400x32xf32, #tpu.memory_space<vmem>>)
      %mul3A_597 = arith.constant 8 : i32
      %mul3A_598 = arith.muli %add3A_500, %mul3A_597 : i32
      %add3A_599 = arith.constant 2 : i32
      %add3A_600 = arith.addi %mul3A_598, %add3A_599 : i32
      %broadcast_in_dim3A_601 = arith.constant 0.000000e+00 : f32
      %broadcast_in_dim3A_602 = vector.broadcast %broadcast_in_dim3A_601 : f32 to vector<16xf32>
      %scan3A_603 = arith.constant 0 : i32
      %scan3A_604 = arith.constant 25 : i32
      %scan3A_605 = arith.addi %scan3A_603, %scan3A_604 : i32
      %scan3A_606 = arith.constant 1 : i32
      %scan3A_607:8 = scf.for %scan3A_801 = %scan3A_603 to %scan3A_605 step %scan3A_606 iter_args(%scan3A_802 = %broadcast_in_dim3A_602, %scan3A_803 = %broadcast_in_dim3A_602, %scan3A_804 = %broadcast_in_dim3A_602, %scan3A_805 = %broadcast_in_dim3A_602, %scan3A_806 = %broadcast_in_dim3A_602, %scan3A_807 = %broadcast_in_dim3A_602, %scan3A_808 = %broadcast_in_dim3A_602, %scan3A_809 = %broadcast_in_dim3A_602) -> (vector<16xf32>, vector<16xf32>, vector<16xf32>, vector<16xf32>, vector<16xf32>, vector<16xf32>, vector<16xf32>, vector<16xf32>)  : i32 {
        %mul3A_810 = arith.constant 8 : i32
        %mul3A_811 = arith.muli %scan3A_801, %mul3A_810 : i32
        %add3A_812 = arith.constant 0 : i32
        %add3A_813 = arith.addi %add3A_812, %mul3A_811 : i32
        %add3A_814 = arith.constant 0 : i32
        %add3A_815 = arith.addi %add3A_813, %add3A_814 : i32
        %get3A = arith.constant 400 : i32
        %get3A_816 = arith.constant 0 : i32
        %get3A_817 = tpu.memref_slice %arg7[%get3A, %get3A_816] : memref<1600x32xf32, #tpu.memory_space<vmem>> -> memref<400x32xf32, #tpu.memory_space<vmem>>
        %get3A_818 = arith.index_cast %add3A_815 : i32 to index
        %get3A_819 = arith.constant 0 : index
        %get3A_820 = tpu.vector_load %get3A_817[%get3A_818, %get3A_819] {strides = array<i32>} : memref<400x32xf32, #tpu.memory_space<vmem>>, vector<1x16xf32>,
        %get3A_821 = vector.shape_cast %get3A_820 : vector<1x16xf32> to vector<16xf32>
        %add3A_822 = arith.addf %scan3A_802, %get3A_821 : vector<16xf32>
        %add3A_823 = arith.constant 0 : i32
        %add3A_824 = arith.addi %add3A_813, %add3A_823 : i32
        %get3A_825 = arith.constant 400 : i32
        %get3A_826 = arith.constant 0 : i32
        %get3A_827 = tpu.memref_slice %arg7[%get3A_825, %get3A_826] : memref<1600x32xf32, #tpu.memory_space<vmem>> -> memref<400x32xf32, #tpu.memory_space<vmem>>
        %get3A_828 = arith.index_cast %add3A_824 : i32 to index
        %get3A_829 = arith.constant 16 : index
        %get3A_830 = tpu.vector_load %get3A_827[%get3A_828, %get3A_829] {strides = array<i32>} : memref<400x32xf32, #tpu.memory_space<vmem>>, vector<1x16xf32>,
        %get3A_831 = vector.shape_cast %get3A_830 : vector<1x16xf32> to vector<16xf32>
        %add3A_832 = arith.addf %scan3A_803, %get3A_831 : vector<16xf32>
        %add3A_833 = arith.constant 1 : i32
        %add3A_834 = arith.addi %add3A_813, %add3A_833 : i32
        %get3A_835 = arith.constant 400 : i32
        %get3A_836 = arith.constant 0 : i32
        %get3A_837 = tpu.memref_slice %arg7[%get3A_835, %get3A_836] : memref<1600x32xf32, #tpu.memory_space<vmem>> -> memref<400x32xf32, #tpu.memory_space<vmem>>
        %get3A_838 = arith.index_cast %add3A_834 : i32 to index
        %get3A_839 = arith.constant 0 : index
        %get3A_840 = tpu.vector_load %get3A_837[%get3A_838, %get3A_839] {strides = array<i32>} : memref<400x32xf32, #tpu.memory_space<vmem>>, vector<1x16xf32>,
        %get3A_841 = vector.shape_cast %get3A_840 : vector<1x16xf32> to vector<16xf32>
        %add3A_842 = arith.addf %scan3A_804, %get3A_841 : vector<16xf32>
        %add3A_843 = arith.constant 1 : i32
        %add3A_844 = arith.addi %add3A_813, %add3A_843 : i32
        %get3A_845 = arith.constant 400 : i32
        %get3A_846 = arith.constant 0 : i32
        %get3A_847 = tpu.memref_slice %arg7[%get3A_845, %get3A_846] : memref<1600x32xf32, #tpu.memory_space<vmem>> -> memref<400x32xf32, #tpu.memory_space<vmem>>
        %get3A_848 = arith.index_cast %add3A_844 : i32 to index
        %get3A_849 = arith.constant 16 : index
        %get3A_850 = tpu.vector_load %get3A_847[%get3A_848, %get3A_849] {strides = array<i32>} : memref<400x32xf32, #tpu.memory_space<vmem>>, vector<1x16xf32>,
        %get3A_851 = vector.shape_cast %get3A_850 : vector<1x16xf32> to vector<16xf32>
        %add3A_852 = arith.addf %scan3A_805, %get3A_851 : vector<16xf32>
        %add3A_853 = arith.constant 2 : i32
        %add3A_854 = arith.addi %add3A_813, %add3A_853 : i32
        %get3A_855 = arith.constant 400 : i32
        %get3A_856 = arith.constant 0 : i32
        %get3A_857 = tpu.memref_slice %arg7[%get3A_855, %get3A_856] : memref<1600x32xf32, #tpu.memory_space<vmem>> -> memref<400x32xf32, #tpu.memory_space<vmem>>
        %get3A_858 = arith.index_cast %add3A_854 : i32 to index
        %get3A_859 = arith.constant 0 : index
        %get3A_860 = tpu.vector_load %get3A_857[%get3A_858, %get3A_859] {strides = array<i32>} : memref<400x32xf32, #tpu.memory_space<vmem>>, vector<1x16xf32>,
        %get3A_861 = vector.shape_cast %get3A_860 : vector<1x16xf32> to vector<16xf32>
        %add3A_862 = arith.addf %scan3A_806, %get3A_861 : vector<16xf32>
        %add3A_863 = arith.constant 2 : i32
        %add3A_864 = arith.addi %add3A_813, %add3A_863 : i32
        %get3A_865 = arith.constant 400 : i32
        %get3A_866 = arith.constant 0 : i32
        %get3A_867 = tpu.memref_slice %arg7[%get3A_865, %get3A_866] : memref<1600x32xf32, #tpu.memory_space<vmem>> -> memref<400x32xf32, #tpu.memory_space<vmem>>
        %get3A_868 = arith.index_cast %add3A_864 : i32 to index
        %get3A_869 = arith.constant 16 : index
        %get3A_870 = tpu.vector_load %get3A_867[%get3A_868, %get3A_869] {strides = array<i32>} : memref<400x32xf32, #tpu.memory_space<vmem>>, vector<1x16xf32>,
        %get3A_871 = vector.shape_cast %get3A_870 : vector<1x16xf32> to vector<16xf32>
        %add3A_872 = arith.addf %scan3A_807, %get3A_871 : vector<16xf32>
        %add3A_873 = arith.constant 3 : i32
        %add3A_874 = arith.addi %add3A_813, %add3A_873 : i32
        %get3A_875 = arith.constant 400 : i32
        %get3A_876 = arith.constant 0 : i32
        %get3A_877 = tpu.memref_slice %arg7[%get3A_875, %get3A_876] : memref<1600x32xf32, #tpu.memory_space<vmem>> -> memref<400x32xf32, #tpu.memory_space<vmem>>
        %get3A_878 = arith.index_cast %add3A_874 : i32 to index
        %get3A_879 = arith.constant 0 : index
        %get3A_880 = tpu.vector_load %get3A_877[%get3A_878, %get3A_879] {strides = array<i32>} : memref<400x32xf32, #tpu.memory_space<vmem>>, vector<1x16xf32>,
        %get3A_881 = vector.shape_cast %get3A_880 : vector<1x16xf32> to vector<16xf32>
        %add3A_882 = arith.addf %scan3A_808, %get3A_881 : vector<16xf32>
        %add3A_883 = arith.constant 3 : i32
        %add3A_884 = arith.addi %add3A_813, %add3A_883 : i32
        %get3A_885 = arith.constant 400 : i32
        %get3A_886 = arith.constant 0 : i32
        %get3A_887 = tpu.memref_slice %arg7[%get3A_885, %get3A_886] : memref<1600x32xf32, #tpu.memory_space<vmem>> -> memref<400x32xf32, #tpu.memory_space<vmem>>
        %get3A_888 = arith.index_cast %add3A_884 : i32 to index
        %get3A_889 = arith.constant 16 : index
        %get3A_890 = tpu.vector_load %get3A_887[%get3A_888, %get3A_889] {strides = array<i32>} : memref<400x32xf32, #tpu.memory_space<vmem>>, vector<1x16xf32>,
        %get3A_891 = vector.shape_cast %get3A_890 : vector<1x16xf32> to vector<16xf32>
        %add3A_892 = arith.addf %scan3A_809, %get3A_891 : vector<16xf32>
        %add3A_893 = arith.constant 4 : i32
        %add3A_894 = arith.addi %add3A_813, %add3A_893 : i32
        %get3A_895 = arith.constant 400 : i32
        %get3A_896 = arith.constant 0 : i32
        %get3A_897 = tpu.memref_slice %arg7[%get3A_895, %get3A_896] : memref<1600x32xf32, #tpu.memory_space<vmem>> -> memref<400x32xf32, #tpu.memory_space<vmem>>
        %get3A_898 = arith.index_cast %add3A_894 : i32 to index
        %get3A_899 = arith.constant 0 : index
        %get3A_900 = tpu.vector_load %get3A_897[%get3A_898, %get3A_899] {strides = array<i32>} : memref<400x32xf32, #tpu.memory_space<vmem>>, vector<1x16xf32>,
        %get3A_901 = vector.shape_cast %get3A_900 : vector<1x16xf32> to vector<16xf32>
        %add3A_902 = arith.addf %add3A_822, %get3A_901 : vector<16xf32>
        %add3A_903 = arith.constant 4 : i32
        %add3A_904 = arith.addi %add3A_813, %add3A_903 : i32
        %get3A_905 = arith.constant 400 : i32
        %get3A_906 = arith.constant 0 : i32
        %get3A_907 = tpu.memref_slice %arg7[%get3A_905, %get3A_906] : memref<1600x32xf32, #tpu.memory_space<vmem>> -> memref<400x32xf32, #tpu.memory_space<vmem>>
        %get3A_908 = arith.index_cast %add3A_904 : i32 to index
        %get3A_909 = arith.constant 16 : index
        %get3A_910 = tpu.vector_load %get3A_907[%get3A_908, %get3A_909] {strides = array<i32>} : memref<400x32xf32, #tpu.memory_space<vmem>>, vector<1x16xf32>,
        %get3A_911 = vector.shape_cast %get3A_910 : vector<1x16xf32> to vector<16xf32>
        %add3A_912 = arith.addf %add3A_832, %get3A_911 : vector<16xf32>
        %add3A_913 = arith.constant 5 : i32
        %add3A_914 = arith.addi %add3A_813, %add3A_913 : i32
        %get3A_915 = arith.constant 400 : i32
        %get3A_916 = arith.constant 0 : i32
        %get3A_917 = tpu.memref_slice %arg7[%get3A_915, %get3A_916] : memref<1600x32xf32, #tpu.memory_space<vmem>> -> memref<400x32xf32, #tpu.memory_space<vmem>>
        %get3A_918 = arith.index_cast %add3A_914 : i32 to index
        %get3A_919 = arith.constant 0 : index
        %get3A_920 = tpu.vector_load %get3A_917[%get3A_918, %get3A_919] {strides = array<i32>} : memref<400x32xf32, #tpu.memory_space<vmem>>, vector<1x16xf32>,
        %get3A_921 = vector.shape_cast %get3A_920 : vector<1x16xf32> to vector<16xf32>
        %add3A_922 = arith.addf %add3A_842, %get3A_921 : vector<16xf32>
        %add3A_923 = arith.constant 5 : i32
        %add3A_924 = arith.addi %add3A_813, %add3A_923 : i32
        %get3A_925 = arith.constant 400 : i32
        %get3A_926 = arith.constant 0 : i32
        %get3A_927 = tpu.memref_slice %arg7[%get3A_925, %get3A_926] : memref<1600x32xf32, #tpu.memory_space<vmem>> -> memref<400x32xf32, #tpu.memory_space<vmem>>
        %get3A_928 = arith.index_cast %add3A_924 : i32 to index
        %get3A_929 = arith.constant 16 : index
        %get3A_930 = tpu.vector_load %get3A_927[%get3A_928, %get3A_929] {strides = array<i32>} : memref<400x32xf32, #tpu.memory_space<vmem>>, vector<1x16xf32>,
        %get3A_931 = vector.shape_cast %get3A_930 : vector<1x16xf32> to vector<16xf32>
        %add3A_932 = arith.addf %add3A_852, %get3A_931 : vector<16xf32>
        %add3A_933 = arith.constant 6 : i32
        %add3A_934 = arith.addi %add3A_813, %add3A_933 : i32
        %get3A_935 = arith.constant 400 : i32
        %get3A_936 = arith.constant 0 : i32
        %get3A_937 = tpu.memref_slice %arg7[%get3A_935, %get3A_936] : memref<1600x32xf32, #tpu.memory_space<vmem>> -> memref<400x32xf32, #tpu.memory_space<vmem>>
        %get3A_938 = arith.index_cast %add3A_934 : i32 to index
        %get3A_939 = arith.constant 0 : index
        %get3A_940 = tpu.vector_load %get3A_937[%get3A_938, %get3A_939] {strides = array<i32>} : memref<400x32xf32, #tpu.memory_space<vmem>>, vector<1x16xf32>,
        %get3A_941 = vector.shape_cast %get3A_940 : vector<1x16xf32> to vector<16xf32>
        %add3A_942 = arith.addf %add3A_862, %get3A_941 : vector<16xf32>
        %add3A_943 = arith.constant 6 : i32
        %add3A_944 = arith.addi %add3A_813, %add3A_943 : i32
        %get3A_945 = arith.constant 400 : i32
        %get3A_946 = arith.constant 0 : i32
        %get3A_947 = tpu.memref_slice %arg7[%get3A_945, %get3A_946] : memref<1600x32xf32, #tpu.memory_space<vmem>> -> memref<400x32xf32, #tpu.memory_space<vmem>>
        %get3A_948 = arith.index_cast %add3A_944 : i32 to index
        %get3A_949 = arith.constant 16 : index
        %get3A_950 = tpu.vector_load %get3A_947[%get3A_948, %get3A_949] {strides = array<i32>} : memref<400x32xf32, #tpu.memory_space<vmem>>, vector<1x16xf32>,
        %get3A_951 = vector.shape_cast %get3A_950 : vector<1x16xf32> to vector<16xf32>
        %add3A_952 = arith.addf %add3A_872, %get3A_951 : vector<16xf32>
        %add3A_953 = arith.constant 7 : i32
        %add3A_954 = arith.addi %add3A_813, %add3A_953 : i32
        %get3A_955 = arith.constant 400 : i32
        %get3A_956 = arith.constant 0 : i32
        %get3A_957 = tpu.memref_slice %arg7[%get3A_955, %get3A_956] : memref<1600x32xf32, #tpu.memory_space<vmem>> -> memref<400x32xf32, #tpu.memory_space<vmem>>
        %get3A_958 = arith.index_cast %add3A_954 : i32 to index
        %get3A_959 = arith.constant 0 : index
        %get3A_960 = tpu.vector_load %get3A_957[%get3A_958, %get3A_959] {strides = array<i32>} : memref<400x32xf32, #tpu.memory_space<vmem>>, vector<1x16xf32>,
        %get3A_961 = vector.shape_cast %get3A_960 : vector<1x16xf32> to vector<16xf32>
        %add3A_962 = arith.addf %add3A_882, %get3A_961 : vector<16xf32>
        %add3A_963 = arith.constant 7 : i32
        %add3A_964 = arith.addi %add3A_813, %add3A_963 : i32
        %get3A_965 = arith.constant 400 : i32
        %get3A_966 = arith.constant 0 : i32
        %get3A_967 = tpu.memref_slice %arg7[%get3A_965, %get3A_966] : memref<1600x32xf32, #tpu.memory_space<vmem>> -> memref<400x32xf32, #tpu.memory_space<vmem>>
        %get3A_968 = arith.index_cast %add3A_964 : i32 to index
        %get3A_969 = arith.constant 16 : index
        %get3A_970 = tpu.vector_load %get3A_967[%get3A_968, %get3A_969] {strides = array<i32>} : memref<400x32xf32, #tpu.memory_space<vmem>>, vector<1x16xf32>,
        %get3A_971 = vector.shape_cast %get3A_970 : vector<1x16xf32> to vector<16xf32>
        %add3A_972 = arith.addf %add3A_892, %get3A_971 : vector<16xf32>
        scf.yield %add3A_902, %add3A_912, %add3A_922, %add3A_932, %add3A_942, %add3A_952, %add3A_962, %add3A_972 : vector<16xf32>, vector<16xf32>, vector<16xf32>, vector<16xf32>, vector<16xf32>, vector<16xf32>, vector<16xf32>, vector<16xf32>
      }
      %scan3A_608 = arith.constant 25 : i32
      %add3A_609 = arith.addf %scan3A_607#0, %scan3A_607#2 : vector<16xf32>
      %add3A_610 = arith.addf %scan3A_607#4, %scan3A_607#6 : vector<16xf32>
      %add3A_611 = arith.addf %add3A_609, %add3A_610 : vector<16xf32>
      %add3A_612 = arith.constant 0 : i32
      %add3A_613 = arith.addi %add3A_600, %add3A_612 : i32
      %swap3A_614 = arith.index_cast %add3A_613 : i32 to index
      %swap3A_615 = arith.constant 0 : index
      %swap3A_616 = tpu.vector_load %arg8[%swap3A_614, %swap3A_615] {strides = array<i32>} : memref<512x32xf32, #tpu.memory_space<vmem>>, vector<1x16xf32>,
      %swap3A_617 = vector.shape_cast %swap3A_616 : vector<1x16xf32> to vector<16xf32>
      %swap3A_618 = vector.shape_cast %add3A_611 : vector<16xf32> to vector<1x16xf32>
      tpu.vector_store %arg8[%swap3A_614, %swap3A_615], %swap3A_618 {strides = array<i32>} : memref<512x32xf32, #tpu.memory_space<vmem>>, vector<1x16xf32>,
      %add3A_619 = arith.addf %scan3A_607#1, %scan3A_607#3 : vector<16xf32>
      %add3A_620 = arith.addf %scan3A_607#5, %scan3A_607#7 : vector<16xf32>
      %add3A_621 = arith.addf %add3A_619, %add3A_620 : vector<16xf32>
      %add3A_622 = arith.constant 0 : i32
      %add3A_623 = arith.addi %add3A_600, %add3A_622 : i32
      %swap3A_624 = arith.index_cast %add3A_623 : i32 to index
      %swap3A_625 = arith.constant 16 : index
      %swap3A_626 = tpu.vector_load %arg8[%swap3A_624, %swap3A_625] {strides = array<i32>} : memref<512x32xf32, #tpu.memory_space<vmem>>, vector<1x16xf32>,
      %swap3A_627 = vector.shape_cast %swap3A_626 : vector<1x16xf32> to vector<16xf32>
      %swap3A_628 = vector.shape_cast %add3A_621 : vector<16xf32> to vector<1x16xf32>
      tpu.vector_store %arg8[%swap3A_624, %swap3A_625], %swap3A_628 {strides = array<i32>} : memref<512x32xf32, #tpu.memory_space<vmem>>, vector<1x16xf32>,
      %broadcast_in_dim3A_629 = arith.constant 0.000000e+00 : f32
      %broadcast_in_dim3A_630 = vector.broadcast %broadcast_in_dim3A_629 : f32 to vector<16xf32>
      %scan3A_631 = arith.constant 0 : i32
      %scan3A_632 = arith.constant 25 : i32
      %scan3A_633 = arith.addi %scan3A_631, %scan3A_632 : i32
      %scan3A_634 = arith.constant 1 : i32
      %scan3A_635:8 = scf.for %scan3A_801 = %scan3A_631 to %scan3A_633 step %scan3A_634 iter_args(%scan3A_802 = %broadcast_in_dim3A_630, %scan3A_803 = %broadcast_in_dim3A_630, %scan3A_804 = %broadcast_in_dim3A_630, %scan3A_805 = %broadcast_in_dim3A_630, %scan3A_806 = %broadcast_in_dim3A_630, %scan3A_807 = %broadcast_in_dim3A_630, %scan3A_808 = %broadcast_in_dim3A_630, %scan3A_809 = %broadcast_in_dim3A_630) -> (vector<16xf32>, vector<16xf32>, vector<16xf32>, vector<16xf32>, vector<16xf32>, vector<16xf32>, vector<16xf32>, vector<16xf32>)  : i32 {
        %mul3A_810 = arith.constant 8 : i32
        %mul3A_811 = arith.muli %scan3A_801, %mul3A_810 : i32
        %add3A_812 = arith.constant 200 : i32
        %add3A_813 = arith.addi %add3A_812, %mul3A_811 : i32
        %add3A_814 = arith.constant 0 : i32
        %add3A_815 = arith.addi %add3A_813, %add3A_814 : i32
        %get3A = arith.constant 400 : i32
        %get3A_816 = arith.constant 0 : i32
        %get3A_817 = tpu.memref_slice %arg7[%get3A, %get3A_816] : memref<1600x32xf32, #tpu.memory_space<vmem>> -> memref<400x32xf32, #tpu.memory_space<vmem>>
        %get3A_818 = arith.index_cast %add3A_815 : i32 to index
        %get3A_819 = arith.constant 0 : index
        %get3A_820 = tpu.vector_load %get3A_817[%get3A_818, %get3A_819] {strides = array<i32>} : memref<400x32xf32, #tpu.memory_space<vmem>>, vector<1x16xf32>,
        %get3A_821 = vector.shape_cast %get3A_820 : vector<1x16xf32> to vector<16xf32>
        %add3A_822 = arith.addf %scan3A_802, %get3A_821 : vector<16xf32>
        %add3A_823 = arith.constant 0 : i32
        %add3A_824 = arith.addi %add3A_813, %add3A_823 : i32
        %get3A_825 = arith.constant 400 : i32
        %get3A_826 = arith.constant 0 : i32
        %get3A_827 = tpu.memref_slice %arg7[%get3A_825, %get3A_826] : memref<1600x32xf32, #tpu.memory_space<vmem>> -> memref<400x32xf32, #tpu.memory_space<vmem>>
        %get3A_828 = arith.index_cast %add3A_824 : i32 to index
        %get3A_829 = arith.constant 16 : index
        %get3A_830 = tpu.vector_load %get3A_827[%get3A_828, %get3A_829] {strides = array<i32>} : memref<400x32xf32, #tpu.memory_space<vmem>>, vector<1x16xf32>,
        %get3A_831 = vector.shape_cast %get3A_830 : vector<1x16xf32> to vector<16xf32>
        %add3A_832 = arith.addf %scan3A_803, %get3A_831 : vector<16xf32>
        %add3A_833 = arith.constant 1 : i32
        %add3A_834 = arith.addi %add3A_813, %add3A_833 : i32
        %get3A_835 = arith.constant 400 : i32
        %get3A_836 = arith.constant 0 : i32
        %get3A_837 = tpu.memref_slice %arg7[%get3A_835, %get3A_836] : memref<1600x32xf32, #tpu.memory_space<vmem>> -> memref<400x32xf32, #tpu.memory_space<vmem>>
        %get3A_838 = arith.index_cast %add3A_834 : i32 to index
        %get3A_839 = arith.constant 0 : index
        %get3A_840 = tpu.vector_load %get3A_837[%get3A_838, %get3A_839] {strides = array<i32>} : memref<400x32xf32, #tpu.memory_space<vmem>>, vector<1x16xf32>,
        %get3A_841 = vector.shape_cast %get3A_840 : vector<1x16xf32> to vector<16xf32>
        %add3A_842 = arith.addf %scan3A_804, %get3A_841 : vector<16xf32>
        %add3A_843 = arith.constant 1 : i32
        %add3A_844 = arith.addi %add3A_813, %add3A_843 : i32
        %get3A_845 = arith.constant 400 : i32
        %get3A_846 = arith.constant 0 : i32
        %get3A_847 = tpu.memref_slice %arg7[%get3A_845, %get3A_846] : memref<1600x32xf32, #tpu.memory_space<vmem>> -> memref<400x32xf32, #tpu.memory_space<vmem>>
        %get3A_848 = arith.index_cast %add3A_844 : i32 to index
        %get3A_849 = arith.constant 16 : index
        %get3A_850 = tpu.vector_load %get3A_847[%get3A_848, %get3A_849] {strides = array<i32>} : memref<400x32xf32, #tpu.memory_space<vmem>>, vector<1x16xf32>,
        %get3A_851 = vector.shape_cast %get3A_850 : vector<1x16xf32> to vector<16xf32>
        %add3A_852 = arith.addf %scan3A_805, %get3A_851 : vector<16xf32>
        %add3A_853 = arith.constant 2 : i32
        %add3A_854 = arith.addi %add3A_813, %add3A_853 : i32
        %get3A_855 = arith.constant 400 : i32
        %get3A_856 = arith.constant 0 : i32
        %get3A_857 = tpu.memref_slice %arg7[%get3A_855, %get3A_856] : memref<1600x32xf32, #tpu.memory_space<vmem>> -> memref<400x32xf32, #tpu.memory_space<vmem>>
        %get3A_858 = arith.index_cast %add3A_854 : i32 to index
        %get3A_859 = arith.constant 0 : index
        %get3A_860 = tpu.vector_load %get3A_857[%get3A_858, %get3A_859] {strides = array<i32>} : memref<400x32xf32, #tpu.memory_space<vmem>>, vector<1x16xf32>,
        %get3A_861 = vector.shape_cast %get3A_860 : vector<1x16xf32> to vector<16xf32>
        %add3A_862 = arith.addf %scan3A_806, %get3A_861 : vector<16xf32>
        %add3A_863 = arith.constant 2 : i32
        %add3A_864 = arith.addi %add3A_813, %add3A_863 : i32
        %get3A_865 = arith.constant 400 : i32
        %get3A_866 = arith.constant 0 : i32
        %get3A_867 = tpu.memref_slice %arg7[%get3A_865, %get3A_866] : memref<1600x32xf32, #tpu.memory_space<vmem>> -> memref<400x32xf32, #tpu.memory_space<vmem>>
        %get3A_868 = arith.index_cast %add3A_864 : i32 to index
        %get3A_869 = arith.constant 16 : index
        %get3A_870 = tpu.vector_load %get3A_867[%get3A_868, %get3A_869] {strides = array<i32>} : memref<400x32xf32, #tpu.memory_space<vmem>>, vector<1x16xf32>,
        %get3A_871 = vector.shape_cast %get3A_870 : vector<1x16xf32> to vector<16xf32>
        %add3A_872 = arith.addf %scan3A_807, %get3A_871 : vector<16xf32>
        %add3A_873 = arith.constant 3 : i32
        %add3A_874 = arith.addi %add3A_813, %add3A_873 : i32
        %get3A_875 = arith.constant 400 : i32
        %get3A_876 = arith.constant 0 : i32
        %get3A_877 = tpu.memref_slice %arg7[%get3A_875, %get3A_876] : memref<1600x32xf32, #tpu.memory_space<vmem>> -> memref<400x32xf32, #tpu.memory_space<vmem>>
        %get3A_878 = arith.index_cast %add3A_874 : i32 to index
        %get3A_879 = arith.constant 0 : index
        %get3A_880 = tpu.vector_load %get3A_877[%get3A_878, %get3A_879] {strides = array<i32>} : memref<400x32xf32, #tpu.memory_space<vmem>>, vector<1x16xf32>,
        %get3A_881 = vector.shape_cast %get3A_880 : vector<1x16xf32> to vector<16xf32>
        %add3A_882 = arith.addf %scan3A_808, %get3A_881 : vector<16xf32>
        %add3A_883 = arith.constant 3 : i32
        %add3A_884 = arith.addi %add3A_813, %add3A_883 : i32
        %get3A_885 = arith.constant 400 : i32
        %get3A_886 = arith.constant 0 : i32
        %get3A_887 = tpu.memref_slice %arg7[%get3A_885, %get3A_886] : memref<1600x32xf32, #tpu.memory_space<vmem>> -> memref<400x32xf32, #tpu.memory_space<vmem>>
        %get3A_888 = arith.index_cast %add3A_884 : i32 to index
        %get3A_889 = arith.constant 16 : index
        %get3A_890 = tpu.vector_load %get3A_887[%get3A_888, %get3A_889] {strides = array<i32>} : memref<400x32xf32, #tpu.memory_space<vmem>>, vector<1x16xf32>,
        %get3A_891 = vector.shape_cast %get3A_890 : vector<1x16xf32> to vector<16xf32>
        %add3A_892 = arith.addf %scan3A_809, %get3A_891 : vector<16xf32>
        %add3A_893 = arith.constant 4 : i32
        %add3A_894 = arith.addi %add3A_813, %add3A_893 : i32
        %get3A_895 = arith.constant 400 : i32
        %get3A_896 = arith.constant 0 : i32
        %get3A_897 = tpu.memref_slice %arg7[%get3A_895, %get3A_896] : memref<1600x32xf32, #tpu.memory_space<vmem>> -> memref<400x32xf32, #tpu.memory_space<vmem>>
        %get3A_898 = arith.index_cast %add3A_894 : i32 to index
        %get3A_899 = arith.constant 0 : index
        %get3A_900 = tpu.vector_load %get3A_897[%get3A_898, %get3A_899] {strides = array<i32>} : memref<400x32xf32, #tpu.memory_space<vmem>>, vector<1x16xf32>,
        %get3A_901 = vector.shape_cast %get3A_900 : vector<1x16xf32> to vector<16xf32>
        %add3A_902 = arith.addf %add3A_822, %get3A_901 : vector<16xf32>
        %add3A_903 = arith.constant 4 : i32
        %add3A_904 = arith.addi %add3A_813, %add3A_903 : i32
        %get3A_905 = arith.constant 400 : i32
        %get3A_906 = arith.constant 0 : i32
        %get3A_907 = tpu.memref_slice %arg7[%get3A_905, %get3A_906] : memref<1600x32xf32, #tpu.memory_space<vmem>> -> memref<400x32xf32, #tpu.memory_space<vmem>>
        %get3A_908 = arith.index_cast %add3A_904 : i32 to index
        %get3A_909 = arith.constant 16 : index
        %get3A_910 = tpu.vector_load %get3A_907[%get3A_908, %get3A_909] {strides = array<i32>} : memref<400x32xf32, #tpu.memory_space<vmem>>, vector<1x16xf32>,
        %get3A_911 = vector.shape_cast %get3A_910 : vector<1x16xf32> to vector<16xf32>
        %add3A_912 = arith.addf %add3A_832, %get3A_911 : vector<16xf32>
        %add3A_913 = arith.constant 5 : i32
        %add3A_914 = arith.addi %add3A_813, %add3A_913 : i32
        %get3A_915 = arith.constant 400 : i32
        %get3A_916 = arith.constant 0 : i32
        %get3A_917 = tpu.memref_slice %arg7[%get3A_915, %get3A_916] : memref<1600x32xf32, #tpu.memory_space<vmem>> -> memref<400x32xf32, #tpu.memory_space<vmem>>
        %get3A_918 = arith.index_cast %add3A_914 : i32 to index
        %get3A_919 = arith.constant 0 : index
        %get3A_920 = tpu.vector_load %get3A_917[%get3A_918, %get3A_919] {strides = array<i32>} : memref<400x32xf32, #tpu.memory_space<vmem>>, vector<1x16xf32>,
        %get3A_921 = vector.shape_cast %get3A_920 : vector<1x16xf32> to vector<16xf32>
        %add3A_922 = arith.addf %add3A_842, %get3A_921 : vector<16xf32>
        %add3A_923 = arith.constant 5 : i32
        %add3A_924 = arith.addi %add3A_813, %add3A_923 : i32
        %get3A_925 = arith.constant 400 : i32
        %get3A_926 = arith.constant 0 : i32
        %get3A_927 = tpu.memref_slice %arg7[%get3A_925, %get3A_926] : memref<1600x32xf32, #tpu.memory_space<vmem>> -> memref<400x32xf32, #tpu.memory_space<vmem>>
        %get3A_928 = arith.index_cast %add3A_924 : i32 to index
        %get3A_929 = arith.constant 16 : index
        %get3A_930 = tpu.vector_load %get3A_927[%get3A_928, %get3A_929] {strides = array<i32>} : memref<400x32xf32, #tpu.memory_space<vmem>>, vector<1x16xf32>,
        %get3A_931 = vector.shape_cast %get3A_930 : vector<1x16xf32> to vector<16xf32>
        %add3A_932 = arith.addf %add3A_852, %get3A_931 : vector<16xf32>
        %add3A_933 = arith.constant 6 : i32
        %add3A_934 = arith.addi %add3A_813, %add3A_933 : i32
        %get3A_935 = arith.constant 400 : i32
        %get3A_936 = arith.constant 0 : i32
        %get3A_937 = tpu.memref_slice %arg7[%get3A_935, %get3A_936] : memref<1600x32xf32, #tpu.memory_space<vmem>> -> memref<400x32xf32, #tpu.memory_space<vmem>>
        %get3A_938 = arith.index_cast %add3A_934 : i32 to index
        %get3A_939 = arith.constant 0 : index
        %get3A_940 = tpu.vector_load %get3A_937[%get3A_938, %get3A_939] {strides = array<i32>} : memref<400x32xf32, #tpu.memory_space<vmem>>, vector<1x16xf32>,
        %get3A_941 = vector.shape_cast %get3A_940 : vector<1x16xf32> to vector<16xf32>
        %add3A_942 = arith.addf %add3A_862, %get3A_941 : vector<16xf32>
        %add3A_943 = arith.constant 6 : i32
        %add3A_944 = arith.addi %add3A_813, %add3A_943 : i32
        %get3A_945 = arith.constant 400 : i32
        %get3A_946 = arith.constant 0 : i32
        %get3A_947 = tpu.memref_slice %arg7[%get3A_945, %get3A_946] : memref<1600x32xf32, #tpu.memory_space<vmem>> -> memref<400x32xf32, #tpu.memory_space<vmem>>
        %get3A_948 = arith.index_cast %add3A_944 : i32 to index
        %get3A_949 = arith.constant 16 : index
        %get3A_950 = tpu.vector_load %get3A_947[%get3A_948, %get3A_949] {strides = array<i32>} : memref<400x32xf32, #tpu.memory_space<vmem>>, vector<1x16xf32>,
        %get3A_951 = vector.shape_cast %get3A_950 : vector<1x16xf32> to vector<16xf32>
        %add3A_952 = arith.addf %add3A_872, %get3A_951 : vector<16xf32>
        %add3A_953 = arith.constant 7 : i32
        %add3A_954 = arith.addi %add3A_813, %add3A_953 : i32
        %get3A_955 = arith.constant 400 : i32
        %get3A_956 = arith.constant 0 : i32
        %get3A_957 = tpu.memref_slice %arg7[%get3A_955, %get3A_956] : memref<1600x32xf32, #tpu.memory_space<vmem>> -> memref<400x32xf32, #tpu.memory_space<vmem>>
        %get3A_958 = arith.index_cast %add3A_954 : i32 to index
        %get3A_959 = arith.constant 0 : index
        %get3A_960 = tpu.vector_load %get3A_957[%get3A_958, %get3A_959] {strides = array<i32>} : memref<400x32xf32, #tpu.memory_space<vmem>>, vector<1x16xf32>,
        %get3A_961 = vector.shape_cast %get3A_960 : vector<1x16xf32> to vector<16xf32>
        %add3A_962 = arith.addf %add3A_882, %get3A_961 : vector<16xf32>
        %add3A_963 = arith.constant 7 : i32
        %add3A_964 = arith.addi %add3A_813, %add3A_963 : i32
        %get3A_965 = arith.constant 400 : i32
        %get3A_966 = arith.constant 0 : i32
        %get3A_967 = tpu.memref_slice %arg7[%get3A_965, %get3A_966] : memref<1600x32xf32, #tpu.memory_space<vmem>> -> memref<400x32xf32, #tpu.memory_space<vmem>>
        %get3A_968 = arith.index_cast %add3A_964 : i32 to index
        %get3A_969 = arith.constant 16 : index
        %get3A_970 = tpu.vector_load %get3A_967[%get3A_968, %get3A_969] {strides = array<i32>} : memref<400x32xf32, #tpu.memory_space<vmem>>, vector<1x16xf32>,
        %get3A_971 = vector.shape_cast %get3A_970 : vector<1x16xf32> to vector<16xf32>
        %add3A_972 = arith.addf %add3A_892, %get3A_971 : vector<16xf32>
        scf.yield %add3A_902, %add3A_912, %add3A_922, %add3A_932, %add3A_942, %add3A_952, %add3A_962, %add3A_972 : vector<16xf32>, vector<16xf32>, vector<16xf32>, vector<16xf32>, vector<16xf32>, vector<16xf32>, vector<16xf32>, vector<16xf32>
      }
      %scan3A_636 = arith.constant 25 : i32
      %add3A_637 = arith.addf %scan3A_635#0, %scan3A_635#2 : vector<16xf32>
      %add3A_638 = arith.addf %scan3A_635#4, %scan3A_635#6 : vector<16xf32>
      %add3A_639 = arith.addf %add3A_637, %add3A_638 : vector<16xf32>
      %add3A_640 = arith.constant 1 : i32
      %add3A_641 = arith.addi %add3A_600, %add3A_640 : i32
      %swap3A_642 = arith.index_cast %add3A_641 : i32 to index
      %swap3A_643 = arith.constant 0 : index
      %swap3A_644 = tpu.vector_load %arg8[%swap3A_642, %swap3A_643] {strides = array<i32>} : memref<512x32xf32, #tpu.memory_space<vmem>>, vector<1x16xf32>,
      %swap3A_645 = vector.shape_cast %swap3A_644 : vector<1x16xf32> to vector<16xf32>
      %swap3A_646 = vector.shape_cast %add3A_639 : vector<16xf32> to vector<1x16xf32>
      tpu.vector_store %arg8[%swap3A_642, %swap3A_643], %swap3A_646 {strides = array<i32>} : memref<512x32xf32, #tpu.memory_space<vmem>>, vector<1x16xf32>,
      %add3A_647 = arith.addf %scan3A_635#1, %scan3A_635#3 : vector<16xf32>
      %add3A_648 = arith.addf %scan3A_635#5, %scan3A_635#7 : vector<16xf32>
      %add3A_649 = arith.addf %add3A_647, %add3A_648 : vector<16xf32>
      %add3A_650 = arith.constant 1 : i32
      %add3A_651 = arith.addi %add3A_600, %add3A_650 : i32
      %swap3A_652 = arith.index_cast %add3A_651 : i32 to index
      %swap3A_653 = arith.constant 16 : index
      %swap3A_654 = tpu.vector_load %arg8[%swap3A_652, %swap3A_653] {strides = array<i32>} : memref<512x32xf32, #tpu.memory_space<vmem>>, vector<1x16xf32>,
      %swap3A_655 = vector.shape_cast %swap3A_654 : vector<1x16xf32> to vector<16xf32>
      %swap3A_656 = vector.shape_cast %add3A_649 : vector<16xf32> to vector<1x16xf32>
      tpu.vector_store %arg8[%swap3A_652, %swap3A_653], %swap3A_656 {strides = array<i32>} : memref<512x32xf32, #tpu.memory_space<vmem>>, vector<1x16xf32>,
      %dma_wait3A_657 = arith.constant 800 : i32
      %dma_wait3A_658 = arith.constant 0 : i32
      %dma_wait3A_659 = tpu.memref_slice %arg7[%dma_wait3A_657, %dma_wait3A_658] : memref<1600x32xf32, #tpu.memory_space<vmem>> -> memref<400x32xf32, #tpu.memory_space<vmem>>
      %dma_wait3A_660 = arith.constant 0 : i32
      %dma_wait3A_661 = arith.constant 0 : i32
      %dma_wait3A_662 = tpu.memref_slice %arg3[%dma_wait3A_660, %dma_wait3A_661] : memref<1000000x32xf32, #tpu.memory_space<hbm>> -> memref<400x32xf32, #tpu.memory_space<hbm>>
      %dma_wait3A_663 = arith.constant 800 : i32
      %dma_wait3A_664 = arith.constant 0 : i32
      %dma_wait3A_665 = tpu.memref_slice %arg7[%dma_wait3A_663, %dma_wait3A_664] : memref<1600x32xf32, #tpu.memory_space<vmem>> -> memref<400x32xf32, #tpu.memory_space<vmem>>
      %dma_wait3A_666 = arith.constant 0 : i32
      %dma_wait3A_667 = arith.constant 0 : i32
      %dma_wait3A_668 = tpu.memref_slice %arg3[%dma_wait3A_666, %dma_wait3A_667] : memref<1000000x32xf32, #tpu.memory_space<hbm>> -> memref<400x32xf32, #tpu.memory_space<hbm>>
      tpu.wait_dma2 semaphore(%arg10 : memref<!tpu.dma_semaphore, #tpu.memory_space<semaphore_mem>>) src(%dma_wait3A_668 : memref<400x32xf32, #tpu.memory_space<hbm>>) dst(%dma_wait3A_665 : memref<400x32xf32, #tpu.memory_space<vmem>>)
      %mul3A_669 = arith.constant 8 : i32
      %mul3A_670 = arith.muli %add3A_500, %mul3A_669 : i32
      %add3A_671 = arith.constant 4 : i32
      %add3A_672 = arith.addi %mul3A_670, %add3A_671 : i32
      %broadcast_in_dim3A_673 = arith.constant 0.000000e+00 : f32
      %broadcast_in_dim3A_674 = vector.broadcast %broadcast_in_dim3A_673 : f32 to vector<16xf32>
      %scan3A_675 = arith.constant 0 : i32
      %scan3A_676 = arith.constant 25 : i32
      %scan3A_677 = arith.addi %scan3A_675, %scan3A_676 : i32
      %scan3A_678 = arith.constant 1 : i32
      %scan3A_679:8 = scf.for %scan3A_801 = %scan3A_675 to %scan3A_677 step %scan3A_678 iter_args(%scan3A_802 = %broadcast_in_dim3A_674, %scan3A_803 = %broadcast_in_dim3A_674, %scan3A_804 = %broadcast_in_dim3A_674, %scan3A_805 = %broadcast_in_dim3A_674, %scan3A_806 = %broadcast_in_dim3A_674, %scan3A_807 = %broadcast_in_dim3A_674, %scan3A_808 = %broadcast_in_dim3A_674, %scan3A_809 = %broadcast_in_dim3A_674) -> (vector<16xf32>, vector<16xf32>, vector<16xf32>, vector<16xf32>, vector<16xf32>, vector<16xf32>, vector<16xf32>, vector<16xf32>)  : i32 {
        %mul3A_810 = arith.constant 8 : i32
        %mul3A_811 = arith.muli %scan3A_801, %mul3A_810 : i32
        %add3A_812 = arith.constant 0 : i32
        %add3A_813 = arith.addi %add3A_812, %mul3A_811 : i32
        %add3A_814 = arith.constant 0 : i32
        %add3A_815 = arith.addi %add3A_813, %add3A_814 : i32
        %get3A = arith.constant 800 : i32
        %get3A_816 = arith.constant 0 : i32
        %get3A_817 = tpu.memref_slice %arg7[%get3A, %get3A_816] : memref<1600x32xf32, #tpu.memory_space<vmem>> -> memref<400x32xf32, #tpu.memory_space<vmem>>
        %get3A_818 = arith.index_cast %add3A_815 : i32 to index
        %get3A_819 = arith.constant 0 : index
        %get3A_820 = tpu.vector_load %get3A_817[%get3A_818, %get3A_819] {strides = array<i32>} : memref<400x32xf32, #tpu.memory_space<vmem>>, vector<1x16xf32>,
        %get3A_821 = vector.shape_cast %get3A_820 : vector<1x16xf32> to vector<16xf32>
        %add3A_822 = arith.addf %scan3A_802, %get3A_821 : vector<16xf32>
        %add3A_823 = arith.constant 0 : i32
        %add3A_824 = arith.addi %add3A_813, %add3A_823 : i32
        %get3A_825 = arith.constant 800 : i32
        %get3A_826 = arith.constant 0 : i32
        %get3A_827 = tpu.memref_slice %arg7[%get3A_825, %get3A_826] : memref<1600x32xf32, #tpu.memory_space<vmem>> -> memref<400x32xf32, #tpu.memory_space<vmem>>
        %get3A_828 = arith.index_cast %add3A_824 : i32 to index
        %get3A_829 = arith.constant 16 : index
        %get3A_830 = tpu.vector_load %get3A_827[%get3A_828, %get3A_829] {strides = array<i32>} : memref<400x32xf32, #tpu.memory_space<vmem>>, vector<1x16xf32>,
        %get3A_831 = vector.shape_cast %get3A_830 : vector<1x16xf32> to vector<16xf32>
        %add3A_832 = arith.addf %scan3A_803, %get3A_831 : vector<16xf32>
        %add3A_833 = arith.constant 1 : i32
        %add3A_834 = arith.addi %add3A_813, %add3A_833 : i32
        %get3A_835 = arith.constant 800 : i32
        %get3A_836 = arith.constant 0 : i32
        %get3A_837 = tpu.memref_slice %arg7[%get3A_835, %get3A_836] : memref<1600x32xf32, #tpu.memory_space<vmem>> -> memref<400x32xf32, #tpu.memory_space<vmem>>
        %get3A_838 = arith.index_cast %add3A_834 : i32 to index
        %get3A_839 = arith.constant 0 : index
        %get3A_840 = tpu.vector_load %get3A_837[%get3A_838, %get3A_839] {strides = array<i32>} : memref<400x32xf32, #tpu.memory_space<vmem>>, vector<1x16xf32>,
        %get3A_841 = vector.shape_cast %get3A_840 : vector<1x16xf32> to vector<16xf32>
        %add3A_842 = arith.addf %scan3A_804, %get3A_841 : vector<16xf32>
        %add3A_843 = arith.constant 1 : i32
        %add3A_844 = arith.addi %add3A_813, %add3A_843 : i32
        %get3A_845 = arith.constant 800 : i32
        %get3A_846 = arith.constant 0 : i32
        %get3A_847 = tpu.memref_slice %arg7[%get3A_845, %get3A_846] : memref<1600x32xf32, #tpu.memory_space<vmem>> -> memref<400x32xf32, #tpu.memory_space<vmem>>
        %get3A_848 = arith.index_cast %add3A_844 : i32 to index
        %get3A_849 = arith.constant 16 : index
        %get3A_850 = tpu.vector_load %get3A_847[%get3A_848, %get3A_849] {strides = array<i32>} : memref<400x32xf32, #tpu.memory_space<vmem>>, vector<1x16xf32>,
        %get3A_851 = vector.shape_cast %get3A_850 : vector<1x16xf32> to vector<16xf32>
        %add3A_852 = arith.addf %scan3A_805, %get3A_851 : vector<16xf32>
        %add3A_853 = arith.constant 2 : i32
        %add3A_854 = arith.addi %add3A_813, %add3A_853 : i32
        %get3A_855 = arith.constant 800 : i32
        %get3A_856 = arith.constant 0 : i32
        %get3A_857 = tpu.memref_slice %arg7[%get3A_855, %get3A_856] : memref<1600x32xf32, #tpu.memory_space<vmem>> -> memref<400x32xf32, #tpu.memory_space<vmem>>
        %get3A_858 = arith.index_cast %add3A_854 : i32 to index
        %get3A_859 = arith.constant 0 : index
        %get3A_860 = tpu.vector_load %get3A_857[%get3A_858, %get3A_859] {strides = array<i32>} : memref<400x32xf32, #tpu.memory_space<vmem>>, vector<1x16xf32>,
        %get3A_861 = vector.shape_cast %get3A_860 : vector<1x16xf32> to vector<16xf32>
        %add3A_862 = arith.addf %scan3A_806, %get3A_861 : vector<16xf32>
        %add3A_863 = arith.constant 2 : i32
        %add3A_864 = arith.addi %add3A_813, %add3A_863 : i32
        %get3A_865 = arith.constant 800 : i32
        %get3A_866 = arith.constant 0 : i32
        %get3A_867 = tpu.memref_slice %arg7[%get3A_865, %get3A_866] : memref<1600x32xf32, #tpu.memory_space<vmem>> -> memref<400x32xf32, #tpu.memory_space<vmem>>
        %get3A_868 = arith.index_cast %add3A_864 : i32 to index
        %get3A_869 = arith.constant 16 : index
        %get3A_870 = tpu.vector_load %get3A_867[%get3A_868, %get3A_869] {strides = array<i32>} : memref<400x32xf32, #tpu.memory_space<vmem>>, vector<1x16xf32>,
        %get3A_871 = vector.shape_cast %get3A_870 : vector<1x16xf32> to vector<16xf32>
        %add3A_872 = arith.addf %scan3A_807, %get3A_871 : vector<16xf32>
        %add3A_873 = arith.constant 3 : i32
        %add3A_874 = arith.addi %add3A_813, %add3A_873 : i32
        %get3A_875 = arith.constant 800 : i32
        %get3A_876 = arith.constant 0 : i32
        %get3A_877 = tpu.memref_slice %arg7[%get3A_875, %get3A_876] : memref<1600x32xf32, #tpu.memory_space<vmem>> -> memref<400x32xf32, #tpu.memory_space<vmem>>
        %get3A_878 = arith.index_cast %add3A_874 : i32 to index
        %get3A_879 = arith.constant 0 : index
        %get3A_880 = tpu.vector_load %get3A_877[%get3A_878, %get3A_879] {strides = array<i32>} : memref<400x32xf32, #tpu.memory_space<vmem>>, vector<1x16xf32>,
        %get3A_881 = vector.shape_cast %get3A_880 : vector<1x16xf32> to vector<16xf32>
        %add3A_882 = arith.addf %scan3A_808, %get3A_881 : vector<16xf32>
        %add3A_883 = arith.constant 3 : i32
        %add3A_884 = arith.addi %add3A_813, %add3A_883 : i32
        %get3A_885 = arith.constant 800 : i32
        %get3A_886 = arith.constant 0 : i32
        %get3A_887 = tpu.memref_slice %arg7[%get3A_885, %get3A_886] : memref<1600x32xf32, #tpu.memory_space<vmem>> -> memref<400x32xf32, #tpu.memory_space<vmem>>
        %get3A_888 = arith.index_cast %add3A_884 : i32 to index
        %get3A_889 = arith.constant 16 : index
        %get3A_890 = tpu.vector_load %get3A_887[%get3A_888, %get3A_889] {strides = array<i32>} : memref<400x32xf32, #tpu.memory_space<vmem>>, vector<1x16xf32>,
        %get3A_891 = vector.shape_cast %get3A_890 : vector<1x16xf32> to vector<16xf32>
        %add3A_892 = arith.addf %scan3A_809, %get3A_891 : vector<16xf32>
        %add3A_893 = arith.constant 4 : i32
        %add3A_894 = arith.addi %add3A_813, %add3A_893 : i32
        %get3A_895 = arith.constant 800 : i32
        %get3A_896 = arith.constant 0 : i32
        %get3A_897 = tpu.memref_slice %arg7[%get3A_895, %get3A_896] : memref<1600x32xf32, #tpu.memory_space<vmem>> -> memref<400x32xf32, #tpu.memory_space<vmem>>
        %get3A_898 = arith.index_cast %add3A_894 : i32 to index
        %get3A_899 = arith.constant 0 : index
        %get3A_900 = tpu.vector_load %get3A_897[%get3A_898, %get3A_899] {strides = array<i32>} : memref<400x32xf32, #tpu.memory_space<vmem>>, vector<1x16xf32>,
        %get3A_901 = vector.shape_cast %get3A_900 : vector<1x16xf32> to vector<16xf32>
        %add3A_902 = arith.addf %add3A_822, %get3A_901 : vector<16xf32>
        %add3A_903 = arith.constant 4 : i32
        %add3A_904 = arith.addi %add3A_813, %add3A_903 : i32
        %get3A_905 = arith.constant 800 : i32
        %get3A_906 = arith.constant 0 : i32
        %get3A_907 = tpu.memref_slice %arg7[%get3A_905, %get3A_906] : memref<1600x32xf32, #tpu.memory_space<vmem>> -> memref<400x32xf32, #tpu.memory_space<vmem>>
        %get3A_908 = arith.index_cast %add3A_904 : i32 to index
        %get3A_909 = arith.constant 16 : index
        %get3A_910 = tpu.vector_load %get3A_907[%get3A_908, %get3A_909] {strides = array<i32>} : memref<400x32xf32, #tpu.memory_space<vmem>>, vector<1x16xf32>,
        %get3A_911 = vector.shape_cast %get3A_910 : vector<1x16xf32> to vector<16xf32>
        %add3A_912 = arith.addf %add3A_832, %get3A_911 : vector<16xf32>
        %add3A_913 = arith.constant 5 : i32
        %add3A_914 = arith.addi %add3A_813, %add3A_913 : i32
        %get3A_915 = arith.constant 800 : i32
        %get3A_916 = arith.constant 0 : i32
        %get3A_917 = tpu.memref_slice %arg7[%get3A_915, %get3A_916] : memref<1600x32xf32, #tpu.memory_space<vmem>> -> memref<400x32xf32, #tpu.memory_space<vmem>>
        %get3A_918 = arith.index_cast %add3A_914 : i32 to index
        %get3A_919 = arith.constant 0 : index
        %get3A_920 = tpu.vector_load %get3A_917[%get3A_918, %get3A_919] {strides = array<i32>} : memref<400x32xf32, #tpu.memory_space<vmem>>, vector<1x16xf32>,
        %get3A_921 = vector.shape_cast %get3A_920 : vector<1x16xf32> to vector<16xf32>
        %add3A_922 = arith.addf %add3A_842, %get3A_921 : vector<16xf32>
        %add3A_923 = arith.constant 5 : i32
        %add3A_924 = arith.addi %add3A_813, %add3A_923 : i32
        %get3A_925 = arith.constant 800 : i32
        %get3A_926 = arith.constant 0 : i32
        %get3A_927 = tpu.memref_slice %arg7[%get3A_925, %get3A_926] : memref<1600x32xf32, #tpu.memory_space<vmem>> -> memref<400x32xf32, #tpu.memory_space<vmem>>
        %get3A_928 = arith.index_cast %add3A_924 : i32 to index
        %get3A_929 = arith.constant 16 : index
        %get3A_930 = tpu.vector_load %get3A_927[%get3A_928, %get3A_929] {strides = array<i32>} : memref<400x32xf32, #tpu.memory_space<vmem>>, vector<1x16xf32>,
        %get3A_931 = vector.shape_cast %get3A_930 : vector<1x16xf32> to vector<16xf32>
        %add3A_932 = arith.addf %add3A_852, %get3A_931 : vector<16xf32>
        %add3A_933 = arith.constant 6 : i32
        %add3A_934 = arith.addi %add3A_813, %add3A_933 : i32
        %get3A_935 = arith.constant 800 : i32
        %get3A_936 = arith.constant 0 : i32
        %get3A_937 = tpu.memref_slice %arg7[%get3A_935, %get3A_936] : memref<1600x32xf32, #tpu.memory_space<vmem>> -> memref<400x32xf32, #tpu.memory_space<vmem>>
        %get3A_938 = arith.index_cast %add3A_934 : i32 to index
        %get3A_939 = arith.constant 0 : index
        %get3A_940 = tpu.vector_load %get3A_937[%get3A_938, %get3A_939] {strides = array<i32>} : memref<400x32xf32, #tpu.memory_space<vmem>>, vector<1x16xf32>,
        %get3A_941 = vector.shape_cast %get3A_940 : vector<1x16xf32> to vector<16xf32>
        %add3A_942 = arith.addf %add3A_862, %get3A_941 : vector<16xf32>
        %add3A_943 = arith.constant 6 : i32
        %add3A_944 = arith.addi %add3A_813, %add3A_943 : i32
        %get3A_945 = arith.constant 800 : i32
        %get3A_946 = arith.constant 0 : i32
        %get3A_947 = tpu.memref_slice %arg7[%get3A_945, %get3A_946] : memref<1600x32xf32, #tpu.memory_space<vmem>> -> memref<400x32xf32, #tpu.memory_space<vmem>>
        %get3A_948 = arith.index_cast %add3A_944 : i32 to index
        %get3A_949 = arith.constant 16 : index
        %get3A_950 = tpu.vector_load %get3A_947[%get3A_948, %get3A_949] {strides = array<i32>} : memref<400x32xf32, #tpu.memory_space<vmem>>, vector<1x16xf32>,
        %get3A_951 = vector.shape_cast %get3A_950 : vector<1x16xf32> to vector<16xf32>
        %add3A_952 = arith.addf %add3A_872, %get3A_951 : vector<16xf32>
        %add3A_953 = arith.constant 7 : i32
        %add3A_954 = arith.addi %add3A_813, %add3A_953 : i32
        %get3A_955 = arith.constant 800 : i32
        %get3A_956 = arith.constant 0 : i32
        %get3A_957 = tpu.memref_slice %arg7[%get3A_955, %get3A_956] : memref<1600x32xf32, #tpu.memory_space<vmem>> -> memref<400x32xf32, #tpu.memory_space<vmem>>
        %get3A_958 = arith.index_cast %add3A_954 : i32 to index
        %get3A_959 = arith.constant 0 : index
        %get3A_960 = tpu.vector_load %get3A_957[%get3A_958, %get3A_959] {strides = array<i32>} : memref<400x32xf32, #tpu.memory_space<vmem>>, vector<1x16xf32>,
        %get3A_961 = vector.shape_cast %get3A_960 : vector<1x16xf32> to vector<16xf32>
        %add3A_962 = arith.addf %add3A_882, %get3A_961 : vector<16xf32>
        %add3A_963 = arith.constant 7 : i32
        %add3A_964 = arith.addi %add3A_813, %add3A_963 : i32
        %get3A_965 = arith.constant 800 : i32
        %get3A_966 = arith.constant 0 : i32
        %get3A_967 = tpu.memref_slice %arg7[%get3A_965, %get3A_966] : memref<1600x32xf32, #tpu.memory_space<vmem>> -> memref<400x32xf32, #tpu.memory_space<vmem>>
        %get3A_968 = arith.index_cast %add3A_964 : i32 to index
        %get3A_969 = arith.constant 16 : index
        %get3A_970 = tpu.vector_load %get3A_967[%get3A_968, %get3A_969] {strides = array<i32>} : memref<400x32xf32, #tpu.memory_space<vmem>>, vector<1x16xf32>,
        %get3A_971 = vector.shape_cast %get3A_970 : vector<1x16xf32> to vector<16xf32>
        %add3A_972 = arith.addf %add3A_892, %get3A_971 : vector<16xf32>
        scf.yield %add3A_902, %add3A_912, %add3A_922, %add3A_932, %add3A_942, %add3A_952, %add3A_962, %add3A_972 : vector<16xf32>, vector<16xf32>, vector<16xf32>, vector<16xf32>, vector<16xf32>, vector<16xf32>, vector<16xf32>, vector<16xf32>
      }
      %scan3A_680 = arith.constant 25 : i32
      %add3A_681 = arith.addf %scan3A_679#0, %scan3A_679#2 : vector<16xf32>
      %add3A_682 = arith.addf %scan3A_679#4, %scan3A_679#6 : vector<16xf32>
      %add3A_683 = arith.addf %add3A_681, %add3A_682 : vector<16xf32>
      %add3A_684 = arith.constant 0 : i32
      %add3A_685 = arith.addi %add3A_672, %add3A_684 : i32
      %swap3A_686 = arith.index_cast %add3A_685 : i32 to index
      %swap3A_687 = arith.constant 0 : index
      %swap3A_688 = tpu.vector_load %arg8[%swap3A_686, %swap3A_687] {strides = array<i32>} : memref<512x32xf32, #tpu.memory_space<vmem>>, vector<1x16xf32>,
      %swap3A_689 = vector.shape_cast %swap3A_688 : vector<1x16xf32> to vector<16xf32>
      %swap3A_690 = vector.shape_cast %add3A_683 : vector<16xf32> to vector<1x16xf32>
      tpu.vector_store %arg8[%swap3A_686, %swap3A_687], %swap3A_690 {strides = array<i32>} : memref<512x32xf32, #tpu.memory_space<vmem>>, vector<1x16xf32>,
      %add3A_691 = arith.addf %scan3A_679#1, %scan3A_679#3 : vector<16xf32>
      %add3A_692 = arith.addf %scan3A_679#5, %scan3A_679#7 : vector<16xf32>
      %add3A_693 = arith.addf %add3A_691, %add3A_692 : vector<16xf32>
      %add3A_694 = arith.constant 0 : i32
      %add3A_695 = arith.addi %add3A_672, %add3A_694 : i32
      %swap3A_696 = arith.index_cast %add3A_695 : i32 to index
      %swap3A_697 = arith.constant 16 : index
      %swap3A_698 = tpu.vector_load %arg8[%swap3A_696, %swap3A_697] {strides = array<i32>} : memref<512x32xf32, #tpu.memory_space<vmem>>, vector<1x16xf32>,
      %swap3A_699 = vector.shape_cast %swap3A_698 : vector<1x16xf32> to vector<16xf32>
      %swap3A_700 = vector.shape_cast %add3A_693 : vector<16xf32> to vector<1x16xf32>
      tpu.vector_store %arg8[%swap3A_696, %swap3A_697], %swap3A_700 {strides = array<i32>} : memref<512x32xf32, #tpu.memory_space<vmem>>, vector<1x16xf32>,
      %broadcast_in_dim3A_701 = arith.constant 0.000000e+00 : f32
      %broadcast_in_dim3A_702 = vector.broadcast %broadcast_in_dim3A_701 : f32 to vector<16xf32>
      %scan3A_703 = arith.constant 0 : i32
      %scan3A_704 = arith.constant 25 : i32
      %scan3A_705 = arith.addi %scan3A_703, %scan3A_704 : i32
      %scan3A_706 = arith.constant 1 : i32
      %scan3A_707:8 = scf.for %scan3A_801 = %scan3A_703 to %scan3A_705 step %scan3A_706 iter_args(%scan3A_802 = %broadcast_in_dim3A_702, %scan3A_803 = %broadcast_in_dim3A_702, %scan3A_804 = %broadcast_in_dim3A_702, %scan3A_805 = %broadcast_in_dim3A_702, %scan3A_806 = %broadcast_in_dim3A_702, %scan3A_807 = %broadcast_in_dim3A_702, %scan3A_808 = %broadcast_in_dim3A_702, %scan3A_809 = %broadcast_in_dim3A_702) -> (vector<16xf32>, vector<16xf32>, vector<16xf32>, vector<16xf32>, vector<16xf32>, vector<16xf32>, vector<16xf32>, vector<16xf32>)  : i32 {
        %mul3A_810 = arith.constant 8 : i32
        %mul3A_811 = arith.muli %scan3A_801, %mul3A_810 : i32
        %add3A_812 = arith.constant 200 : i32
        %add3A_813 = arith.addi %add3A_812, %mul3A_811 : i32
        %add3A_814 = arith.constant 0 : i32
        %add3A_815 = arith.addi %add3A_813, %add3A_814 : i32
        %get3A = arith.constant 800 : i32
        %get3A_816 = arith.constant 0 : i32
        %get3A_817 = tpu.memref_slice %arg7[%get3A, %get3A_816] : memref<1600x32xf32, #tpu.memory_space<vmem>> -> memref<400x32xf32, #tpu.memory_space<vmem>>
        %get3A_818 = arith.index_cast %add3A_815 : i32 to index
        %get3A_819 = arith.constant 0 : index
        %get3A_820 = tpu.vector_load %get3A_817[%get3A_818, %get3A_819] {strides = array<i32>} : memref<400x32xf32, #tpu.memory_space<vmem>>, vector<1x16xf32>,
        %get3A_821 = vector.shape_cast %get3A_820 : vector<1x16xf32> to vector<16xf32>
        %add3A_822 = arith.addf %scan3A_802, %get3A_821 : vector<16xf32>
        %add3A_823 = arith.constant 0 : i32
        %add3A_824 = arith.addi %add3A_813, %add3A_823 : i32
        %get3A_825 = arith.constant 800 : i32
        %get3A_826 = arith.constant 0 : i32
        %get3A_827 = tpu.memref_slice %arg7[%get3A_825, %get3A_826] : memref<1600x32xf32, #tpu.memory_space<vmem>> -> memref<400x32xf32, #tpu.memory_space<vmem>>
        %get3A_828 = arith.index_cast %add3A_824 : i32 to index
        %get3A_829 = arith.constant 16 : index
        %get3A_830 = tpu.vector_load %get3A_827[%get3A_828, %get3A_829] {strides = array<i32>} : memref<400x32xf32, #tpu.memory_space<vmem>>, vector<1x16xf32>,
        %get3A_831 = vector.shape_cast %get3A_830 : vector<1x16xf32> to vector<16xf32>
        %add3A_832 = arith.addf %scan3A_803, %get3A_831 : vector<16xf32>
        %add3A_833 = arith.constant 1 : i32
        %add3A_834 = arith.addi %add3A_813, %add3A_833 : i32
        %get3A_835 = arith.constant 800 : i32
        %get3A_836 = arith.constant 0 : i32
        %get3A_837 = tpu.memref_slice %arg7[%get3A_835, %get3A_836] : memref<1600x32xf32, #tpu.memory_space<vmem>> -> memref<400x32xf32, #tpu.memory_space<vmem>>
        %get3A_838 = arith.index_cast %add3A_834 : i32 to index
        %get3A_839 = arith.constant 0 : index
        %get3A_840 = tpu.vector_load %get3A_837[%get3A_838, %get3A_839] {strides = array<i32>} : memref<400x32xf32, #tpu.memory_space<vmem>>, vector<1x16xf32>,
        %get3A_841 = vector.shape_cast %get3A_840 : vector<1x16xf32> to vector<16xf32>
        %add3A_842 = arith.addf %scan3A_804, %get3A_841 : vector<16xf32>
        %add3A_843 = arith.constant 1 : i32
        %add3A_844 = arith.addi %add3A_813, %add3A_843 : i32
        %get3A_845 = arith.constant 800 : i32
        %get3A_846 = arith.constant 0 : i32
        %get3A_847 = tpu.memref_slice %arg7[%get3A_845, %get3A_846] : memref<1600x32xf32, #tpu.memory_space<vmem>> -> memref<400x32xf32, #tpu.memory_space<vmem>>
        %get3A_848 = arith.index_cast %add3A_844 : i32 to index
        %get3A_849 = arith.constant 16 : index
        %get3A_850 = tpu.vector_load %get3A_847[%get3A_848, %get3A_849] {strides = array<i32>} : memref<400x32xf32, #tpu.memory_space<vmem>>, vector<1x16xf32>,
        %get3A_851 = vector.shape_cast %get3A_850 : vector<1x16xf32> to vector<16xf32>
        %add3A_852 = arith.addf %scan3A_805, %get3A_851 : vector<16xf32>
        %add3A_853 = arith.constant 2 : i32
        %add3A_854 = arith.addi %add3A_813, %add3A_853 : i32
        %get3A_855 = arith.constant 800 : i32
        %get3A_856 = arith.constant 0 : i32
        %get3A_857 = tpu.memref_slice %arg7[%get3A_855, %get3A_856] : memref<1600x32xf32, #tpu.memory_space<vmem>> -> memref<400x32xf32, #tpu.memory_space<vmem>>
        %get3A_858 = arith.index_cast %add3A_854 : i32 to index
        %get3A_859 = arith.constant 0 : index
        %get3A_860 = tpu.vector_load %get3A_857[%get3A_858, %get3A_859] {strides = array<i32>} : memref<400x32xf32, #tpu.memory_space<vmem>>, vector<1x16xf32>,
        %get3A_861 = vector.shape_cast %get3A_860 : vector<1x16xf32> to vector<16xf32>
        %add3A_862 = arith.addf %scan3A_806, %get3A_861 : vector<16xf32>
        %add3A_863 = arith.constant 2 : i32
        %add3A_864 = arith.addi %add3A_813, %add3A_863 : i32
        %get3A_865 = arith.constant 800 : i32
        %get3A_866 = arith.constant 0 : i32
        %get3A_867 = tpu.memref_slice %arg7[%get3A_865, %get3A_866] : memref<1600x32xf32, #tpu.memory_space<vmem>> -> memref<400x32xf32, #tpu.memory_space<vmem>>
        %get3A_868 = arith.index_cast %add3A_864 : i32 to index
        %get3A_869 = arith.constant 16 : index
        %get3A_870 = tpu.vector_load %get3A_867[%get3A_868, %get3A_869] {strides = array<i32>} : memref<400x32xf32, #tpu.memory_space<vmem>>, vector<1x16xf32>,
        %get3A_871 = vector.shape_cast %get3A_870 : vector<1x16xf32> to vector<16xf32>
        %add3A_872 = arith.addf %scan3A_807, %get3A_871 : vector<16xf32>
        %add3A_873 = arith.constant 3 : i32
        %add3A_874 = arith.addi %add3A_813, %add3A_873 : i32
        %get3A_875 = arith.constant 800 : i32
        %get3A_876 = arith.constant 0 : i32
        %get3A_877 = tpu.memref_slice %arg7[%get3A_875, %get3A_876] : memref<1600x32xf32, #tpu.memory_space<vmem>> -> memref<400x32xf32, #tpu.memory_space<vmem>>
        %get3A_878 = arith.index_cast %add3A_874 : i32 to index
        %get3A_879 = arith.constant 0 : index
        %get3A_880 = tpu.vector_load %get3A_877[%get3A_878, %get3A_879] {strides = array<i32>} : memref<400x32xf32, #tpu.memory_space<vmem>>, vector<1x16xf32>,
        %get3A_881 = vector.shape_cast %get3A_880 : vector<1x16xf32> to vector<16xf32>
        %add3A_882 = arith.addf %scan3A_808, %get3A_881 : vector<16xf32>
        %add3A_883 = arith.constant 3 : i32
        %add3A_884 = arith.addi %add3A_813, %add3A_883 : i32
        %get3A_885 = arith.constant 800 : i32
        %get3A_886 = arith.constant 0 : i32
        %get3A_887 = tpu.memref_slice %arg7[%get3A_885, %get3A_886] : memref<1600x32xf32, #tpu.memory_space<vmem>> -> memref<400x32xf32, #tpu.memory_space<vmem>>
        %get3A_888 = arith.index_cast %add3A_884 : i32 to index
        %get3A_889 = arith.constant 16 : index
        %get3A_890 = tpu.vector_load %get3A_887[%get3A_888, %get3A_889] {strides = array<i32>} : memref<400x32xf32, #tpu.memory_space<vmem>>, vector<1x16xf32>,
        %get3A_891 = vector.shape_cast %get3A_890 : vector<1x16xf32> to vector<16xf32>
        %add3A_892 = arith.addf %scan3A_809, %get3A_891 : vector<16xf32>
        %add3A_893 = arith.constant 4 : i32
        %add3A_894 = arith.addi %add3A_813, %add3A_893 : i32
        %get3A_895 = arith.constant 800 : i32
        %get3A_896 = arith.constant 0 : i32
        %get3A_897 = tpu.memref_slice %arg7[%get3A_895, %get3A_896] : memref<1600x32xf32, #tpu.memory_space<vmem>> -> memref<400x32xf32, #tpu.memory_space<vmem>>
        %get3A_898 = arith.index_cast %add3A_894 : i32 to index
        %get3A_899 = arith.constant 0 : index
        %get3A_900 = tpu.vector_load %get3A_897[%get3A_898, %get3A_899] {strides = array<i32>} : memref<400x32xf32, #tpu.memory_space<vmem>>, vector<1x16xf32>,
        %get3A_901 = vector.shape_cast %get3A_900 : vector<1x16xf32> to vector<16xf32>
        %add3A_902 = arith.addf %add3A_822, %get3A_901 : vector<16xf32>
        %add3A_903 = arith.constant 4 : i32
        %add3A_904 = arith.addi %add3A_813, %add3A_903 : i32
        %get3A_905 = arith.constant 800 : i32
        %get3A_906 = arith.constant 0 : i32
        %get3A_907 = tpu.memref_slice %arg7[%get3A_905, %get3A_906] : memref<1600x32xf32, #tpu.memory_space<vmem>> -> memref<400x32xf32, #tpu.memory_space<vmem>>
        %get3A_908 = arith.index_cast %add3A_904 : i32 to index
        %get3A_909 = arith.constant 16 : index
        %get3A_910 = tpu.vector_load %get3A_907[%get3A_908, %get3A_909] {strides = array<i32>} : memref<400x32xf32, #tpu.memory_space<vmem>>, vector<1x16xf32>,
        %get3A_911 = vector.shape_cast %get3A_910 : vector<1x16xf32> to vector<16xf32>
        %add3A_912 = arith.addf %add3A_832, %get3A_911 : vector<16xf32>
        %add3A_913 = arith.constant 5 : i32
        %add3A_914 = arith.addi %add3A_813, %add3A_913 : i32
        %get3A_915 = arith.constant 800 : i32
        %get3A_916 = arith.constant 0 : i32
        %get3A_917 = tpu.memref_slice %arg7[%get3A_915, %get3A_916] : memref<1600x32xf32, #tpu.memory_space<vmem>> -> memref<400x32xf32, #tpu.memory_space<vmem>>
        %get3A_918 = arith.index_cast %add3A_914 : i32 to index
        %get3A_919 = arith.constant 0 : index
        %get3A_920 = tpu.vector_load %get3A_917[%get3A_918, %get3A_919] {strides = array<i32>} : memref<400x32xf32, #tpu.memory_space<vmem>>, vector<1x16xf32>,
        %get3A_921 = vector.shape_cast %get3A_920 : vector<1x16xf32> to vector<16xf32>
        %add3A_922 = arith.addf %add3A_842, %get3A_921 : vector<16xf32>
        %add3A_923 = arith.constant 5 : i32
        %add3A_924 = arith.addi %add3A_813, %add3A_923 : i32
        %get3A_925 = arith.constant 800 : i32
        %get3A_926 = arith.constant 0 : i32
        %get3A_927 = tpu.memref_slice %arg7[%get3A_925, %get3A_926] : memref<1600x32xf32, #tpu.memory_space<vmem>> -> memref<400x32xf32, #tpu.memory_space<vmem>>
        %get3A_928 = arith.index_cast %add3A_924 : i32 to index
        %get3A_929 = arith.constant 16 : index
        %get3A_930 = tpu.vector_load %get3A_927[%get3A_928, %get3A_929] {strides = array<i32>} : memref<400x32xf32, #tpu.memory_space<vmem>>, vector<1x16xf32>,
        %get3A_931 = vector.shape_cast %get3A_930 : vector<1x16xf32> to vector<16xf32>
        %add3A_932 = arith.addf %add3A_852, %get3A_931 : vector<16xf32>
        %add3A_933 = arith.constant 6 : i32
        %add3A_934 = arith.addi %add3A_813, %add3A_933 : i32
        %get3A_935 = arith.constant 800 : i32
        %get3A_936 = arith.constant 0 : i32
        %get3A_937 = tpu.memref_slice %arg7[%get3A_935, %get3A_936] : memref<1600x32xf32, #tpu.memory_space<vmem>> -> memref<400x32xf32, #tpu.memory_space<vmem>>
        %get3A_938 = arith.index_cast %add3A_934 : i32 to index
        %get3A_939 = arith.constant 0 : index
        %get3A_940 = tpu.vector_load %get3A_937[%get3A_938, %get3A_939] {strides = array<i32>} : memref<400x32xf32, #tpu.memory_space<vmem>>, vector<1x16xf32>,
        %get3A_941 = vector.shape_cast %get3A_940 : vector<1x16xf32> to vector<16xf32>
        %add3A_942 = arith.addf %add3A_862, %get3A_941 : vector<16xf32>
        %add3A_943 = arith.constant 6 : i32
        %add3A_944 = arith.addi %add3A_813, %add3A_943 : i32
        %get3A_945 = arith.constant 800 : i32
        %get3A_946 = arith.constant 0 : i32
        %get3A_947 = tpu.memref_slice %arg7[%get3A_945, %get3A_946] : memref<1600x32xf32, #tpu.memory_space<vmem>> -> memref<400x32xf32, #tpu.memory_space<vmem>>
        %get3A_948 = arith.index_cast %add3A_944 : i32 to index
        %get3A_949 = arith.constant 16 : index
        %get3A_950 = tpu.vector_load %get3A_947[%get3A_948, %get3A_949] {strides = array<i32>} : memref<400x32xf32, #tpu.memory_space<vmem>>, vector<1x16xf32>,
        %get3A_951 = vector.shape_cast %get3A_950 : vector<1x16xf32> to vector<16xf32>
        %add3A_952 = arith.addf %add3A_872, %get3A_951 : vector<16xf32>
        %add3A_953 = arith.constant 7 : i32
        %add3A_954 = arith.addi %add3A_813, %add3A_953 : i32
        %get3A_955 = arith.constant 800 : i32
        %get3A_956 = arith.constant 0 : i32
        %get3A_957 = tpu.memref_slice %arg7[%get3A_955, %get3A_956] : memref<1600x32xf32, #tpu.memory_space<vmem>> -> memref<400x32xf32, #tpu.memory_space<vmem>>
        %get3A_958 = arith.index_cast %add3A_954 : i32 to index
        %get3A_959 = arith.constant 0 : index
        %get3A_960 = tpu.vector_load %get3A_957[%get3A_958, %get3A_959] {strides = array<i32>} : memref<400x32xf32, #tpu.memory_space<vmem>>, vector<1x16xf32>,
        %get3A_961 = vector.shape_cast %get3A_960 : vector<1x16xf32> to vector<16xf32>
        %add3A_962 = arith.addf %add3A_882, %get3A_961 : vector<16xf32>
        %add3A_963 = arith.constant 7 : i32
        %add3A_964 = arith.addi %add3A_813, %add3A_963 : i32
        %get3A_965 = arith.constant 800 : i32
        %get3A_966 = arith.constant 0 : i32
        %get3A_967 = tpu.memref_slice %arg7[%get3A_965, %get3A_966] : memref<1600x32xf32, #tpu.memory_space<vmem>> -> memref<400x32xf32, #tpu.memory_space<vmem>>
        %get3A_968 = arith.index_cast %add3A_964 : i32 to index
        %get3A_969 = arith.constant 16 : index
        %get3A_970 = tpu.vector_load %get3A_967[%get3A_968, %get3A_969] {strides = array<i32>} : memref<400x32xf32, #tpu.memory_space<vmem>>, vector<1x16xf32>,
        %get3A_971 = vector.shape_cast %get3A_970 : vector<1x16xf32> to vector<16xf32>
        %add3A_972 = arith.addf %add3A_892, %get3A_971 : vector<16xf32>
        scf.yield %add3A_902, %add3A_912, %add3A_922, %add3A_932, %add3A_942, %add3A_952, %add3A_962, %add3A_972 : vector<16xf32>, vector<16xf32>, vector<16xf32>, vector<16xf32>, vector<16xf32>, vector<16xf32>, vector<16xf32>, vector<16xf32>
      }
      %scan3A_708 = arith.constant 25 : i32
      %add3A_709 = arith.addf %scan3A_707#0, %scan3A_707#2 : vector<16xf32>
      %add3A_710 = arith.addf %scan3A_707#4, %scan3A_707#6 : vector<16xf32>
      %add3A_711 = arith.addf %add3A_709, %add3A_710 : vector<16xf32>
      %add3A_712 = arith.constant 1 : i32
      %add3A_713 = arith.addi %add3A_672, %add3A_712 : i32
      %swap3A_714 = arith.index_cast %add3A_713 : i32 to index
      %swap3A_715 = arith.constant 0 : index
      %swap3A_716 = tpu.vector_load %arg8[%swap3A_714, %swap3A_715] {strides = array<i32>} : memref<512x32xf32, #tpu.memory_space<vmem>>, vector<1x16xf32>,
      %swap3A_717 = vector.shape_cast %swap3A_716 : vector<1x16xf32> to vector<16xf32>
      %swap3A_718 = vector.shape_cast %add3A_711 : vector<16xf32> to vector<1x16xf32>
      tpu.vector_store %arg8[%swap3A_714, %swap3A_715], %swap3A_718 {strides = array<i32>} : memref<512x32xf32, #tpu.memory_space<vmem>>, vector<1x16xf32>,
      %add3A_719 = arith.addf %scan3A_707#1, %scan3A_707#3 : vector<16xf32>
      %add3A_720 = arith.addf %scan3A_707#5, %scan3A_707#7 : vector<16xf32>
      %add3A_721 = arith.addf %add3A_719, %add3A_720 : vector<16xf32>
      %add3A_722 = arith.constant 1 : i32
      %add3A_723 = arith.addi %add3A_672, %add3A_722 : i32
      %swap3A_724 = arith.index_cast %add3A_723 : i32 to index
      %swap3A_725 = arith.constant 16 : index
      %swap3A_726 = tpu.vector_load %arg8[%swap3A_724, %swap3A_725] {strides = array<i32>} : memref<512x32xf32, #tpu.memory_space<vmem>>, vector<1x16xf32>,
      %swap3A_727 = vector.shape_cast %swap3A_726 : vector<1x16xf32> to vector<16xf32>
      %swap3A_728 = vector.shape_cast %add3A_721 : vector<16xf32> to vector<1x16xf32>
      tpu.vector_store %arg8[%swap3A_724, %swap3A_725], %swap3A_728 {strides = array<i32>} : memref<512x32xf32, #tpu.memory_space<vmem>>, vector<1x16xf32>,
      %dma_wait3A_729 = arith.constant 1200 : i32
      %dma_wait3A_730 = arith.constant 0 : i32
      %dma_wait3A_731 = tpu.memref_slice %arg7[%dma_wait3A_729, %dma_wait3A_730] : memref<1600x32xf32, #tpu.memory_space<vmem>> -> memref<400x32xf32, #tpu.memory_space<vmem>>
      %dma_wait3A_732 = arith.constant 0 : i32
      %dma_wait3A_733 = arith.constant 0 : i32
      %dma_wait3A_734 = tpu.memref_slice %arg3[%dma_wait3A_732, %dma_wait3A_733] : memref<1000000x32xf32, #tpu.memory_space<hbm>> -> memref<400x32xf32, #tpu.memory_space<hbm>>
      %dma_wait3A_735 = arith.constant 1200 : i32
      %dma_wait3A_736 = arith.constant 0 : i32
      %dma_wait3A_737 = tpu.memref_slice %arg7[%dma_wait3A_735, %dma_wait3A_736] : memref<1600x32xf32, #tpu.memory_space<vmem>> -> memref<400x32xf32, #tpu.memory_space<vmem>>
      %dma_wait3A_738 = arith.constant 0 : i32
      %dma_wait3A_739 = arith.constant 0 : i32
      %dma_wait3A_740 = tpu.memref_slice %arg3[%dma_wait3A_738, %dma_wait3A_739] : memref<1000000x32xf32, #tpu.memory_space<hbm>> -> memref<400x32xf32, #tpu.memory_space<hbm>>
      tpu.wait_dma2 semaphore(%arg10 : memref<!tpu.dma_semaphore, #tpu.memory_space<semaphore_mem>>) src(%dma_wait3A_740 : memref<400x32xf32, #tpu.memory_space<hbm>>) dst(%dma_wait3A_737 : memref<400x32xf32, #tpu.memory_space<vmem>>)
      %mul3A_741 = arith.constant 8 : i32
      %mul3A_742 = arith.muli %add3A_500, %mul3A_741 : i32
      %add3A_743 = arith.constant 6 : i32
      %add3A_744 = arith.addi %mul3A_742, %add3A_743 : i32
      %broadcast_in_dim3A_745 = arith.constant 0.000000e+00 : f32
      %broadcast_in_dim3A_746 = vector.broadcast %broadcast_in_dim3A_745 : f32 to vector<16xf32>
      %scan3A_747 = arith.constant 0 : i32
      %scan3A_748 = arith.constant 25 : i32
      %scan3A_749 = arith.addi %scan3A_747, %scan3A_748 : i32
      %scan3A_750 = arith.constant 1 : i32
      %scan3A_751:8 = scf.for %scan3A_801 = %scan3A_747 to %scan3A_749 step %scan3A_750 iter_args(%scan3A_802 = %broadcast_in_dim3A_746, %scan3A_803 = %broadcast_in_dim3A_746, %scan3A_804 = %broadcast_in_dim3A_746, %scan3A_805 = %broadcast_in_dim3A_746, %scan3A_806 = %broadcast_in_dim3A_746, %scan3A_807 = %broadcast_in_dim3A_746, %scan3A_808 = %broadcast_in_dim3A_746, %scan3A_809 = %broadcast_in_dim3A_746) -> (vector<16xf32>, vector<16xf32>, vector<16xf32>, vector<16xf32>, vector<16xf32>, vector<16xf32>, vector<16xf32>, vector<16xf32>)  : i32 {
        %mul3A_810 = arith.constant 8 : i32
        %mul3A_811 = arith.muli %scan3A_801, %mul3A_810 : i32
        %add3A_812 = arith.constant 0 : i32
        %add3A_813 = arith.addi %add3A_812, %mul3A_811 : i32
        %add3A_814 = arith.constant 0 : i32
        %add3A_815 = arith.addi %add3A_813, %add3A_814 : i32
        %get3A = arith.constant 1200 : i32
        %get3A_816 = arith.constant 0 : i32
        %get3A_817 = tpu.memref_slice %arg7[%get3A, %get3A_816] : memref<1600x32xf32, #tpu.memory_space<vmem>> -> memref<400x32xf32, #tpu.memory_space<vmem>>
        %get3A_818 = arith.index_cast %add3A_815 : i32 to index
        %get3A_819 = arith.constant 0 : index
        %get3A_820 = tpu.vector_load %get3A_817[%get3A_818, %get3A_819] {strides = array<i32>} : memref<400x32xf32, #tpu.memory_space<vmem>>, vector<1x16xf32>,
        %get3A_821 = vector.shape_cast %get3A_820 : vector<1x16xf32> to vector<16xf32>
        %add3A_822 = arith.addf %scan3A_802, %get3A_821 : vector<16xf32>
        %add3A_823 = arith.constant 0 : i32
        %add3A_824 = arith.addi %add3A_813, %add3A_823 : i32
        %get3A_825 = arith.constant 1200 : i32
        %get3A_826 = arith.constant 0 : i32
        %get3A_827 = tpu.memref_slice %arg7[%get3A_825, %get3A_826] : memref<1600x32xf32, #tpu.memory_space<vmem>> -> memref<400x32xf32, #tpu.memory_space<vmem>>
        %get3A_828 = arith.index_cast %add3A_824 : i32 to index
        %get3A_829 = arith.constant 16 : index
        %get3A_830 = tpu.vector_load %get3A_827[%get3A_828, %get3A_829] {strides = array<i32>} : memref<400x32xf32, #tpu.memory_space<vmem>>, vector<1x16xf32>,
        %get3A_831 = vector.shape_cast %get3A_830 : vector<1x16xf32> to vector<16xf32>
        %add3A_832 = arith.addf %scan3A_803, %get3A_831 : vector<16xf32>
        %add3A_833 = arith.constant 1 : i32
        %add3A_834 = arith.addi %add3A_813, %add3A_833 : i32
        %get3A_835 = arith.constant 1200 : i32
        %get3A_836 = arith.constant 0 : i32
        %get3A_837 = tpu.memref_slice %arg7[%get3A_835, %get3A_836] : memref<1600x32xf32, #tpu.memory_space<vmem>> -> memref<400x32xf32, #tpu.memory_space<vmem>>
        %get3A_838 = arith.index_cast %add3A_834 : i32 to index
        %get3A_839 = arith.constant 0 : index
        %get3A_840 = tpu.vector_load %get3A_837[%get3A_838, %get3A_839] {strides = array<i32>} : memref<400x32xf32, #tpu.memory_space<vmem>>, vector<1x16xf32>,
        %get3A_841 = vector.shape_cast %get3A_840 : vector<1x16xf32> to vector<16xf32>
        %add3A_842 = arith.addf %scan3A_804, %get3A_841 : vector<16xf32>
        %add3A_843 = arith.constant 1 : i32
        %add3A_844 = arith.addi %add3A_813, %add3A_843 : i32
        %get3A_845 = arith.constant 1200 : i32
        %get3A_846 = arith.constant 0 : i32
        %get3A_847 = tpu.memref_slice %arg7[%get3A_845, %get3A_846] : memref<1600x32xf32, #tpu.memory_space<vmem>> -> memref<400x32xf32, #tpu.memory_space<vmem>>
        %get3A_848 = arith.index_cast %add3A_844 : i32 to index
        %get3A_849 = arith.constant 16 : index
        %get3A_850 = tpu.vector_load %get3A_847[%get3A_848, %get3A_849] {strides = array<i32>} : memref<400x32xf32, #tpu.memory_space<vmem>>, vector<1x16xf32>,
        %get3A_851 = vector.shape_cast %get3A_850 : vector<1x16xf32> to vector<16xf32>
        %add3A_852 = arith.addf %scan3A_805, %get3A_851 : vector<16xf32>
        %add3A_853 = arith.constant 2 : i32
        %add3A_854 = arith.addi %add3A_813, %add3A_853 : i32
        %get3A_855 = arith.constant 1200 : i32
        %get3A_856 = arith.constant 0 : i32
        %get3A_857 = tpu.memref_slice %arg7[%get3A_855, %get3A_856] : memref<1600x32xf32, #tpu.memory_space<vmem>> -> memref<400x32xf32, #tpu.memory_space<vmem>>
        %get3A_858 = arith.index_cast %add3A_854 : i32 to index
        %get3A_859 = arith.constant 0 : index
        %get3A_860 = tpu.vector_load %get3A_857[%get3A_858, %get3A_859] {strides = array<i32>} : memref<400x32xf32, #tpu.memory_space<vmem>>, vector<1x16xf32>,
        %get3A_861 = vector.shape_cast %get3A_860 : vector<1x16xf32> to vector<16xf32>
        %add3A_862 = arith.addf %scan3A_806, %get3A_861 : vector<16xf32>
        %add3A_863 = arith.constant 2 : i32
        %add3A_864 = arith.addi %add3A_813, %add3A_863 : i32
        %get3A_865 = arith.constant 1200 : i32
        %get3A_866 = arith.constant 0 : i32
        %get3A_867 = tpu.memref_slice %arg7[%get3A_865, %get3A_866] : memref<1600x32xf32, #tpu.memory_space<vmem>> -> memref<400x32xf32, #tpu.memory_space<vmem>>
        %get3A_868 = arith.index_cast %add3A_864 : i32 to index
        %get3A_869 = arith.constant 16 : index
        %get3A_870 = tpu.vector_load %get3A_867[%get3A_868, %get3A_869] {strides = array<i32>} : memref<400x32xf32, #tpu.memory_space<vmem>>, vector<1x16xf32>,
        %get3A_871 = vector.shape_cast %get3A_870 : vector<1x16xf32> to vector<16xf32>
        %add3A_872 = arith.addf %scan3A_807, %get3A_871 : vector<16xf32>
        %add3A_873 = arith.constant 3 : i32
        %add3A_874 = arith.addi %add3A_813, %add3A_873 : i32
        %get3A_875 = arith.constant 1200 : i32
        %get3A_876 = arith.constant 0 : i32
        %get3A_877 = tpu.memref_slice %arg7[%get3A_875, %get3A_876] : memref<1600x32xf32, #tpu.memory_space<vmem>> -> memref<400x32xf32, #tpu.memory_space<vmem>>
        %get3A_878 = arith.index_cast %add3A_874 : i32 to index
        %get3A_879 = arith.constant 0 : index
        %get3A_880 = tpu.vector_load %get3A_877[%get3A_878, %get3A_879] {strides = array<i32>} : memref<400x32xf32, #tpu.memory_space<vmem>>, vector<1x16xf32>,
        %get3A_881 = vector.shape_cast %get3A_880 : vector<1x16xf32> to vector<16xf32>
        %add3A_882 = arith.addf %scan3A_808, %get3A_881 : vector<16xf32>
        %add3A_883 = arith.constant 3 : i32
        %add3A_884 = arith.addi %add3A_813, %add3A_883 : i32
        %get3A_885 = arith.constant 1200 : i32
        %get3A_886 = arith.constant 0 : i32
        %get3A_887 = tpu.memref_slice %arg7[%get3A_885, %get3A_886] : memref<1600x32xf32, #tpu.memory_space<vmem>> -> memref<400x32xf32, #tpu.memory_space<vmem>>
        %get3A_888 = arith.index_cast %add3A_884 : i32 to index
        %get3A_889 = arith.constant 16 : index
        %get3A_890 = tpu.vector_load %get3A_887[%get3A_888, %get3A_889] {strides = array<i32>} : memref<400x32xf32, #tpu.memory_space<vmem>>, vector<1x16xf32>,
        %get3A_891 = vector.shape_cast %get3A_890 : vector<1x16xf32> to vector<16xf32>
        %add3A_892 = arith.addf %scan3A_809, %get3A_891 : vector<16xf32>
        %add3A_893 = arith.constant 4 : i32
        %add3A_894 = arith.addi %add3A_813, %add3A_893 : i32
        %get3A_895 = arith.constant 1200 : i32
        %get3A_896 = arith.constant 0 : i32
        %get3A_897 = tpu.memref_slice %arg7[%get3A_895, %get3A_896] : memref<1600x32xf32, #tpu.memory_space<vmem>> -> memref<400x32xf32, #tpu.memory_space<vmem>>
        %get3A_898 = arith.index_cast %add3A_894 : i32 to index
        %get3A_899 = arith.constant 0 : index
        %get3A_900 = tpu.vector_load %get3A_897[%get3A_898, %get3A_899] {strides = array<i32>} : memref<400x32xf32, #tpu.memory_space<vmem>>, vector<1x16xf32>,
        %get3A_901 = vector.shape_cast %get3A_900 : vector<1x16xf32> to vector<16xf32>
        %add3A_902 = arith.addf %add3A_822, %get3A_901 : vector<16xf32>
        %add3A_903 = arith.constant 4 : i32
        %add3A_904 = arith.addi %add3A_813, %add3A_903 : i32
        %get3A_905 = arith.constant 1200 : i32
        %get3A_906 = arith.constant 0 : i32
        %get3A_907 = tpu.memref_slice %arg7[%get3A_905, %get3A_906] : memref<1600x32xf32, #tpu.memory_space<vmem>> -> memref<400x32xf32, #tpu.memory_space<vmem>>
        %get3A_908 = arith.index_cast %add3A_904 : i32 to index
        %get3A_909 = arith.constant 16 : index
        %get3A_910 = tpu.vector_load %get3A_907[%get3A_908, %get3A_909] {strides = array<i32>} : memref<400x32xf32, #tpu.memory_space<vmem>>, vector<1x16xf32>,
        %get3A_911 = vector.shape_cast %get3A_910 : vector<1x16xf32> to vector<16xf32>
        %add3A_912 = arith.addf %add3A_832, %get3A_911 : vector<16xf32>
        %add3A_913 = arith.constant 5 : i32
        %add3A_914 = arith.addi %add3A_813, %add3A_913 : i32
        %get3A_915 = arith.constant 1200 : i32
        %get3A_916 = arith.constant 0 : i32
        %get3A_917 = tpu.memref_slice %arg7[%get3A_915, %get3A_916] : memref<1600x32xf32, #tpu.memory_space<vmem>> -> memref<400x32xf32, #tpu.memory_space<vmem>>
        %get3A_918 = arith.index_cast %add3A_914 : i32 to index
        %get3A_919 = arith.constant 0 : index
        %get3A_920 = tpu.vector_load %get3A_917[%get3A_918, %get3A_919] {strides = array<i32>} : memref<400x32xf32, #tpu.memory_space<vmem>>, vector<1x16xf32>,
        %get3A_921 = vector.shape_cast %get3A_920 : vector<1x16xf32> to vector<16xf32>
        %add3A_922 = arith.addf %add3A_842, %get3A_921 : vector<16xf32>
        %add3A_923 = arith.constant 5 : i32
        %add3A_924 = arith.addi %add3A_813, %add3A_923 : i32
        %get3A_925 = arith.constant 1200 : i32
        %get3A_926 = arith.constant 0 : i32
        %get3A_927 = tpu.memref_slice %arg7[%get3A_925, %get3A_926] : memref<1600x32xf32, #tpu.memory_space<vmem>> -> memref<400x32xf32, #tpu.memory_space<vmem>>
        %get3A_928 = arith.index_cast %add3A_924 : i32 to index
        %get3A_929 = arith.constant 16 : index
        %get3A_930 = tpu.vector_load %get3A_927[%get3A_928, %get3A_929] {strides = array<i32>} : memref<400x32xf32, #tpu.memory_space<vmem>>, vector<1x16xf32>,
        %get3A_931 = vector.shape_cast %get3A_930 : vector<1x16xf32> to vector<16xf32>
        %add3A_932 = arith.addf %add3A_852, %get3A_931 : vector<16xf32>
        %add3A_933 = arith.constant 6 : i32
        %add3A_934 = arith.addi %add3A_813, %add3A_933 : i32
        %get3A_935 = arith.constant 1200 : i32
        %get3A_936 = arith.constant 0 : i32
        %get3A_937 = tpu.memref_slice %arg7[%get3A_935, %get3A_936] : memref<1600x32xf32, #tpu.memory_space<vmem>> -> memref<400x32xf32, #tpu.memory_space<vmem>>
        %get3A_938 = arith.index_cast %add3A_934 : i32 to index
        %get3A_939 = arith.constant 0 : index
        %get3A_940 = tpu.vector_load %get3A_937[%get3A_938, %get3A_939] {strides = array<i32>} : memref<400x32xf32, #tpu.memory_space<vmem>>, vector<1x16xf32>,
        %get3A_941 = vector.shape_cast %get3A_940 : vector<1x16xf32> to vector<16xf32>
        %add3A_942 = arith.addf %add3A_862, %get3A_941 : vector<16xf32>
        %add3A_943 = arith.constant 6 : i32
        %add3A_944 = arith.addi %add3A_813, %add3A_943 : i32
        %get3A_945 = arith.constant 1200 : i32
        %get3A_946 = arith.constant 0 : i32
        %get3A_947 = tpu.memref_slice %arg7[%get3A_945, %get3A_946] : memref<1600x32xf32, #tpu.memory_space<vmem>> -> memref<400x32xf32, #tpu.memory_space<vmem>>
        %get3A_948 = arith.index_cast %add3A_944 : i32 to index
        %get3A_949 = arith.constant 16 : index
        %get3A_950 = tpu.vector_load %get3A_947[%get3A_948, %get3A_949] {strides = array<i32>} : memref<400x32xf32, #tpu.memory_space<vmem>>, vector<1x16xf32>,
        %get3A_951 = vector.shape_cast %get3A_950 : vector<1x16xf32> to vector<16xf32>
        %add3A_952 = arith.addf %add3A_872, %get3A_951 : vector<16xf32>
        %add3A_953 = arith.constant 7 : i32
        %add3A_954 = arith.addi %add3A_813, %add3A_953 : i32
        %get3A_955 = arith.constant 1200 : i32
        %get3A_956 = arith.constant 0 : i32
        %get3A_957 = tpu.memref_slice %arg7[%get3A_955, %get3A_956] : memref<1600x32xf32, #tpu.memory_space<vmem>> -> memref<400x32xf32, #tpu.memory_space<vmem>>
        %get3A_958 = arith.index_cast %add3A_954 : i32 to index
        %get3A_959 = arith.constant 0 : index
        %get3A_960 = tpu.vector_load %get3A_957[%get3A_958, %get3A_959] {strides = array<i32>} : memref<400x32xf32, #tpu.memory_space<vmem>>, vector<1x16xf32>,
        %get3A_961 = vector.shape_cast %get3A_960 : vector<1x16xf32> to vector<16xf32>
        %add3A_962 = arith.addf %add3A_882, %get3A_961 : vector<16xf32>
        %add3A_963 = arith.constant 7 : i32
        %add3A_964 = arith.addi %add3A_813, %add3A_963 : i32
        %get3A_965 = arith.constant 1200 : i32
        %get3A_966 = arith.constant 0 : i32
        %get3A_967 = tpu.memref_slice %arg7[%get3A_965, %get3A_966] : memref<1600x32xf32, #tpu.memory_space<vmem>> -> memref<400x32xf32, #tpu.memory_space<vmem>>
        %get3A_968 = arith.index_cast %add3A_964 : i32 to index
        %get3A_969 = arith.constant 16 : index
        %get3A_970 = tpu.vector_load %get3A_967[%get3A_968, %get3A_969] {strides = array<i32>} : memref<400x32xf32, #tpu.memory_space<vmem>>, vector<1x16xf32>,
        %get3A_971 = vector.shape_cast %get3A_970 : vector<1x16xf32> to vector<16xf32>
        %add3A_972 = arith.addf %add3A_892, %get3A_971 : vector<16xf32>
        scf.yield %add3A_902, %add3A_912, %add3A_922, %add3A_932, %add3A_942, %add3A_952, %add3A_962, %add3A_972 : vector<16xf32>, vector<16xf32>, vector<16xf32>, vector<16xf32>, vector<16xf32>, vector<16xf32>, vector<16xf32>, vector<16xf32>
      }
      %scan3A_752 = arith.constant 25 : i32
      %add3A_753 = arith.addf %scan3A_751#0, %scan3A_751#2 : vector<16xf32>
      %add3A_754 = arith.addf %scan3A_751#4, %scan3A_751#6 : vector<16xf32>
      %add3A_755 = arith.addf %add3A_753, %add3A_754 : vector<16xf32>
      %add3A_756 = arith.constant 0 : i32
      %add3A_757 = arith.addi %add3A_744, %add3A_756 : i32
      %swap3A_758 = arith.index_cast %add3A_757 : i32 to index
      %swap3A_759 = arith.constant 0 : index
      %swap3A_760 = tpu.vector_load %arg8[%swap3A_758, %swap3A_759] {strides = array<i32>} : memref<512x32xf32, #tpu.memory_space<vmem>>, vector<1x16xf32>,
      %swap3A_761 = vector.shape_cast %swap3A_760 : vector<1x16xf32> to vector<16xf32>
      %swap3A_762 = vector.shape_cast %add3A_755 : vector<16xf32> to vector<1x16xf32>
      tpu.vector_store %arg8[%swap3A_758, %swap3A_759], %swap3A_762 {strides = array<i32>} : memref<512x32xf32, #tpu.memory_space<vmem>>, vector<1x16xf32>,
      %add3A_763 = arith.addf %scan3A_751#1, %scan3A_751#3 : vector<16xf32>
      %add3A_764 = arith.addf %scan3A_751#5, %scan3A_751#7 : vector<16xf32>
      %add3A_765 = arith.addf %add3A_763, %add3A_764 : vector<16xf32>
      %add3A_766 = arith.constant 0 : i32
      %add3A_767 = arith.addi %add3A_744, %add3A_766 : i32
      %swap3A_768 = arith.index_cast %add3A_767 : i32 to index
      %swap3A_769 = arith.constant 16 : index
      %swap3A_770 = tpu.vector_load %arg8[%swap3A_768, %swap3A_769] {strides = array<i32>} : memref<512x32xf32, #tpu.memory_space<vmem>>, vector<1x16xf32>,
      %swap3A_771 = vector.shape_cast %swap3A_770 : vector<1x16xf32> to vector<16xf32>
      %swap3A_772 = vector.shape_cast %add3A_765 : vector<16xf32> to vector<1x16xf32>
      tpu.vector_store %arg8[%swap3A_768, %swap3A_769], %swap3A_772 {strides = array<i32>} : memref<512x32xf32, #tpu.memory_space<vmem>>, vector<1x16xf32>,
      %broadcast_in_dim3A_773 = arith.constant 0.000000e+00 : f32
      %broadcast_in_dim3A_774 = vector.broadcast %broadcast_in_dim3A_773 : f32 to vector<16xf32>
      %scan3A_775 = arith.constant 0 : i32
      %scan3A_776 = arith.constant 25 : i32
      %scan3A_777 = arith.addi %scan3A_775, %scan3A_776 : i32
      %scan3A_778 = arith.constant 1 : i32
      %scan3A_779:8 = scf.for %scan3A_801 = %scan3A_775 to %scan3A_777 step %scan3A_778 iter_args(%scan3A_802 = %broadcast_in_dim3A_774, %scan3A_803 = %broadcast_in_dim3A_774, %scan3A_804 = %broadcast_in_dim3A_774, %scan3A_805 = %broadcast_in_dim3A_774, %scan3A_806 = %broadcast_in_dim3A_774, %scan3A_807 = %broadcast_in_dim3A_774, %scan3A_808 = %broadcast_in_dim3A_774, %scan3A_809 = %broadcast_in_dim3A_774) -> (vector<16xf32>, vector<16xf32>, vector<16xf32>, vector<16xf32>, vector<16xf32>, vector<16xf32>, vector<16xf32>, vector<16xf32>)  : i32 {
        %mul3A_810 = arith.constant 8 : i32
        %mul3A_811 = arith.muli %scan3A_801, %mul3A_810 : i32
        %add3A_812 = arith.constant 200 : i32
        %add3A_813 = arith.addi %add3A_812, %mul3A_811 : i32
        %add3A_814 = arith.constant 0 : i32
        %add3A_815 = arith.addi %add3A_813, %add3A_814 : i32
        %get3A = arith.constant 1200 : i32
        %get3A_816 = arith.constant 0 : i32
        %get3A_817 = tpu.memref_slice %arg7[%get3A, %get3A_816] : memref<1600x32xf32, #tpu.memory_space<vmem>> -> memref<400x32xf32, #tpu.memory_space<vmem>>
        %get3A_818 = arith.index_cast %add3A_815 : i32 to index
        %get3A_819 = arith.constant 0 : index
        %get3A_820 = tpu.vector_load %get3A_817[%get3A_818, %get3A_819] {strides = array<i32>} : memref<400x32xf32, #tpu.memory_space<vmem>>, vector<1x16xf32>,
        %get3A_821 = vector.shape_cast %get3A_820 : vector<1x16xf32> to vector<16xf32>
        %add3A_822 = arith.addf %scan3A_802, %get3A_821 : vector<16xf32>
        %add3A_823 = arith.constant 0 : i32
        %add3A_824 = arith.addi %add3A_813, %add3A_823 : i32
        %get3A_825 = arith.constant 1200 : i32
        %get3A_826 = arith.constant 0 : i32
        %get3A_827 = tpu.memref_slice %arg7[%get3A_825, %get3A_826] : memref<1600x32xf32, #tpu.memory_space<vmem>> -> memref<400x32xf32, #tpu.memory_space<vmem>>
        %get3A_828 = arith.index_cast %add3A_824 : i32 to index
        %get3A_829 = arith.constant 16 : index
        %get3A_830 = tpu.vector_load %get3A_827[%get3A_828, %get3A_829] {strides = array<i32>} : memref<400x32xf32, #tpu.memory_space<vmem>>, vector<1x16xf32>,
        %get3A_831 = vector.shape_cast %get3A_830 : vector<1x16xf32> to vector<16xf32>
        %add3A_832 = arith.addf %scan3A_803, %get3A_831 : vector<16xf32>
        %add3A_833 = arith.constant 1 : i32
        %add3A_834 = arith.addi %add3A_813, %add3A_833 : i32
        %get3A_835 = arith.constant 1200 : i32
        %get3A_836 = arith.constant 0 : i32
        %get3A_837 = tpu.memref_slice %arg7[%get3A_835, %get3A_836] : memref<1600x32xf32, #tpu.memory_space<vmem>> -> memref<400x32xf32, #tpu.memory_space<vmem>>
        %get3A_838 = arith.index_cast %add3A_834 : i32 to index
        %get3A_839 = arith.constant 0 : index
        %get3A_840 = tpu.vector_load %get3A_837[%get3A_838, %get3A_839] {strides = array<i32>} : memref<400x32xf32, #tpu.memory_space<vmem>>, vector<1x16xf32>,
        %get3A_841 = vector.shape_cast %get3A_840 : vector<1x16xf32> to vector<16xf32>
        %add3A_842 = arith.addf %scan3A_804, %get3A_841 : vector<16xf32>
        %add3A_843 = arith.constant 1 : i32
        %add3A_844 = arith.addi %add3A_813, %add3A_843 : i32
        %get3A_845 = arith.constant 1200 : i32
        %get3A_846 = arith.constant 0 : i32
        %get3A_847 = tpu.memref_slice %arg7[%get3A_845, %get3A_846] : memref<1600x32xf32, #tpu.memory_space<vmem>> -> memref<400x32xf32, #tpu.memory_space<vmem>>
        %get3A_848 = arith.index_cast %add3A_844 : i32 to index
        %get3A_849 = arith.constant 16 : index
        %get3A_850 = tpu.vector_load %get3A_847[%get3A_848, %get3A_849] {strides = array<i32>} : memref<400x32xf32, #tpu.memory_space<vmem>>, vector<1x16xf32>,
        %get3A_851 = vector.shape_cast %get3A_850 : vector<1x16xf32> to vector<16xf32>
        %add3A_852 = arith.addf %scan3A_805, %get3A_851 : vector<16xf32>
        %add3A_853 = arith.constant 2 : i32
        %add3A_854 = arith.addi %add3A_813, %add3A_853 : i32
        %get3A_855 = arith.constant 1200 : i32
        %get3A_856 = arith.constant 0 : i32
        %get3A_857 = tpu.memref_slice %arg7[%get3A_855, %get3A_856] : memref<1600x32xf32, #tpu.memory_space<vmem>> -> memref<400x32xf32, #tpu.memory_space<vmem>>
        %get3A_858 = arith.index_cast %add3A_854 : i32 to index
        %get3A_859 = arith.constant 0 : index
        %get3A_860 = tpu.vector_load %get3A_857[%get3A_858, %get3A_859] {strides = array<i32>} : memref<400x32xf32, #tpu.memory_space<vmem>>, vector<1x16xf32>,
        %get3A_861 = vector.shape_cast %get3A_860 : vector<1x16xf32> to vector<16xf32>
        %add3A_862 = arith.addf %scan3A_806, %get3A_861 : vector<16xf32>
        %add3A_863 = arith.constant 2 : i32
        %add3A_864 = arith.addi %add3A_813, %add3A_863 : i32
        %get3A_865 = arith.constant 1200 : i32
        %get3A_866 = arith.constant 0 : i32
        %get3A_867 = tpu.memref_slice %arg7[%get3A_865, %get3A_866] : memref<1600x32xf32, #tpu.memory_space<vmem>> -> memref<400x32xf32, #tpu.memory_space<vmem>>
        %get3A_868 = arith.index_cast %add3A_864 : i32 to index
        %get3A_869 = arith.constant 16 : index
        %get3A_870 = tpu.vector_load %get3A_867[%get3A_868, %get3A_869] {strides = array<i32>} : memref<400x32xf32, #tpu.memory_space<vmem>>, vector<1x16xf32>,
        %get3A_871 = vector.shape_cast %get3A_870 : vector<1x16xf32> to vector<16xf32>
        %add3A_872 = arith.addf %scan3A_807, %get3A_871 : vector<16xf32>
        %add3A_873 = arith.constant 3 : i32
        %add3A_874 = arith.addi %add3A_813, %add3A_873 : i32
        %get3A_875 = arith.constant 1200 : i32
        %get3A_876 = arith.constant 0 : i32
        %get3A_877 = tpu.memref_slice %arg7[%get3A_875, %get3A_876] : memref<1600x32xf32, #tpu.memory_space<vmem>> -> memref<400x32xf32, #tpu.memory_space<vmem>>
        %get3A_878 = arith.index_cast %add3A_874 : i32 to index
        %get3A_879 = arith.constant 0 : index
        %get3A_880 = tpu.vector_load %get3A_877[%get3A_878, %get3A_879] {strides = array<i32>} : memref<400x32xf32, #tpu.memory_space<vmem>>, vector<1x16xf32>,
        %get3A_881 = vector.shape_cast %get3A_880 : vector<1x16xf32> to vector<16xf32>
        %add3A_882 = arith.addf %scan3A_808, %get3A_881 : vector<16xf32>
        %add3A_883 = arith.constant 3 : i32
        %add3A_884 = arith.addi %add3A_813, %add3A_883 : i32
        %get3A_885 = arith.constant 1200 : i32
        %get3A_886 = arith.constant 0 : i32
        %get3A_887 = tpu.memref_slice %arg7[%get3A_885, %get3A_886] : memref<1600x32xf32, #tpu.memory_space<vmem>> -> memref<400x32xf32, #tpu.memory_space<vmem>>
        %get3A_888 = arith.index_cast %add3A_884 : i32 to index
        %get3A_889 = arith.constant 16 : index
        %get3A_890 = tpu.vector_load %get3A_887[%get3A_888, %get3A_889] {strides = array<i32>} : memref<400x32xf32, #tpu.memory_space<vmem>>, vector<1x16xf32>,
        %get3A_891 = vector.shape_cast %get3A_890 : vector<1x16xf32> to vector<16xf32>
        %add3A_892 = arith.addf %scan3A_809, %get3A_891 : vector<16xf32>
        %add3A_893 = arith.constant 4 : i32
        %add3A_894 = arith.addi %add3A_813, %add3A_893 : i32
        %get3A_895 = arith.constant 1200 : i32
        %get3A_896 = arith.constant 0 : i32
        %get3A_897 = tpu.memref_slice %arg7[%get3A_895, %get3A_896] : memref<1600x32xf32, #tpu.memory_space<vmem>> -> memref<400x32xf32, #tpu.memory_space<vmem>>
        %get3A_898 = arith.index_cast %add3A_894 : i32 to index
        %get3A_899 = arith.constant 0 : index
        %get3A_900 = tpu.vector_load %get3A_897[%get3A_898, %get3A_899] {strides = array<i32>} : memref<400x32xf32, #tpu.memory_space<vmem>>, vector<1x16xf32>,
        %get3A_901 = vector.shape_cast %get3A_900 : vector<1x16xf32> to vector<16xf32>
        %add3A_902 = arith.addf %add3A_822, %get3A_901 : vector<16xf32>
        %add3A_903 = arith.constant 4 : i32
        %add3A_904 = arith.addi %add3A_813, %add3A_903 : i32
        %get3A_905 = arith.constant 1200 : i32
        %get3A_906 = arith.constant 0 : i32
        %get3A_907 = tpu.memref_slice %arg7[%get3A_905, %get3A_906] : memref<1600x32xf32, #tpu.memory_space<vmem>> -> memref<400x32xf32, #tpu.memory_space<vmem>>
        %get3A_908 = arith.index_cast %add3A_904 : i32 to index
        %get3A_909 = arith.constant 16 : index
        %get3A_910 = tpu.vector_load %get3A_907[%get3A_908, %get3A_909] {strides = array<i32>} : memref<400x32xf32, #tpu.memory_space<vmem>>, vector<1x16xf32>,
        %get3A_911 = vector.shape_cast %get3A_910 : vector<1x16xf32> to vector<16xf32>
        %add3A_912 = arith.addf %add3A_832, %get3A_911 : vector<16xf32>
        %add3A_913 = arith.constant 5 : i32
        %add3A_914 = arith.addi %add3A_813, %add3A_913 : i32
        %get3A_915 = arith.constant 1200 : i32
        %get3A_916 = arith.constant 0 : i32
        %get3A_917 = tpu.memref_slice %arg7[%get3A_915, %get3A_916] : memref<1600x32xf32, #tpu.memory_space<vmem>> -> memref<400x32xf32, #tpu.memory_space<vmem>>
        %get3A_918 = arith.index_cast %add3A_914 : i32 to index
        %get3A_919 = arith.constant 0 : index
        %get3A_920 = tpu.vector_load %get3A_917[%get3A_918, %get3A_919] {strides = array<i32>} : memref<400x32xf32, #tpu.memory_space<vmem>>, vector<1x16xf32>,
        %get3A_921 = vector.shape_cast %get3A_920 : vector<1x16xf32> to vector<16xf32>
        %add3A_922 = arith.addf %add3A_842, %get3A_921 : vector<16xf32>
        %add3A_923 = arith.constant 5 : i32
        %add3A_924 = arith.addi %add3A_813, %add3A_923 : i32
        %get3A_925 = arith.constant 1200 : i32
        %get3A_926 = arith.constant 0 : i32
        %get3A_927 = tpu.memref_slice %arg7[%get3A_925, %get3A_926] : memref<1600x32xf32, #tpu.memory_space<vmem>> -> memref<400x32xf32, #tpu.memory_space<vmem>>
        %get3A_928 = arith.index_cast %add3A_924 : i32 to index
        %get3A_929 = arith.constant 16 : index
        %get3A_930 = tpu.vector_load %get3A_927[%get3A_928, %get3A_929] {strides = array<i32>} : memref<400x32xf32, #tpu.memory_space<vmem>>, vector<1x16xf32>,
        %get3A_931 = vector.shape_cast %get3A_930 : vector<1x16xf32> to vector<16xf32>
        %add3A_932 = arith.addf %add3A_852, %get3A_931 : vector<16xf32>
        %add3A_933 = arith.constant 6 : i32
        %add3A_934 = arith.addi %add3A_813, %add3A_933 : i32
        %get3A_935 = arith.constant 1200 : i32
        %get3A_936 = arith.constant 0 : i32
        %get3A_937 = tpu.memref_slice %arg7[%get3A_935, %get3A_936] : memref<1600x32xf32, #tpu.memory_space<vmem>> -> memref<400x32xf32, #tpu.memory_space<vmem>>
        %get3A_938 = arith.index_cast %add3A_934 : i32 to index
        %get3A_939 = arith.constant 0 : index
        %get3A_940 = tpu.vector_load %get3A_937[%get3A_938, %get3A_939] {strides = array<i32>} : memref<400x32xf32, #tpu.memory_space<vmem>>, vector<1x16xf32>,
        %get3A_941 = vector.shape_cast %get3A_940 : vector<1x16xf32> to vector<16xf32>
        %add3A_942 = arith.addf %add3A_862, %get3A_941 : vector<16xf32>
        %add3A_943 = arith.constant 6 : i32
        %add3A_944 = arith.addi %add3A_813, %add3A_943 : i32
        %get3A_945 = arith.constant 1200 : i32
        %get3A_946 = arith.constant 0 : i32
        %get3A_947 = tpu.memref_slice %arg7[%get3A_945, %get3A_946] : memref<1600x32xf32, #tpu.memory_space<vmem>> -> memref<400x32xf32, #tpu.memory_space<vmem>>
        %get3A_948 = arith.index_cast %add3A_944 : i32 to index
        %get3A_949 = arith.constant 16 : index
        %get3A_950 = tpu.vector_load %get3A_947[%get3A_948, %get3A_949] {strides = array<i32>} : memref<400x32xf32, #tpu.memory_space<vmem>>, vector<1x16xf32>,
        %get3A_951 = vector.shape_cast %get3A_950 : vector<1x16xf32> to vector<16xf32>
        %add3A_952 = arith.addf %add3A_872, %get3A_951 : vector<16xf32>
        %add3A_953 = arith.constant 7 : i32
        %add3A_954 = arith.addi %add3A_813, %add3A_953 : i32
        %get3A_955 = arith.constant 1200 : i32
        %get3A_956 = arith.constant 0 : i32
        %get3A_957 = tpu.memref_slice %arg7[%get3A_955, %get3A_956] : memref<1600x32xf32, #tpu.memory_space<vmem>> -> memref<400x32xf32, #tpu.memory_space<vmem>>
        %get3A_958 = arith.index_cast %add3A_954 : i32 to index
        %get3A_959 = arith.constant 0 : index
        %get3A_960 = tpu.vector_load %get3A_957[%get3A_958, %get3A_959] {strides = array<i32>} : memref<400x32xf32, #tpu.memory_space<vmem>>, vector<1x16xf32>,
        %get3A_961 = vector.shape_cast %get3A_960 : vector<1x16xf32> to vector<16xf32>
        %add3A_962 = arith.addf %add3A_882, %get3A_961 : vector<16xf32>
        %add3A_963 = arith.constant 7 : i32
        %add3A_964 = arith.addi %add3A_813, %add3A_963 : i32
        %get3A_965 = arith.constant 1200 : i32
        %get3A_966 = arith.constant 0 : i32
        %get3A_967 = tpu.memref_slice %arg7[%get3A_965, %get3A_966] : memref<1600x32xf32, #tpu.memory_space<vmem>> -> memref<400x32xf32, #tpu.memory_space<vmem>>
        %get3A_968 = arith.index_cast %add3A_964 : i32 to index
        %get3A_969 = arith.constant 16 : index
        %get3A_970 = tpu.vector_load %get3A_967[%get3A_968, %get3A_969] {strides = array<i32>} : memref<400x32xf32, #tpu.memory_space<vmem>>, vector<1x16xf32>,
        %get3A_971 = vector.shape_cast %get3A_970 : vector<1x16xf32> to vector<16xf32>
        %add3A_972 = arith.addf %add3A_892, %get3A_971 : vector<16xf32>
        scf.yield %add3A_902, %add3A_912, %add3A_922, %add3A_932, %add3A_942, %add3A_952, %add3A_962, %add3A_972 : vector<16xf32>, vector<16xf32>, vector<16xf32>, vector<16xf32>, vector<16xf32>, vector<16xf32>, vector<16xf32>, vector<16xf32>
      }
      %scan3A_780 = arith.constant 25 : i32
      %add3A_781 = arith.addf %scan3A_779#0, %scan3A_779#2 : vector<16xf32>
      %add3A_782 = arith.addf %scan3A_779#4, %scan3A_779#6 : vector<16xf32>
      %add3A_783 = arith.addf %add3A_781, %add3A_782 : vector<16xf32>
      %add3A_784 = arith.constant 1 : i32
      %add3A_785 = arith.addi %add3A_744, %add3A_784 : i32
      %swap3A_786 = arith.index_cast %add3A_785 : i32 to index
      %swap3A_787 = arith.constant 0 : index
      %swap3A_788 = tpu.vector_load %arg8[%swap3A_786, %swap3A_787] {strides = array<i32>} : memref<512x32xf32, #tpu.memory_space<vmem>>, vector<1x16xf32>,
      %swap3A_789 = vector.shape_cast %swap3A_788 : vector<1x16xf32> to vector<16xf32>
      %swap3A_790 = vector.shape_cast %add3A_783 : vector<16xf32> to vector<1x16xf32>
      tpu.vector_store %arg8[%swap3A_786, %swap3A_787], %swap3A_790 {strides = array<i32>} : memref<512x32xf32, #tpu.memory_space<vmem>>, vector<1x16xf32>,
      %add3A_791 = arith.addf %scan3A_779#1, %scan3A_779#3 : vector<16xf32>
      %add3A_792 = arith.addf %scan3A_779#5, %scan3A_779#7 : vector<16xf32>
      %add3A_793 = arith.addf %add3A_791, %add3A_792 : vector<16xf32>
      %add3A_794 = arith.constant 1 : i32
      %add3A_795 = arith.addi %add3A_744, %add3A_794 : i32
      %swap3A_796 = arith.index_cast %add3A_795 : i32 to index
      %swap3A_797 = arith.constant 16 : index
      %swap3A_798 = tpu.vector_load %arg8[%swap3A_796, %swap3A_797] {strides = array<i32>} : memref<512x32xf32, #tpu.memory_space<vmem>>, vector<1x16xf32>,
      %swap3A_799 = vector.shape_cast %swap3A_798 : vector<1x16xf32> to vector<16xf32>
      %swap3A_800 = vector.shape_cast %add3A_793 : vector<16xf32> to vector<1x16xf32>
      tpu.vector_store %arg8[%swap3A_796, %swap3A_797], %swap3A_800 {strides = array<i32>} : memref<512x32xf32, #tpu.memory_space<vmem>>, vector<1x16xf32>,
    }
    %scan3A_199 = arith.constant 32 : i32
    "tpu.region"() ({
      %run_scoped3A_200 = tpu.sem_alloc : memref<!tpu.dma_semaphore, #tpu.memory_space<semaphore_mem>>
      %dma_start3A_201 = arith.constant 0 : i32
      %dma_start3A_202 = tpu.memref_slice %arg4[%mul3A_2, %dma_start3A_201] : memref<16384x32xf32, #tpu.memory_space<hbm>> -> memref<512x32xf32, #tpu.memory_space<hbm>>
      %dma_start3A_203 = arith.constant 0 : i32
      %dma_start3A_204 = tpu.memref_slice %arg4[%mul3A_2, %dma_start3A_203] : memref<16384x32xf32, #tpu.memory_space<hbm>> -> memref<512x32xf32, #tpu.memory_space<hbm>>
      tpu.enqueue_dma source(%arg8 : memref<512x32xf32, #tpu.memory_space<vmem>>) target(%dma_start3A_204 : memref<512x32xf32, #tpu.memory_space<hbm>>) target_semaphore(%run_scoped3A_200 : memref<!tpu.dma_semaphore, #tpu.memory_space<semaphore_mem>>)
      %dma_wait3A = arith.constant 0 : i32
      %dma_wait3A_205 = tpu.memref_slice %arg4[%mul3A_2, %dma_wait3A] : memref<16384x32xf32, #tpu.memory_space<hbm>> -> memref<512x32xf32, #tpu.memory_space<hbm>>
      %dma_wait3A_206 = arith.constant 0 : i32
      %dma_wait3A_207 = tpu.memref_slice %arg4[%mul3A_2, %dma_wait3A_206] : memref<16384x32xf32, #tpu.memory_space<hbm>> -> memref<512x32xf32, #tpu.memory_space<hbm>>
      tpu.wait_dma2 semaphore(%run_scoped3A_200 : memref<!tpu.dma_semaphore, #tpu.memory_space<semaphore_mem>>) src(%arg8 : memref<512x32xf32, #tpu.memory_space<vmem>>) dst(%dma_wait3A_207 : memref<512x32xf32, #tpu.memory_space<hbm>>)
      tpu.yield
    }) : () -> ()
    return
  }
}

module attributes {stable_mosaic.version = 14 : i64} {
  func.func @_logsoftmax_body(%arg0: i32, %arg1: memref<2048x32xf32, #tpu.memory_space<vmem>>, %arg2: memref<1x32xf32, #tpu.memory_space<vmem>>, %arg3: memref<2048x32xf32, #tpu.memory_space<vmem>>) attributes {dimension_semantics = [#tpu.dimension_semantics<arbitrary>], iteration_bounds = array<i64: 8>, scalar_prefetch = 0 : i64, scratch_operands = 0 : i64, tpu.core_type = #tpu.core_type<tc>, window_params = [{transform_indices = @transform_0, window_bounds = array<i64: 2048, 32>}, {pipeline_mode = #tpu.pipeline_mode<synchronous>, transform_indices = @transform_1, window_bounds = array<i64: 1, 32>}, {transform_indices = @transform_2, window_bounds = array<i64: 2048, 32>}]} {
    %get3A = arith.constant 0 : index
    %get3A_0 = arith.constant 0 : index
    %get3A_1 = vector.load %arg1[%get3A, %get3A_0] : memref<2048x32xf32, #tpu.memory_space<vmem>>, vector<2048x32xf32>
    %get3A_2 = arith.constant 0 : index
    %get3A_3 = arith.constant 0 : index
    %get3A_4 = vector.load %arg2[%get3A_2, %get3A_3] : memref<1x32xf32, #tpu.memory_space<vmem>>, vector<1x32xf32>
    %add3A = vector.broadcast %get3A_4 : vector<1x32xf32> to vector<2048x32xf32>
    %add3A_5 = arith.addf %get3A_1, %add3A : vector<2048x32xf32>
    %reduce_max3A = arith.constant dense<0xFF800000> : vector<2048xf32>
    %reduce_max3A_6 = vector.multi_reduction <maximumf>, %add3A_5, %reduce_max3A [1] : vector<2048x32xf32> to vector<2048xf32>
    %broadcast_in_dim3A = vector.shape_cast %reduce_max3A_6 : vector<2048xf32> to vector<2048x1xf32>
    %sub3A = vector.broadcast %broadcast_in_dim3A : vector<2048x1xf32> to vector<2048x32xf32>
    %sub3A_7 = arith.subf %add3A_5, %sub3A : vector<2048x32xf32>
    %exp3A = math.exp %sub3A_7 : vector<2048x32xf32>
    %reduce_sum3A = arith.constant dense<0.000000e+00> : vector<2048xf32>
    %reduce_sum3A_8 = vector.multi_reduction <add>, %exp3A, %reduce_sum3A [1] : vector<2048x32xf32> to vector<2048xf32>
    %broadcast_in_dim3A_9 = vector.shape_cast %reduce_sum3A_8 : vector<2048xf32> to vector<2048x1xf32>
    %log3A = math.log %broadcast_in_dim3A_9 : vector<2048x1xf32>
    %sub3A_10 = vector.broadcast %broadcast_in_dim3A : vector<2048x1xf32> to vector<2048x32xf32>
    %sub3A_11 = arith.subf %add3A_5, %sub3A_10 : vector<2048x32xf32>
    %sub3A_12 = vector.broadcast %log3A : vector<2048x1xf32> to vector<2048x32xf32>
    %sub3A_13 = arith.subf %sub3A_11, %sub3A_12 : vector<2048x32xf32>
    %swap3A = arith.constant 0 : index
    %swap3A_14 = arith.constant 0 : index
    %swap3A_15 = vector.load %arg3[%swap3A, %swap3A_14] : memref<2048x32xf32, #tpu.memory_space<vmem>>, vector<2048x32xf32>
    tpu.vector_store %arg3[%swap3A, %swap3A_14], %sub3A_13 {strides = array<i32>} : memref<2048x32xf32, #tpu.memory_space<vmem>>, vector<2048x32xf32>,
    return
  }
  func.func @transform_0(%arg0: i32) -> (i32, i32) {
    %c0_i32 = arith.constant 0 : i32
    %c0_i32_0 = arith.constant 0 : i32
    return %arg0, %c0_i32 : i32, i32
  }
  func.func @transform_1(%arg0: i32) -> (i32, i32) {
    %c0_i32 = arith.constant 0 : i32
    %c0_i32_0 = arith.constant 0 : i32
    %c0_i32_1 = arith.constant 0 : i32
    return %c0_i32, %c0_i32_0 : i32, i32
  }
  func.func @transform_2(%arg0: i32) -> (i32, i32) {
    %c0_i32 = arith.constant 0 : i32
    %c0_i32_0 = arith.constant 0 : i32
    return %arg0, %c0_i32 : i32, i32
  }
}

</mosaic_0001>

<sc_bundles>
// kernel: kernel.4.cloned.1.call-start
scs
__scs_entry_jumppad:
0x0: {  	(pc) =	sbr.rel $0x88, $3  }
0x1: {  	(tag) =	ssettag $0x0;
	lr =	simm.s32 $0x1  }
0x2: {  	[smem:$0x3F9E] =	sst lr;
	_ =	strace $0xD0000000  }
0x3: {  	_ = 	snop  }
0x4: {  	_ = 	snop  }
0x5: {  	_ = 	snop  }
0x6: {  	_ = 	snop  }
0x7: {  	_ = 	snop  }
__scs_overlays_trampoline_lowered:
0x8: {  	[smem:$0x3FAD] =	sst s0  }
0x9: {  	[smem:$0x3FAE] =	sst s1  }
0xa: {  	[smem:$0x3FAF] =	sst s2  }
0xb: {  	[smem:$0x3FB0] =	sst s3  }
0xc: {  	[smem:$0x3FB1] =	sst s4  }
0xd: {  	[smem:$0x3FB2] =	sst s5  }
0xe: {  	[smem:$0x3FB3] =	sst s6  }
0xf: {  	[smem:$0x3FB4] =	sst s7  }
0x10: {  	[smem:$0x3FB5] =	sst s8  }
0x11: {  	[smem:$0x3FB6] =	sst s9;
	s0 =	simm.s32 @!p0 $0x0  }
0x12: {  	s1 =	sld [smem:$0x3F9C];
	s0 =	simm.s32 @p0 $0x1  }
0x13: {  	[smem:$0x3FB7] =	sst s0;
	s0 =	simm.s32 @!p1 $0x0  }
0x14: {  	s2 =	sld [smem:$0x3F9B];
	s0 =	simm.s32 @p1 $0x1  }
0x15: {  	[smem:$0x3FB8] =	sst s0;
	s0 =	simm.s32 @!p2 $0x0  }
0x16: {  	s3 =	sld [smem:$0x3FDB];
	s0 =	simm.s32 @p2 $0x1  }
0x17: {  	s4 =	simm.s32 $0x1BF5;
	[smem:$0x3FBA] =	sst s0  }
0x18: {  	s0 =	sld [smem:$0x3F9D];
	_ =	swait.ge [sflag:s4], $0x0  }
0x19: {  	s7 =	sld [smem:$0x3F9E]  }
0x1a: {  	s8 =	sadd.s32 $0xFFFFE003, lr  }
0x1b: {  	s9 =	sadd.s32 $0xFFFFFEF7, lr;
	s5 =	simm.s32 $0xFFFFFFFF;
	p2 =	slt.u32 s8, $0xFFFFF086  }
0x1c: {  	p1 =	slt.u32 s9, $0xF7A;
	s5 =	simm.s32 @!p2 $0x0  }
0x1d: {  	s5 =	simm.s32 @p1 $0x1;
	p0 =	seq.s32 s7, s2  }
0x1e: {  	s7 =	smul.u32 @!p0 $0xF7A, s2;
	p2 =	seq.s32 @!p0 s5, $0x0  }
0x1f: {  	s9 =	smul.u32 $0xF7A, s1;
	s8 =	simm.s32 @!p0 $0x1BF5;
	p2 =	por !p2, p0  }
0x20: {  	[sflag:s8] =	ssyncset.s32 @!p0 $0xFFFFF086;
	s6 =	sadd.s32 @!p0 s3, s7;
	s7 =	simm.s32 @!p0 $0x108  }
0x21: {  	s3 =	sadd.s32 s3, s9;
	s6 =	sadd.s32 @!p0 $0x88, s6;
	s7 =	simm.s32 @p2 $0x1082  }
0x22: {  	[simem:s7], [sflag:s8] =	dma.local @!p0 [hbm:s6], $0xF7A  }
0x23: {  	s9 =	sor.u32 $0xD0000000, s2;
	s6 =	simm.s32 $0x108;
	_ =	swait.ge @!p0 [sflag:s8], $0x0  }
0x24: {  	s3 =	sadd.s32 $0x88, s3;
	s6 =	simm.s32 @!p1 $0x1082;
	[sflag:s4] =	ssyncset.s32 $0xFFFFF086  }
0x25: {  	[simem:s6], [sflag:s4] =	dma.local [hbm:s3], $0xF7A  }
0x26: {  	[smem:$0x3F9E] =	sst s1;
	(tag) =	ssettag s2;
	_ =	strace s9  }
0x27: {  	s1 =	sld [smem:$0x3FAE]  }
0x28: {  	s2 =	sld [smem:$0x3FAF]  }
0x29: {  	s4 =	sld [smem:$0x3FB1]  }
0x2a: {  	p0 =	seq.s32 s5, $0x0;
	s5 =	sld [smem:$0x3FB2]  }
0x2b: {  	s6 =	sld [smem:$0x3FB3]  }
0x2c: {  	s7 =	sld [smem:$0x3FB4]  }
0x2d: {  	s3 =	simm.s32 $0x108;
	s8 =	sld [smem:$0x3FB5]  }
0x2e: {  	s3 =	simm.s32 @!p0 $0x1082;
	s9 =	sld [smem:$0x3FB6]  }
0x2f: {  	lr =	sadd.s32 s0, s3;
	s0 =	sld [smem:$0x3FAD]  }
0x30: {  	s3 =	sld [smem:$0x3FB0]  }
0x31: {  	[smem:$0x3FB9] =	sst s10  }
0x32: {  	s10 =	sld [smem:$0x3FB7];
	_ =	sdelay $0x3  }
0x33: {  	p0 =	seq.s32 s10, $0x1;
	s10 =	sld [smem:$0x3FB9];
	_ =	sdelay $0x3  }
0x34: {  	[smem:$0x3FB9] =	sst s10  }
0x35: {  	s10 =	sld [smem:$0x3FB8];
	_ =	sdelay $0x3  }
0x36: {  	p1 =	seq.s32 s10, $0x1;
	s10 =	sld [smem:$0x3FB9];
	_ =	sdelay $0x3  }
0x37: {  	[smem:$0x3FB9] =	sst s10  }
0x38: {  	s10 =	sld [smem:$0x3FBA]  }
0x39: {  	_ = 	snop;
	(pc) =	sbr.ind lr, $3  }
0x3a: {  	_ = 	snop  }
0x3b: {  	_ = 	snop  }
0x3c: {  	p2 =	seq.s32 s10, $0x1;
	s10 =	sld [smem:$0x3FB9]  }
0x3d: {  	_ =	shalt  }
0x3e: {  	_ =	shalt  }
0x3f: {  	_ =	shalt  }
0x40: {  	_ =	shalt  }
0x41: {  	_ =	shalt  }
0x42: {  	_ =	shalt  }
0x43: {  	_ =	shalt  }
0x44: {  	_ =	shalt  }
0x45: {  	_ =	shalt  }
0x46: {  	_ =	shalt  }
0x47: {  	_ =	shalt  }
0x48: {  	_ =	shalt  }
0x49: {  	_ =	shalt  }
0x4a: {  	_ =	shalt  }
0x4b: {  	_ =	shalt  }
0x4c: {  	_ =	shalt  }
0x4d: {  	_ =	shalt  }
0x4e: {  	_ =	shalt  }
0x4f: {  	_ =	shalt  }
0x50: {  	_ =	shalt  }
0x51: {  	_ =	shalt  }
0x52: {  	_ =	shalt  }
0x53: {  	_ =	shalt  }
0x54: {  	_ =	shalt  }
0x55: {  	_ =	shalt  }
0x56: {  	_ =	shalt  }
0x57: {  	_ =	shalt  }
0x58: {  	_ =	shalt  }
0x59: {  	_ =	shalt  }
0x5a: {  	_ =	shalt  }
0x5b: {  	_ =	shalt  }
0x5c: {  	_ =	shalt  }
0x5d: {  	_ =	shalt  }
0x5e: {  	_ =	shalt  }
0x5f: {  	_ =	shalt  }
0x60: {  	_ =	shalt  }
0x61: {  	_ =	shalt  }
0x62: {  	_ =	shalt  }
0x63: {  	_ =	shalt  }
0x64: {  	_ =	shalt  }
0x65: {  	_ =	shalt  }
0x66: {  	_ =	shalt  }
0x67: {  	_ =	shalt  }
0x68: {  	_ =	shalt  }
0x69: {  	_ =	shalt  }
0x6a: {  	_ =	shalt  }
0x6b: {  	_ =	shalt  }
0x6c: {  	_ =	shalt  }
0x6d: {  	_ =	shalt  }
0x6e: {  	_ =	shalt  }
0x6f: {  	_ =	shalt  }
0x70: {  	_ =	shalt  }
0x71: {  	_ =	shalt  }
0x72: {  	_ =	shalt  }
0x73: {  	_ =	shalt  }
0x74: {  	_ =	shalt  }
0x75: {  	_ =	shalt  }
0x76: {  	_ =	shalt  }
0x77: {  	_ =	shalt  }
0x78: {  	_ =	shalt  }
0x79: {  	_ =	shalt  }
0x7a: {  	_ =	shalt  }
0x7b: {  	_ =	shalt  }
0x7c: {  	_ =	shalt  }
0x7d: {  	_ =	shalt  }
0x7e: {  	_ =	shalt  }
0x7f: {  	_ =	shalt  }
0x80: {  	_ =	shalt  }
0x81: {  	_ =	shalt  }
0x82: {  	_ =	shalt  }
0x83: {  	_ =	shalt  }
0x84: {  	_ =	shalt  }
0x85: {  	_ =	shalt  }
0x86: {  	_ =	shalt  }
0x87: {  	_ =	shalt  }
.Lfunc_end0:
.L_simem_size_0:
called_computation_lowered:
.L_overlay_start_0:
0x88: {  	s2 =	sld [smem:$0x3FD9]  }
0x89: {  	s3 =	sld [smem:$0x3FFE];
	_ =	sdelay $0x1  }
0x8a: {  	s1 =	srdreg.scid  }
0x8b: {  	s0 =	sand.u32 $0x1, s1  }
0x8c: {  	s17 =	sshll.u32 s0, $0xA;
	s2 =	sadd.s32 s3, s2  }
0x8d: {  	s2 =	sadd.s32 s2, s17  }
0x8e: {  	[smem:$0x3FC5] =	sst s2  }
0x8f: {  	_ = 	snop  }
0x90: {  	s2 =	sld [smem:$0x3FD0];
	(tm) =	ssettm $0x1  }
0x91: {  	s18 =	sld [smem:$0x3FFB];
	_ =	sdelay $0x3  }
0x92: {  	_ =	strace s18  }
0x93: {  	s3 =	sld [smem:$0x3FFC];
	_ =	sdelay $0x3  }
0x94: {  	_ =	strace s3  }
0x95: {  	s3 =	sld [smem:$0x3FFD];
	_ =	sdelay $0x3  }
0x96: {  	_ =	strace s3  }
0x97: {  	_ =	strace $0x8FFFFFFF  }
0x98: {  	s19 =	sld [smem:$0x3FDB];
	_ =	sdelay $0x1  }
0x99: {  	s4 =	simm.s32 $_scs_section_size  }
0x9a: {  	s5 =	simm.s32 $_size__tile_overlayer_lowered;
	s6 =	simm.s32 $_tile_overlayer_lowered  }
0x9b: {  	s22 =	simm.s32 $0x1BFF;
	s21 =	sshll.u32 s6, $0x1;
	s3 =	sadd.s32 s4, s19  }
0x9c: {  	s7 =	simm.s32 $0x0;
	s20 =	sshll.u32 s5, $0x1;
	s5 =	sadd.s32 s21, s3  }
0x9d: {  	[timem:s7], [sflag:s22] =	dma.local [hbm:s5], s20  }
0x9e: {  	_ =	swait.ge [sflag:s22], s20  }
0x9f: {  	s4 =	ssub.s32 $0x0, s20;
	[sflag:s22] =	ssyncset.done $0x0  }
0xa0: {  	[sflag:s22] =	ssyncadd.s32 s4;
	_ =	sdelay $0x1  }
0xa1: {  	s23 =	simm.s32 $0x1B8B  }
0xa2: {  	_ =	swait.ge [sflag:s23], $0x1  }
0xa3: {  	[sflag:s23] =	ssyncset.done $0x0  }
0xa4: {  	s25 =	simm.s32 $0x1B8E;
	s24 =	sld [smem:$0x3FFE];
	[sflag:s23] =	ssyncadd.s32 $0xFFFFFFFF  }
0xa5: {  	s26 =	simm.s32 $execute0_lowered;
	[smem:$0x3FD2] =	sst s25  }
0xa6: {  	s5 =	sshll.u32 s26, $0x1;
	_ =	strace $0x80000046;
	[dreg:$0x1] =	wrdreg $0xFFFFFFFF  }
0xa7: {  	s28 =	simm.s32 $_size_execute0_lowered;
	s3 =	sadd.s32 s3, s5;
	[dreg:$0x0] =	wrdreg $0x0  }
0xa8: {  	s5 =	sshll.u32 s28, $0x1;
	[dreg:$0x2] =	wrdreg s3  }
0xa9: {  	[dreg:$0x3] =	wrdreg s5  }
0xaa: {  	[dreg:$0x4] =	wrdreg $0xC0  }
0xab: {  	_ =	task [dreg:s7], $0x5FFFF  }
0xac: {  	[dreg:$0x1] =	wrdreg $0xFFFFFFFF  }
0xad: {  	[dreg:$0x0] =	wrdreg $0x60  }
0xae: {  	[dreg:$0x2] =	wrdreg s24  }
0xaf: {  	[dreg:$0x3] =	wrdreg s2  }
0xb0: {  	[dreg:$0x4] =	wrdreg $0x9  }
0xb1: {  	_ =	task.clear_ibuf [dreg:s7], $0x5FFFF;
	_ =	strace $0x90000046  }
0xb2: {  	s29 =	simm.s32 $0x9;
	_ =	strace $0x80000048  }
0xb3: {  	_ =	swait.ge [sflag:s29], $0x1  }
0xb4: {  	[sflag:s29] =	ssyncadd.s32 $0xFFFFFFFF  }
0xb5: {  	_ =	strace $0x90000048  }
0xb6: {  	_ =	sfence  }
0xb7: {  	s30 =	sld [smem:$0x0];
	_ =	sdelay $0x2  }
0xb8: {  	s31 =	sshll.u32 s1, $0xD;
	s1 =	sshrl.u32 s1, $0x2  }
0xb9: {  	s3 =	sand.u32 $0x4000, s31;
	s1 =	sadd.s32 s1, s30  }
0xba: {  	s0 =	sor.u32 s3, s0;
	s1 =	sshll.u32 s1, $0x11  }
0xbb: {  	s0 =	sor.u32 s1, s0  }
0xbc: {  	s0 =	sadd.s32 $0x8F2B, s0  }
0xbd: {  	[sflag:s0] =	ssyncadd.remote.s32 $0x1  }
0xbe: {  	_ =	sfence.sel $0xFFFF  }
0xbf: {  	[dreg:$0x0] =	wrdreg $0xFFFFFFFF;
	(pc) =	sbr.abs _section_cstart, $3  }
0xc0: {  	[dreg:$0x1] =	wrdreg $0xFFFFFFFF  }
0xc1: {  	_ =	task.clear_ibuf [dreg:s7], $0x2FFFF;
	_ =	strace $0x9FFFFFFF  }
0xc2: {  	(tm) =	ssettm $0x7FFFFFFF  }
0xc3: {  	_ =	shalt  }
tec
execute0_lowered:
.L_overlay_start_1:
0x0: {  	(tag) =	ssettag $0x1  }
0x1: {  	s0 =	srdreg.scid;
	s1 =	rddreg [dreg:$0x0]  }
0x2: {  	s2 =	stileid.u32;
	s4 =	rddreg [dreg:$0x1];
	s18 =	simm.s32 $0x0  }
0x3: {  	s20 =	simm.s32 $0x5;
	s12 =	simm.s32 $0x68;
	s14 =	simm.s32 $0x60  }
0x4: {  	s9 =	simm.s32 $0x14580;
	s10 =	simm.s32 $0xA28;
	s11 =	simm.s32 $0x15E80  }
0x5: {  	s28 =	simm.s32 $0xAF0;
	s29 =	simm.s32 $0x16A80;
	s30 =	simm.s32 $0xB58  }
0x6: {  	s31 =	simm.s32 $0x17780;
	s13 =	simm.s32 $0xC20;
	s15 =	simm.s32 $0x19080  }
0x7: {  	s16 =	simm.s32 $0x1;
	s17 =	simm.s32 $0x2;
	s21 =	simm.s32 $0x0  }
0x8: {  	s0 =	sand.u32 $0x1, s0;
	s2 =	sshll.u32 s2, $0xA;
	[smem:$0x7FF] =	sst s18  }
0x9: {  	s3 =	sshll.u32 s0, $0x9;
	s0 =	ssub.s32 $0x2, s0;
	_ =	strace $0x80000047  }
0xa: {  	s2 =	sor.u32 s3, s2;
	s3 =	sadd.s32 $0x800, s1;
	s6 =	sshrl.u32 s0, $0x1  }
0xb: {  	s5 =	smul.u32 $0x19, s2;
	s0 =	ssub.s32 s0, s6;
	s8 =	sor.u32 $0x18, s2  }
0xc: {  	s26 =	sshll.u32 s2, $0x2;
	s6 =	simm.s32 $0x9C8;
	s0 =	smax.u32 s0, $0x1  }
0xd: {  	s7 =	sadd.s32 s3, s5;
	s5 =	sadd.s32 $0xF42C00, s1;
	s1 =	sadd.s32 s4, s26  }
0xe: {  	[dreg:$0x6] =	wrdreg s0;
	s26 =	simm.s32 $0x4;
	s4 =	simm.s32 $0x15180  }
0xf: {  	s0 =	simm.s32 $0x18380;
	[dreg:$0x3] =	wrdreg s7;
	s25 =	sadd.s32 $0xC8, s7  }
0x10: {  	s7 =	sor.u32 $0x10, s2;
	[dreg:$0x5] =	wrdreg s1;
	s2 =	simm.s32 $0xA90  }
0x11: {  	s1 =	simm.s32 $0xBB8;
	[dreg:$0x4] =	wrdreg s25;
	s25 =	simm.s32 $0x640  }
.LBB2_1:
0x12: {  	[dreg:$0x7] =	wrdreg s21  }
0x13: {  	s19 =	rddreg [dreg:$0x3]  }
0x14: {  	[tilespmem:s18], [sflag:$0x5] =	stream.linear.gather [hbm4b:s19+s18], $0x640, $0x38;
	[tilespmem:$0x1DC80] =	vst v63  }
0x15: {  	_ =	swait.ge [sflag:s20], $0x640  }
0x16: {  	[sflag:s20] =	ssyncset.done $0x0  }
0x17: {  	s24 =	simm.s32 $0xC80;
	[sflag:s20] =	ssyncadd.s32 $0xFFFFF9C0  }
0x18: {  	[tilespmem:s24], [sflag:$0x1] =	stream.indirect.gather [hbm4b:s5+s12], $0x20, s18, s12, $0xb8;
	[tilespmem:$0x1DC80] =	vst v63  }
0x19: {  	s20 =	simm.s32 $0x1980  }
0x1a: {  	[tilespmem:s20], [sflag:$0x1] =	stream.indirect.gather [hbm4b:s5+s14], $0x20, s12, s14, $0xb8;
	[tilespmem:$0x1DC80] =	vst v63  }
0x1b: {  	s21 =	simm.s32 $0xC8;
	s22 =	simm.s32 $0x2580  }
0x1c: {  	[tilespmem:s22], [sflag:$0x1] =	stream.indirect.gather [hbm4b:s5+s12], $0x20, s21, s12, $0xb8;
	[tilespmem:$0x1DC80] =	vst v63  }
0x1d: {  	s23 =	simm.s32 $0x130;
	s24 =	simm.s32 $0x3280  }
0x1e: {  	[tilespmem:s24], [sflag:$0x1] =	stream.indirect.gather [hbm4b:s5+s14], $0x20, s23, s14, $0xb8;
	[tilespmem:$0x1DC80] =	vst v63  }
0x1f: {  	s21 =	simm.s32 $0x190;
	s22 =	simm.s32 $0x3E80  }
0x20: {  	[tilespmem:s22], [sflag:$0x1] =	stream.indirect.gather [hbm4b:s5+s12], $0x20, s21, s12, $0xb8;
	[tilespmem:$0x1DC80] =	vst v63  }
0x21: {  	s23 =	simm.s32 $0x1F8;
	s24 =	simm.s32 $0x4B80  }
0x22: {  	[tilespmem:s24], [sflag:$0x1] =	stream.indirect.gather [hbm4b:s5+s14], $0x20, s23, s14, $0xb8;
	[tilespmem:$0x1DC80] =	vst v63  }
0x23: {  	s21 =	simm.s32 $0x258;
	s22 =	simm.s32 $0x5780  }
0x24: {  	[tilespmem:s22], [sflag:$0x1] =	stream.indirect.gather [hbm4b:s5+s12], $0x20, s21, s12, $0xb8;
	[tilespmem:$0x1DC80] =	vst v63  }
0x25: {  	s23 =	simm.s32 $0x2C0;
	s24 =	simm.s32 $0x6480  }
0x26: {  	[tilespmem:s24], [sflag:$0x1] =	stream.indirect.gather [hbm4b:s5+s14], $0x20, s23, s14, $0xb8;
	[tilespmem:$0x1DC80] =	vst v63  }
0x27: {  	s21 =	simm.s32 $0x320;
	s22 =	simm.s32 $0x7080  }
0x28: {  	[tilespmem:s22], [sflag:$0x1] =	stream.indirect.gather [hbm4b:s5+s12], $0x20, s21, s12, $0xb8;
	[tilespmem:$0x1DC80] =	vst v63  }
0x29: {  	s23 =	simm.s32 $0x388;
	s24 =	simm.s32 $0x7D80  }
0x2a: {  	[tilespmem:s24], [sflag:$0x1] =	stream.indirect.gather [hbm4b:s5+s14], $0x20, s23, s14, $0xb8;
	[tilespmem:$0x1DC80] =	vst v63  }
0x2b: {  	s21 =	simm.s32 $0x3E8;
	s22 =	simm.s32 $0x8980  }
0x2c: {  	[tilespmem:s22], [sflag:$0x1] =	stream.indirect.gather [hbm4b:s5+s12], $0x20, s21, s12, $0xb8;
	[tilespmem:$0x1DC80] =	vst v63  }
0x2d: {  	s23 =	simm.s32 $0x450;
	s24 =	simm.s32 $0x9680  }
0x2e: {  	[tilespmem:s24], [sflag:$0x1] =	stream.indirect.gather [hbm4b:s5+s14], $0x20, s23, s14, $0xb8;
	[tilespmem:$0x1DC80] =	vst v63  }
0x2f: {  	s21 =	simm.s32 $0x4B0;
	s22 =	simm.s32 $0xA280  }
0x30: {  	[tilespmem:s22], [sflag:$0x1] =	stream.indirect.gather [hbm4b:s5+s12], $0x20, s21, s12, $0xb8;
	[tilespmem:$0x1DC80] =	vst v63  }
0x31: {  	s23 =	simm.s32 $0x518;
	s24 =	simm.s32 $0xAF80  }
0x32: {  	[tilespmem:s24], [sflag:$0x1] =	stream.indirect.gather [hbm4b:s5+s14], $0x20, s23, s14, $0xb8;
	[tilespmem:$0x1DC80] =	vst v63  }
0x33: {  	s20 =	simm.s32 $0x578;
	s21 =	simm.s32 $0xBB80  }
0x34: {  	[tilespmem:s21], [sflag:$0x1] =	stream.indirect.gather [hbm4b:s5+s12], $0x20, s20, s12, $0xb8;
	[tilespmem:$0x1DC80] =	vst v63  }
0x35: {  	s22 =	simm.s32 $0x5E0;
	s23 =	simm.s32 $0xC880  }
0x36: {  	[tilespmem:s23], [sflag:$0x1] =	stream.indirect.gather [hbm4b:s5+s14], $0x20, s22, s14, $0xb8;
	[tilespmem:$0x1DC80] =	vst v63  }
0x37: {  	s24 =	rddreg [dreg:$0x4]  }
0x38: {  	[tilespmem:s25], [sflag:$0x4] =	stream.linear.gather [hbm4b:s24+s18], $0x640, $0x38;
	[tilespmem:$0x1DC80] =	vst v63  }
0x39: {  	s18 =	simm.s32 $0x0  }
.LBB2_2:
0x3a: {  	_ =	swait.ge [sflag:s26], $0x640  }
0x3b: {  	[sflag:s26] =	ssyncset.done $0x0  }
0x3c: {  	s19 =	simm.s32 $0xD480;
	[sflag:s26] =	ssyncadd.s32 $0xFFFFF9C0  }
0x3d: {  	[tilespmem:s19], [sflag:$0x2] =	stream.indirect.gather [hbm4b:s5+s12], $0x20, s25, s12, $0xb8;
	[tilespmem:$0x1DC80] =	vst v63  }
0x3e: {  	s22 =	simm.s32 $0x6A8;
	s20 =	simm.s32 $0xE180  }
0x3f: {  	[tilespmem:s20], [sflag:$0x2] =	stream.indirect.gather [hbm4b:s5+s14], $0x20, s22, s14, $0xb8;
	[tilespmem:$0x1DC80] =	vst v63  }
0x40: {  	s23 =	simm.s32 $0x708;
	s24 =	simm.s32 $0xED80  }
0x41: {  	[tilespmem:s24], [sflag:$0x2] =	stream.indirect.gather [hbm4b:s5+s12], $0x20, s23, s12, $0xb8;
	[tilespmem:$0x1DC80] =	vst v63  }
0x42: {  	s21 =	simm.s32 $0x770;
	s22 =	simm.s32 $0xFA80  }
0x43: {  	[tilespmem:s22], [sflag:$0x2] =	stream.indirect.gather [hbm4b:s5+s14], $0x20, s21, s14, $0xb8;
	[tilespmem:$0x1DC80] =	vst v63  }
0x44: {  	s23 =	simm.s32 $0x7D0;
	s24 =	simm.s32 $0x10680  }
0x45: {  	[tilespmem:s24], [sflag:$0x2] =	stream.indirect.gather [hbm4b:s5+s12], $0x20, s23, s12, $0xb8;
	[tilespmem:$0x1DC80] =	vst v63  }
0x46: {  	s21 =	simm.s32 $0x838;
	s22 =	simm.s32 $0x11380  }
0x47: {  	[tilespmem:s22], [sflag:$0x2] =	stream.indirect.gather [hbm4b:s5+s14], $0x20, s21, s14, $0xb8;
	[tilespmem:$0x1DC80] =	vst v63  }
0x48: {  	s23 =	simm.s32 $0x898;
	s24 =	simm.s32 $0x11F80  }
0x49: {  	[tilespmem:s24], [sflag:$0x2] =	stream.indirect.gather [hbm4b:s5+s12], $0x20, s23, s12, $0xb8;
	[tilespmem:$0x1DC80] =	vst v63  }
0x4a: {  	s21 =	simm.s32 $0x900;
	s22 =	simm.s32 $0x12C80  }
0x4b: {  	[tilespmem:s22], [sflag:$0x2] =	stream.indirect.gather [hbm4b:s5+s14], $0x20, s21, s14, $0xb8;
	[tilespmem:$0x1DC80] =	vst v63  }
0x4c: {  	s23 =	simm.s32 $0x960;
	s24 =	simm.s32 $0x13880  }
0x4d: {  	[tilespmem:s24], [sflag:$0x2] =	stream.indirect.gather [hbm4b:s5+s12], $0x20, s23, s12, $0xb8;
	[tilespmem:$0x1DC80] =	vst v63  }
0x4e: {  	_ = 	snop  }
0x4f: {  	[tilespmem:s9], [sflag:$0x2] =	stream.indirect.gather [hbm4b:s5+s14], $0x20, s6, s14, $0xb8;
	[tilespmem:$0x1DC80] =	vst v63  }
0x50: {  	_ = 	snop  }
0x51: {  	[tilespmem:s4], [sflag:$0x2] =	stream.indirect.gather [hbm4b:s5+s12], $0x20, s10, s12, $0xb8;
	[tilespmem:$0x1DC80] =	vst v63  }
0x52: {  	_ = 	snop  }
0x53: {  	[tilespmem:s11], [sflag:$0x2] =	stream.indirect.gather [hbm4b:s5+s14], $0x20, s2, s14, $0xb8;
	[tilespmem:$0x1DC80] =	vst v63  }
0x54: {  	_ = 	snop  }
0x55: {  	[tilespmem:s29], [sflag:$0x2] =	stream.indirect.gather [hbm4b:s5+s12], $0x20, s28, s12, $0xb8;
	[tilespmem:$0x1DC80] =	vst v63  }
0x56: {  	p0 =	seq.s32 s18, $0x1F  }
0x57: {  	[tilespmem:s31], [sflag:$0x2] =	stream.indirect.gather [hbm4b:s5+s14], $0x20, s30, s14, $0xb8;
	[tilespmem:$0x1DC80] =	vst v63  }
0x58: {  	s19 =	sshll.u32 @!p0 s18, $0x4  }
0x59: {  	[tilespmem:s0], [sflag:$0x2] =	stream.indirect.gather [hbm4b:s5+s12], $0x20, s1, s12, $0xb8;
	[tilespmem:$0x1DC80] =	vst v63  }
0x5a: {  	s19 =	sadd.s32 @!p0 s19, s7  }
0x5b: {  	[tilespmem:s15], [sflag:$0x2] =	stream.indirect.gather [hbm4b:s5+s14], $0x20, s13, s14, $0xb8;
	[tilespmem:$0x1DC80] =	vst v63  }
0x5c: {  	s19 =	smul.u32 @!p0 $0x19, s19;
	_ =	swait.ge [sflag:s16], $0x3200  }
0x5d: {  	[sflag:s16] =	ssyncset.done $0x0  }
0x5e: {  	s20 =	simm.s32 @!p0 $0x0;
	s19 =	sadd.s32 @!p0 s3, s19;
	[sflag:s16] =	ssyncadd.s32 $0xFFFFCE00  }
0x5f: {  	[tilespmem:s20], [sflag:$0x3] =	stream.linear.gather @!p0 [hbm4b:s19+s20], $0x640, $0x38;
	[tilespmem:$0x1DC80] =	vst v63  }
0x60: {  	s19 =	simm.s32 $0x0  }
0x61: {  	v2 =	vld [tilespmem:s19+$0xD00]  }
0x62: {  	v4 =	vld [tilespmem:s19+$0xD10]  }
0x63: {  	v3 =	vld [tilespmem:s19+$0xD20]  }
0x64: {  	v5 =	vld [tilespmem:s19+$0xD30]  }
0x65: {  	v0 =	vld [tilespmem:s19+$0xD40]  }
0x66: {  	v1 =	vld [tilespmem:s19+$0xD50]  }
0x67: {  	v18 =	vld [tilespmem:s19+$0xC80]  }
0x68: {  	v20 =	vld [tilespmem:s19+$0xC90]  }
0x69: {  	v17 =	vld [tilespmem:s19+$0xCA0]  }
0x6a: {  	v19 =	vld [tilespmem:s19+$0xCB0]  }
0x6b: {  	v10 =	vimm.f32 $0.0e+00;
	v11 =	vimm.f32 $0.0e+00;
	v14 =	vld [tilespmem:s19+$0xCC0]  }
0x6c: {  	v12 =	vimm.f32 $0.0e+00;
	v13 =	vimm.f32 $0.0e+00;
	v6 =	vimm.f32 $0.0e+00;
	v15 =	vld [tilespmem:s19+$0xCD0]  }
0x6d: {  	v7 =	vimm.f32 $0.0e+00;
	v9 =	vimm.f32 $0.0e+00;
	v8 =	vimm.f32 $0.0e+00;
	s20 =	simm.s32 $0x400;
	v16 =	vld [tilespmem:s19+$0xCE0]  }
.LBB2_3:
0x6e: {  	p0 =	sne.s32 s20, $0x6000;
	v10 =	vadd.f32 v18, v10;
	v11 =	vadd.f32 v20, v11;
	v18 =	vld [tilespmem:s19+$0xCF0]  }
0x6f: {  	v12 =	vadd.f32 v17, v12;
	v13 =	vadd.f32 v19, v13;
	v17 =	vld [tilespmem:s19+$0xD60]  }
0x70: {  	v10 =	vadd.f32 v2, v10;
	v11 =	vadd.f32 v4, v11;
	v19 =	vld [tilespmem:s19+$0xD70];
	s19 =	sshra.s32 s20, $0x2  }
0x71: {  	v12 =	vadd.f32 v3, v12;
	v2 =	vld [tilespmem:s19+$0xD00];
	v13 =	vadd.f32 v5, v13  }
0x72: {  	v6 =	vadd.f32 v14, v6;
	v7 =	vadd.f32 v15, v7;
	v4 =	vld [tilespmem:s19+$0xD10]  }
0x73: {  	v9 =	vadd.f32 v16, v9;
	v3 =	vld [tilespmem:s19+$0xD20];
	v8 =	vadd.f32 v18, v8  }
0x74: {  	v6 =	vadd.f32 v0, v6;
	v7 =	vadd.f32 v1, v7;
	v5 =	vld [tilespmem:s19+$0xD30]  }
0x75: {  	v9 =	vadd.f32 v17, v9;
	v0 =	vld [tilespmem:s19+$0xD40];
	v8 =	vadd.f32 v19, v8  }
0x76: {  	v1 =	vld [tilespmem:s19+$0xD50]  }
0x77: {  	v18 =	vld [tilespmem:s19+$0xC80]  }
0x78: {  	v20 =	vld [tilespmem:s19+$0xC90]  }
.Ltmp0:
0x79: {  	v17 =	vld [tilespmem:s19+$0xCA0];
	(pc) =	sbr.rel @p0 .LBB2_3-.Ltmp0, $4  }
0x7a: {  	v19 =	vld [tilespmem:s19+$0xCB0]  }
0x7b: {  	v14 =	vld [tilespmem:s19+$0xCC0]  }
0x7c: {  	v15 =	vld [tilespmem:s19+$0xCD0]  }
0x7d: {  	s20 =	sadd.s32 $0x400, s20;
	v16 =	vld [tilespmem:s19+$0xCE0]  }
0x7e: {  	v10 =	vadd.f32 v18, v10;
	v11 =	vadd.f32 v20, v11;
	v18 =	vld [tilespmem:s19+$0xCF0]  }
0x7f: {  	v12 =	vadd.f32 v17, v12;
	v17 =	vld [tilespmem:s19+$0xD60];
	v13 =	vadd.f32 v19, v13  }
0x80: {  	v2 =	vadd.f32 v2, v10;
	v4 =	vadd.f32 v4, v11;
	v10 =	vld [tilespmem:s19+$0xD70]  }
0x81: {  	v3 =	vadd.f32 v3, v12;
	v6 =	vadd.f32 v14, v6  }
0x82: {  	v5 =	vadd.f32 v5, v13;
	v9 =	vadd.f32 v16, v9  }
0x83: {  	v7 =	vadd.f32 v15, v7;
	v8 =	vadd.f32 v18, v8  }
0x84: {  	v0 =	vadd.f32 v0, v6;
	v6 =	vadd.f32 v17, v9  }
0x85: {  	v1 =	vadd.f32 v1, v7;
	v7 =	vadd.f32 v10, v8  }
0x86: {  	v2 =	vadd.f32 v3, v2;
	v0 =	vadd.f32 v6, v0  }
0x87: {  	v3 =	vadd.f32 v5, v4;
	v1 =	vadd.f32 v7, v1  }
0x88: {  	s24 =	sshll.u32 s18, $0x9;
	v0 =	vadd.f32 v0, v2  }
0x89: {  	s19 =	sand.u32 $0x3FFFFE00, s24;
	v1 =	vadd.f32 v1, v3  }
0x8a: {  	[tilespmem:s19+$0x19C80] =	vst v0  }
0x8b: {  	s20 =	simm.s32 $0x0;
	[tilespmem:s19+$0x19C90] =	vst v1  }
0x8c: {  	v2 =	vld [tilespmem:s20+$0x2600]  }
0x8d: {  	v4 =	vld [tilespmem:s20+$0x2610]  }
0x8e: {  	v3 =	vld [tilespmem:s20+$0x2620]  }
0x8f: {  	v5 =	vld [tilespmem:s20+$0x2630]  }
0x90: {  	v0 =	vld [tilespmem:s20+$0x2640]  }
0x91: {  	v1 =	vld [tilespmem:s20+$0x2650]  }
0x92: {  	v18 =	vld [tilespmem:s20+$0x2580]  }
0x93: {  	v20 =	vld [tilespmem:s20+$0x2590]  }
0x94: {  	v17 =	vld [tilespmem:s20+$0x25A0]  }
0x95: {  	v19 =	vld [tilespmem:s20+$0x25B0]  }
0x96: {  	v11 =	vimm.f32 $0.0e+00;
	v12 =	vimm.f32 $0.0e+00;
	v14 =	vld [tilespmem:s20+$0x25C0]  }
0x97: {  	v13 =	vimm.f32 $0.0e+00;
	v9 =	vimm.f32 $0.0e+00;
	v10 =	vimm.f32 $0.0e+00;
	v15 =	vld [tilespmem:s20+$0x25D0]  }
0x98: {  	s21 =	simm.s32 $0x400;
	v8 =	vimm.f32 $0.0e+00;
	v6 =	vimm.f32 $0.0e+00;
	v7 =	vimm.f32 $0.0e+00;
	v16 =	vld [tilespmem:s20+$0x25E0]  }
.LBB2_5:
0x99: {  	p0 =	sne.s32 s21, $0x6000;
	v10 =	vadd.f32 v18, v10;
	v11 =	vadd.f32 v20, v11;
	v18 =	vld [tilespmem:s20+$0x25F0]  }
0x9a: {  	v12 =	vadd.f32 v17, v12;
	v13 =	vadd.f32 v19, v13;
	v17 =	vld [tilespmem:s20+$0x2660]  }
0x9b: {  	v10 =	vadd.f32 v2, v10;
	v11 =	vadd.f32 v4, v11;
	v19 =	vld [tilespmem:s20+$0x2670];
	s20 =	sshra.s32 s21, $0x2  }
0x9c: {  	v12 =	vadd.f32 v3, v12;
	v2 =	vld [tilespmem:s20+$0x2600];
	v13 =	vadd.f32 v5, v13  }
0x9d: {  	v6 =	vadd.f32 v14, v6;
	v7 =	vadd.f32 v15, v7;
	v4 =	vld [tilespmem:s20+$0x2610]  }
0x9e: {  	v9 =	vadd.f32 v16, v9;
	v3 =	vld [tilespmem:s20+$0x2620];
	v8 =	vadd.f32 v18, v8  }
0x9f: {  	v6 =	vadd.f32 v0, v6;
	v7 =	vadd.f32 v1, v7;
	v5 =	vld [tilespmem:s20+$0x2630]  }
0xa0: {  	v9 =	vadd.f32 v17, v9;
	v0 =	vld [tilespmem:s20+$0x2640];
	v8 =	vadd.f32 v19, v8  }
0xa1: {  	v1 =	vld [tilespmem:s20+$0x2650]  }
0xa2: {  	v18 =	vld [tilespmem:s20+$0x2580]  }
0xa3: {  	v20 =	vld [tilespmem:s20+$0x2590]  }
.Ltmp1:
0xa4: {  	v17 =	vld [tilespmem:s20+$0x25A0];
	(pc) =	sbr.rel @p0 .LBB2_5-.Ltmp1, $4  }
0xa5: {  	v19 =	vld [tilespmem:s20+$0x25B0]  }
0xa6: {  	v14 =	vld [tilespmem:s20+$0x25C0]  }
0xa7: {  	v15 =	vld [tilespmem:s20+$0x25D0]  }
0xa8: {  	s21 =	sadd.s32 $0x400, s21;
	v16 =	vld [tilespmem:s20+$0x25E0]  }
0xa9: {  	v10 =	vadd.f32 v18, v10;
	v11 =	vadd.f32 v20, v11;
	v18 =	vld [tilespmem:s20+$0x25F0]  }
0xaa: {  	v12 =	vadd.f32 v17, v12;
	v17 =	vld [tilespmem:s20+$0x2660];
	v13 =	vadd.f32 v19, v13  }
0xab: {  	v2 =	vadd.f32 v2, v10;
	v4 =	vadd.f32 v4, v11;
	v10 =	vld [tilespmem:s20+$0x2670]  }
0xac: {  	v3 =	vadd.f32 v3, v12;
	v6 =	vadd.f32 v14, v6  }
0xad: {  	v5 =	vadd.f32 v5, v13;
	v9 =	vadd.f32 v16, v9  }
0xae: {  	v7 =	vadd.f32 v15, v7;
	v8 =	vadd.f32 v18, v8  }
0xaf: {  	v0 =	vadd.f32 v0, v6;
	v6 =	vadd.f32 v17, v9  }
0xb0: {  	v1 =	vadd.f32 v1, v7;
	v7 =	vadd.f32 v10, v8  }
0xb1: {  	v2 =	vadd.f32 v3, v2;
	v0 =	vadd.f32 v6, v0  }
0xb2: {  	v3 =	vadd.f32 v5, v4;
	v1 =	vadd.f32 v7, v1  }
0xb3: {  	v0 =	vadd.f32 v0, v2  }
0xb4: {  	v1 =	vadd.f32 v1, v3  }
0xb5: {  	[tilespmem:s19+$0x19CA0] =	vst v0  }
0xb6: {  	[tilespmem:s19+$0x19CB0] =	vst v1  }
0xb7: {  	_ =	swait.ge [sflag:s16], $0x3200  }
0xb8: {  	[sflag:s16] =	ssyncset.done $0x0  }
0xb9: {  	s20 =	simm.s32 $0x0;
	[sflag:s16] =	ssyncadd.s32 $0xFFFFCE00  }
0xba: {  	v2 =	vld [tilespmem:s20+$0x3F00]  }
0xbb: {  	v4 =	vld [tilespmem:s20+$0x3F10]  }
0xbc: {  	v3 =	vld [tilespmem:s20+$0x3F20]  }
0xbd: {  	v5 =	vld [tilespmem:s20+$0x3F30]  }
0xbe: {  	v0 =	vld [tilespmem:s20+$0x3F40]  }
0xbf: {  	v1 =	vld [tilespmem:s20+$0x3F50]  }
0xc0: {  	v18 =	vld [tilespmem:s20+$0x3E80]  }
0xc1: {  	v20 =	vld [tilespmem:s20+$0x3E90]  }
0xc2: {  	v17 =	vld [tilespmem:s20+$0x3EA0]  }
0xc3: {  	v19 =	vld [tilespmem:s20+$0x3EB0]  }
0xc4: {  	v11 =	vimm.f32 $0.0e+00;
	v12 =	vimm.f32 $0.0e+00;
	v14 =	vld [tilespmem:s20+$0x3EC0]  }
0xc5: {  	v13 =	vimm.f32 $0.0e+00;
	v9 =	vimm.f32 $0.0e+00;
	v10 =	vimm.f32 $0.0e+00;
	v15 =	vld [tilespmem:s20+$0x3ED0]  }
0xc6: {  	s21 =	simm.s32 $0x400;
	v8 =	vimm.f32 $0.0e+00;
	v6 =	vimm.f32 $0.0e+00;
	v7 =	vimm.f32 $0.0e+00;
	v16 =	vld [tilespmem:s20+$0x3EE0]  }
.LBB2_7:
0xc7: {  	p0 =	sne.s32 s21, $0x6000;
	v10 =	vadd.f32 v18, v10;
	v11 =	vadd.f32 v20, v11;
	v18 =	vld [tilespmem:s20+$0x3EF0]  }
0xc8: {  	v12 =	vadd.f32 v17, v12;
	v13 =	vadd.f32 v19, v13;
	v17 =	vld [tilespmem:s20+$0x3F60]  }
0xc9: {  	v10 =	vadd.f32 v2, v10;
	v11 =	vadd.f32 v4, v11;
	v19 =	vld [tilespmem:s20+$0x3F70];
	s20 =	sshra.s32 s21, $0x2  }
0xca: {  	v12 =	vadd.f32 v3, v12;
	v2 =	vld [tilespmem:s20+$0x3F00];
	v13 =	vadd.f32 v5, v13  }
0xcb: {  	v6 =	vadd.f32 v14, v6;
	v7 =	vadd.f32 v15, v7;
	v4 =	vld [tilespmem:s20+$0x3F10]  }
0xcc: {  	v9 =	vadd.f32 v16, v9;
	v3 =	vld [tilespmem:s20+$0x3F20];
	v8 =	vadd.f32 v18, v8  }
0xcd: {  	v6 =	vadd.f32 v0, v6;
	v7 =	vadd.f32 v1, v7;
	v5 =	vld [tilespmem:s20+$0x3F30]  }
0xce: {  	v9 =	vadd.f32 v17, v9;
	v0 =	vld [tilespmem:s20+$0x3F40];
	v8 =	vadd.f32 v19, v8  }
0xcf: {  	v1 =	vld [tilespmem:s20+$0x3F50]  }
0xd0: {  	v18 =	vld [tilespmem:s20+$0x3E80]  }
0xd1: {  	v20 =	vld [tilespmem:s20+$0x3E90]  }
.Ltmp2:
0xd2: {  	v17 =	vld [tilespmem:s20+$0x3EA0];
	(pc) =	sbr.rel @p0 .LBB2_7-.Ltmp2, $4  }
0xd3: {  	v19 =	vld [tilespmem:s20+$0x3EB0]  }
0xd4: {  	v14 =	vld [tilespmem:s20+$0x3EC0]  }
0xd5: {  	v15 =	vld [tilespmem:s20+$0x3ED0]  }
0xd6: {  	s21 =	sadd.s32 $0x400, s21;
	v16 =	vld [tilespmem:s20+$0x3EE0]  }
0xd7: {  	v10 =	vadd.f32 v18, v10;
	v11 =	vadd.f32 v20, v11;
	v18 =	vld [tilespmem:s20+$0x3EF0]  }
0xd8: {  	v12 =	vadd.f32 v17, v12;
	v17 =	vld [tilespmem:s20+$0x3F60];
	v13 =	vadd.f32 v19, v13  }
0xd9: {  	v2 =	vadd.f32 v2, v10;
	v4 =	vadd.f32 v4, v11;
	v10 =	vld [tilespmem:s20+$0x3F70]  }
0xda: {  	v3 =	vadd.f32 v3, v12;
	v6 =	vadd.f32 v14, v6  }
0xdb: {  	v5 =	vadd.f32 v5, v13;
	v9 =	vadd.f32 v16, v9  }
0xdc: {  	v7 =	vadd.f32 v15, v7;
	v8 =	vadd.f32 v18, v8  }
0xdd: {  	v0 =	vadd.f32 v0, v6;
	v6 =	vadd.f32 v17, v9  }
0xde: {  	v1 =	vadd.f32 v1, v7;
	v7 =	vadd.f32 v10, v8  }
0xdf: {  	v2 =	vadd.f32 v3, v2;
	v0 =	vadd.f32 v6, v0  }
0xe0: {  	v3 =	vadd.f32 v5, v4;
	v1 =	vadd.f32 v7, v1  }
0xe1: {  	v0 =	vadd.f32 v0, v2  }
0xe2: {  	v1 =	vadd.f32 v1, v3  }
0xe3: {  	[tilespmem:s19+$0x19CC0] =	vst v0  }
0xe4: {  	s20 =	simm.s32 $0x0;
	[tilespmem:s19+$0x19CD0] =	vst v1  }
0xe5: {  	v2 =	vld [tilespmem:s20+$0x5800]  }
0xe6: {  	v4 =	vld [tilespmem:s20+$0x5810]  }
0xe7: {  	v3 =	vld [tilespmem:s20+$0x5820]  }
0xe8: {  	v5 =	vld [tilespmem:s20+$0x5830]  }
0xe9: {  	v0 =	vld [tilespmem:s20+$0x5840]  }
0xea: {  	v1 =	vld [tilespmem:s20+$0x5850]  }
0xeb: {  	v18 =	vld [tilespmem:s20+$0x5780]  }
0xec: {  	v20 =	vld [tilespmem:s20+$0x5790]  }
0xed: {  	v17 =	vld [tilespmem:s20+$0x57A0]  }
0xee: {  	v19 =	vld [tilespmem:s20+$0x57B0]  }
0xef: {  	v11 =	vimm.f32 $0.0e+00;
	v12 =	vimm.f32 $0.0e+00;
	v14 =	vld [tilespmem:s20+$0x57C0]  }
0xf0: {  	v13 =	vimm.f32 $0.0e+00;
	v9 =	vimm.f32 $0.0e+00;
	v10 =	vimm.f32 $0.0e+00;
	v15 =	vld [tilespmem:s20+$0x57D0]  }
0xf1: {  	s21 =	simm.s32 $0x400;
	v8 =	vimm.f32 $0.0e+00;
	v6 =	vimm.f32 $0.0e+00;
	v7 =	vimm.f32 $0.0e+00;
	v16 =	vld [tilespmem:s20+$0x57E0]  }
.LBB2_9:
0xf2: {  	p0 =	sne.s32 s21, $0x6000;
	v10 =	vadd.f32 v18, v10;
	v11 =	vadd.f32 v20, v11;
	v18 =	vld [tilespmem:s20+$0x57F0]  }
0xf3: {  	v12 =	vadd.f32 v17, v12;
	v13 =	vadd.f32 v19, v13;
	v17 =	vld [tilespmem:s20+$0x5860]  }
0xf4: {  	v10 =	vadd.f32 v2, v10;
	v11 =	vadd.f32 v4, v11;
	v19 =	vld [tilespmem:s20+$0x5870];
	s20 =	sshra.s32 s21, $0x2  }
0xf5: {  	v12 =	vadd.f32 v3, v12;
	v2 =	vld [tilespmem:s20+$0x5800];
	v13 =	vadd.f32 v5, v13  }
0xf6: {  	v6 =	vadd.f32 v14, v6;
	v7 =	vadd.f32 v15, v7;
	v4 =	vld [tilespmem:s20+$0x5810]  }
0xf7: {  	v9 =	vadd.f32 v16, v9;
	v3 =	vld [tilespmem:s20+$0x5820];
	v8 =	vadd.f32 v18, v8  }
0xf8: {  	v6 =	vadd.f32 v0, v6;
	v7 =	vadd.f32 v1, v7;
	v5 =	vld [tilespmem:s20+$0x5830]  }
0xf9: {  	v9 =	vadd.f32 v17, v9;
	v0 =	vld [tilespmem:s20+$0x5840];
	v8 =	vadd.f32 v19, v8  }
0xfa: {  	v1 =	vld [tilespmem:s20+$0x5850]  }
0xfb: {  	v18 =	vld [tilespmem:s20+$0x5780]  }
0xfc: {  	v20 =	vld [tilespmem:s20+$0x5790]  }
.Ltmp3:
0xfd: {  	v17 =	vld [tilespmem:s20+$0x57A0];
	(pc) =	sbr.rel @p0 .LBB2_9-.Ltmp3, $4  }
0xfe: {  	v19 =	vld [tilespmem:s20+$0x57B0]  }
0xff: {  	v14 =	vld [tilespmem:s20+$0x57C0]  }
0x100: {  	v15 =	vld [tilespmem:s20+$0x57D0]  }
0x101: {  	s21 =	sadd.s32 $0x400, s21;
	v16 =	vld [tilespmem:s20+$0x57E0]  }
0x102: {  	v10 =	vadd.f32 v18, v10;
	v11 =	vadd.f32 v20, v11;
	v18 =	vld [tilespmem:s20+$0x57F0]  }
0x103: {  	v12 =	vadd.f32 v17, v12;
	v17 =	vld [tilespmem:s20+$0x5860];
	v13 =	vadd.f32 v19, v13  }
0x104: {  	v2 =	vadd.f32 v2, v10;
	v4 =	vadd.f32 v4, v11;
	v10 =	vld [tilespmem:s20+$0x5870]  }
0x105: {  	v3 =	vadd.f32 v3, v12;
	v6 =	vadd.f32 v14, v6  }
0x106: {  	v5 =	vadd.f32 v5, v13;
	v9 =	vadd.f32 v16, v9  }
0x107: {  	v7 =	vadd.f32 v15, v7;
	v8 =	vadd.f32 v18, v8  }
0x108: {  	v0 =	vadd.f32 v0, v6;
	v6 =	vadd.f32 v17, v9  }
0x109: {  	v1 =	vadd.f32 v1, v7;
	v7 =	vadd.f32 v10, v8  }
0x10a: {  	v2 =	vadd.f32 v3, v2;
	v0 =	vadd.f32 v6, v0  }
0x10b: {  	v3 =	vadd.f32 v5, v4;
	v1 =	vadd.f32 v7, v1  }
0x10c: {  	v0 =	vadd.f32 v0, v2  }
0x10d: {  	v1 =	vadd.f32 v1, v3  }
0x10e: {  	[tilespmem:s19+$0x19CE0] =	vst v0  }
0x10f: {  	[tilespmem:s19+$0x19CF0] =	vst v1  }
0x110: {  	_ =	swait.ge [sflag:s16], $0x3200  }
0x111: {  	[sflag:s16] =	ssyncset.done $0x0  }
0x112: {  	s20 =	simm.s32 $0x0;
	[sflag:s16] =	ssyncadd.s32 $0xFFFFCE00  }
0x113: {  	v2 =	vld [tilespmem:s20+$0x7100]  }
0x114: {  	v4 =	vld [tilespmem:s20+$0x7110]  }
0x115: {  	v3 =	vld [tilespmem:s20+$0x7120]  }
0x116: {  	v5 =	vld [tilespmem:s20+$0x7130]  }
0x117: {  	v0 =	vld [tilespmem:s20+$0x7140]  }
0x118: {  	v1 =	vld [tilespmem:s20+$0x7150]  }
0x119: {  	v18 =	vld [tilespmem:s20+$0x7080]  }
0x11a: {  	v20 =	vld [tilespmem:s20+$0x7090]  }
0x11b: {  	v17 =	vld [tilespmem:s20+$0x70A0]  }
0x11c: {  	v19 =	vld [tilespmem:s20+$0x70B0]  }
0x11d: {  	v11 =	vimm.f32 $0.0e+00;
	v12 =	vimm.f32 $0.0e+00;
	v14 =	vld [tilespmem:s20+$0x70C0]  }
0x11e: {  	v13 =	vimm.f32 $0.0e+00;
	v9 =	vimm.f32 $0.0e+00;
	v10 =	vimm.f32 $0.0e+00;
	v15 =	vld [tilespmem:s20+$0x70D0]  }
0x11f: {  	s21 =	simm.s32 $0x400;
	v8 =	vimm.f32 $0.0e+00;
	v6 =	vimm.f32 $0.0e+00;
	v7 =	vimm.f32 $0.0e+00;
	v16 =	vld [tilespmem:s20+$0x70E0]  }
.LBB2_11:
0x120: {  	p0 =	sne.s32 s21, $0x6000;
	v10 =	vadd.f32 v18, v10;
	v11 =	vadd.f32 v20, v11;
	v18 =	vld [tilespmem:s20+$0x70F0]  }
0x121: {  	v12 =	vadd.f32 v17, v12;
	v13 =	vadd.f32 v19, v13;
	v17 =	vld [tilespmem:s20+$0x7160]  }
0x122: {  	v10 =	vadd.f32 v2, v10;
	v11 =	vadd.f32 v4, v11;
	v19 =	vld [tilespmem:s20+$0x7170];
	s20 =	sshra.s32 s21, $0x2  }
0x123: {  	v12 =	vadd.f32 v3, v12;
	v2 =	vld [tilespmem:s20+$0x7100];
	v13 =	vadd.f32 v5, v13  }
0x124: {  	v6 =	vadd.f32 v14, v6;
	v7 =	vadd.f32 v15, v7;
	v4 =	vld [tilespmem:s20+$0x7110]  }
0x125: {  	v9 =	vadd.f32 v16, v9;
	v3 =	vld [tilespmem:s20+$0x7120];
	v8 =	vadd.f32 v18, v8  }
0x126: {  	v6 =	vadd.f32 v0, v6;
	v7 =	vadd.f32 v1, v7;
	v5 =	vld [tilespmem:s20+$0x7130]  }
0x127: {  	v9 =	vadd.f32 v17, v9;
	v0 =	vld [tilespmem:s20+$0x7140];
	v8 =	vadd.f32 v19, v8  }
0x128: {  	v1 =	vld [tilespmem:s20+$0x7150]  }
0x129: {  	v18 =	vld [tilespmem:s20+$0x7080]  }
0x12a: {  	v20 =	vld [tilespmem:s20+$0x7090]  }
.Ltmp4:
0x12b: {  	v17 =	vld [tilespmem:s20+$0x70A0];
	(pc) =	sbr.rel @p0 .LBB2_11-.Ltmp4, $4  }
0x12c: {  	v19 =	vld [tilespmem:s20+$0x70B0]  }
0x12d: {  	v14 =	vld [tilespmem:s20+$0x70C0]  }
0x12e: {  	v15 =	vld [tilespmem:s20+$0x70D0]  }
0x12f: {  	s21 =	sadd.s32 $0x400, s21;
	v16 =	vld [tilespmem:s20+$0x70E0]  }
0x130: {  	v10 =	vadd.f32 v18, v10;
	v11 =	vadd.f32 v20, v11;
	v18 =	vld [tilespmem:s20+$0x70F0]  }
0x131: {  	v12 =	vadd.f32 v17, v12;
	v17 =	vld [tilespmem:s20+$0x7160];
	v13 =	vadd.f32 v19, v13  }
0x132: {  	v2 =	vadd.f32 v2, v10;
	v4 =	vadd.f32 v4, v11;
	v10 =	vld [tilespmem:s20+$0x7170]  }
0x133: {  	v3 =	vadd.f32 v3, v12;
	v6 =	vadd.f32 v14, v6  }
0x134: {  	v5 =	vadd.f32 v5, v13;
	v9 =	vadd.f32 v16, v9  }
0x135: {  	v7 =	vadd.f32 v15, v7;
	v8 =	vadd.f32 v18, v8  }
0x136: {  	v0 =	vadd.f32 v0, v6;
	v6 =	vadd.f32 v17, v9  }
0x137: {  	v1 =	vadd.f32 v1, v7;
	v7 =	vadd.f32 v10, v8  }
0x138: {  	v2 =	vadd.f32 v3, v2;
	v0 =	vadd.f32 v6, v0  }
0x139: {  	v3 =	vadd.f32 v5, v4;
	v1 =	vadd.f32 v7, v1  }
0x13a: {  	v0 =	vadd.f32 v0, v2  }
0x13b: {  	v1 =	vadd.f32 v1, v3  }
0x13c: {  	[tilespmem:s19+$0x19D00] =	vst v0  }
0x13d: {  	s20 =	simm.s32 $0x0;
	[tilespmem:s19+$0x19D10] =	vst v1  }
0x13e: {  	v2 =	vld [tilespmem:s20+$0x8A00]  }
0x13f: {  	v4 =	vld [tilespmem:s20+$0x8A10]  }
0x140: {  	v3 =	vld [tilespmem:s20+$0x8A20]  }
0x141: {  	v5 =	vld [tilespmem:s20+$0x8A30]  }
0x142: {  	v0 =	vld [tilespmem:s20+$0x8A40]  }
0x143: {  	v1 =	vld [tilespmem:s20+$0x8A50]  }
0x144: {  	v18 =	vld [tilespmem:s20+$0x8980]  }
0x145: {  	v20 =	vld [tilespmem:s20+$0x8990]  }
0x146: {  	v17 =	vld [tilespmem:s20+$0x89A0]  }
0x147: {  	v19 =	vld [tilespmem:s20+$0x89B0]  }
0x148: {  	v11 =	vimm.f32 $0.0e+00;
	v12 =	vimm.f32 $0.0e+00;
	v14 =	vld [tilespmem:s20+$0x89C0]  }
0x149: {  	v13 =	vimm.f32 $0.0e+00;
	v9 =	vimm.f32 $0.0e+00;
	v10 =	vimm.f32 $0.0e+00;
	v15 =	vld [tilespmem:s20+$0x89D0]  }
0x14a: {  	s21 =	simm.s32 $0x400;
	v8 =	vimm.f32 $0.0e+00;
	v6 =	vimm.f32 $0.0e+00;
	v7 =	vimm.f32 $0.0e+00;
	v16 =	vld [tilespmem:s20+$0x89E0]  }
.LBB2_13:
0x14b: {  	p0 =	sne.s32 s21, $0x6000;
	v10 =	vadd.f32 v18, v10;
	v11 =	vadd.f32 v20, v11;
	v18 =	vld [tilespmem:s20+$0x89F0]  }
0x14c: {  	v12 =	vadd.f32 v17, v12;
	v13 =	vadd.f32 v19, v13;
	v17 =	vld [tilespmem:s20+$0x8A60]  }
0x14d: {  	v10 =	vadd.f32 v2, v10;
	v11 =	vadd.f32 v4, v11;
	v19 =	vld [tilespmem:s20+$0x8A70];
	s20 =	sshra.s32 s21, $0x2  }
0x14e: {  	v12 =	vadd.f32 v3, v12;
	v2 =	vld [tilespmem:s20+$0x8A00];
	v13 =	vadd.f32 v5, v13  }
0x14f: {  	v6 =	vadd.f32 v14, v6;
	v7 =	vadd.f32 v15, v7;
	v4 =	vld [tilespmem:s20+$0x8A10]  }
0x150: {  	v9 =	vadd.f32 v16, v9;
	v3 =	vld [tilespmem:s20+$0x8A20];
	v8 =	vadd.f32 v18, v8  }
0x151: {  	v6 =	vadd.f32 v0, v6;
	v7 =	vadd.f32 v1, v7;
	v5 =	vld [tilespmem:s20+$0x8A30]  }
0x152: {  	v9 =	vadd.f32 v17, v9;
	v0 =	vld [tilespmem:s20+$0x8A40];
	v8 =	vadd.f32 v19, v8  }
0x153: {  	v1 =	vld [tilespmem:s20+$0x8A50]  }
0x154: {  	v18 =	vld [tilespmem:s20+$0x8980]  }
0x155: {  	v20 =	vld [tilespmem:s20+$0x8990]  }
.Ltmp5:
0x156: {  	v17 =	vld [tilespmem:s20+$0x89A0];
	(pc) =	sbr.rel @p0 .LBB2_13-.Ltmp5, $4  }
0x157: {  	v19 =	vld [tilespmem:s20+$0x89B0]  }
0x158: {  	v14 =	vld [tilespmem:s20+$0x89C0]  }
0x159: {  	v15 =	vld [tilespmem:s20+$0x89D0]  }
0x15a: {  	s21 =	sadd.s32 $0x400, s21;
	v16 =	vld [tilespmem:s20+$0x89E0]  }
0x15b: {  	v10 =	vadd.f32 v18, v10;
	v11 =	vadd.f32 v20, v11;
	v18 =	vld [tilespmem:s20+$0x89F0]  }
0x15c: {  	v12 =	vadd.f32 v17, v12;
	v17 =	vld [tilespmem:s20+$0x8A60];
	v13 =	vadd.f32 v19, v13  }
0x15d: {  	v2 =	vadd.f32 v2, v10;
	v4 =	vadd.f32 v4, v11;
	v10 =	vld [tilespmem:s20+$0x8A70]  }
0x15e: {  	v3 =	vadd.f32 v3, v12;
	v6 =	vadd.f32 v14, v6  }
0x15f: {  	v5 =	vadd.f32 v5, v13;
	v9 =	vadd.f32 v16, v9  }
0x160: {  	v7 =	vadd.f32 v15, v7;
	v8 =	vadd.f32 v18, v8  }
0x161: {  	v0 =	vadd.f32 v0, v6;
	v6 =	vadd.f32 v17, v9  }
0x162: {  	v1 =	vadd.f32 v1, v7;
	v7 =	vadd.f32 v10, v8  }
0x163: {  	v2 =	vadd.f32 v3, v2;
	v0 =	vadd.f32 v6, v0  }
0x164: {  	v3 =	vadd.f32 v5, v4;
	v1 =	vadd.f32 v7, v1  }
0x165: {  	v0 =	vadd.f32 v0, v2  }
0x166: {  	v1 =	vadd.f32 v1, v3  }
0x167: {  	[tilespmem:s19+$0x19D20] =	vst v0  }
0x168: {  	[tilespmem:s19+$0x19D30] =	vst v1  }
0x169: {  	_ =	swait.ge [sflag:s16], $0x3200  }
0x16a: {  	[sflag:s16] =	ssyncset.done $0x0  }
0x16b: {  	s20 =	simm.s32 $0x0;
	[sflag:s16] =	ssyncadd.s32 $0xFFFFCE00  }
0x16c: {  	v2 =	vld [tilespmem:s20+$0xA300]  }
0x16d: {  	v4 =	vld [tilespmem:s20+$0xA310]  }
0x16e: {  	v3 =	vld [tilespmem:s20+$0xA320]  }
0x16f: {  	v5 =	vld [tilespmem:s20+$0xA330]  }
0x170: {  	v0 =	vld [tilespmem:s20+$0xA340]  }
0x171: {  	v1 =	vld [tilespmem:s20+$0xA350]  }
0x172: {  	v18 =	vld [tilespmem:s20+$0xA280]  }
0x173: {  	v20 =	vld [tilespmem:s20+$0xA290]  }
0x174: {  	v17 =	vld [tilespmem:s20+$0xA2A0]  }
0x175: {  	v19 =	vld [tilespmem:s20+$0xA2B0]  }
0x176: {  	v11 =	vimm.f32 $0.0e+00;
	v12 =	vimm.f32 $0.0e+00;
	v14 =	vld [tilespmem:s20+$0xA2C0]  }
0x177: {  	v13 =	vimm.f32 $0.0e+00;
	v9 =	vimm.f32 $0.0e+00;
	v10 =	vimm.f32 $0.0e+00;
	v15 =	vld [tilespmem:s20+$0xA2D0]  }
0x178: {  	s21 =	simm.s32 $0x400;
	v8 =	vimm.f32 $0.0e+00;
	v6 =	vimm.f32 $0.0e+00;
	v7 =	vimm.f32 $0.0e+00;
	v16 =	vld [tilespmem:s20+$0xA2E0]  }
.LBB2_15:
0x179: {  	p0 =	sne.s32 s21, $0x6000;
	v10 =	vadd.f32 v18, v10;
	v11 =	vadd.f32 v20, v11;
	v18 =	vld [tilespmem:s20+$0xA2F0]  }
0x17a: {  	v12 =	vadd.f32 v17, v12;
	v13 =	vadd.f32 v19, v13;
	v17 =	vld [tilespmem:s20+$0xA360]  }
0x17b: {  	v10 =	vadd.f32 v2, v10;
	v11 =	vadd.f32 v4, v11;
	v19 =	vld [tilespmem:s20+$0xA370];
	s20 =	sshra.s32 s21, $0x2  }
0x17c: {  	v12 =	vadd.f32 v3, v12;
	v2 =	vld [tilespmem:s20+$0xA300];
	v13 =	vadd.f32 v5, v13  }
0x17d: {  	v6 =	vadd.f32 v14, v6;
	v7 =	vadd.f32 v15, v7;
	v4 =	vld [tilespmem:s20+$0xA310]  }
0x17e: {  	v9 =	vadd.f32 v16, v9;
	v3 =	vld [tilespmem:s20+$0xA320];
	v8 =	vadd.f32 v18, v8  }
0x17f: {  	v6 =	vadd.f32 v0, v6;
	v7 =	vadd.f32 v1, v7;
	v5 =	vld [tilespmem:s20+$0xA330]  }
0x180: {  	v9 =	vadd.f32 v17, v9;
	v0 =	vld [tilespmem:s20+$0xA340];
	v8 =	vadd.f32 v19, v8  }
0x181: {  	v1 =	vld [tilespmem:s20+$0xA350]  }
0x182: {  	v18 =	vld [tilespmem:s20+$0xA280]  }
0x183: {  	v20 =	vld [tilespmem:s20+$0xA290]  }
.Ltmp6:
0x184: {  	v17 =	vld [tilespmem:s20+$0xA2A0];
	(pc) =	sbr.rel @p0 .LBB2_15-.Ltmp6, $4  }
0x185: {  	v19 =	vld [tilespmem:s20+$0xA2B0]  }
0x186: {  	v14 =	vld [tilespmem:s20+$0xA2C0]  }
0x187: {  	v15 =	vld [tilespmem:s20+$0xA2D0]  }
0x188: {  	s21 =	sadd.s32 $0x400, s21;
	v16 =	vld [tilespmem:s20+$0xA2E0]  }
0x189: {  	v10 =	vadd.f32 v18, v10;
	v11 =	vadd.f32 v20, v11;
	v18 =	vld [tilespmem:s20+$0xA2F0]  }
0x18a: {  	v12 =	vadd.f32 v17, v12;
	v17 =	vld [tilespmem:s20+$0xA360];
	v13 =	vadd.f32 v19, v13  }
0x18b: {  	v2 =	vadd.f32 v2, v10;
	v4 =	vadd.f32 v4, v11;
	v10 =	vld [tilespmem:s20+$0xA370]  }
0x18c: {  	v3 =	vadd.f32 v3, v12;
	v6 =	vadd.f32 v14, v6  }
0x18d: {  	v5 =	vadd.f32 v5, v13;
	v9 =	vadd.f32 v16, v9  }
0x18e: {  	v7 =	vadd.f32 v15, v7;
	v8 =	vadd.f32 v18, v8  }
0x18f: {  	v0 =	vadd.f32 v0, v6;
	v6 =	vadd.f32 v17, v9  }
0x190: {  	v1 =	vadd.f32 v1, v7;
	v7 =	vadd.f32 v10, v8  }
0x191: {  	v2 =	vadd.f32 v3, v2;
	v0 =	vadd.f32 v6, v0  }
0x192: {  	v3 =	vadd.f32 v5, v4;
	v1 =	vadd.f32 v7, v1  }
0x193: {  	v0 =	vadd.f32 v0, v2  }
0x194: {  	v1 =	vadd.f32 v1, v3  }
0x195: {  	[tilespmem:s19+$0x19D40] =	vst v0  }
0x196: {  	s20 =	simm.s32 $0x0;
	[tilespmem:s19+$0x19D50] =	vst v1  }
0x197: {  	v2 =	vld [tilespmem:s20+$0xBC00]  }
0x198: {  	v4 =	vld [tilespmem:s20+$0xBC10]  }
0x199: {  	v3 =	vld [tilespmem:s20+$0xBC20]  }
0x19a: {  	v5 =	vld [tilespmem:s20+$0xBC30]  }
0x19b: {  	v0 =	vld [tilespmem:s20+$0xBC40]  }
0x19c: {  	v1 =	vld [tilespmem:s20+$0xBC50]  }
0x19d: {  	v18 =	vld [tilespmem:s20+$0xBB80]  }
0x19e: {  	v20 =	vld [tilespmem:s20+$0xBB90]  }
0x19f: {  	v17 =	vld [tilespmem:s20+$0xBBA0]  }
0x1a0: {  	v19 =	vld [tilespmem:s20+$0xBBB0]  }
0x1a1: {  	v11 =	vimm.f32 $0.0e+00;
	v12 =	vimm.f32 $0.0e+00;
	v14 =	vld [tilespmem:s20+$0xBBC0]  }
0x1a2: {  	v13 =	vimm.f32 $0.0e+00;
	v9 =	vimm.f32 $0.0e+00;
	v10 =	vimm.f32 $0.0e+00;
	v15 =	vld [tilespmem:s20+$0xBBD0]  }
0x1a3: {  	s21 =	simm.s32 $0x400;
	v8 =	vimm.f32 $0.0e+00;
	v6 =	vimm.f32 $0.0e+00;
	v7 =	vimm.f32 $0.0e+00;
	v16 =	vld [tilespmem:s20+$0xBBE0]  }
.LBB2_17:
0x1a4: {  	p0 =	sne.s32 s21, $0x6000;
	v10 =	vadd.f32 v18, v10;
	v11 =	vadd.f32 v20, v11;
	v18 =	vld [tilespmem:s20+$0xBBF0]  }
0x1a5: {  	v12 =	vadd.f32 v17, v12;
	v13 =	vadd.f32 v19, v13;
	v17 =	vld [tilespmem:s20+$0xBC60]  }
0x1a6: {  	v10 =	vadd.f32 v2, v10;
	v11 =	vadd.f32 v4, v11;
	v19 =	vld [tilespmem:s20+$0xBC70];
	s20 =	sshra.s32 s21, $0x2  }
0x1a7: {  	v12 =	vadd.f32 v3, v12;
	v2 =	vld [tilespmem:s20+$0xBC00];
	v13 =	vadd.f32 v5, v13  }
0x1a8: {  	v6 =	vadd.f32 v14, v6;
	v7 =	vadd.f32 v15, v7;
	v4 =	vld [tilespmem:s20+$0xBC10]  }
0x1a9: {  	v9 =	vadd.f32 v16, v9;
	v3 =	vld [tilespmem:s20+$0xBC20];
	v8 =	vadd.f32 v18, v8  }
0x1aa: {  	v6 =	vadd.f32 v0, v6;
	v7 =	vadd.f32 v1, v7;
	v5 =	vld [tilespmem:s20+$0xBC30]  }
0x1ab: {  	v9 =	vadd.f32 v17, v9;
	v0 =	vld [tilespmem:s20+$0xBC40];
	v8 =	vadd.f32 v19, v8  }
0x1ac: {  	v1 =	vld [tilespmem:s20+$0xBC50]  }
0x1ad: {  	v18 =	vld [tilespmem:s20+$0xBB80]  }
0x1ae: {  	v20 =	vld [tilespmem:s20+$0xBB90]  }
.Ltmp7:
0x1af: {  	v17 =	vld [tilespmem:s20+$0xBBA0];
	(pc) =	sbr.rel @p0 .LBB2_17-.Ltmp7, $4  }
0x1b0: {  	v19 =	vld [tilespmem:s20+$0xBBB0]  }
0x1b1: {  	v14 =	vld [tilespmem:s20+$0xBBC0]  }
0x1b2: {  	v15 =	vld [tilespmem:s20+$0xBBD0]  }
0x1b3: {  	s21 =	sadd.s32 $0x400, s21;
	v16 =	vld [tilespmem:s20+$0xBBE0]  }
0x1b4: {  	v10 =	vadd.f32 v18, v10;
	v11 =	vadd.f32 v20, v11;
	v18 =	vld [tilespmem:s20+$0xBBF0]  }
0x1b5: {  	v12 =	vadd.f32 v17, v12;
	v17 =	vld [tilespmem:s20+$0xBC60];
	v13 =	vadd.f32 v19, v13  }
0x1b6: {  	v2 =	vadd.f32 v2, v10;
	v4 =	vadd.f32 v4, v11;
	v10 =	vld [tilespmem:s20+$0xBC70]  }
0x1b7: {  	v3 =	vadd.f32 v3, v12;
	v6 =	vadd.f32 v14, v6  }
0x1b8: {  	v5 =	vadd.f32 v5, v13;
	v9 =	vadd.f32 v16, v9  }
0x1b9: {  	v7 =	vadd.f32 v15, v7;
	v8 =	vadd.f32 v18, v8  }
0x1ba: {  	v0 =	vadd.f32 v0, v6;
	v6 =	vadd.f32 v17, v9  }
0x1bb: {  	v1 =	vadd.f32 v1, v7;
	v7 =	vadd.f32 v10, v8  }
0x1bc: {  	v2 =	vadd.f32 v3, v2;
	v0 =	vadd.f32 v6, v0  }
0x1bd: {  	v3 =	vadd.f32 v5, v4;
	v1 =	vadd.f32 v7, v1  }
0x1be: {  	v0 =	vadd.f32 v0, v2  }
0x1bf: {  	v1 =	vadd.f32 v1, v3  }
0x1c0: {  	p0 =	sne.s32 s18, $0x1F;
	[tilespmem:s19+$0x19D60] =	vst v0  }
0x1c1: {  	s20 =	simm.s32 @p0 $0x3;
	[tilespmem:s19+$0x19D70] =	vst v1  }
0x1c2: {  	_ =	swait.ge @p0 [sflag:s20], $0x640  }
0x1c3: {  	s21 =	simm.s32 @p0 $0x0;
	[sflag:s20] =	ssyncset.done @p0 $0x0  }
0x1c4: {  	s22 =	simm.s32 @p0 $0xC80;
	[sflag:s20] =	ssyncadd.s32 @p0 $0xFFFFF9C0;
	s20 =	simm.s32 @p0 $0x68  }
0x1c5: {  	[tilespmem:s22], [sflag:$0x1] =	stream.indirect.gather @p0 [hbm4b:s5+s20], $0x20, s21, s20, $0xb8;
	[tilespmem:$0x1DC80] =	vst v63  }
0x1c6: {  	s23 =	simm.s32 @p0 $0x1980;
	s22 =	simm.s32 @p0 $0x60  }
0x1c7: {  	[tilespmem:s23], [sflag:$0x1] =	stream.indirect.gather @p0 [hbm4b:s5+s22], $0x20, s20, s22, $0xb8;
	[tilespmem:$0x1DC80] =	vst v63  }
0x1c8: {  	s24 =	simm.s32 @p0 $0x2580;
	s23 =	simm.s32 @p0 $0xC8  }
0x1c9: {  	[tilespmem:s24], [sflag:$0x1] =	stream.indirect.gather @p0 [hbm4b:s5+s20], $0x20, s23, s20, $0xb8;
	[tilespmem:$0x1DC80] =	vst v63  }
0x1ca: {  	s23 =	simm.s32 @p0 $0x130;
	s24 =	simm.s32 @p0 $0x3280  }
0x1cb: {  	[tilespmem:s24], [sflag:$0x1] =	stream.indirect.gather @p0 [hbm4b:s5+s22], $0x20, s23, s22, $0xb8;
	[tilespmem:$0x1DC80] =	vst v63  }
0x1cc: {  	s23 =	simm.s32 @p0 $0x190;
	s24 =	simm.s32 @p0 $0x3E80  }
0x1cd: {  	[tilespmem:s24], [sflag:$0x1] =	stream.indirect.gather @p0 [hbm4b:s5+s20], $0x20, s23, s20, $0xb8;
	[tilespmem:$0x1DC80] =	vst v63  }
0x1ce: {  	s23 =	simm.s32 @p0 $0x1F8;
	s24 =	simm.s32 @p0 $0x4B80  }
0x1cf: {  	[tilespmem:s24], [sflag:$0x1] =	stream.indirect.gather @p0 [hbm4b:s5+s22], $0x20, s23, s22, $0xb8;
	[tilespmem:$0x1DC80] =	vst v63  }
0x1d0: {  	s23 =	simm.s32 @p0 $0x258;
	s24 =	simm.s32 @p0 $0x5780  }
0x1d1: {  	[tilespmem:s24], [sflag:$0x1] =	stream.indirect.gather @p0 [hbm4b:s5+s20], $0x20, s23, s20, $0xb8;
	[tilespmem:$0x1DC80] =	vst v63  }
0x1d2: {  	s23 =	simm.s32 @p0 $0x2C0;
	s24 =	simm.s32 @p0 $0x6480  }
0x1d3: {  	[tilespmem:s24], [sflag:$0x1] =	stream.indirect.gather @p0 [hbm4b:s5+s22], $0x20, s23, s22, $0xb8;
	[tilespmem:$0x1DC80] =	vst v63  }
0x1d4: {  	s23 =	simm.s32 @p0 $0x320;
	s24 =	simm.s32 @p0 $0x7080  }
0x1d5: {  	[tilespmem:s24], [sflag:$0x1] =	stream.indirect.gather @p0 [hbm4b:s5+s20], $0x20, s23, s20, $0xb8;
	[tilespmem:$0x1DC80] =	vst v63  }
0x1d6: {  	s23 =	simm.s32 @p0 $0x388;
	s24 =	simm.s32 @p0 $0x7D80  }
0x1d7: {  	[tilespmem:s24], [sflag:$0x1] =	stream.indirect.gather @p0 [hbm4b:s5+s22], $0x20, s23, s22, $0xb8;
	[tilespmem:$0x1DC80] =	vst v63  }
0x1d8: {  	s23 =	simm.s32 @p0 $0x3E8;
	s24 =	simm.s32 @p0 $0x8980  }
0x1d9: {  	[tilespmem:s24], [sflag:$0x1] =	stream.indirect.gather @p0 [hbm4b:s5+s20], $0x20, s23, s20, $0xb8;
	[tilespmem:$0x1DC80] =	vst v63  }
0x1da: {  	s23 =	simm.s32 @p0 $0x450;
	s24 =	simm.s32 @p0 $0x9680  }
0x1db: {  	[tilespmem:s24], [sflag:$0x1] =	stream.indirect.gather @p0 [hbm4b:s5+s22], $0x20, s23, s22, $0xb8;
	[tilespmem:$0x1DC80] =	vst v63  }
0x1dc: {  	s23 =	simm.s32 @p0 $0x4B0;
	s24 =	simm.s32 @p0 $0xA280  }
0x1dd: {  	[tilespmem:s24], [sflag:$0x1] =	stream.indirect.gather @p0 [hbm4b:s5+s20], $0x20, s23, s20, $0xb8;
	[tilespmem:$0x1DC80] =	vst v63  }
0x1de: {  	s23 =	simm.s32 @p0 $0x518;
	s24 =	simm.s32 @p0 $0xAF80  }
0x1df: {  	[tilespmem:s24], [sflag:$0x1] =	stream.indirect.gather @p0 [hbm4b:s5+s22], $0x20, s23, s22, $0xb8;
	[tilespmem:$0x1DC80] =	vst v63  }
0x1e0: {  	s23 =	simm.s32 @p0 $0x578;
	s24 =	simm.s32 @p0 $0xBB80  }
0x1e1: {  	[tilespmem:s24], [sflag:$0x1] =	stream.indirect.gather @p0 [hbm4b:s5+s20], $0x20, s23, s20, $0xb8;
	[tilespmem:$0x1DC80] =	vst v63  }
0x1e2: {  	s20 =	simm.s32 @p0 $0x5E0;
	s23 =	simm.s32 @p0 $0xC880  }
0x1e3: {  	[tilespmem:s23], [sflag:$0x1] =	stream.indirect.gather @p0 [hbm4b:s5+s22], $0x20, s20, s22, $0xb8;
	[tilespmem:$0x1DC80] =	vst v63  }
0x1e4: {  	s20 =	sshll.u32 @p0 s18, $0x4  }
0x1e5: {  	s22 =	simm.s32 @p0 $0x2;
	s20 =	sadd.s32 @p0 s20, s8  }
0x1e6: {  	_ =	swait.ge @p0 [sflag:s22], $0x3200;
	s20 =	smul.u32 @p0 $0x19, s20  }
0x1e7: {  	[sflag:s22] =	ssyncset.done @p0 $0x0  }
0x1e8: {  	[sflag:s22] =	ssyncadd.s32 @p0 $0xFFFFCE00;
	s22 =	simm.s32 @p0 $0x640;
	s20 =	sadd.s32 @p0 s3, s20  }
0x1e9: {  	[tilespmem:s22], [sflag:$0x4] =	stream.linear.gather @p0 [hbm4b:s20+s21], $0x640, $0x38;
	[tilespmem:$0x1DC80] =	vst v63  }
0x1ea: {  	s20 =	simm.s32 @!p0 $0x2  }
0x1eb: {  	_ =	swait.ge @!p0 [sflag:s20], $0x3200  }
0x1ec: {  	[sflag:s20] =	ssyncset.done @!p0 $0x0  }
0x1ed: {  	[sflag:s20] =	ssyncadd.s32 @!p0 $0xFFFFCE00;
	s20 =	simm.s32 $0x0  }
0x1ee: {  	v2 =	vld [tilespmem:s20+$0xD500]  }
0x1ef: {  	v4 =	vld [tilespmem:s20+$0xD510]  }
0x1f0: {  	v3 =	vld [tilespmem:s20+$0xD520]  }
0x1f1: {  	v5 =	vld [tilespmem:s20+$0xD530]  }
0x1f2: {  	v0 =	vld [tilespmem:s20+$0xD540]  }
0x1f3: {  	v1 =	vld [tilespmem:s20+$0xD550]  }
0x1f4: {  	v18 =	vld [tilespmem:s20+$0xD480]  }
0x1f5: {  	v20 =	vld [tilespmem:s20+$0xD490]  }
0x1f6: {  	v17 =	vld [tilespmem:s20+$0xD4A0]  }
0x1f7: {  	v19 =	vld [tilespmem:s20+$0xD4B0]  }
0x1f8: {  	v11 =	vimm.f32 $0.0e+00;
	v12 =	vimm.f32 $0.0e+00;
	v14 =	vld [tilespmem:s20+$0xD4C0]  }
0x1f9: {  	v13 =	vimm.f32 $0.0e+00;
	v9 =	vimm.f32 $0.0e+00;
	v10 =	vimm.f32 $0.0e+00;
	v15 =	vld [tilespmem:s20+$0xD4D0]  }
0x1fa: {  	v8 =	vimm.f32 $0.0e+00;
	v6 =	vimm.f32 $0.0e+00;
	v7 =	vimm.f32 $0.0e+00;
	s21 =	simm.s32 $0x400;
	v16 =	vld [tilespmem:s20+$0xD4E0]  }
.LBB2_19:
0x1fb: {  	p0 =	sne.s32 s21, $0x6000;
	v10 =	vadd.f32 v18, v10;
	v11 =	vadd.f32 v20, v11;
	v18 =	vld [tilespmem:s20+$0xD4F0]  }
0x1fc: {  	v12 =	vadd.f32 v17, v12;
	v13 =	vadd.f32 v19, v13;
	v17 =	vld [tilespmem:s20+$0xD560]  }
0x1fd: {  	v10 =	vadd.f32 v2, v10;
	v11 =	vadd.f32 v4, v11;
	v19 =	vld [tilespmem:s20+$0xD570];
	s20 =	sshra.s32 s21, $0x2  }
0x1fe: {  	v12 =	vadd.f32 v3, v12;
	v2 =	vld [tilespmem:s20+$0xD500];
	v13 =	vadd.f32 v5, v13  }
0x1ff: {  	v6 =	vadd.f32 v14, v6;
	v7 =	vadd.f32 v15, v7;
	v4 =	vld [tilespmem:s20+$0xD510]  }
0x200: {  	v9 =	vadd.f32 v16, v9;
	v3 =	vld [tilespmem:s20+$0xD520];
	v8 =	vadd.f32 v18, v8  }
0x201: {  	v6 =	vadd.f32 v0, v6;
	v7 =	vadd.f32 v1, v7;
	v5 =	vld [tilespmem:s20+$0xD530]  }
0x202: {  	v9 =	vadd.f32 v17, v9;
	v0 =	vld [tilespmem:s20+$0xD540];
	v8 =	vadd.f32 v19, v8  }
0x203: {  	v1 =	vld [tilespmem:s20+$0xD550]  }
0x204: {  	v18 =	vld [tilespmem:s20+$0xD480]  }
0x205: {  	v20 =	vld [tilespmem:s20+$0xD490]  }
.Ltmp8:
0x206: {  	v17 =	vld [tilespmem:s20+$0xD4A0];
	(pc) =	sbr.rel @p0 .LBB2_19-.Ltmp8, $4  }
0x207: {  	v19 =	vld [tilespmem:s20+$0xD4B0]  }
0x208: {  	v14 =	vld [tilespmem:s20+$0xD4C0]  }
0x209: {  	v15 =	vld [tilespmem:s20+$0xD4D0]  }
0x20a: {  	s21 =	sadd.s32 $0x400, s21;
	v16 =	vld [tilespmem:s20+$0xD4E0]  }
0x20b: {  	v10 =	vadd.f32 v18, v10;
	v11 =	vadd.f32 v20, v11;
	v18 =	vld [tilespmem:s20+$0xD4F0]  }
0x20c: {  	v12 =	vadd.f32 v17, v12;
	v17 =	vld [tilespmem:s20+$0xD560];
	v13 =	vadd.f32 v19, v13  }
0x20d: {  	v2 =	vadd.f32 v2, v10;
	v4 =	vadd.f32 v4, v11;
	v10 =	vld [tilespmem:s20+$0xD570]  }
0x20e: {  	v3 =	vadd.f32 v3, v12;
	v6 =	vadd.f32 v14, v6  }
0x20f: {  	v5 =	vadd.f32 v5, v13;
	v9 =	vadd.f32 v16, v9  }
0x210: {  	v7 =	vadd.f32 v15, v7;
	v8 =	vadd.f32 v18, v8  }
0x211: {  	v0 =	vadd.f32 v0, v6;
	v6 =	vadd.f32 v17, v9  }
0x212: {  	v1 =	vadd.f32 v1, v7;
	v7 =	vadd.f32 v10, v8  }
0x213: {  	v2 =	vadd.f32 v3, v2;
	v0 =	vadd.f32 v6, v0  }
0x214: {  	v3 =	vadd.f32 v5, v4;
	v1 =	vadd.f32 v7, v1  }
0x215: {  	v0 =	vadd.f32 v0, v2  }
0x216: {  	v1 =	vadd.f32 v1, v3  }
0x217: {  	[tilespmem:s19+$0x19D80] =	vst v0  }
0x218: {  	s20 =	simm.s32 $0x0;
	[tilespmem:s19+$0x19D90] =	vst v1  }
0x219: {  	v2 =	vld [tilespmem:s20+$0xEE00]  }
0x21a: {  	v4 =	vld [tilespmem:s20+$0xEE10]  }
0x21b: {  	v3 =	vld [tilespmem:s20+$0xEE20]  }
0x21c: {  	v5 =	vld [tilespmem:s20+$0xEE30]  }
0x21d: {  	v0 =	vld [tilespmem:s20+$0xEE40]  }
0x21e: {  	v1 =	vld [tilespmem:s20+$0xEE50]  }
0x21f: {  	v18 =	vld [tilespmem:s20+$0xED80]  }
0x220: {  	v20 =	vld [tilespmem:s20+$0xED90]  }
0x221: {  	v17 =	vld [tilespmem:s20+$0xEDA0]  }
0x222: {  	v19 =	vld [tilespmem:s20+$0xEDB0]  }
0x223: {  	v11 =	vimm.f32 $0.0e+00;
	v12 =	vimm.f32 $0.0e+00;
	v14 =	vld [tilespmem:s20+$0xEDC0]  }
0x224: {  	v13 =	vimm.f32 $0.0e+00;
	v9 =	vimm.f32 $0.0e+00;
	v10 =	vimm.f32 $0.0e+00;
	v15 =	vld [tilespmem:s20+$0xEDD0]  }
0x225: {  	s21 =	simm.s32 $0x400;
	v8 =	vimm.f32 $0.0e+00;
	v6 =	vimm.f32 $0.0e+00;
	v7 =	vimm.f32 $0.0e+00;
	v16 =	vld [tilespmem:s20+$0xEDE0]  }
.LBB2_21:
0x226: {  	p0 =	sne.s32 s21, $0x6000;
	v10 =	vadd.f32 v18, v10;
	v11 =	vadd.f32 v20, v11;
	v18 =	vld [tilespmem:s20+$0xEDF0]  }
0x227: {  	v12 =	vadd.f32 v17, v12;
	v13 =	vadd.f32 v19, v13;
	v17 =	vld [tilespmem:s20+$0xEE60]  }
0x228: {  	v10 =	vadd.f32 v2, v10;
	v11 =	vadd.f32 v4, v11;
	v19 =	vld [tilespmem:s20+$0xEE70];
	s20 =	sshra.s32 s21, $0x2  }
0x229: {  	v12 =	vadd.f32 v3, v12;
	v2 =	vld [tilespmem:s20+$0xEE00];
	v13 =	vadd.f32 v5, v13  }
0x22a: {  	v6 =	vadd.f32 v14, v6;
	v7 =	vadd.f32 v15, v7;
	v4 =	vld [tilespmem:s20+$0xEE10]  }
0x22b: {  	v9 =	vadd.f32 v16, v9;
	v3 =	vld [tilespmem:s20+$0xEE20];
	v8 =	vadd.f32 v18, v8  }
0x22c: {  	v6 =	vadd.f32 v0, v6;
	v7 =	vadd.f32 v1, v7;
	v5 =	vld [tilespmem:s20+$0xEE30]  }
0x22d: {  	v9 =	vadd.f32 v17, v9;
	v0 =	vld [tilespmem:s20+$0xEE40];
	v8 =	vadd.f32 v19, v8  }
0x22e: {  	v1 =	vld [tilespmem:s20+$0xEE50]  }
0x22f: {  	v18 =	vld [tilespmem:s20+$0xED80]  }
0x230: {  	v20 =	vld [tilespmem:s20+$0xED90]  }
.Ltmp9:
0x231: {  	v17 =	vld [tilespmem:s20+$0xEDA0];
	(pc) =	sbr.rel @p0 .LBB2_21-.Ltmp9, $4  }
0x232: {  	v19 =	vld [tilespmem:s20+$0xEDB0]  }
0x233: {  	v14 =	vld [tilespmem:s20+$0xEDC0]  }
0x234: {  	v15 =	vld [tilespmem:s20+$0xEDD0]  }
0x235: {  	s21 =	sadd.s32 $0x400, s21;
	v16 =	vld [tilespmem:s20+$0xEDE0]  }
0x236: {  	v10 =	vadd.f32 v18, v10;
	v11 =	vadd.f32 v20, v11;
	v18 =	vld [tilespmem:s20+$0xEDF0]  }
0x237: {  	v12 =	vadd.f32 v17, v12;
	v17 =	vld [tilespmem:s20+$0xEE60];
	v13 =	vadd.f32 v19, v13  }
0x238: {  	v2 =	vadd.f32 v2, v10;
	v4 =	vadd.f32 v4, v11;
	v10 =	vld [tilespmem:s20+$0xEE70]  }
0x239: {  	v3 =	vadd.f32 v3, v12;
	v6 =	vadd.f32 v14, v6  }
0x23a: {  	v5 =	vadd.f32 v5, v13;
	v9 =	vadd.f32 v16, v9  }
0x23b: {  	v7 =	vadd.f32 v15, v7;
	v8 =	vadd.f32 v18, v8  }
0x23c: {  	v0 =	vadd.f32 v0, v6;
	v6 =	vadd.f32 v17, v9  }
0x23d: {  	v1 =	vadd.f32 v1, v7;
	v7 =	vadd.f32 v10, v8  }
0x23e: {  	v2 =	vadd.f32 v3, v2;
	v0 =	vadd.f32 v6, v0  }
0x23f: {  	v3 =	vadd.f32 v5, v4;
	v1 =	vadd.f32 v7, v1  }
0x240: {  	v0 =	vadd.f32 v0, v2  }
0x241: {  	v1 =	vadd.f32 v1, v3  }
0x242: {  	[tilespmem:s19+$0x19DA0] =	vst v0  }
0x243: {  	[tilespmem:s19+$0x19DB0] =	vst v1  }
0x244: {  	_ =	swait.ge [sflag:s17], $0x3200  }
0x245: {  	[sflag:s17] =	ssyncset.done $0x0  }
0x246: {  	s20 =	simm.s32 $0x0;
	[sflag:s17] =	ssyncadd.s32 $0xFFFFCE00  }
0x247: {  	v2 =	vld [tilespmem:s20+$0x10700]  }
0x248: {  	v4 =	vld [tilespmem:s20+$0x10710]  }
0x249: {  	v3 =	vld [tilespmem:s20+$0x10720]  }
0x24a: {  	v5 =	vld [tilespmem:s20+$0x10730]  }
0x24b: {  	v0 =	vld [tilespmem:s20+$0x10740]  }
0x24c: {  	v1 =	vld [tilespmem:s20+$0x10750]  }
0x24d: {  	v18 =	vld [tilespmem:s20+$0x10680]  }
0x24e: {  	v20 =	vld [tilespmem:s20+$0x10690]  }
0x24f: {  	v17 =	vld [tilespmem:s20+$0x106A0]  }
0x250: {  	v19 =	vld [tilespmem:s20+$0x106B0]  }
0x251: {  	v11 =	vimm.f32 $0.0e+00;
	v12 =	vimm.f32 $0.0e+00;
	v14 =	vld [tilespmem:s20+$0x106C0]  }
0x252: {  	v13 =	vimm.f32 $0.0e+00;
	v9 =	vimm.f32 $0.0e+00;
	v10 =	vimm.f32 $0.0e+00;
	v15 =	vld [tilespmem:s20+$0x106D0]  }
0x253: {  	s21 =	simm.s32 $0x400;
	v8 =	vimm.f32 $0.0e+00;
	v6 =	vimm.f32 $0.0e+00;
	v7 =	vimm.f32 $0.0e+00;
	v16 =	vld [tilespmem:s20+$0x106E0]  }
.LBB2_23:
0x254: {  	p0 =	sne.s32 s21, $0x6000;
	v10 =	vadd.f32 v18, v10;
	v11 =	vadd.f32 v20, v11;
	v18 =	vld [tilespmem:s20+$0x106F0]  }
0x255: {  	v12 =	vadd.f32 v17, v12;
	v13 =	vadd.f32 v19, v13;
	v17 =	vld [tilespmem:s20+$0x10760]  }
0x256: {  	v10 =	vadd.f32 v2, v10;
	v11 =	vadd.f32 v4, v11;
	v19 =	vld [tilespmem:s20+$0x10770];
	s20 =	sshra.s32 s21, $0x2  }
0x257: {  	v12 =	vadd.f32 v3, v12;
	v2 =	vld [tilespmem:s20+$0x10700];
	v13 =	vadd.f32 v5, v13  }
0x258: {  	v6 =	vadd.f32 v14, v6;
	v7 =	vadd.f32 v15, v7;
	v4 =	vld [tilespmem:s20+$0x10710]  }
0x259: {  	v9 =	vadd.f32 v16, v9;
	v3 =	vld [tilespmem:s20+$0x10720];
	v8 =	vadd.f32 v18, v8  }
0x25a: {  	v6 =	vadd.f32 v0, v6;
	v7 =	vadd.f32 v1, v7;
	v5 =	vld [tilespmem:s20+$0x10730]  }
0x25b: {  	v9 =	vadd.f32 v17, v9;
	v0 =	vld [tilespmem:s20+$0x10740];
	v8 =	vadd.f32 v19, v8  }
0x25c: {  	v1 =	vld [tilespmem:s20+$0x10750]  }
0x25d: {  	v18 =	vld [tilespmem:s20+$0x10680]  }
0x25e: {  	v20 =	vld [tilespmem:s20+$0x10690]  }
.Ltmp10:
0x25f: {  	v17 =	vld [tilespmem:s20+$0x106A0];
	(pc) =	sbr.rel @p0 .LBB2_23-.Ltmp10, $4  }
0x260: {  	v19 =	vld [tilespmem:s20+$0x106B0]  }
0x261: {  	v14 =	vld [tilespmem:s20+$0x106C0]  }
0x262: {  	v15 =	vld [tilespmem:s20+$0x106D0]  }
0x263: {  	s21 =	sadd.s32 $0x400, s21;
	v16 =	vld [tilespmem:s20+$0x106E0]  }
0x264: {  	v10 =	vadd.f32 v18, v10;
	v11 =	vadd.f32 v20, v11;
	v18 =	vld [tilespmem:s20+$0x106F0]  }
0x265: {  	v12 =	vadd.f32 v17, v12;
	v17 =	vld [tilespmem:s20+$0x10760];
	v13 =	vadd.f32 v19, v13  }
0x266: {  	v2 =	vadd.f32 v2, v10;
	v4 =	vadd.f32 v4, v11;
	v10 =	vld [tilespmem:s20+$0x10770]  }
0x267: {  	v3 =	vadd.f32 v3, v12;
	v6 =	vadd.f32 v14, v6  }
0x268: {  	v5 =	vadd.f32 v5, v13;
	v9 =	vadd.f32 v16, v9  }
0x269: {  	v7 =	vadd.f32 v15, v7;
	v8 =	vadd.f32 v18, v8  }
0x26a: {  	v0 =	vadd.f32 v0, v6;
	v6 =	vadd.f32 v17, v9  }
0x26b: {  	v1 =	vadd.f32 v1, v7;
	v7 =	vadd.f32 v10, v8  }
0x26c: {  	v2 =	vadd.f32 v3, v2;
	v0 =	vadd.f32 v6, v0  }
0x26d: {  	v3 =	vadd.f32 v5, v4;
	v1 =	vadd.f32 v7, v1  }
0x26e: {  	v0 =	vadd.f32 v0, v2  }
0x26f: {  	v1 =	vadd.f32 v1, v3  }
0x270: {  	[tilespmem:s19+$0x19DC0] =	vst v0  }
0x271: {  	s20 =	simm.s32 $0x0;
	[tilespmem:s19+$0x19DD0] =	vst v1  }
0x272: {  	v2 =	vld [tilespmem:s20+$0x12000]  }
0x273: {  	v4 =	vld [tilespmem:s20+$0x12010]  }
0x274: {  	v3 =	vld [tilespmem:s20+$0x12020]  }
0x275: {  	v5 =	vld [tilespmem:s20+$0x12030]  }
0x276: {  	v0 =	vld [tilespmem:s20+$0x12040]  }
0x277: {  	v1 =	vld [tilespmem:s20+$0x12050]  }
0x278: {  	v18 =	vld [tilespmem:s20+$0x11F80]  }
0x279: {  	v20 =	vld [tilespmem:s20+$0x11F90]  }
0x27a: {  	v17 =	vld [tilespmem:s20+$0x11FA0]  }
0x27b: {  	v19 =	vld [tilespmem:s20+$0x11FB0]  }
0x27c: {  	v11 =	vimm.f32 $0.0e+00;
	v12 =	vimm.f32 $0.0e+00;
	v14 =	vld [tilespmem:s20+$0x11FC0]  }
0x27d: {  	v13 =	vimm.f32 $0.0e+00;
	v9 =	vimm.f32 $0.0e+00;
	v10 =	vimm.f32 $0.0e+00;
	v15 =	vld [tilespmem:s20+$0x11FD0]  }
0x27e: {  	s21 =	simm.s32 $0x400;
	v8 =	vimm.f32 $0.0e+00;
	v6 =	vimm.f32 $0.0e+00;
	v7 =	vimm.f32 $0.0e+00;
	v16 =	vld [tilespmem:s20+$0x11FE0]  }
.LBB2_25:
0x27f: {  	p0 =	sne.s32 s21, $0x6000;
	v10 =	vadd.f32 v18, v10;
	v11 =	vadd.f32 v20, v11;
	v18 =	vld [tilespmem:s20+$0x11FF0]  }
0x280: {  	v12 =	vadd.f32 v17, v12;
	v13 =	vadd.f32 v19, v13;
	v17 =	vld [tilespmem:s20+$0x12060]  }
0x281: {  	v10 =	vadd.f32 v2, v10;
	v11 =	vadd.f32 v4, v11;
	v19 =	vld [tilespmem:s20+$0x12070];
	s20 =	sshra.s32 s21, $0x2  }
0x282: {  	v12 =	vadd.f32 v3, v12;
	v2 =	vld [tilespmem:s20+$0x12000];
	v13 =	vadd.f32 v5, v13  }
0x283: {  	v6 =	vadd.f32 v14, v6;
	v7 =	vadd.f32 v15, v7;
	v4 =	vld [tilespmem:s20+$0x12010]  }
0x284: {  	v9 =	vadd.f32 v16, v9;
	v3 =	vld [tilespmem:s20+$0x12020];
	v8 =	vadd.f32 v18, v8  }
0x285: {  	v6 =	vadd.f32 v0, v6;
	v7 =	vadd.f32 v1, v7;
	v5 =	vld [tilespmem:s20+$0x12030]  }
0x286: {  	v9 =	vadd.f32 v17, v9;
	v0 =	vld [tilespmem:s20+$0x12040];
	v8 =	vadd.f32 v19, v8  }
0x287: {  	v1 =	vld [tilespmem:s20+$0x12050]  }
0x288: {  	v18 =	vld [tilespmem:s20+$0x11F80]  }
0x289: {  	v20 =	vld [tilespmem:s20+$0x11F90]  }
.Ltmp11:
0x28a: {  	v17 =	vld [tilespmem:s20+$0x11FA0];
	(pc) =	sbr.rel @p0 .LBB2_25-.Ltmp11, $4  }
0x28b: {  	v19 =	vld [tilespmem:s20+$0x11FB0]  }
0x28c: {  	v14 =	vld [tilespmem:s20+$0x11FC0]  }
0x28d: {  	v15 =	vld [tilespmem:s20+$0x11FD0]  }
0x28e: {  	s21 =	sadd.s32 $0x400, s21;
	v16 =	vld [tilespmem:s20+$0x11FE0]  }
0x28f: {  	v10 =	vadd.f32 v18, v10;
	v11 =	vadd.f32 v20, v11;
	v18 =	vld [tilespmem:s20+$0x11FF0]  }
0x290: {  	v12 =	vadd.f32 v17, v12;
	v17 =	vld [tilespmem:s20+$0x12060];
	v13 =	vadd.f32 v19, v13  }
0x291: {  	v2 =	vadd.f32 v2, v10;
	v4 =	vadd.f32 v4, v11;
	v10 =	vld [tilespmem:s20+$0x12070]  }
0x292: {  	v3 =	vadd.f32 v3, v12;
	v6 =	vadd.f32 v14, v6  }
0x293: {  	v5 =	vadd.f32 v5, v13;
	v9 =	vadd.f32 v16, v9  }
0x294: {  	v7 =	vadd.f32 v15, v7;
	v8 =	vadd.f32 v18, v8  }
0x295: {  	v0 =	vadd.f32 v0, v6;
	v6 =	vadd.f32 v17, v9  }
0x296: {  	v1 =	vadd.f32 v1, v7;
	v7 =	vadd.f32 v10, v8  }
0x297: {  	v2 =	vadd.f32 v3, v2;
	v0 =	vadd.f32 v6, v0  }
0x298: {  	v3 =	vadd.f32 v5, v4;
	v1 =	vadd.f32 v7, v1  }
0x299: {  	v0 =	vadd.f32 v0, v2  }
0x29a: {  	v1 =	vadd.f32 v1, v3  }
0x29b: {  	[tilespmem:s19+$0x19DE0] =	vst v0  }
0x29c: {  	[tilespmem:s19+$0x19DF0] =	vst v1  }
0x29d: {  	_ =	swait.ge [sflag:s17], $0x3200  }
0x29e: {  	[sflag:s17] =	ssyncset.done $0x0  }
0x29f: {  	s20 =	simm.s32 $0x0;
	[sflag:s17] =	ssyncadd.s32 $0xFFFFCE00  }
0x2a0: {  	v2 =	vld [tilespmem:s20+$0x13900]  }
0x2a1: {  	v4 =	vld [tilespmem:s20+$0x13910]  }
0x2a2: {  	v3 =	vld [tilespmem:s20+$0x13920]  }
0x2a3: {  	v5 =	vld [tilespmem:s20+$0x13930]  }
0x2a4: {  	v0 =	vld [tilespmem:s20+$0x13940]  }
0x2a5: {  	v1 =	vld [tilespmem:s20+$0x13950]  }
0x2a6: {  	v18 =	vld [tilespmem:s20+$0x13880]  }
0x2a7: {  	v20 =	vld [tilespmem:s20+$0x13890]  }
0x2a8: {  	v17 =	vld [tilespmem:s20+$0x138A0]  }
0x2a9: {  	v19 =	vld [tilespmem:s20+$0x138B0]  }
0x2aa: {  	v11 =	vimm.f32 $0.0e+00;
	v12 =	vimm.f32 $0.0e+00;
	v14 =	vld [tilespmem:s20+$0x138C0]  }
0x2ab: {  	v13 =	vimm.f32 $0.0e+00;
	v9 =	vimm.f32 $0.0e+00;
	v10 =	vimm.f32 $0.0e+00;
	v15 =	vld [tilespmem:s20+$0x138D0]  }
0x2ac: {  	s21 =	simm.s32 $0x400;
	v8 =	vimm.f32 $0.0e+00;
	v6 =	vimm.f32 $0.0e+00;
	v7 =	vimm.f32 $0.0e+00;
	v16 =	vld [tilespmem:s20+$0x138E0]  }
.LBB2_27:
0x2ad: {  	p0 =	sne.s32 s21, $0x6000;
	v10 =	vadd.f32 v18, v10;
	v11 =	vadd.f32 v20, v11;
	v18 =	vld [tilespmem:s20+$0x138F0]  }
0x2ae: {  	v12 =	vadd.f32 v17, v12;
	v13 =	vadd.f32 v19, v13;
	v17 =	vld [tilespmem:s20+$0x13960]  }
0x2af: {  	v10 =	vadd.f32 v2, v10;
	v11 =	vadd.f32 v4, v11;
	v19 =	vld [tilespmem:s20+$0x13970];
	s20 =	sshra.s32 s21, $0x2  }
0x2b0: {  	v12 =	vadd.f32 v3, v12;
	v2 =	vld [tilespmem:s20+$0x13900];
	v13 =	vadd.f32 v5, v13  }
0x2b1: {  	v6 =	vadd.f32 v14, v6;
	v7 =	vadd.f32 v15, v7;
	v4 =	vld [tilespmem:s20+$0x13910]  }
0x2b2: {  	v9 =	vadd.f32 v16, v9;
	v3 =	vld [tilespmem:s20+$0x13920];
	v8 =	vadd.f32 v18, v8  }
0x2b3: {  	v6 =	vadd.f32 v0, v6;
	v7 =	vadd.f32 v1, v7;
	v5 =	vld [tilespmem:s20+$0x13930]  }
0x2b4: {  	v9 =	vadd.f32 v17, v9;
	v0 =	vld [tilespmem:s20+$0x13940];
	v8 =	vadd.f32 v19, v8  }
0x2b5: {  	v1 =	vld [tilespmem:s20+$0x13950]  }
0x2b6: {  	v18 =	vld [tilespmem:s20+$0x13880]  }
0x2b7: {  	v20 =	vld [tilespmem:s20+$0x13890]  }
.Ltmp12:
0x2b8: {  	v17 =	vld [tilespmem:s20+$0x138A0];
	(pc) =	sbr.rel @p0 .LBB2_27-.Ltmp12, $4  }
0x2b9: {  	v19 =	vld [tilespmem:s20+$0x138B0]  }
0x2ba: {  	v14 =	vld [tilespmem:s20+$0x138C0]  }
0x2bb: {  	v15 =	vld [tilespmem:s20+$0x138D0]  }
0x2bc: {  	s21 =	sadd.s32 $0x400, s21;
	v16 =	vld [tilespmem:s20+$0x138E0]  }
0x2bd: {  	v10 =	vadd.f32 v18, v10;
	v11 =	vadd.f32 v20, v11;
	v18 =	vld [tilespmem:s20+$0x138F0]  }
0x2be: {  	v12 =	vadd.f32 v17, v12;
	v17 =	vld [tilespmem:s20+$0x13960];
	v13 =	vadd.f32 v19, v13  }
0x2bf: {  	v2 =	vadd.f32 v2, v10;
	v4 =	vadd.f32 v4, v11;
	v10 =	vld [tilespmem:s20+$0x13970]  }
0x2c0: {  	v3 =	vadd.f32 v3, v12;
	v6 =	vadd.f32 v14, v6  }
0x2c1: {  	v5 =	vadd.f32 v5, v13;
	v9 =	vadd.f32 v16, v9  }
0x2c2: {  	v7 =	vadd.f32 v15, v7;
	v8 =	vadd.f32 v18, v8  }
0x2c3: {  	v0 =	vadd.f32 v0, v6;
	v6 =	vadd.f32 v17, v9  }
0x2c4: {  	v1 =	vadd.f32 v1, v7;
	v7 =	vadd.f32 v10, v8  }
0x2c5: {  	v2 =	vadd.f32 v3, v2;
	v0 =	vadd.f32 v6, v0  }
0x2c6: {  	v3 =	vadd.f32 v5, v4;
	v1 =	vadd.f32 v7, v1  }
0x2c7: {  	v0 =	vadd.f32 v0, v2  }
0x2c8: {  	v1 =	vadd.f32 v1, v3  }
0x2c9: {  	[tilespmem:s19+$0x19E00] =	vst v0  }
0x2ca: {  	s20 =	simm.s32 $0x0;
	[tilespmem:s19+$0x19E10] =	vst v1  }
0x2cb: {  	v2 =	vld [tilespmem:s20+$0x15200]  }
0x2cc: {  	v4 =	vld [tilespmem:s20+$0x15210]  }
0x2cd: {  	v3 =	vld [tilespmem:s20+$0x15220]  }
0x2ce: {  	v5 =	vld [tilespmem:s20+$0x15230]  }
0x2cf: {  	v0 =	vld [tilespmem:s20+$0x15240]  }
0x2d0: {  	v1 =	vld [tilespmem:s20+$0x15250]  }
0x2d1: {  	v18 =	vld [tilespmem:s20+$0x15180]  }
0x2d2: {  	v20 =	vld [tilespmem:s20+$0x15190]  }
0x2d3: {  	v17 =	vld [tilespmem:s20+$0x151A0]  }
0x2d4: {  	v19 =	vld [tilespmem:s20+$0x151B0]  }
0x2d5: {  	v11 =	vimm.f32 $0.0e+00;
	v12 =	vimm.f32 $0.0e+00;
	v14 =	vld [tilespmem:s20+$0x151C0]  }
0x2d6: {  	v13 =	vimm.f32 $0.0e+00;
	v9 =	vimm.f32 $0.0e+00;
	v10 =	vimm.f32 $0.0e+00;
	v15 =	vld [tilespmem:s20+$0x151D0]  }
0x2d7: {  	s21 =	simm.s32 $0x400;
	v8 =	vimm.f32 $0.0e+00;
	v6 =	vimm.f32 $0.0e+00;
	v7 =	vimm.f32 $0.0e+00;
	v16 =	vld [tilespmem:s20+$0x151E0]  }
.LBB2_29:
0x2d8: {  	p0 =	sne.s32 s21, $0x6000;
	v10 =	vadd.f32 v18, v10;
	v11 =	vadd.f32 v20, v11;
	v18 =	vld [tilespmem:s20+$0x151F0]  }
0x2d9: {  	v12 =	vadd.f32 v17, v12;
	v13 =	vadd.f32 v19, v13;
	v17 =	vld [tilespmem:s20+$0x15260]  }
0x2da: {  	v10 =	vadd.f32 v2, v10;
	v11 =	vadd.f32 v4, v11;
	v19 =	vld [tilespmem:s20+$0x15270];
	s20 =	sshra.s32 s21, $0x2  }
0x2db: {  	v12 =	vadd.f32 v3, v12;
	v2 =	vld [tilespmem:s20+$0x15200];
	v13 =	vadd.f32 v5, v13  }
0x2dc: {  	v6 =	vadd.f32 v14, v6;
	v7 =	vadd.f32 v15, v7;
	v4 =	vld [tilespmem:s20+$0x15210]  }
0x2dd: {  	v9 =	vadd.f32 v16, v9;
	v3 =	vld [tilespmem:s20+$0x15220];
	v8 =	vadd.f32 v18, v8  }
0x2de: {  	v6 =	vadd.f32 v0, v6;
	v7 =	vadd.f32 v1, v7;
	v5 =	vld [tilespmem:s20+$0x15230]  }
0x2df: {  	v9 =	vadd.f32 v17, v9;
	v0 =	vld [tilespmem:s20+$0x15240];
	v8 =	vadd.f32 v19, v8  }
0x2e0: {  	v1 =	vld [tilespmem:s20+$0x15250]  }
0x2e1: {  	v18 =	vld [tilespmem:s20+$0x15180]  }
0x2e2: {  	v20 =	vld [tilespmem:s20+$0x15190]  }
.Ltmp13:
0x2e3: {  	v17 =	vld [tilespmem:s20+$0x151A0];
	(pc) =	sbr.rel @p0 .LBB2_29-.Ltmp13, $4  }
0x2e4: {  	v19 =	vld [tilespmem:s20+$0x151B0]  }
0x2e5: {  	v14 =	vld [tilespmem:s20+$0x151C0]  }
0x2e6: {  	v15 =	vld [tilespmem:s20+$0x151D0]  }
0x2e7: {  	s21 =	sadd.s32 $0x400, s21;
	v16 =	vld [tilespmem:s20+$0x151E0]  }
0x2e8: {  	v10 =	vadd.f32 v18, v10;
	v11 =	vadd.f32 v20, v11;
	v18 =	vld [tilespmem:s20+$0x151F0]  }
0x2e9: {  	v12 =	vadd.f32 v17, v12;
	v17 =	vld [tilespmem:s20+$0x15260];
	v13 =	vadd.f32 v19, v13  }
0x2ea: {  	v2 =	vadd.f32 v2, v10;
	v4 =	vadd.f32 v4, v11;
	v10 =	vld [tilespmem:s20+$0x15270]  }
0x2eb: {  	v3 =	vadd.f32 v3, v12;
	v6 =	vadd.f32 v14, v6  }
0x2ec: {  	v5 =	vadd.f32 v5, v13;
	v9 =	vadd.f32 v16, v9  }
0x2ed: {  	v7 =	vadd.f32 v15, v7;
	v8 =	vadd.f32 v18, v8  }
0x2ee: {  	v0 =	vadd.f32 v0, v6;
	v6 =	vadd.f32 v17, v9  }
0x2ef: {  	v1 =	vadd.f32 v1, v7;
	v7 =	vadd.f32 v10, v8  }
0x2f0: {  	v2 =	vadd.f32 v3, v2;
	v0 =	vadd.f32 v6, v0  }
0x2f1: {  	v3 =	vadd.f32 v5, v4;
	v1 =	vadd.f32 v7, v1  }
0x2f2: {  	v0 =	vadd.f32 v0, v2  }
0x2f3: {  	v1 =	vadd.f32 v1, v3  }
0x2f4: {  	[tilespmem:s19+$0x19E20] =	vst v0  }
0x2f5: {  	[tilespmem:s19+$0x19E30] =	vst v1  }
0x2f6: {  	_ =	swait.ge [sflag:s17], $0x3200  }
0x2f7: {  	[sflag:s17] =	ssyncset.done $0x0  }
0x2f8: {  	s20 =	simm.s32 $0x0;
	[sflag:s17] =	ssyncadd.s32 $0xFFFFCE00  }
0x2f9: {  	v2 =	vld [tilespmem:s20+$0x16B00]  }
0x2fa: {  	v4 =	vld [tilespmem:s20+$0x16B10]  }
0x2fb: {  	v3 =	vld [tilespmem:s20+$0x16B20]  }
0x2fc: {  	v5 =	vld [tilespmem:s20+$0x16B30]  }
0x2fd: {  	v0 =	vld [tilespmem:s20+$0x16B40]  }
0x2fe: {  	v1 =	vld [tilespmem:s20+$0x16B50]  }
0x2ff: {  	v18 =	vld [tilespmem:s20+$0x16A80]  }
0x300: {  	v20 =	vld [tilespmem:s20+$0x16A90]  }
0x301: {  	v17 =	vld [tilespmem:s20+$0x16AA0]  }
0x302: {  	v19 =	vld [tilespmem:s20+$0x16AB0]  }
0x303: {  	v11 =	vimm.f32 $0.0e+00;
	v12 =	vimm.f32 $0.0e+00;
	v14 =	vld [tilespmem:s20+$0x16AC0]  }
0x304: {  	v13 =	vimm.f32 $0.0e+00;
	v9 =	vimm.f32 $0.0e+00;
	v10 =	vimm.f32 $0.0e+00;
	v15 =	vld [tilespmem:s20+$0x16AD0]  }
0x305: {  	s21 =	simm.s32 $0x400;
	v8 =	vimm.f32 $0.0e+00;
	v6 =	vimm.f32 $0.0e+00;
	v7 =	vimm.f32 $0.0e+00;
	v16 =	vld [tilespmem:s20+$0x16AE0]  }
.LBB2_31:
0x306: {  	p0 =	sne.s32 s21, $0x6000;
	v10 =	vadd.f32 v18, v10;
	v11 =	vadd.f32 v20, v11;
	v18 =	vld [tilespmem:s20+$0x16AF0]  }
0x307: {  	v12 =	vadd.f32 v17, v12;
	v13 =	vadd.f32 v19, v13;
	v17 =	vld [tilespmem:s20+$0x16B60]  }
0x308: {  	v10 =	vadd.f32 v2, v10;
	v11 =	vadd.f32 v4, v11;
	v19 =	vld [tilespmem:s20+$0x16B70];
	s20 =	sshra.s32 s21, $0x2  }
0x309: {  	v12 =	vadd.f32 v3, v12;
	v2 =	vld [tilespmem:s20+$0x16B00];
	v13 =	vadd.f32 v5, v13  }
0x30a: {  	v6 =	vadd.f32 v14, v6;
	v7 =	vadd.f32 v15, v7;
	v4 =	vld [tilespmem:s20+$0x16B10]  }
0x30b: {  	v9 =	vadd.f32 v16, v9;
	v3 =	vld [tilespmem:s20+$0x16B20];
	v8 =	vadd.f32 v18, v8  }
0x30c: {  	v6 =	vadd.f32 v0, v6;
	v7 =	vadd.f32 v1, v7;
	v5 =	vld [tilespmem:s20+$0x16B30]  }
0x30d: {  	v9 =	vadd.f32 v17, v9;
	v0 =	vld [tilespmem:s20+$0x16B40];
	v8 =	vadd.f32 v19, v8  }
0x30e: {  	v1 =	vld [tilespmem:s20+$0x16B50]  }
0x30f: {  	v18 =	vld [tilespmem:s20+$0x16A80]  }
0x310: {  	v20 =	vld [tilespmem:s20+$0x16A90]  }
.Ltmp14:
0x311: {  	v17 =	vld [tilespmem:s20+$0x16AA0];
	(pc) =	sbr.rel @p0 .LBB2_31-.Ltmp14, $4  }
0x312: {  	v19 =	vld [tilespmem:s20+$0x16AB0]  }
0x313: {  	v14 =	vld [tilespmem:s20+$0x16AC0]  }
0x314: {  	v15 =	vld [tilespmem:s20+$0x16AD0]  }
0x315: {  	s21 =	sadd.s32 $0x400, s21;
	v16 =	vld [tilespmem:s20+$0x16AE0]  }
0x316: {  	v10 =	vadd.f32 v18, v10;
	v11 =	vadd.f32 v20, v11;
	v18 =	vld [tilespmem:s20+$0x16AF0]  }
0x317: {  	v12 =	vadd.f32 v17, v12;
	v17 =	vld [tilespmem:s20+$0x16B60];
	v13 =	vadd.f32 v19, v13  }
0x318: {  	v2 =	vadd.f32 v2, v10;
	v4 =	vadd.f32 v4, v11;
	v10 =	vld [tilespmem:s20+$0x16B70]  }
0x319: {  	v3 =	vadd.f32 v3, v12;
	v6 =	vadd.f32 v14, v6  }
0x31a: {  	v5 =	vadd.f32 v5, v13;
	v9 =	vadd.f32 v16, v9  }
0x31b: {  	v7 =	vadd.f32 v15, v7;
	v8 =	vadd.f32 v18, v8  }
0x31c: {  	v0 =	vadd.f32 v0, v6;
	v6 =	vadd.f32 v17, v9  }
0x31d: {  	v1 =	vadd.f32 v1, v7;
	v7 =	vadd.f32 v10, v8  }
0x31e: {  	v2 =	vadd.f32 v3, v2;
	v0 =	vadd.f32 v6, v0  }
0x31f: {  	v3 =	vadd.f32 v5, v4;
	v1 =	vadd.f32 v7, v1  }
0x320: {  	v0 =	vadd.f32 v0, v2  }
0x321: {  	v1 =	vadd.f32 v1, v3  }
0x322: {  	[tilespmem:s19+$0x19E40] =	vst v0  }
0x323: {  	s20 =	simm.s32 $0x0;
	[tilespmem:s19+$0x19E50] =	vst v1  }
0x324: {  	v2 =	vld [tilespmem:s20+$0x18400]  }
0x325: {  	v4 =	vld [tilespmem:s20+$0x18410]  }
0x326: {  	v3 =	vld [tilespmem:s20+$0x18420]  }
0x327: {  	v5 =	vld [tilespmem:s20+$0x18430]  }
0x328: {  	v0 =	vld [tilespmem:s20+$0x18440]  }
0x329: {  	v1 =	vld [tilespmem:s20+$0x18450]  }
0x32a: {  	v18 =	vld [tilespmem:s20+$0x18380]  }
0x32b: {  	v20 =	vld [tilespmem:s20+$0x18390]  }
0x32c: {  	v17 =	vld [tilespmem:s20+$0x183A0]  }
0x32d: {  	v19 =	vld [tilespmem:s20+$0x183B0]  }
0x32e: {  	v11 =	vimm.f32 $0.0e+00;
	v12 =	vimm.f32 $0.0e+00;
	v14 =	vld [tilespmem:s20+$0x183C0]  }
0x32f: {  	v13 =	vimm.f32 $0.0e+00;
	v9 =	vimm.f32 $0.0e+00;
	v10 =	vimm.f32 $0.0e+00;
	v15 =	vld [tilespmem:s20+$0x183D0]  }
0x330: {  	s21 =	simm.s32 $0x400;
	v8 =	vimm.f32 $0.0e+00;
	v6 =	vimm.f32 $0.0e+00;
	v7 =	vimm.f32 $0.0e+00;
	v16 =	vld [tilespmem:s20+$0x183E0]  }
.LBB2_33:
0x331: {  	p0 =	sne.s32 s21, $0x6000;
	v10 =	vadd.f32 v18, v10;
	v11 =	vadd.f32 v20, v11;
	v18 =	vld [tilespmem:s20+$0x183F0]  }
0x332: {  	v12 =	vadd.f32 v17, v12;
	v13 =	vadd.f32 v19, v13;
	v17 =	vld [tilespmem:s20+$0x18460]  }
0x333: {  	v10 =	vadd.f32 v2, v10;
	v11 =	vadd.f32 v4, v11;
	v19 =	vld [tilespmem:s20+$0x18470];
	s20 =	sshra.s32 s21, $0x2  }
0x334: {  	v12 =	vadd.f32 v3, v12;
	v2 =	vld [tilespmem:s20+$0x18400];
	v13 =	vadd.f32 v5, v13  }
0x335: {  	v6 =	vadd.f32 v14, v6;
	v7 =	vadd.f32 v15, v7;
	v4 =	vld [tilespmem:s20+$0x18410]  }
0x336: {  	v9 =	vadd.f32 v16, v9;
	v3 =	vld [tilespmem:s20+$0x18420];
	v8 =	vadd.f32 v18, v8  }
0x337: {  	v6 =	vadd.f32 v0, v6;
	v7 =	vadd.f32 v1, v7;
	v5 =	vld [tilespmem:s20+$0x18430]  }
0x338: {  	v9 =	vadd.f32 v17, v9;
	v0 =	vld [tilespmem:s20+$0x18440];
	v8 =	vadd.f32 v19, v8  }
0x339: {  	v1 =	vld [tilespmem:s20+$0x18450]  }
0x33a: {  	v18 =	vld [tilespmem:s20+$0x18380]  }
0x33b: {  	v20 =	vld [tilespmem:s20+$0x18390]  }
.Ltmp15:
0x33c: {  	v17 =	vld [tilespmem:s20+$0x183A0];
	(pc) =	sbr.rel @p0 .LBB2_33-.Ltmp15, $4  }
0x33d: {  	v19 =	vld [tilespmem:s20+$0x183B0]  }
0x33e: {  	v14 =	vld [tilespmem:s20+$0x183C0]  }
0x33f: {  	v15 =	vld [tilespmem:s20+$0x183D0]  }
0x340: {  	s21 =	sadd.s32 $0x400, s21;
	v16 =	vld [tilespmem:s20+$0x183E0]  }
0x341: {  	v10 =	vadd.f32 v18, v10;
	v11 =	vadd.f32 v20, v11;
	v58 =	vld [tilespmem:s20+$0x183F0]  }
0x342: {  	v12 =	vadd.f32 v17, v12;
	v59 =	vld [tilespmem:s20+$0x18460];
	v13 =	vadd.f32 v19, v13  }
0x343: {  	v60 =	vld [tilespmem:s20+$0x18470];
	v2 =	vadd.f32 v2, v10;
	v4 =	vadd.f32 v4, v11  }
0x344: {  	v3 =	vadd.f32 v3, v12;
	v6 =	vadd.f32 v14, v6  }
0x345: {  	v5 =	vadd.f32 v5, v13;
	v9 =	vadd.f32 v16, v9  }
0x346: {  	v7 =	vadd.f32 v15, v7;
	v8 =	vadd.f32 v58, v8  }
0x347: {  	v0 =	vadd.f32 v0, v6;
	v61 =	vadd.f32 v59, v9  }
0x348: {  	s18 =	sadd.s32 $0x1, s18;
	v1 =	vadd.f32 v1, v7;
	v62 =	vadd.f32 v60, v8  }
0x349: {  	p0 =	sne.s32 s18, $0x20;
	v2 =	vadd.f32 v3, v2;
	v0 =	vadd.f32 v61, v0  }
.Ltmp16:
0x34a: {  	v63 =	vadd.f32 v5, v4;
	v1 =	vadd.f32 v62, v1;
	(pc) =	sbr.rel @p0 .LBB2_2-.Ltmp16, $4  }
0x34b: {  	v0 =	vadd.f32 v0, v2  }
0x34c: {  	v1 =	vadd.f32 v1, v63  }
0x34d: {  	[tilespmem:s19+$0x19E60] =	vst v0  }
0x34e: {  	[tilespmem:s19+$0x19E70] =	vst v1  }
0x34f: {  	s18 =	simm.s32 $0x0;
	s19 =	rddreg [dreg:$0x5];
	s20 =	simm.s32 $0x19C80  }
0x350: {  	[hbm4b:s19+s18] =	stream.linear.scatter [tilespmem:s20], [sflag:$0x5], $0x4000, $0x38;
	[tilespmem:$0x1DC80] =	vst v63  }
0x351: {  	s20 =	simm.s32 $0x5  }
0x352: {  	_ =	swait.ge [sflag:s20], $0x4000  }
0x353: {  	s21 =	rddreg [dreg:$0x7]  }
0x354: {  	s24 =	rddreg [dreg:$0x6];
	s21 =	sadd.s32 $0x1, s21  }
0x355: {  	p0 =	sne.s32 s21, s24  }
.Ltmp17:
0x356: {  	_ = 	snop;
	(pc) =	sbr.rel @p0 .LBB2_1-.Ltmp17, $3  }
0x357: {  	_ =	sdelay $0x1  }
0x358: {  	[sflag:s20] =	ssyncset.done $0x0  }
0x359: {  	[sflag:s20] =	ssyncadd.s32 $0xFFFFC000  }
0x35a: {  	_ =	sfence.sel $0x180000  }
0x35b: {  	[bflag:$0x0] =	sbarrier.arrive $0xFFFF  }
0x35c: {  	_ =	strace $0x90000047  }
0x35d: {  	s0 =	stileid.u32;
	[bflag:$0x2] =	sbarrier.arrive $0xFFFF  }
0x35e: {  	p0 =	sne.s32 s0, $0x0;
	s0 =	rddreg [dreg:$0x2]  }
0x35f: {  	s0 =	sadd.s32 @!p0 $0x100000, s0  }
0x360: {  	[sflag:s0] =	ssyncadd.tile.s32 @!p0 $0x1;
	_ =	shalt  }
.Lfunc_end2:
_tile_overlayer_lowered:
.L_overlay_start_2:
0x361: {  	(tag) =	ssettag $0x2  }
0x362: {  	s0 =	rddreg [dreg:$0x0];
	s2 =	stileid.u32  }
0x363: {  	s1 =	rddreg [dreg:$0x1];
	p0 =	sne.s32 s2, $0x0  }
0x364: {  	s3 =	rddreg [dreg:$0x2];
	[bflag:$0x3] =	sbarrier.arrive $0xFFFF;
	s2 =	simm.s32 @!p0 $0x1C05  }
0x365: {  	[timem:s3], [sflag:s2] =	dma.local @!p0 [hbm:s0], s1  }
0x366: {  	s0 =	simm.s32 @!p0 $0x5  }
0x367: {  	_ =	swait.ge @!p0 [sflag:s0], s1  }
0x368: {  	s1 =	ssub.s32 @!p0 $0x0, s1;
	[sflag:s0] =	ssyncset.done @!p0 $0x0  }
0x369: {  	[sflag:s0] =	ssyncadd.s32 @!p0 s1  }
0x36a: {  	[bflag:$0x3] =	sbarrier.arrive $0xFFFF  }
0x36b: {  	_ =	shalt  }

</sc_bundles>
